<compile_context>
chip_gen: v7x
topology: tpu7x:2x2x1
jax: 0.10.2.dev20260603
libtpu: 0.0.44.dev20260713+nightly
codegen_flags: <defaults>
</compile_context>

<pallas_src>
import functools

import jax
import jax.numpy as jnp
from jax import lax
from jax.experimental import pallas as pl
from jax.experimental.pallas import tpu as pltpu
from jax.experimental.pallas import tpu_sc as plsc

N = 10000
NPAD = 10240
E = 160000
EPAD = 163840
D = 256
H = 128
NC = 2
NS = 16
BN = 1000
NB = N // BN

_F32 = jnp.float32
_CH = 128
_ROWS_W = NPAD // NS


def _sc_mesh():
    return plsc.VectorSubcoreMesh(core_axis_name="c", subcore_axis_name="s")


_DEG_NCH = EPAD // (NC * NS) // _CH
_DEG_WIN = 8


@functools.partial(
    pl.kernel,
    out_type=jax.ShapeDtypeStruct((NC * NPAD, 16), _F32),
    mesh=_sc_mesh(),
    scratch_types=[
        pltpu.VMEM((_DEG_NCH, _CH), jnp.int32),
        pltpu.VMEM((_CH, 16), _F32),
        pltpu.VMEM_SHARED((NPAD, 16), _F32),
        pltpu.SemaphoreType.DMA,
    ],
)
def _sc_degree(dst_hbm, zeros_hbm, out_hbm, dst_all, ones_v, acc_sh, sem):
    c = lax.axis_index("c")
    s = lax.axis_index("s")
    w = c * NS + s
    pltpu.sync_copy(dst_hbm.at[w], dst_all)
    for i in range(_CH):
        ones_v[i] = jnp.full((16,), 1.0, _F32)
    pltpu.sync_copy(zeros_hbm.at[pl.ds(s * _ROWS_W, _ROWS_W)],
                    acc_sh.at[pl.ds(s * _ROWS_W, _ROWS_W)])
    plsc.subcore_barrier()

    @pl.loop(0, _DEG_NCH)
    def _(j):
        pltpu.async_copy(ones_v, acc_sh.at[dst_all.at[j]], sem, add=True)

        @pl.when(j >= _DEG_WIN)
        def _():
            pltpu.make_async_copy(ones_v, acc_sh.at[dst_all.at[0]], sem).wait()

    @pl.loop(0, _DEG_WIN)
    def _(j):
        pltpu.make_async_copy(ones_v, acc_sh.at[dst_all.at[0]], sem).wait()

    plsc.subcore_barrier()
    pltpu.sync_copy(acc_sh.at[pl.ds(s * _ROWS_W, _ROWS_W)],
                    out_hbm.at[pl.ds(c * NPAD + s * _ROWS_W, _ROWS_W)])


_SP_NG = 80
_SP_NBLK = 10


@functools.partial(
    pl.kernel,
    out_type=[jax.ShapeDtypeStruct((NPAD, H), _F32),
              jax.ShapeDtypeStruct((NPAD, H), _F32)],
    mesh=_sc_mesh(),
    scratch_types=[
        pltpu.VMEM((80, _CH), jnp.int32),
        pltpu.VMEM((16, _CH), jnp.int32),
        pltpu.VMEM((4 * 64, H), _F32),
        pltpu.VMEM_SHARED((NPAD, H), _F32),
        pltpu.SemaphoreType.DMA, pltpu.SemaphoreType.DMA,
        pltpu.SemaphoreType.DMA, pltpu.SemaphoreType.DMA,
        pltpu.SemaphoreType.DMA,
    ],
)
def _sc_spmm(hs0_hbm, hs1_hbm, src_hbm, dst_hbm, zeros_hbm,
             out0_hbm, out1_hbm, dst_all, ring, rows, acc_sh,
             g0, g1, s0, s1, semi):
    gsem = (g0, g1)
    ssem = (s0, s1)
    c = lax.axis_index("c")
    s = lax.axis_index("s")
    pltpu.sync_copy(dst_hbm.at[s], dst_all)
    pltpu.sync_copy(zeros_hbm.at[pl.ds(s * _ROWS_W, _ROWS_W)],
                    acc_sh.at[pl.ds(s * _ROWS_W, _ROWS_W)])

    def _slot(g, k):
        return rows.at[pl.ds((lax.rem(g, 2) * 2 + k) * 64, 64)]

    def _gather(g, k):
        b = g // 8
        rr = lax.rem(b, 2) * 8 + lax.rem(g, 8)
        idx = ring.at[rr, pl.ds(k * 64, 64)]

        @pl.when(c == 0)
        def _():
            pltpu.async_copy(hs0_hbm.at[idx], _slot(g, k), gsem[k])

        @pl.when(c == 1)
        def _():
            pltpu.async_copy(hs1_hbm.at[idx], _slot(g, k), gsem[k])

    def _gwait(k):
        pltpu.make_async_copy(hs0_hbm.at[ring.at[0, pl.ds(0, 64)]],
                              rows.at[pl.ds(0, 64)], gsem[k]).wait()

    def _swait(k):
        pltpu.make_async_copy(rows.at[pl.ds(0, 64)],
                              acc_sh.at[dst_all.at[0, pl.ds(0, 64)]],
                              ssem[k]).wait()

    pltpu.sync_copy(src_hbm.at[s].at[0], ring.at[pl.ds(0, 8)])
    pltpu.async_copy(src_hbm.at[s].at[1], ring.at[pl.ds(8, 8)], semi)
    plsc.subcore_barrier()
    for k in range(2):
        _gather(0, k)

    @pl.loop(0, _SP_NG)
    def _(g):
        nxt = g + 1
        blk_edge = lax.rem(nxt, 8) == 0

        @pl.when(blk_edge & (nxt < _SP_NG))
        def _():
            pltpu.make_async_copy(src_hbm.at[s].at[0],
                                  ring.at[pl.ds(0, 8)], semi).wait()

        for k in range(2):
            _gwait(k)

            @pl.when(g >= 1)
            def _():
                _swait(k)

            @pl.when(nxt < _SP_NG)
            def _():
                _gather(nxt, k)

            pltpu.async_copy(_slot(g, k),
                             acc_sh.at[dst_all.at[g, pl.ds(k * 64, 64)]],
                             ssem[k], add=True)

        @pl.when(blk_edge & (nxt < _SP_NG))
        def _():
            b1 = nxt // 8

            @pl.when(b1 + 1 < _SP_NBLK)
            def _():
                pltpu.async_copy(src_hbm.at[s].at[b1 + 1],
                                 ring.at[pl.ds(lax.rem(b1 + 1, 2) * 8, 8)],
                                 semi)

    for k in range(2):
        _swait(k)

    plsc.subcore_barrier()

    @pl.when(c == 0)
    def _():
        pltpu.sync_copy(acc_sh.at[pl.ds(s * _ROWS_W, _ROWS_W)],
                        out0_hbm.at[pl.ds(s * _ROWS_W, _ROWS_W)])

    @pl.when(c == 1)
    def _():
        pltpu.sync_copy(acc_sh.at[pl.ds(s * _ROWS_W, _ROWS_W)],
                        out1_hbm.at[pl.ds(s * _ROWS_W, _ROWS_W)])


def _dot(a, b, dims):
    return lax.dot_general(a, b, (dims, ((), ())),
                           precision=lax.Precision.HIGHEST,
                           preferred_element_type=_F32)


def _half_spec():
    return pl.BlockSpec((BN, H), lambda i: (i, 0))


def _tc_prep_body(deg0_ref, deg1_ref, x_ref, d_ref, xs0_ref, xs1_ref):
    deg = deg0_ref[0, :, 0:1] + deg1_ref[0, :, 0:1] + 1.0
    d = lax.rsqrt(deg)
    d_ref[...] = d
    xs = x_ref[...] * d
    xs0_ref[...] = xs[:, :H]
    xs1_ref[...] = xs[:, H:]


def _tc_prep(deg2, x):
    return pl.pallas_call(
        _tc_prep_body,
        grid=(NB,),
        in_specs=[
            pl.BlockSpec((1, BN, 16), lambda i: (0, i, 0)),
            pl.BlockSpec((1, BN, 16), lambda i: (1, i, 0)),
            pl.BlockSpec((BN, D), lambda i: (i, 0)),
        ],
        out_specs=[pl.BlockSpec((BN, 1), lambda i: (i, 0)),
                   _half_spec(), _half_spec()],
        out_shape=[jax.ShapeDtypeStruct((N, 1), _F32),
                   jax.ShapeDtypeStruct((NPAD, H), _F32),
                   jax.ShapeDtypeStruct((NPAD, H), _F32)],
    )(deg2, deg2, x)


def _tc_layer_body(t0_ref, t1_ref, h0_ref, h1_ref, d_ref, w_ref,
                   ys0_ref, ys1_ref):
    d = d_ref[...]
    u = jnp.concatenate(
        [t0_ref[...] + h0_ref[...], t1_ref[...] + h1_ref[...]], axis=1) * d
    y = jnp.maximum(_dot(u, w_ref[...], ((1,), (0,))), 0.0) * d
    ys0_ref[...] = y[:, :H]
    ys1_ref[...] = y[:, H:]


def _tc_layer(t0, t1, h0, h1, d, W):
    return pl.pallas_call(
        _tc_layer_body,
        grid=(NB,),
        in_specs=[_half_spec(), _half_spec(), _half_spec(), _half_spec(),
                  pl.BlockSpec((BN, 1), lambda i: (i, 0)),
                  pl.BlockSpec((D, D), lambda i: (0, 0))],
        out_specs=[_half_spec(), _half_spec()],
        out_shape=[jax.ShapeDtypeStruct((NPAD, H), _F32),
                   jax.ShapeDtypeStruct((NPAD, H), _F32)],
    )(t0, t1, h0, h1, d, W)


def _tc_final_body(t0_ref, t1_ref, h0_ref, h1_ref, d_ref, w_ref, z_ref):
    u = jnp.concatenate(
        [t0_ref[...] + h0_ref[...], t1_ref[...] + h1_ref[...]],
        axis=1) * d_ref[...]
    z_ref[...] = _dot(u, w_ref[...], ((1,), (0,)))


def _tc_final(t0, t1, h0, h1, d, W):
    return pl.pallas_call(
        _tc_final_body,
        grid=(NB,),
        in_specs=[_half_spec(), _half_spec(), _half_spec(), _half_spec(),
                  pl.BlockSpec((BN, 1), lambda i: (i, 0)),
                  pl.BlockSpec((D, D), lambda i: (0, 0))],
        out_specs=pl.BlockSpec((BN, D), lambda i: (i, 0)),
        out_shape=jax.ShapeDtypeStruct((N, D), _F32),
    )(t0, t1, h0, h1, d, W)


def _tc_cos_body(z_ref, o_ref):
    z = z_ref[...]
    zn = z * lax.rsqrt(jnp.sum(z * z, axis=1, keepdims=True))
    g = _dot(zn, zn, ((1,), (1,)))
    o_ref[...] = (jnp.sum(g) * (1.0 / (512.0 * 512.0))).reshape(1, 1)


def _tc_cos(z512):
    return pl.pallas_call(
        _tc_cos_body,
        out_shape=jax.ShapeDtypeStruct((1, 1), _F32),
    )(z512)


def kernel(x, edge_index, W1, W2, W3):
    npad_e = EPAD - E
    src = jnp.concatenate([edge_index[0], jnp.zeros((npad_e,), jnp.int32)])
    dst = jnp.concatenate([edge_index[1],
                           jnp.full((npad_e,), N, jnp.int32)])
    srcR = src.reshape(NS, _SP_NBLK, 8, _CH)
    dstR = dst.reshape(NS, 80, _CH)
    dst_degR = dst.reshape(NC * NS, _DEG_NCH, _CH)
    zeros16 = jnp.zeros((NPAD, 16), _F32)
    zerosH = jnp.zeros((NPAD, H), _F32)

    deg2 = _sc_degree(dst_degR, zeros16).reshape(NC, NPAD, 16)
    d, xs0, xs1 = _tc_prep(deg2, x)

    t0, t1 = _sc_spmm(xs0, xs1, srcR, dstR, zerosH)
    h0, h1 = _tc_layer(t0, t1, xs0, xs1, d, W1)

    t0, t1 = _sc_spmm(h0, h1, srcR, dstR, zerosH)
    g0, g1 = _tc_layer(t0, t1, h0, h1, d, W2)

    t0, t1 = _sc_spmm(g0, g1, srcR, dstR, zerosH)
    z = _tc_final(t0, t1, g0, g1, d, W3)

    corr = _tc_cos(z[:512])
    return z, corr[0, 0]

# --- scband reference (transcript-rebuilt; emitter-appended) ---
"""Pipeline reference for scband-trace-19816979104422 (READ-ONLY COPY).

The authoritative reference and input builder live on the scoring server;
editing this copy changes nothing except your own understanding.
"""

import jax, jax.numpy as jnp
import numpy as np

N_NODES = 10000
N_EDGES = 160000
D_FEAT = 256
EMB_DIM = 256


def setup_inputs(seed: int = 0) -> dict:
    key = jax.random.key(seed)
    k1, k2, k3, k4, k5 = jax.random.split(key, 5)
    x = jax.random.normal(k1, (N_NODES, D_FEAT), dtype=jnp.float32)
    edge_index = jax.random.randint(k2, (2, N_EDGES), 0, N_NODES, dtype=jnp.int32)
    s1 = 1.0 / np.sqrt(D_FEAT)
    W1 = jax.random.normal(k3, (D_FEAT, EMB_DIM), dtype=jnp.float32) * s1
    W2 = jax.random.normal(k4, (EMB_DIM, EMB_DIM), dtype=jnp.float32) * (1.0 / np.sqrt(EMB_DIM))
    W3 = jax.random.normal(k5, (EMB_DIM, EMB_DIM), dtype=jnp.float32) * (1.0 / np.sqrt(EMB_DIM))
    return {"x": x, "edge_index": edge_index, "W1": W1, "W2": W2, "W3": W3}


def reference(x, edge_index, W1, W2, W3):
    # Three-layer GCN encoder (slow_encoder of TRACE: BatchedThreeLayerGCN)
    # with symmetric degree normalization + self loops, followed by the
    # cosine-similarity correlation computation used in slow_learning.
    N = x.shape[0]
    src = edge_index[0]
    dst = edge_index[1]
    ones = jnp.ones_like(dst, dtype=x.dtype)
    deg = jax.ops.segment_sum(ones, dst, num_segments=N) + 1.0  # +1 for self loop
    inv_sqrt_deg = jax.lax.rsqrt(deg)
    norm = inv_sqrt_deg[src] * inv_sqrt_deg[dst]
    self_norm = inv_sqrt_deg * inv_sqrt_deg

    def gcn_layer(h, W, act):
        msg = h[src] * norm[:, None]                      # gather + scale
        agg = jax.ops.segment_sum(msg, dst, num_segments=N)  # scatter-add
        agg = agg + h * self_norm[:, None]                # self loop
        out = agg @ W                                     # dense transform
        if act:
            out = jax.nn.relu(out)
        return out

    h = gcn_layer(x, W1, True)
    h = gcn_layer(h, W2, True)
    z = gcn_layer(h, W3, False)

    # cos_sim(z, z) as in TRACE.memory_retention_processing / slow_learning
    zn = z / jnp.linalg.norm(z, axis=-1, keepdims=True)
    return z, jnp.mean(zn[:512] @ zn[:512].T)

if __name__ == "__main__":
    import jax
    _d = setup_inputs()
    print(jax.jit(kernel)(*tuple(_d.values())))

</pallas_src>

<mosaic_0001>
#map = affine_map<(d0, d1) -> (0, 0, 0)>
#map1 = affine_map<(d0, d1) -> (0, 0)>
module attributes {stable_mosaic.version = 14 : i64} {
  func.func @_sc_degree(%arg0: i32, %arg1: i32, %arg2: memref<32x40x128xi32, #tpu.memory_space<hbm>>, %arg3: memref<10240x16xf32, #tpu.memory_space<hbm>>, %arg4: memref<20480x16xf32, #tpu.memory_space<hbm>>, %arg5: memref<40x128xi32, #tpu.memory_space<vmem>>, %arg6: memref<128x16xf32, #tpu.memory_space<vmem>>, %arg7: memref<10240x16xf32, #tpu.memory_space<vmem_shared>>, %arg8: memref<!tpu.dma_semaphore, #tpu.memory_space<semaphore_mem>>) attributes {dimension_semantics = [#tpu.dimension_semantics<core_parallel>, #tpu.dimension_semantics<subcore_parallel>], iteration_bounds = array<i64: 2, 16>, scalar_prefetch = 0 : i64, scratch_operands = 4 : i64, tpu.core_type = #tpu.core_type<sc_vector_subcore>, window_params = [{transform_indices = #map}, {transform_indices = #map1}, {transform_indices = #map1}]} {
    %mul3A = arith.constant 16 : i32
    %mul3A_0 = arith.muli %arg0, %mul3A : i32
    %add3A = arith.addi %mul3A_0, %arg1 : i32
    "tpu.region"() ({
      %run_scoped3A = tpu.sem_alloc : memref<!tpu.dma_semaphore, #tpu.memory_space<semaphore_mem>>
      %dma_start3A = arith.constant 0 : i32
      %dma_start3A_1044 = arith.constant 0 : i32
      %dma_start3A_1045 = tpu.memref_slice %arg2[%add3A, %dma_start3A, %dma_start3A_1044] : memref<32x40x128xi32, #tpu.memory_space<hbm>> -> memref<1x40x128xi32, #tpu.memory_space<hbm>>
      %dma_start3A_1046 = tpu.memref_squeeze %dma_start3A_1045 : memref<1x40x128xi32, #tpu.memory_space<hbm>> -> memref<40x128xi32, #tpu.memory_space<hbm>>
      %dma_start3A_1047 = arith.constant 0 : i32
      %dma_start3A_1048 = arith.constant 0 : i32
      %dma_start3A_1049 = tpu.memref_slice %arg2[%add3A, %dma_start3A_1047, %dma_start3A_1048] : memref<32x40x128xi32, #tpu.memory_space<hbm>> -> memref<1x40x128xi32, #tpu.memory_space<hbm>>
      %dma_start3A_1050 = tpu.memref_squeeze %dma_start3A_1049 : memref<1x40x128xi32, #tpu.memory_space<hbm>> -> memref<40x128xi32, #tpu.memory_space<hbm>>
      tpu.enqueue_dma source(%dma_start3A_1050 : memref<40x128xi32, #tpu.memory_space<hbm>>) target(%arg5 : memref<40x128xi32, #tpu.memory_space<vmem>>) target_semaphore(%run_scoped3A : memref<!tpu.dma_semaphore, #tpu.memory_space<semaphore_mem>>)
      %dma_wait3A = arith.constant 0 : i32
      %dma_wait3A_1051 = arith.constant 0 : i32
      %dma_wait3A_1052 = tpu.memref_slice %arg2[%add3A, %dma_wait3A, %dma_wait3A_1051] : memref<32x40x128xi32, #tpu.memory_space<hbm>> -> memref<1x40x128xi32, #tpu.memory_space<hbm>>
      %dma_wait3A_1053 = tpu.memref_squeeze %dma_wait3A_1052 : memref<1x40x128xi32, #tpu.memory_space<hbm>> -> memref<40x128xi32, #tpu.memory_space<hbm>>
      %dma_wait3A_1054 = arith.constant 0 : i32
      %dma_wait3A_1055 = arith.constant 0 : i32
      %dma_wait3A_1056 = tpu.memref_slice %arg2[%add3A, %dma_wait3A_1054, %dma_wait3A_1055] : memref<32x40x128xi32, #tpu.memory_space<hbm>> -> memref<1x40x128xi32, #tpu.memory_space<hbm>>
      %dma_wait3A_1057 = tpu.memref_squeeze %dma_wait3A_1056 : memref<1x40x128xi32, #tpu.memory_space<hbm>> -> memref<40x128xi32, #tpu.memory_space<hbm>>
      tpu.wait_dma2 semaphore(%run_scoped3A : memref<!tpu.dma_semaphore, #tpu.memory_space<semaphore_mem>>) src(%dma_wait3A_1057 : memref<40x128xi32, #tpu.memory_space<hbm>>) dst(%arg5 : memref<40x128xi32, #tpu.memory_space<vmem>>)
      tpu.yield
    }) : () -> ()
    %broadcast_in_dim3A = arith.constant 1.000000e+00 : f32
    %broadcast_in_dim3A_1 = vector.broadcast %broadcast_in_dim3A : f32 to vector<16xf32>
    %swap3A = arith.constant 0 : i32
    %swap3A_2 = arith.index_cast %swap3A : i32 to index
    %swap3A_3 = arith.constant 0 : index
    %swap3A_4 = tpu.vector_load %arg6[%swap3A_2, %swap3A_3] {strides = array<i32>} : memref<128x16xf32, #tpu.memory_space<vmem>>, vector<1x16xf32>,
    %swap3A_5 = vector.shape_cast %swap3A_4 : vector<1x16xf32> to vector<16xf32>
    %swap3A_6 = vector.shape_cast %broadcast_in_dim3A_1 : vector<16xf32> to vector<1x16xf32>
    tpu.vector_store %arg6[%swap3A_2, %swap3A_3], %swap3A_6 {strides = array<i32>} : memref<128x16xf32, #tpu.memory_space<vmem>>, vector<1x16xf32>,
    %broadcast_in_dim3A_7 = arith.constant 1.000000e+00 : f32
    %broadcast_in_dim3A_8 = vector.broadcast %broadcast_in_dim3A_7 : f32 to vector<16xf32>
    %swap3A_9 = arith.constant 1 : i32
    %swap3A_10 = arith.index_cast %swap3A_9 : i32 to index
    %swap3A_11 = arith.constant 0 : index
    %swap3A_12 = tpu.vector_load %arg6[%swap3A_10, %swap3A_11] {strides = array<i32>} : memref<128x16xf32, #tpu.memory_space<vmem>>, vector<1x16xf32>,
    %swap3A_13 = vector.shape_cast %swap3A_12 : vector<1x16xf32> to vector<16xf32>
    %swap3A_14 = vector.shape_cast %broadcast_in_dim3A_8 : vector<16xf32> to vector<1x16xf32>
    tpu.vector_store %arg6[%swap3A_10, %swap3A_11], %swap3A_14 {strides = array<i32>} : memref<128x16xf32, #tpu.memory_space<vmem>>, vector<1x16xf32>,
    %broadcast_in_dim3A_15 = arith.constant 1.000000e+00 : f32
    %broadcast_in_dim3A_16 = vector.broadcast %broadcast_in_dim3A_15 : f32 to vector<16xf32>
    %swap3A_17 = arith.constant 2 : i32
    %swap3A_18 = arith.index_cast %swap3A_17 : i32 to index
    %swap3A_19 = arith.constant 0 : index
    %swap3A_20 = tpu.vector_load %arg6[%swap3A_18, %swap3A_19] {strides = array<i32>} : memref<128x16xf32, #tpu.memory_space<vmem>>, vector<1x16xf32>,
    %swap3A_21 = vector.shape_cast %swap3A_20 : vector<1x16xf32> to vector<16xf32>
    %swap3A_22 = vector.shape_cast %broadcast_in_dim3A_16 : vector<16xf32> to vector<1x16xf32>
    tpu.vector_store %arg6[%swap3A_18, %swap3A_19], %swap3A_22 {strides = array<i32>} : memref<128x16xf32, #tpu.memory_space<vmem>>, vector<1x16xf32>,
    %broadcast_in_dim3A_23 = arith.constant 1.000000e+00 : f32
    %broadcast_in_dim3A_24 = vector.broadcast %broadcast_in_dim3A_23 : f32 to vector<16xf32>
    %swap3A_25 = arith.constant 3 : i32
    %swap3A_26 = arith.index_cast %swap3A_25 : i32 to index
    %swap3A_27 = arith.constant 0 : index
    %swap3A_28 = tpu.vector_load %arg6[%swap3A_26, %swap3A_27] {strides = array<i32>} : memref<128x16xf32, #tpu.memory_space<vmem>>, vector<1x16xf32>,
    %swap3A_29 = vector.shape_cast %swap3A_28 : vector<1x16xf32> to vector<16xf32>
    %swap3A_30 = vector.shape_cast %broadcast_in_dim3A_24 : vector<16xf32> to vector<1x16xf32>
    tpu.vector_store %arg6[%swap3A_26, %swap3A_27], %swap3A_30 {strides = array<i32>} : memref<128x16xf32, #tpu.memory_space<vmem>>, vector<1x16xf32>,
    %broadcast_in_dim3A_31 = arith.constant 1.000000e+00 : f32
    %broadcast_in_dim3A_32 = vector.broadcast %broadcast_in_dim3A_31 : f32 to vector<16xf32>
    %swap3A_33 = arith.constant 4 : i32
    %swap3A_34 = arith.index_cast %swap3A_33 : i32 to index
    %swap3A_35 = arith.constant 0 : index
    %swap3A_36 = tpu.vector_load %arg6[%swap3A_34, %swap3A_35] {strides = array<i32>} : memref<128x16xf32, #tpu.memory_space<vmem>>, vector<1x16xf32>,
    %swap3A_37 = vector.shape_cast %swap3A_36 : vector<1x16xf32> to vector<16xf32>
    %swap3A_38 = vector.shape_cast %broadcast_in_dim3A_32 : vector<16xf32> to vector<1x16xf32>
    tpu.vector_store %arg6[%swap3A_34, %swap3A_35], %swap3A_38 {strides = array<i32>} : memref<128x16xf32, #tpu.memory_space<vmem>>, vector<1x16xf32>,
    %broadcast_in_dim3A_39 = arith.constant 1.000000e+00 : f32
    %broadcast_in_dim3A_40 = vector.broadcast %broadcast_in_dim3A_39 : f32 to vector<16xf32>
    %swap3A_41 = arith.constant 5 : i32
    %swap3A_42 = arith.index_cast %swap3A_41 : i32 to index
    %swap3A_43 = arith.constant 0 : index
    %swap3A_44 = tpu.vector_load %arg6[%swap3A_42, %swap3A_43] {strides = array<i32>} : memref<128x16xf32, #tpu.memory_space<vmem>>, vector<1x16xf32>,
    %swap3A_45 = vector.shape_cast %swap3A_44 : vector<1x16xf32> to vector<16xf32>
    %swap3A_46 = vector.shape_cast %broadcast_in_dim3A_40 : vector<16xf32> to vector<1x16xf32>
    tpu.vector_store %arg6[%swap3A_42, %swap3A_43], %swap3A_46 {strides = array<i32>} : memref<128x16xf32, #tpu.memory_space<vmem>>, vector<1x16xf32>,
    %broadcast_in_dim3A_47 = arith.constant 1.000000e+00 : f32
    %broadcast_in_dim3A_48 = vector.broadcast %broadcast_in_dim3A_47 : f32 to vector<16xf32>
    %swap3A_49 = arith.constant 6 : i32
    %swap3A_50 = arith.index_cast %swap3A_49 : i32 to index
    %swap3A_51 = arith.constant 0 : index
    %swap3A_52 = tpu.vector_load %arg6[%swap3A_50, %swap3A_51] {strides = array<i32>} : memref<128x16xf32, #tpu.memory_space<vmem>>, vector<1x16xf32>,
    %swap3A_53 = vector.shape_cast %swap3A_52 : vector<1x16xf32> to vector<16xf32>
    %swap3A_54 = vector.shape_cast %broadcast_in_dim3A_48 : vector<16xf32> to vector<1x16xf32>
    tpu.vector_store %arg6[%swap3A_50, %swap3A_51], %swap3A_54 {strides = array<i32>} : memref<128x16xf32, #tpu.memory_space<vmem>>, vector<1x16xf32>,
    %broadcast_in_dim3A_55 = arith.constant 1.000000e+00 : f32
    %broadcast_in_dim3A_56 = vector.broadcast %broadcast_in_dim3A_55 : f32 to vector<16xf32>
    %swap3A_57 = arith.constant 7 : i32
    %swap3A_58 = arith.index_cast %swap3A_57 : i32 to index
    %swap3A_59 = arith.constant 0 : index
    %swap3A_60 = tpu.vector_load %arg6[%swap3A_58, %swap3A_59] {strides = array<i32>} : memref<128x16xf32, #tpu.memory_space<vmem>>, vector<1x16xf32>,
    %swap3A_61 = vector.shape_cast %swap3A_60 : vector<1x16xf32> to vector<16xf32>
    %swap3A_62 = vector.shape_cast %broadcast_in_dim3A_56 : vector<16xf32> to vector<1x16xf32>
    tpu.vector_store %arg6[%swap3A_58, %swap3A_59], %swap3A_62 {strides = array<i32>} : memref<128x16xf32, #tpu.memory_space<vmem>>, vector<1x16xf32>,
    %broadcast_in_dim3A_63 = arith.constant 1.000000e+00 : f32
    %broadcast_in_dim3A_64 = vector.broadcast %broadcast_in_dim3A_63 : f32 to vector<16xf32>
    %swap3A_65 = arith.constant 8 : i32
    %swap3A_66 = arith.index_cast %swap3A_65 : i32 to index
    %swap3A_67 = arith.constant 0 : index
    %swap3A_68 = tpu.vector_load %arg6[%swap3A_66, %swap3A_67] {strides = array<i32>} : memref<128x16xf32, #tpu.memory_space<vmem>>, vector<1x16xf32>,
    %swap3A_69 = vector.shape_cast %swap3A_68 : vector<1x16xf32> to vector<16xf32>
    %swap3A_70 = vector.shape_cast %broadcast_in_dim3A_64 : vector<16xf32> to vector<1x16xf32>
    tpu.vector_store %arg6[%swap3A_66, %swap3A_67], %swap3A_70 {strides = array<i32>} : memref<128x16xf32, #tpu.memory_space<vmem>>, vector<1x16xf32>,
    %broadcast_in_dim3A_71 = arith.constant 1.000000e+00 : f32
    %broadcast_in_dim3A_72 = vector.broadcast %broadcast_in_dim3A_71 : f32 to vector<16xf32>
    %swap3A_73 = arith.constant 9 : i32
    %swap3A_74 = arith.index_cast %swap3A_73 : i32 to index
    %swap3A_75 = arith.constant 0 : index
    %swap3A_76 = tpu.vector_load %arg6[%swap3A_74, %swap3A_75] {strides = array<i32>} : memref<128x16xf32, #tpu.memory_space<vmem>>, vector<1x16xf32>,
    %swap3A_77 = vector.shape_cast %swap3A_76 : vector<1x16xf32> to vector<16xf32>
    %swap3A_78 = vector.shape_cast %broadcast_in_dim3A_72 : vector<16xf32> to vector<1x16xf32>
    tpu.vector_store %arg6[%swap3A_74, %swap3A_75], %swap3A_78 {strides = array<i32>} : memref<128x16xf32, #tpu.memory_space<vmem>>, vector<1x16xf32>,
    %broadcast_in_dim3A_79 = arith.constant 1.000000e+00 : f32
    %broadcast_in_dim3A_80 = vector.broadcast %broadcast_in_dim3A_79 : f32 to vector<16xf32>
    %swap3A_81 = arith.constant 10 : i32
    %swap3A_82 = arith.index_cast %swap3A_81 : i32 to index
    %swap3A_83 = arith.constant 0 : index
    %swap3A_84 = tpu.vector_load %arg6[%swap3A_82, %swap3A_83] {strides = array<i32>} : memref<128x16xf32, #tpu.memory_space<vmem>>, vector<1x16xf32>,
    %swap3A_85 = vector.shape_cast %swap3A_84 : vector<1x16xf32> to vector<16xf32>
    %swap3A_86 = vector.shape_cast %broadcast_in_dim3A_80 : vector<16xf32> to vector<1x16xf32>
    tpu.vector_store %arg6[%swap3A_82, %swap3A_83], %swap3A_86 {strides = array<i32>} : memref<128x16xf32, #tpu.memory_space<vmem>>, vector<1x16xf32>,
    %broadcast_in_dim3A_87 = arith.constant 1.000000e+00 : f32
    %broadcast_in_dim3A_88 = vector.broadcast %broadcast_in_dim3A_87 : f32 to vector<16xf32>
    %swap3A_89 = arith.constant 11 : i32
    %swap3A_90 = arith.index_cast %swap3A_89 : i32 to index
    %swap3A_91 = arith.constant 0 : index
    %swap3A_92 = tpu.vector_load %arg6[%swap3A_90, %swap3A_91] {strides = array<i32>} : memref<128x16xf32, #tpu.memory_space<vmem>>, vector<1x16xf32>,
    %swap3A_93 = vector.shape_cast %swap3A_92 : vector<1x16xf32> to vector<16xf32>
    %swap3A_94 = vector.shape_cast %broadcast_in_dim3A_88 : vector<16xf32> to vector<1x16xf32>
    tpu.vector_store %arg6[%swap3A_90, %swap3A_91], %swap3A_94 {strides = array<i32>} : memref<128x16xf32, #tpu.memory_space<vmem>>, vector<1x16xf32>,
    %broadcast_in_dim3A_95 = arith.constant 1.000000e+00 : f32
    %broadcast_in_dim3A_96 = vector.broadcast %broadcast_in_dim3A_95 : f32 to vector<16xf32>
    %swap3A_97 = arith.constant 12 : i32
    %swap3A_98 = arith.index_cast %swap3A_97 : i32 to index
    %swap3A_99 = arith.constant 0 : index
    %swap3A_100 = tpu.vector_load %arg6[%swap3A_98, %swap3A_99] {strides = array<i32>} : memref<128x16xf32, #tpu.memory_space<vmem>>, vector<1x16xf32>,
    %swap3A_101 = vector.shape_cast %swap3A_100 : vector<1x16xf32> to vector<16xf32>
    %swap3A_102 = vector.shape_cast %broadcast_in_dim3A_96 : vector<16xf32> to vector<1x16xf32>
    tpu.vector_store %arg6[%swap3A_98, %swap3A_99], %swap3A_102 {strides = array<i32>} : memref<128x16xf32, #tpu.memory_space<vmem>>, vector<1x16xf32>,
    %broadcast_in_dim3A_103 = arith.constant 1.000000e+00 : f32
    %broadcast_in_dim3A_104 = vector.broadcast %broadcast_in_dim3A_103 : f32 to vector<16xf32>
    %swap3A_105 = arith.constant 13 : i32
    %swap3A_106 = arith.index_cast %swap3A_105 : i32 to index
    %swap3A_107 = arith.constant 0 : index
    %swap3A_108 = tpu.vector_load %arg6[%swap3A_106, %swap3A_107] {strides = array<i32>} : memref<128x16xf32, #tpu.memory_space<vmem>>, vector<1x16xf32>,
    %swap3A_109 = vector.shape_cast %swap3A_108 : vector<1x16xf32> to vector<16xf32>
    %swap3A_110 = vector.shape_cast %broadcast_in_dim3A_104 : vector<16xf32> to vector<1x16xf32>
    tpu.vector_store %arg6[%swap3A_106, %swap3A_107], %swap3A_110 {strides = array<i32>} : memref<128x16xf32, #tpu.memory_space<vmem>>, vector<1x16xf32>,
    %broadcast_in_dim3A_111 = arith.constant 1.000000e+00 : f32
    %broadcast_in_dim3A_112 = vector.broadcast %broadcast_in_dim3A_111 : f32 to vector<16xf32>
    %swap3A_113 = arith.constant 14 : i32
    %swap3A_114 = arith.index_cast %swap3A_113 : i32 to index
    %swap3A_115 = arith.constant 0 : index
    %swap3A_116 = tpu.vector_load %arg6[%swap3A_114, %swap3A_115] {strides = array<i32>} : memref<128x16xf32, #tpu.memory_space<vmem>>, vector<1x16xf32>,
    %swap3A_117 = vector.shape_cast %swap3A_116 : vector<1x16xf32> to vector<16xf32>
    %swap3A_118 = vector.shape_cast %broadcast_in_dim3A_112 : vector<16xf32> to vector<1x16xf32>
    tpu.vector_store %arg6[%swap3A_114, %swap3A_115], %swap3A_118 {strides = array<i32>} : memref<128x16xf32, #tpu.memory_space<vmem>>, vector<1x16xf32>,
    %broadcast_in_dim3A_119 = arith.constant 1.000000e+00 : f32
    %broadcast_in_dim3A_120 = vector.broadcast %broadcast_in_dim3A_119 : f32 to vector<16xf32>
    %swap3A_121 = arith.constant 15 : i32
    %swap3A_122 = arith.index_cast %swap3A_121 : i32 to index
    %swap3A_123 = arith.constant 0 : index
    %swap3A_124 = tpu.vector_load %arg6[%swap3A_122, %swap3A_123] {strides = array<i32>} : memref<128x16xf32, #tpu.memory_space<vmem>>, vector<1x16xf32>,
    %swap3A_125 = vector.shape_cast %swap3A_124 : vector<1x16xf32> to vector<16xf32>
    %swap3A_126 = vector.shape_cast %broadcast_in_dim3A_120 : vector<16xf32> to vector<1x16xf32>
    tpu.vector_store %arg6[%swap3A_122, %swap3A_123], %swap3A_126 {strides = array<i32>} : memref<128x16xf32, #tpu.memory_space<vmem>>, vector<1x16xf32>,
    %broadcast_in_dim3A_127 = arith.constant 1.000000e+00 : f32
    %broadcast_in_dim3A_128 = vector.broadcast %broadcast_in_dim3A_127 : f32 to vector<16xf32>
    %swap3A_129 = arith.constant 16 : i32
    %swap3A_130 = arith.index_cast %swap3A_129 : i32 to index
    %swap3A_131 = arith.constant 0 : index
    %swap3A_132 = tpu.vector_load %arg6[%swap3A_130, %swap3A_131] {strides = array<i32>} : memref<128x16xf32, #tpu.memory_space<vmem>>, vector<1x16xf32>,
    %swap3A_133 = vector.shape_cast %swap3A_132 : vector<1x16xf32> to vector<16xf32>
    %swap3A_134 = vector.shape_cast %broadcast_in_dim3A_128 : vector<16xf32> to vector<1x16xf32>
    tpu.vector_store %arg6[%swap3A_130, %swap3A_131], %swap3A_134 {strides = array<i32>} : memref<128x16xf32, #tpu.memory_space<vmem>>, vector<1x16xf32>,
    %broadcast_in_dim3A_135 = arith.constant 1.000000e+00 : f32
    %broadcast_in_dim3A_136 = vector.broadcast %broadcast_in_dim3A_135 : f32 to vector<16xf32>
    %swap3A_137 = arith.constant 17 : i32
    %swap3A_138 = arith.index_cast %swap3A_137 : i32 to index
    %swap3A_139 = arith.constant 0 : index
    %swap3A_140 = tpu.vector_load %arg6[%swap3A_138, %swap3A_139] {strides = array<i32>} : memref<128x16xf32, #tpu.memory_space<vmem>>, vector<1x16xf32>,
    %swap3A_141 = vector.shape_cast %swap3A_140 : vector<1x16xf32> to vector<16xf32>
    %swap3A_142 = vector.shape_cast %broadcast_in_dim3A_136 : vector<16xf32> to vector<1x16xf32>
    tpu.vector_store %arg6[%swap3A_138, %swap3A_139], %swap3A_142 {strides = array<i32>} : memref<128x16xf32, #tpu.memory_space<vmem>>, vector<1x16xf32>,
    %broadcast_in_dim3A_143 = arith.constant 1.000000e+00 : f32
    %broadcast_in_dim3A_144 = vector.broadcast %broadcast_in_dim3A_143 : f32 to vector<16xf32>
    %swap3A_145 = arith.constant 18 : i32
    %swap3A_146 = arith.index_cast %swap3A_145 : i32 to index
    %swap3A_147 = arith.constant 0 : index
    %swap3A_148 = tpu.vector_load %arg6[%swap3A_146, %swap3A_147] {strides = array<i32>} : memref<128x16xf32, #tpu.memory_space<vmem>>, vector<1x16xf32>,
    %swap3A_149 = vector.shape_cast %swap3A_148 : vector<1x16xf32> to vector<16xf32>
    %swap3A_150 = vector.shape_cast %broadcast_in_dim3A_144 : vector<16xf32> to vector<1x16xf32>
    tpu.vector_store %arg6[%swap3A_146, %swap3A_147], %swap3A_150 {strides = array<i32>} : memref<128x16xf32, #tpu.memory_space<vmem>>, vector<1x16xf32>,
    %broadcast_in_dim3A_151 = arith.constant 1.000000e+00 : f32
    %broadcast_in_dim3A_152 = vector.broadcast %broadcast_in_dim3A_151 : f32 to vector<16xf32>
    %swap3A_153 = arith.constant 19 : i32
    %swap3A_154 = arith.index_cast %swap3A_153 : i32 to index
    %swap3A_155 = arith.constant 0 : index
    %swap3A_156 = tpu.vector_load %arg6[%swap3A_154, %swap3A_155] {strides = array<i32>} : memref<128x16xf32, #tpu.memory_space<vmem>>, vector<1x16xf32>,
    %swap3A_157 = vector.shape_cast %swap3A_156 : vector<1x16xf32> to vector<16xf32>
    %swap3A_158 = vector.shape_cast %broadcast_in_dim3A_152 : vector<16xf32> to vector<1x16xf32>
    tpu.vector_store %arg6[%swap3A_154, %swap3A_155], %swap3A_158 {strides = array<i32>} : memref<128x16xf32, #tpu.memory_space<vmem>>, vector<1x16xf32>,
    %broadcast_in_dim3A_159 = arith.constant 1.000000e+00 : f32
    %broadcast_in_dim3A_160 = vector.broadcast %broadcast_in_dim3A_159 : f32 to vector<16xf32>
    %swap3A_161 = arith.constant 20 : i32
    %swap3A_162 = arith.index_cast %swap3A_161 : i32 to index
    %swap3A_163 = arith.constant 0 : index
    %swap3A_164 = tpu.vector_load %arg6[%swap3A_162, %swap3A_163] {strides = array<i32>} : memref<128x16xf32, #tpu.memory_space<vmem>>, vector<1x16xf32>,
    %swap3A_165 = vector.shape_cast %swap3A_164 : vector<1x16xf32> to vector<16xf32>
    %swap3A_166 = vector.shape_cast %broadcast_in_dim3A_160 : vector<16xf32> to vector<1x16xf32>
    tpu.vector_store %arg6[%swap3A_162, %swap3A_163], %swap3A_166 {strides = array<i32>} : memref<128x16xf32, #tpu.memory_space<vmem>>, vector<1x16xf32>,
    %broadcast_in_dim3A_167 = arith.constant 1.000000e+00 : f32
    %broadcast_in_dim3A_168 = vector.broadcast %broadcast_in_dim3A_167 : f32 to vector<16xf32>
    %swap3A_169 = arith.constant 21 : i32
    %swap3A_170 = arith.index_cast %swap3A_169 : i32 to index
    %swap3A_171 = arith.constant 0 : index
    %swap3A_172 = tpu.vector_load %arg6[%swap3A_170, %swap3A_171] {strides = array<i32>} : memref<128x16xf32, #tpu.memory_space<vmem>>, vector<1x16xf32>,
    %swap3A_173 = vector.shape_cast %swap3A_172 : vector<1x16xf32> to vector<16xf32>
    %swap3A_174 = vector.shape_cast %broadcast_in_dim3A_168 : vector<16xf32> to vector<1x16xf32>
    tpu.vector_store %arg6[%swap3A_170, %swap3A_171], %swap3A_174 {strides = array<i32>} : memref<128x16xf32, #tpu.memory_space<vmem>>, vector<1x16xf32>,
    %broadcast_in_dim3A_175 = arith.constant 1.000000e+00 : f32
    %broadcast_in_dim3A_176 = vector.broadcast %broadcast_in_dim3A_175 : f32 to vector<16xf32>
    %swap3A_177 = arith.constant 22 : i32
    %swap3A_178 = arith.index_cast %swap3A_177 : i32 to index
    %swap3A_179 = arith.constant 0 : index
    %swap3A_180 = tpu.vector_load %arg6[%swap3A_178, %swap3A_179] {strides = array<i32>} : memref<128x16xf32, #tpu.memory_space<vmem>>, vector<1x16xf32>,
    %swap3A_181 = vector.shape_cast %swap3A_180 : vector<1x16xf32> to vector<16xf32>
    %swap3A_182 = vector.shape_cast %broadcast_in_dim3A_176 : vector<16xf32> to vector<1x16xf32>
    tpu.vector_store %arg6[%swap3A_178, %swap3A_179], %swap3A_182 {strides = array<i32>} : memref<128x16xf32, #tpu.memory_space<vmem>>, vector<1x16xf32>,
    %broadcast_in_dim3A_183 = arith.constant 1.000000e+00 : f32
    %broadcast_in_dim3A_184 = vector.broadcast %broadcast_in_dim3A_183 : f32 to vector<16xf32>
    %swap3A_185 = arith.constant 23 : i32
    %swap3A_186 = arith.index_cast %swap3A_185 : i32 to index
    %swap3A_187 = arith.constant 0 : index
    %swap3A_188 = tpu.vector_load %arg6[%swap3A_186, %swap3A_187] {strides = array<i32>} : memref<128x16xf32, #tpu.memory_space<vmem>>, vector<1x16xf32>,
    %swap3A_189 = vector.shape_cast %swap3A_188 : vector<1x16xf32> to vector<16xf32>
    %swap3A_190 = vector.shape_cast %broadcast_in_dim3A_184 : vector<16xf32> to vector<1x16xf32>
    tpu.vector_store %arg6[%swap3A_186, %swap3A_187], %swap3A_190 {strides = array<i32>} : memref<128x16xf32, #tpu.memory_space<vmem>>, vector<1x16xf32>,
    %broadcast_in_dim3A_191 = arith.constant 1.000000e+00 : f32
    %broadcast_in_dim3A_192 = vector.broadcast %broadcast_in_dim3A_191 : f32 to vector<16xf32>
    %swap3A_193 = arith.constant 24 : i32
    %swap3A_194 = arith.index_cast %swap3A_193 : i32 to index
    %swap3A_195 = arith.constant 0 : index
    %swap3A_196 = tpu.vector_load %arg6[%swap3A_194, %swap3A_195] {strides = array<i32>} : memref<128x16xf32, #tpu.memory_space<vmem>>, vector<1x16xf32>,
    %swap3A_197 = vector.shape_cast %swap3A_196 : vector<1x16xf32> to vector<16xf32>
    %swap3A_198 = vector.shape_cast %broadcast_in_dim3A_192 : vector<16xf32> to vector<1x16xf32>
    tpu.vector_store %arg6[%swap3A_194, %swap3A_195], %swap3A_198 {strides = array<i32>} : memref<128x16xf32, #tpu.memory_space<vmem>>, vector<1x16xf32>,
    %broadcast_in_dim3A_199 = arith.constant 1.000000e+00 : f32
    %broadcast_in_dim3A_200 = vector.broadcast %broadcast_in_dim3A_199 : f32 to vector<16xf32>
    %swap3A_201 = arith.constant 25 : i32
    %swap3A_202 = arith.index_cast %swap3A_201 : i32 to index
    %swap3A_203 = arith.constant 0 : index
    %swap3A_204 = tpu.vector_load %arg6[%swap3A_202, %swap3A_203] {strides = array<i32>} : memref<128x16xf32, #tpu.memory_space<vmem>>, vector<1x16xf32>,
    %swap3A_205 = vector.shape_cast %swap3A_204 : vector<1x16xf32> to vector<16xf32>
    %swap3A_206 = vector.shape_cast %broadcast_in_dim3A_200 : vector<16xf32> to vector<1x16xf32>
    tpu.vector_store %arg6[%swap3A_202, %swap3A_203], %swap3A_206 {strides = array<i32>} : memref<128x16xf32, #tpu.memory_space<vmem>>, vector<1x16xf32>,
    %broadcast_in_dim3A_207 = arith.constant 1.000000e+00 : f32
    %broadcast_in_dim3A_208 = vector.broadcast %broadcast_in_dim3A_207 : f32 to vector<16xf32>
    %swap3A_209 = arith.constant 26 : i32
    %swap3A_210 = arith.index_cast %swap3A_209 : i32 to index
    %swap3A_211 = arith.constant 0 : index
    %swap3A_212 = tpu.vector_load %arg6[%swap3A_210, %swap3A_211] {strides = array<i32>} : memref<128x16xf32, #tpu.memory_space<vmem>>, vector<1x16xf32>,
    %swap3A_213 = vector.shape_cast %swap3A_212 : vector<1x16xf32> to vector<16xf32>
    %swap3A_214 = vector.shape_cast %broadcast_in_dim3A_208 : vector<16xf32> to vector<1x16xf32>
    tpu.vector_store %arg6[%swap3A_210, %swap3A_211], %swap3A_214 {strides = array<i32>} : memref<128x16xf32, #tpu.memory_space<vmem>>, vector<1x16xf32>,
    %broadcast_in_dim3A_215 = arith.constant 1.000000e+00 : f32
    %broadcast_in_dim3A_216 = vector.broadcast %broadcast_in_dim3A_215 : f32 to vector<16xf32>
    %swap3A_217 = arith.constant 27 : i32
    %swap3A_218 = arith.index_cast %swap3A_217 : i32 to index
    %swap3A_219 = arith.constant 0 : index
    %swap3A_220 = tpu.vector_load %arg6[%swap3A_218, %swap3A_219] {strides = array<i32>} : memref<128x16xf32, #tpu.memory_space<vmem>>, vector<1x16xf32>,
    %swap3A_221 = vector.shape_cast %swap3A_220 : vector<1x16xf32> to vector<16xf32>
    %swap3A_222 = vector.shape_cast %broadcast_in_dim3A_216 : vector<16xf32> to vector<1x16xf32>
    tpu.vector_store %arg6[%swap3A_218, %swap3A_219], %swap3A_222 {strides = array<i32>} : memref<128x16xf32, #tpu.memory_space<vmem>>, vector<1x16xf32>,
    %broadcast_in_dim3A_223 = arith.constant 1.000000e+00 : f32
    %broadcast_in_dim3A_224 = vector.broadcast %broadcast_in_dim3A_223 : f32 to vector<16xf32>
    %swap3A_225 = arith.constant 28 : i32
    %swap3A_226 = arith.index_cast %swap3A_225 : i32 to index
    %swap3A_227 = arith.constant 0 : index
    %swap3A_228 = tpu.vector_load %arg6[%swap3A_226, %swap3A_227] {strides = array<i32>} : memref<128x16xf32, #tpu.memory_space<vmem>>, vector<1x16xf32>,
    %swap3A_229 = vector.shape_cast %swap3A_228 : vector<1x16xf32> to vector<16xf32>
    %swap3A_230 = vector.shape_cast %broadcast_in_dim3A_224 : vector<16xf32> to vector<1x16xf32>
    tpu.vector_store %arg6[%swap3A_226, %swap3A_227], %swap3A_230 {strides = array<i32>} : memref<128x16xf32, #tpu.memory_space<vmem>>, vector<1x16xf32>,
    %broadcast_in_dim3A_231 = arith.constant 1.000000e+00 : f32
    %broadcast_in_dim3A_232 = vector.broadcast %broadcast_in_dim3A_231 : f32 to vector<16xf32>
    %swap3A_233 = arith.constant 29 : i32
    %swap3A_234 = arith.index_cast %swap3A_233 : i32 to index
    %swap3A_235 = arith.constant 0 : index
    %swap3A_236 = tpu.vector_load %arg6[%swap3A_234, %swap3A_235] {strides = array<i32>} : memref<128x16xf32, #tpu.memory_space<vmem>>, vector<1x16xf32>,
    %swap3A_237 = vector.shape_cast %swap3A_236 : vector<1x16xf32> to vector<16xf32>
    %swap3A_238 = vector.shape_cast %broadcast_in_dim3A_232 : vector<16xf32> to vector<1x16xf32>
    tpu.vector_store %arg6[%swap3A_234, %swap3A_235], %swap3A_238 {strides = array<i32>} : memref<128x16xf32, #tpu.memory_space<vmem>>, vector<1x16xf32>,
    %broadcast_in_dim3A_239 = arith.constant 1.000000e+00 : f32
    %broadcast_in_dim3A_240 = vector.broadcast %broadcast_in_dim3A_239 : f32 to vector<16xf32>
    %swap3A_241 = arith.constant 30 : i32
    %swap3A_242 = arith.index_cast %swap3A_241 : i32 to index
    %swap3A_243 = arith.constant 0 : index
    %swap3A_244 = tpu.vector_load %arg6[%swap3A_242, %swap3A_243] {strides = array<i32>} : memref<128x16xf32, #tpu.memory_space<vmem>>, vector<1x16xf32>,
    %swap3A_245 = vector.shape_cast %swap3A_244 : vector<1x16xf32> to vector<16xf32>
    %swap3A_246 = vector.shape_cast %broadcast_in_dim3A_240 : vector<16xf32> to vector<1x16xf32>
    tpu.vector_store %arg6[%swap3A_242, %swap3A_243], %swap3A_246 {strides = array<i32>} : memref<128x16xf32, #tpu.memory_space<vmem>>, vector<1x16xf32>,
    %broadcast_in_dim3A_247 = arith.constant 1.000000e+00 : f32
    %broadcast_in_dim3A_248 = vector.broadcast %broadcast_in_dim3A_247 : f32 to vector<16xf32>
    %swap3A_249 = arith.constant 31 : i32
    %swap3A_250 = arith.index_cast %swap3A_249 : i32 to index
    %swap3A_251 = arith.constant 0 : index
    %swap3A_252 = tpu.vector_load %arg6[%swap3A_250, %swap3A_251] {strides = array<i32>} : memref<128x16xf32, #tpu.memory_space<vmem>>, vector<1x16xf32>,
    %swap3A_253 = vector.shape_cast %swap3A_252 : vector<1x16xf32> to vector<16xf32>
    %swap3A_254 = vector.shape_cast %broadcast_in_dim3A_248 : vector<16xf32> to vector<1x16xf32>
    tpu.vector_store %arg6[%swap3A_250, %swap3A_251], %swap3A_254 {strides = array<i32>} : memref<128x16xf32, #tpu.memory_space<vmem>>, vector<1x16xf32>,
    %broadcast_in_dim3A_255 = arith.constant 1.000000e+00 : f32
    %broadcast_in_dim3A_256 = vector.broadcast %broadcast_in_dim3A_255 : f32 to vector<16xf32>
    %swap3A_257 = arith.constant 32 : i32
    %swap3A_258 = arith.index_cast %swap3A_257 : i32 to index
    %swap3A_259 = arith.constant 0 : index
    %swap3A_260 = tpu.vector_load %arg6[%swap3A_258, %swap3A_259] {strides = array<i32>} : memref<128x16xf32, #tpu.memory_space<vmem>>, vector<1x16xf32>,
    %swap3A_261 = vector.shape_cast %swap3A_260 : vector<1x16xf32> to vector<16xf32>
    %swap3A_262 = vector.shape_cast %broadcast_in_dim3A_256 : vector<16xf32> to vector<1x16xf32>
    tpu.vector_store %arg6[%swap3A_258, %swap3A_259], %swap3A_262 {strides = array<i32>} : memref<128x16xf32, #tpu.memory_space<vmem>>, vector<1x16xf32>,
    %broadcast_in_dim3A_263 = arith.constant 1.000000e+00 : f32
    %broadcast_in_dim3A_264 = vector.broadcast %broadcast_in_dim3A_263 : f32 to vector<16xf32>
    %swap3A_265 = arith.constant 33 : i32
    %swap3A_266 = arith.index_cast %swap3A_265 : i32 to index
    %swap3A_267 = arith.constant 0 : index
    %swap3A_268 = tpu.vector_load %arg6[%swap3A_266, %swap3A_267] {strides = array<i32>} : memref<128x16xf32, #tpu.memory_space<vmem>>, vector<1x16xf32>,
    %swap3A_269 = vector.shape_cast %swap3A_268 : vector<1x16xf32> to vector<16xf32>
    %swap3A_270 = vector.shape_cast %broadcast_in_dim3A_264 : vector<16xf32> to vector<1x16xf32>
    tpu.vector_store %arg6[%swap3A_266, %swap3A_267], %swap3A_270 {strides = array<i32>} : memref<128x16xf32, #tpu.memory_space<vmem>>, vector<1x16xf32>,
    %broadcast_in_dim3A_271 = arith.constant 1.000000e+00 : f32
    %broadcast_in_dim3A_272 = vector.broadcast %broadcast_in_dim3A_271 : f32 to vector<16xf32>
    %swap3A_273 = arith.constant 34 : i32
    %swap3A_274 = arith.index_cast %swap3A_273 : i32 to index
    %swap3A_275 = arith.constant 0 : index
    %swap3A_276 = tpu.vector_load %arg6[%swap3A_274, %swap3A_275] {strides = array<i32>} : memref<128x16xf32, #tpu.memory_space<vmem>>, vector<1x16xf32>,
    %swap3A_277 = vector.shape_cast %swap3A_276 : vector<1x16xf32> to vector<16xf32>
    %swap3A_278 = vector.shape_cast %broadcast_in_dim3A_272 : vector<16xf32> to vector<1x16xf32>
    tpu.vector_store %arg6[%swap3A_274, %swap3A_275], %swap3A_278 {strides = array<i32>} : memref<128x16xf32, #tpu.memory_space<vmem>>, vector<1x16xf32>,
    %broadcast_in_dim3A_279 = arith.constant 1.000000e+00 : f32
    %broadcast_in_dim3A_280 = vector.broadcast %broadcast_in_dim3A_279 : f32 to vector<16xf32>
    %swap3A_281 = arith.constant 35 : i32
    %swap3A_282 = arith.index_cast %swap3A_281 : i32 to index
    %swap3A_283 = arith.constant 0 : index
    %swap3A_284 = tpu.vector_load %arg6[%swap3A_282, %swap3A_283] {strides = array<i32>} : memref<128x16xf32, #tpu.memory_space<vmem>>, vector<1x16xf32>,
    %swap3A_285 = vector.shape_cast %swap3A_284 : vector<1x16xf32> to vector<16xf32>
    %swap3A_286 = vector.shape_cast %broadcast_in_dim3A_280 : vector<16xf32> to vector<1x16xf32>
    tpu.vector_store %arg6[%swap3A_282, %swap3A_283], %swap3A_286 {strides = array<i32>} : memref<128x16xf32, #tpu.memory_space<vmem>>, vector<1x16xf32>,
    %broadcast_in_dim3A_287 = arith.constant 1.000000e+00 : f32
    %broadcast_in_dim3A_288 = vector.broadcast %broadcast_in_dim3A_287 : f32 to vector<16xf32>
    %swap3A_289 = arith.constant 36 : i32
    %swap3A_290 = arith.index_cast %swap3A_289 : i32 to index
    %swap3A_291 = arith.constant 0 : index
    %swap3A_292 = tpu.vector_load %arg6[%swap3A_290, %swap3A_291] {strides = array<i32>} : memref<128x16xf32, #tpu.memory_space<vmem>>, vector<1x16xf32>,
    %swap3A_293 = vector.shape_cast %swap3A_292 : vector<1x16xf32> to vector<16xf32>
    %swap3A_294 = vector.shape_cast %broadcast_in_dim3A_288 : vector<16xf32> to vector<1x16xf32>
    tpu.vector_store %arg6[%swap3A_290, %swap3A_291], %swap3A_294 {strides = array<i32>} : memref<128x16xf32, #tpu.memory_space<vmem>>, vector<1x16xf32>,
    %broadcast_in_dim3A_295 = arith.constant 1.000000e+00 : f32
    %broadcast_in_dim3A_296 = vector.broadcast %broadcast_in_dim3A_295 : f32 to vector<16xf32>
    %swap3A_297 = arith.constant 37 : i32
    %swap3A_298 = arith.index_cast %swap3A_297 : i32 to index
    %swap3A_299 = arith.constant 0 : index
    %swap3A_300 = tpu.vector_load %arg6[%swap3A_298, %swap3A_299] {strides = array<i32>} : memref<128x16xf32, #tpu.memory_space<vmem>>, vector<1x16xf32>,
    %swap3A_301 = vector.shape_cast %swap3A_300 : vector<1x16xf32> to vector<16xf32>
    %swap3A_302 = vector.shape_cast %broadcast_in_dim3A_296 : vector<16xf32> to vector<1x16xf32>
    tpu.vector_store %arg6[%swap3A_298, %swap3A_299], %swap3A_302 {strides = array<i32>} : memref<128x16xf32, #tpu.memory_space<vmem>>, vector<1x16xf32>,
    %broadcast_in_dim3A_303 = arith.constant 1.000000e+00 : f32
    %broadcast_in_dim3A_304 = vector.broadcast %broadcast_in_dim3A_303 : f32 to vector<16xf32>
    %swap3A_305 = arith.constant 38 : i32
    %swap3A_306 = arith.index_cast %swap3A_305 : i32 to index
    %swap3A_307 = arith.constant 0 : index
    %swap3A_308 = tpu.vector_load %arg6[%swap3A_306, %swap3A_307] {strides = array<i32>} : memref<128x16xf32, #tpu.memory_space<vmem>>, vector<1x16xf32>,
    %swap3A_309 = vector.shape_cast %swap3A_308 : vector<1x16xf32> to vector<16xf32>
    %swap3A_310 = vector.shape_cast %broadcast_in_dim3A_304 : vector<16xf32> to vector<1x16xf32>
    tpu.vector_store %arg6[%swap3A_306, %swap3A_307], %swap3A_310 {strides = array<i32>} : memref<128x16xf32, #tpu.memory_space<vmem>>, vector<1x16xf32>,
    %broadcast_in_dim3A_311 = arith.constant 1.000000e+00 : f32
    %broadcast_in_dim3A_312 = vector.broadcast %broadcast_in_dim3A_311 : f32 to vector<16xf32>
    %swap3A_313 = arith.constant 39 : i32
    %swap3A_314 = arith.index_cast %swap3A_313 : i32 to index
    %swap3A_315 = arith.constant 0 : index
    %swap3A_316 = tpu.vector_load %arg6[%swap3A_314, %swap3A_315] {strides = array<i32>} : memref<128x16xf32, #tpu.memory_space<vmem>>, vector<1x16xf32>,
    %swap3A_317 = vector.shape_cast %swap3A_316 : vector<1x16xf32> to vector<16xf32>
    %swap3A_318 = vector.shape_cast %broadcast_in_dim3A_312 : vector<16xf32> to vector<1x16xf32>
    tpu.vector_store %arg6[%swap3A_314, %swap3A_315], %swap3A_318 {strides = array<i32>} : memref<128x16xf32, #tpu.memory_space<vmem>>, vector<1x16xf32>,
    %broadcast_in_dim3A_319 = arith.constant 1.000000e+00 : f32
    %broadcast_in_dim3A_320 = vector.broadcast %broadcast_in_dim3A_319 : f32 to vector<16xf32>
    %swap3A_321 = arith.constant 40 : i32
    %swap3A_322 = arith.index_cast %swap3A_321 : i32 to index
    %swap3A_323 = arith.constant 0 : index
    %swap3A_324 = tpu.vector_load %arg6[%swap3A_322, %swap3A_323] {strides = array<i32>} : memref<128x16xf32, #tpu.memory_space<vmem>>, vector<1x16xf32>,
    %swap3A_325 = vector.shape_cast %swap3A_324 : vector<1x16xf32> to vector<16xf32>
    %swap3A_326 = vector.shape_cast %broadcast_in_dim3A_320 : vector<16xf32> to vector<1x16xf32>
    tpu.vector_store %arg6[%swap3A_322, %swap3A_323], %swap3A_326 {strides = array<i32>} : memref<128x16xf32, #tpu.memory_space<vmem>>, vector<1x16xf32>,
    %broadcast_in_dim3A_327 = arith.constant 1.000000e+00 : f32
    %broadcast_in_dim3A_328 = vector.broadcast %broadcast_in_dim3A_327 : f32 to vector<16xf32>
    %swap3A_329 = arith.constant 41 : i32
    %swap3A_330 = arith.index_cast %swap3A_329 : i32 to index
    %swap3A_331 = arith.constant 0 : index
    %swap3A_332 = tpu.vector_load %arg6[%swap3A_330, %swap3A_331] {strides = array<i32>} : memref<128x16xf32, #tpu.memory_space<vmem>>, vector<1x16xf32>,
    %swap3A_333 = vector.shape_cast %swap3A_332 : vector<1x16xf32> to vector<16xf32>
    %swap3A_334 = vector.shape_cast %broadcast_in_dim3A_328 : vector<16xf32> to vector<1x16xf32>
    tpu.vector_store %arg6[%swap3A_330, %swap3A_331], %swap3A_334 {strides = array<i32>} : memref<128x16xf32, #tpu.memory_space<vmem>>, vector<1x16xf32>,
    %broadcast_in_dim3A_335 = arith.constant 1.000000e+00 : f32
    %broadcast_in_dim3A_336 = vector.broadcast %broadcast_in_dim3A_335 : f32 to vector<16xf32>
    %swap3A_337 = arith.constant 42 : i32
    %swap3A_338 = arith.index_cast %swap3A_337 : i32 to index
    %swap3A_339 = arith.constant 0 : index
    %swap3A_340 = tpu.vector_load %arg6[%swap3A_338, %swap3A_339] {strides = array<i32>} : memref<128x16xf32, #tpu.memory_space<vmem>>, vector<1x16xf32>,
    %swap3A_341 = vector.shape_cast %swap3A_340 : vector<1x16xf32> to vector<16xf32>
    %swap3A_342 = vector.shape_cast %broadcast_in_dim3A_336 : vector<16xf32> to vector<1x16xf32>
    tpu.vector_store %arg6[%swap3A_338, %swap3A_339], %swap3A_342 {strides = array<i32>} : memref<128x16xf32, #tpu.memory_space<vmem>>, vector<1x16xf32>,
    %broadcast_in_dim3A_343 = arith.constant 1.000000e+00 : f32
    %broadcast_in_dim3A_344 = vector.broadcast %broadcast_in_dim3A_343 : f32 to vector<16xf32>
    %swap3A_345 = arith.constant 43 : i32
    %swap3A_346 = arith.index_cast %swap3A_345 : i32 to index
    %swap3A_347 = arith.constant 0 : index
    %swap3A_348 = tpu.vector_load %arg6[%swap3A_346, %swap3A_347] {strides = array<i32>} : memref<128x16xf32, #tpu.memory_space<vmem>>, vector<1x16xf32>,
    %swap3A_349 = vector.shape_cast %swap3A_348 : vector<1x16xf32> to vector<16xf32>
    %swap3A_350 = vector.shape_cast %broadcast_in_dim3A_344 : vector<16xf32> to vector<1x16xf32>
    tpu.vector_store %arg6[%swap3A_346, %swap3A_347], %swap3A_350 {strides = array<i32>} : memref<128x16xf32, #tpu.memory_space<vmem>>, vector<1x16xf32>,
    %broadcast_in_dim3A_351 = arith.constant 1.000000e+00 : f32
    %broadcast_in_dim3A_352 = vector.broadcast %broadcast_in_dim3A_351 : f32 to vector<16xf32>
    %swap3A_353 = arith.constant 44 : i32
    %swap3A_354 = arith.index_cast %swap3A_353 : i32 to index
    %swap3A_355 = arith.constant 0 : index
    %swap3A_356 = tpu.vector_load %arg6[%swap3A_354, %swap3A_355] {strides = array<i32>} : memref<128x16xf32, #tpu.memory_space<vmem>>, vector<1x16xf32>,
    %swap3A_357 = vector.shape_cast %swap3A_356 : vector<1x16xf32> to vector<16xf32>
    %swap3A_358 = vector.shape_cast %broadcast_in_dim3A_352 : vector<16xf32> to vector<1x16xf32>
    tpu.vector_store %arg6[%swap3A_354, %swap3A_355], %swap3A_358 {strides = array<i32>} : memref<128x16xf32, #tpu.memory_space<vmem>>, vector<1x16xf32>,
    %broadcast_in_dim3A_359 = arith.constant 1.000000e+00 : f32
    %broadcast_in_dim3A_360 = vector.broadcast %broadcast_in_dim3A_359 : f32 to vector<16xf32>
    %swap3A_361 = arith.constant 45 : i32
    %swap3A_362 = arith.index_cast %swap3A_361 : i32 to index
    %swap3A_363 = arith.constant 0 : index
    %swap3A_364 = tpu.vector_load %arg6[%swap3A_362, %swap3A_363] {strides = array<i32>} : memref<128x16xf32, #tpu.memory_space<vmem>>, vector<1x16xf32>,
    %swap3A_365 = vector.shape_cast %swap3A_364 : vector<1x16xf32> to vector<16xf32>
    %swap3A_366 = vector.shape_cast %broadcast_in_dim3A_360 : vector<16xf32> to vector<1x16xf32>
    tpu.vector_store %arg6[%swap3A_362, %swap3A_363], %swap3A_366 {strides = array<i32>} : memref<128x16xf32, #tpu.memory_space<vmem>>, vector<1x16xf32>,
    %broadcast_in_dim3A_367 = arith.constant 1.000000e+00 : f32
    %broadcast_in_dim3A_368 = vector.broadcast %broadcast_in_dim3A_367 : f32 to vector<16xf32>
    %swap3A_369 = arith.constant 46 : i32
    %swap3A_370 = arith.index_cast %swap3A_369 : i32 to index
    %swap3A_371 = arith.constant 0 : index
    %swap3A_372 = tpu.vector_load %arg6[%swap3A_370, %swap3A_371] {strides = array<i32>} : memref<128x16xf32, #tpu.memory_space<vmem>>, vector<1x16xf32>,
    %swap3A_373 = vector.shape_cast %swap3A_372 : vector<1x16xf32> to vector<16xf32>
    %swap3A_374 = vector.shape_cast %broadcast_in_dim3A_368 : vector<16xf32> to vector<1x16xf32>
    tpu.vector_store %arg6[%swap3A_370, %swap3A_371], %swap3A_374 {strides = array<i32>} : memref<128x16xf32, #tpu.memory_space<vmem>>, vector<1x16xf32>,
    %broadcast_in_dim3A_375 = arith.constant 1.000000e+00 : f32
    %broadcast_in_dim3A_376 = vector.broadcast %broadcast_in_dim3A_375 : f32 to vector<16xf32>
    %swap3A_377 = arith.constant 47 : i32
    %swap3A_378 = arith.index_cast %swap3A_377 : i32 to index
    %swap3A_379 = arith.constant 0 : index
    %swap3A_380 = tpu.vector_load %arg6[%swap3A_378, %swap3A_379] {strides = array<i32>} : memref<128x16xf32, #tpu.memory_space<vmem>>, vector<1x16xf32>,
    %swap3A_381 = vector.shape_cast %swap3A_380 : vector<1x16xf32> to vector<16xf32>
    %swap3A_382 = vector.shape_cast %broadcast_in_dim3A_376 : vector<16xf32> to vector<1x16xf32>
    tpu.vector_store %arg6[%swap3A_378, %swap3A_379], %swap3A_382 {strides = array<i32>} : memref<128x16xf32, #tpu.memory_space<vmem>>, vector<1x16xf32>,
    %broadcast_in_dim3A_383 = arith.constant 1.000000e+00 : f32
    %broadcast_in_dim3A_384 = vector.broadcast %broadcast_in_dim3A_383 : f32 to vector<16xf32>
    %swap3A_385 = arith.constant 48 : i32
    %swap3A_386 = arith.index_cast %swap3A_385 : i32 to index
    %swap3A_387 = arith.constant 0 : index
    %swap3A_388 = tpu.vector_load %arg6[%swap3A_386, %swap3A_387] {strides = array<i32>} : memref<128x16xf32, #tpu.memory_space<vmem>>, vector<1x16xf32>,
    %swap3A_389 = vector.shape_cast %swap3A_388 : vector<1x16xf32> to vector<16xf32>
    %swap3A_390 = vector.shape_cast %broadcast_in_dim3A_384 : vector<16xf32> to vector<1x16xf32>
    tpu.vector_store %arg6[%swap3A_386, %swap3A_387], %swap3A_390 {strides = array<i32>} : memref<128x16xf32, #tpu.memory_space<vmem>>, vector<1x16xf32>,
    %broadcast_in_dim3A_391 = arith.constant 1.000000e+00 : f32
    %broadcast_in_dim3A_392 = vector.broadcast %broadcast_in_dim3A_391 : f32 to vector<16xf32>
    %swap3A_393 = arith.constant 49 : i32
    %swap3A_394 = arith.index_cast %swap3A_393 : i32 to index
    %swap3A_395 = arith.constant 0 : index
    %swap3A_396 = tpu.vector_load %arg6[%swap3A_394, %swap3A_395] {strides = array<i32>} : memref<128x16xf32, #tpu.memory_space<vmem>>, vector<1x16xf32>,
    %swap3A_397 = vector.shape_cast %swap3A_396 : vector<1x16xf32> to vector<16xf32>
    %swap3A_398 = vector.shape_cast %broadcast_in_dim3A_392 : vector<16xf32> to vector<1x16xf32>
    tpu.vector_store %arg6[%swap3A_394, %swap3A_395], %swap3A_398 {strides = array<i32>} : memref<128x16xf32, #tpu.memory_space<vmem>>, vector<1x16xf32>,
    %broadcast_in_dim3A_399 = arith.constant 1.000000e+00 : f32
    %broadcast_in_dim3A_400 = vector.broadcast %broadcast_in_dim3A_399 : f32 to vector<16xf32>
    %swap3A_401 = arith.constant 50 : i32
    %swap3A_402 = arith.index_cast %swap3A_401 : i32 to index
    %swap3A_403 = arith.constant 0 : index
    %swap3A_404 = tpu.vector_load %arg6[%swap3A_402, %swap3A_403] {strides = array<i32>} : memref<128x16xf32, #tpu.memory_space<vmem>>, vector<1x16xf32>,
    %swap3A_405 = vector.shape_cast %swap3A_404 : vector<1x16xf32> to vector<16xf32>
    %swap3A_406 = vector.shape_cast %broadcast_in_dim3A_400 : vector<16xf32> to vector<1x16xf32>
    tpu.vector_store %arg6[%swap3A_402, %swap3A_403], %swap3A_406 {strides = array<i32>} : memref<128x16xf32, #tpu.memory_space<vmem>>, vector<1x16xf32>,
    %broadcast_in_dim3A_407 = arith.constant 1.000000e+00 : f32
    %broadcast_in_dim3A_408 = vector.broadcast %broadcast_in_dim3A_407 : f32 to vector<16xf32>
    %swap3A_409 = arith.constant 51 : i32
    %swap3A_410 = arith.index_cast %swap3A_409 : i32 to index
    %swap3A_411 = arith.constant 0 : index
    %swap3A_412 = tpu.vector_load %arg6[%swap3A_410, %swap3A_411] {strides = array<i32>} : memref<128x16xf32, #tpu.memory_space<vmem>>, vector<1x16xf32>,
    %swap3A_413 = vector.shape_cast %swap3A_412 : vector<1x16xf32> to vector<16xf32>
    %swap3A_414 = vector.shape_cast %broadcast_in_dim3A_408 : vector<16xf32> to vector<1x16xf32>
    tpu.vector_store %arg6[%swap3A_410, %swap3A_411], %swap3A_414 {strides = array<i32>} : memref<128x16xf32, #tpu.memory_space<vmem>>, vector<1x16xf32>,
    %broadcast_in_dim3A_415 = arith.constant 1.000000e+00 : f32
    %broadcast_in_dim3A_416 = vector.broadcast %broadcast_in_dim3A_415 : f32 to vector<16xf32>
    %swap3A_417 = arith.constant 52 : i32
    %swap3A_418 = arith.index_cast %swap3A_417 : i32 to index
    %swap3A_419 = arith.constant 0 : index
    %swap3A_420 = tpu.vector_load %arg6[%swap3A_418, %swap3A_419] {strides = array<i32>} : memref<128x16xf32, #tpu.memory_space<vmem>>, vector<1x16xf32>,
    %swap3A_421 = vector.shape_cast %swap3A_420 : vector<1x16xf32> to vector<16xf32>
    %swap3A_422 = vector.shape_cast %broadcast_in_dim3A_416 : vector<16xf32> to vector<1x16xf32>
    tpu.vector_store %arg6[%swap3A_418, %swap3A_419], %swap3A_422 {strides = array<i32>} : memref<128x16xf32, #tpu.memory_space<vmem>>, vector<1x16xf32>,
    %broadcast_in_dim3A_423 = arith.constant 1.000000e+00 : f32
    %broadcast_in_dim3A_424 = vector.broadcast %broadcast_in_dim3A_423 : f32 to vector<16xf32>
    %swap3A_425 = arith.constant 53 : i32
    %swap3A_426 = arith.index_cast %swap3A_425 : i32 to index
    %swap3A_427 = arith.constant 0 : index
    %swap3A_428 = tpu.vector_load %arg6[%swap3A_426, %swap3A_427] {strides = array<i32>} : memref<128x16xf32, #tpu.memory_space<vmem>>, vector<1x16xf32>,
    %swap3A_429 = vector.shape_cast %swap3A_428 : vector<1x16xf32> to vector<16xf32>
    %swap3A_430 = vector.shape_cast %broadcast_in_dim3A_424 : vector<16xf32> to vector<1x16xf32>
    tpu.vector_store %arg6[%swap3A_426, %swap3A_427], %swap3A_430 {strides = array<i32>} : memref<128x16xf32, #tpu.memory_space<vmem>>, vector<1x16xf32>,
    %broadcast_in_dim3A_431 = arith.constant 1.000000e+00 : f32
    %broadcast_in_dim3A_432 = vector.broadcast %broadcast_in_dim3A_431 : f32 to vector<16xf32>
    %swap3A_433 = arith.constant 54 : i32
    %swap3A_434 = arith.index_cast %swap3A_433 : i32 to index
    %swap3A_435 = arith.constant 0 : index
    %swap3A_436 = tpu.vector_load %arg6[%swap3A_434, %swap3A_435] {strides = array<i32>} : memref<128x16xf32, #tpu.memory_space<vmem>>, vector<1x16xf32>,
    %swap3A_437 = vector.shape_cast %swap3A_436 : vector<1x16xf32> to vector<16xf32>
    %swap3A_438 = vector.shape_cast %broadcast_in_dim3A_432 : vector<16xf32> to vector<1x16xf32>
    tpu.vector_store %arg6[%swap3A_434, %swap3A_435], %swap3A_438 {strides = array<i32>} : memref<128x16xf32, #tpu.memory_space<vmem>>, vector<1x16xf32>,
    %broadcast_in_dim3A_439 = arith.constant 1.000000e+00 : f32
    %broadcast_in_dim3A_440 = vector.broadcast %broadcast_in_dim3A_439 : f32 to vector<16xf32>
    %swap3A_441 = arith.constant 55 : i32
    %swap3A_442 = arith.index_cast %swap3A_441 : i32 to index
    %swap3A_443 = arith.constant 0 : index
    %swap3A_444 = tpu.vector_load %arg6[%swap3A_442, %swap3A_443] {strides = array<i32>} : memref<128x16xf32, #tpu.memory_space<vmem>>, vector<1x16xf32>,
    %swap3A_445 = vector.shape_cast %swap3A_444 : vector<1x16xf32> to vector<16xf32>
    %swap3A_446 = vector.shape_cast %broadcast_in_dim3A_440 : vector<16xf32> to vector<1x16xf32>
    tpu.vector_store %arg6[%swap3A_442, %swap3A_443], %swap3A_446 {strides = array<i32>} : memref<128x16xf32, #tpu.memory_space<vmem>>, vector<1x16xf32>,
    %broadcast_in_dim3A_447 = arith.constant 1.000000e+00 : f32
    %broadcast_in_dim3A_448 = vector.broadcast %broadcast_in_dim3A_447 : f32 to vector<16xf32>
    %swap3A_449 = arith.constant 56 : i32
    %swap3A_450 = arith.index_cast %swap3A_449 : i32 to index
    %swap3A_451 = arith.constant 0 : index
    %swap3A_452 = tpu.vector_load %arg6[%swap3A_450, %swap3A_451] {strides = array<i32>} : memref<128x16xf32, #tpu.memory_space<vmem>>, vector<1x16xf32>,
    %swap3A_453 = vector.shape_cast %swap3A_452 : vector<1x16xf32> to vector<16xf32>
    %swap3A_454 = vector.shape_cast %broadcast_in_dim3A_448 : vector<16xf32> to vector<1x16xf32>
    tpu.vector_store %arg6[%swap3A_450, %swap3A_451], %swap3A_454 {strides = array<i32>} : memref<128x16xf32, #tpu.memory_space<vmem>>, vector<1x16xf32>,
    %broadcast_in_dim3A_455 = arith.constant 1.000000e+00 : f32
    %broadcast_in_dim3A_456 = vector.broadcast %broadcast_in_dim3A_455 : f32 to vector<16xf32>
    %swap3A_457 = arith.constant 57 : i32
    %swap3A_458 = arith.index_cast %swap3A_457 : i32 to index
    %swap3A_459 = arith.constant 0 : index
    %swap3A_460 = tpu.vector_load %arg6[%swap3A_458, %swap3A_459] {strides = array<i32>} : memref<128x16xf32, #tpu.memory_space<vmem>>, vector<1x16xf32>,
    %swap3A_461 = vector.shape_cast %swap3A_460 : vector<1x16xf32> to vector<16xf32>
    %swap3A_462 = vector.shape_cast %broadcast_in_dim3A_456 : vector<16xf32> to vector<1x16xf32>
    tpu.vector_store %arg6[%swap3A_458, %swap3A_459], %swap3A_462 {strides = array<i32>} : memref<128x16xf32, #tpu.memory_space<vmem>>, vector<1x16xf32>,
    %broadcast_in_dim3A_463 = arith.constant 1.000000e+00 : f32
    %broadcast_in_dim3A_464 = vector.broadcast %broadcast_in_dim3A_463 : f32 to vector<16xf32>
    %swap3A_465 = arith.constant 58 : i32
    %swap3A_466 = arith.index_cast %swap3A_465 : i32 to index
    %swap3A_467 = arith.constant 0 : index
    %swap3A_468 = tpu.vector_load %arg6[%swap3A_466, %swap3A_467] {strides = array<i32>} : memref<128x16xf32, #tpu.memory_space<vmem>>, vector<1x16xf32>,
    %swap3A_469 = vector.shape_cast %swap3A_468 : vector<1x16xf32> to vector<16xf32>
    %swap3A_470 = vector.shape_cast %broadcast_in_dim3A_464 : vector<16xf32> to vector<1x16xf32>
    tpu.vector_store %arg6[%swap3A_466, %swap3A_467], %swap3A_470 {strides = array<i32>} : memref<128x16xf32, #tpu.memory_space<vmem>>, vector<1x16xf32>,
    %broadcast_in_dim3A_471 = arith.constant 1.000000e+00 : f32
    %broadcast_in_dim3A_472 = vector.broadcast %broadcast_in_dim3A_471 : f32 to vector<16xf32>
    %swap3A_473 = arith.constant 59 : i32
    %swap3A_474 = arith.index_cast %swap3A_473 : i32 to index
    %swap3A_475 = arith.constant 0 : index
    %swap3A_476 = tpu.vector_load %arg6[%swap3A_474, %swap3A_475] {strides = array<i32>} : memref<128x16xf32, #tpu.memory_space<vmem>>, vector<1x16xf32>,
    %swap3A_477 = vector.shape_cast %swap3A_476 : vector<1x16xf32> to vector<16xf32>
    %swap3A_478 = vector.shape_cast %broadcast_in_dim3A_472 : vector<16xf32> to vector<1x16xf32>
    tpu.vector_store %arg6[%swap3A_474, %swap3A_475], %swap3A_478 {strides = array<i32>} : memref<128x16xf32, #tpu.memory_space<vmem>>, vector<1x16xf32>,
    %broadcast_in_dim3A_479 = arith.constant 1.000000e+00 : f32
    %broadcast_in_dim3A_480 = vector.broadcast %broadcast_in_dim3A_479 : f32 to vector<16xf32>
    %swap3A_481 = arith.constant 60 : i32
    %swap3A_482 = arith.index_cast %swap3A_481 : i32 to index
    %swap3A_483 = arith.constant 0 : index
    %swap3A_484 = tpu.vector_load %arg6[%swap3A_482, %swap3A_483] {strides = array<i32>} : memref<128x16xf32, #tpu.memory_space<vmem>>, vector<1x16xf32>,
    %swap3A_485 = vector.shape_cast %swap3A_484 : vector<1x16xf32> to vector<16xf32>
    %swap3A_486 = vector.shape_cast %broadcast_in_dim3A_480 : vector<16xf32> to vector<1x16xf32>
    tpu.vector_store %arg6[%swap3A_482, %swap3A_483], %swap3A_486 {strides = array<i32>} : memref<128x16xf32, #tpu.memory_space<vmem>>, vector<1x16xf32>,
    %broadcast_in_dim3A_487 = arith.constant 1.000000e+00 : f32
    %broadcast_in_dim3A_488 = vector.broadcast %broadcast_in_dim3A_487 : f32 to vector<16xf32>
    %swap3A_489 = arith.constant 61 : i32
    %swap3A_490 = arith.index_cast %swap3A_489 : i32 to index
    %swap3A_491 = arith.constant 0 : index
    %swap3A_492 = tpu.vector_load %arg6[%swap3A_490, %swap3A_491] {strides = array<i32>} : memref<128x16xf32, #tpu.memory_space<vmem>>, vector<1x16xf32>,
    %swap3A_493 = vector.shape_cast %swap3A_492 : vector<1x16xf32> to vector<16xf32>
    %swap3A_494 = vector.shape_cast %broadcast_in_dim3A_488 : vector<16xf32> to vector<1x16xf32>
    tpu.vector_store %arg6[%swap3A_490, %swap3A_491], %swap3A_494 {strides = array<i32>} : memref<128x16xf32, #tpu.memory_space<vmem>>, vector<1x16xf32>,
    %broadcast_in_dim3A_495 = arith.constant 1.000000e+00 : f32
    %broadcast_in_dim3A_496 = vector.broadcast %broadcast_in_dim3A_495 : f32 to vector<16xf32>
    %swap3A_497 = arith.constant 62 : i32
    %swap3A_498 = arith.index_cast %swap3A_497 : i32 to index
    %swap3A_499 = arith.constant 0 : index
    %swap3A_500 = tpu.vector_load %arg6[%swap3A_498, %swap3A_499] {strides = array<i32>} : memref<128x16xf32, #tpu.memory_space<vmem>>, vector<1x16xf32>,
    %swap3A_501 = vector.shape_cast %swap3A_500 : vector<1x16xf32> to vector<16xf32>
    %swap3A_502 = vector.shape_cast %broadcast_in_dim3A_496 : vector<16xf32> to vector<1x16xf32>
    tpu.vector_store %arg6[%swap3A_498, %swap3A_499], %swap3A_502 {strides = array<i32>} : memref<128x16xf32, #tpu.memory_space<vmem>>, vector<1x16xf32>,
    %broadcast_in_dim3A_503 = arith.constant 1.000000e+00 : f32
    %broadcast_in_dim3A_504 = vector.broadcast %broadcast_in_dim3A_503 : f32 to vector<16xf32>
    %swap3A_505 = arith.constant 63 : i32
    %swap3A_506 = arith.index_cast %swap3A_505 : i32 to index
    %swap3A_507 = arith.constant 0 : index
    %swap3A_508 = tpu.vector_load %arg6[%swap3A_506, %swap3A_507] {strides = array<i32>} : memref<128x16xf32, #tpu.memory_space<vmem>>, vector<1x16xf32>,
    %swap3A_509 = vector.shape_cast %swap3A_508 : vector<1x16xf32> to vector<16xf32>
    %swap3A_510 = vector.shape_cast %broadcast_in_dim3A_504 : vector<16xf32> to vector<1x16xf32>
    tpu.vector_store %arg6[%swap3A_506, %swap3A_507], %swap3A_510 {strides = array<i32>} : memref<128x16xf32, #tpu.memory_space<vmem>>, vector<1x16xf32>,
    %broadcast_in_dim3A_511 = arith.constant 1.000000e+00 : f32
    %broadcast_in_dim3A_512 = vector.broadcast %broadcast_in_dim3A_511 : f32 to vector<16xf32>
    %swap3A_513 = arith.constant 64 : i32
    %swap3A_514 = arith.index_cast %swap3A_513 : i32 to index
    %swap3A_515 = arith.constant 0 : index
    %swap3A_516 = tpu.vector_load %arg6[%swap3A_514, %swap3A_515] {strides = array<i32>} : memref<128x16xf32, #tpu.memory_space<vmem>>, vector<1x16xf32>,
    %swap3A_517 = vector.shape_cast %swap3A_516 : vector<1x16xf32> to vector<16xf32>
    %swap3A_518 = vector.shape_cast %broadcast_in_dim3A_512 : vector<16xf32> to vector<1x16xf32>
    tpu.vector_store %arg6[%swap3A_514, %swap3A_515], %swap3A_518 {strides = array<i32>} : memref<128x16xf32, #tpu.memory_space<vmem>>, vector<1x16xf32>,
    %broadcast_in_dim3A_519 = arith.constant 1.000000e+00 : f32
    %broadcast_in_dim3A_520 = vector.broadcast %broadcast_in_dim3A_519 : f32 to vector<16xf32>
    %swap3A_521 = arith.constant 65 : i32
    %swap3A_522 = arith.index_cast %swap3A_521 : i32 to index
    %swap3A_523 = arith.constant 0 : index
    %swap3A_524 = tpu.vector_load %arg6[%swap3A_522, %swap3A_523] {strides = array<i32>} : memref<128x16xf32, #tpu.memory_space<vmem>>, vector<1x16xf32>,
    %swap3A_525 = vector.shape_cast %swap3A_524 : vector<1x16xf32> to vector<16xf32>
    %swap3A_526 = vector.shape_cast %broadcast_in_dim3A_520 : vector<16xf32> to vector<1x16xf32>
    tpu.vector_store %arg6[%swap3A_522, %swap3A_523], %swap3A_526 {strides = array<i32>} : memref<128x16xf32, #tpu.memory_space<vmem>>, vector<1x16xf32>,
    %broadcast_in_dim3A_527 = arith.constant 1.000000e+00 : f32
    %broadcast_in_dim3A_528 = vector.broadcast %broadcast_in_dim3A_527 : f32 to vector<16xf32>
    %swap3A_529 = arith.constant 66 : i32
    %swap3A_530 = arith.index_cast %swap3A_529 : i32 to index
    %swap3A_531 = arith.constant 0 : index
    %swap3A_532 = tpu.vector_load %arg6[%swap3A_530, %swap3A_531] {strides = array<i32>} : memref<128x16xf32, #tpu.memory_space<vmem>>, vector<1x16xf32>,
    %swap3A_533 = vector.shape_cast %swap3A_532 : vector<1x16xf32> to vector<16xf32>
    %swap3A_534 = vector.shape_cast %broadcast_in_dim3A_528 : vector<16xf32> to vector<1x16xf32>
    tpu.vector_store %arg6[%swap3A_530, %swap3A_531], %swap3A_534 {strides = array<i32>} : memref<128x16xf32, #tpu.memory_space<vmem>>, vector<1x16xf32>,
    %broadcast_in_dim3A_535 = arith.constant 1.000000e+00 : f32
    %broadcast_in_dim3A_536 = vector.broadcast %broadcast_in_dim3A_535 : f32 to vector<16xf32>
    %swap3A_537 = arith.constant 67 : i32
    %swap3A_538 = arith.index_cast %swap3A_537 : i32 to index
    %swap3A_539 = arith.constant 0 : index
    %swap3A_540 = tpu.vector_load %arg6[%swap3A_538, %swap3A_539] {strides = array<i32>} : memref<128x16xf32, #tpu.memory_space<vmem>>, vector<1x16xf32>,
    %swap3A_541 = vector.shape_cast %swap3A_540 : vector<1x16xf32> to vector<16xf32>
    %swap3A_542 = vector.shape_cast %broadcast_in_dim3A_536 : vector<16xf32> to vector<1x16xf32>
    tpu.vector_store %arg6[%swap3A_538, %swap3A_539], %swap3A_542 {strides = array<i32>} : memref<128x16xf32, #tpu.memory_space<vmem>>, vector<1x16xf32>,
    %broadcast_in_dim3A_543 = arith.constant 1.000000e+00 : f32
    %broadcast_in_dim3A_544 = vector.broadcast %broadcast_in_dim3A_543 : f32 to vector<16xf32>
    %swap3A_545 = arith.constant 68 : i32
    %swap3A_546 = arith.index_cast %swap3A_545 : i32 to index
    %swap3A_547 = arith.constant 0 : index
    %swap3A_548 = tpu.vector_load %arg6[%swap3A_546, %swap3A_547] {strides = array<i32>} : memref<128x16xf32, #tpu.memory_space<vmem>>, vector<1x16xf32>,
    %swap3A_549 = vector.shape_cast %swap3A_548 : vector<1x16xf32> to vector<16xf32>
    %swap3A_550 = vector.shape_cast %broadcast_in_dim3A_544 : vector<16xf32> to vector<1x16xf32>
    tpu.vector_store %arg6[%swap3A_546, %swap3A_547], %swap3A_550 {strides = array<i32>} : memref<128x16xf32, #tpu.memory_space<vmem>>, vector<1x16xf32>,
    %broadcast_in_dim3A_551 = arith.constant 1.000000e+00 : f32
    %broadcast_in_dim3A_552 = vector.broadcast %broadcast_in_dim3A_551 : f32 to vector<16xf32>
    %swap3A_553 = arith.constant 69 : i32
    %swap3A_554 = arith.index_cast %swap3A_553 : i32 to index
    %swap3A_555 = arith.constant 0 : index
    %swap3A_556 = tpu.vector_load %arg6[%swap3A_554, %swap3A_555] {strides = array<i32>} : memref<128x16xf32, #tpu.memory_space<vmem>>, vector<1x16xf32>,
    %swap3A_557 = vector.shape_cast %swap3A_556 : vector<1x16xf32> to vector<16xf32>
    %swap3A_558 = vector.shape_cast %broadcast_in_dim3A_552 : vector<16xf32> to vector<1x16xf32>
    tpu.vector_store %arg6[%swap3A_554, %swap3A_555], %swap3A_558 {strides = array<i32>} : memref<128x16xf32, #tpu.memory_space<vmem>>, vector<1x16xf32>,
    %broadcast_in_dim3A_559 = arith.constant 1.000000e+00 : f32
    %broadcast_in_dim3A_560 = vector.broadcast %broadcast_in_dim3A_559 : f32 to vector<16xf32>
    %swap3A_561 = arith.constant 70 : i32
    %swap3A_562 = arith.index_cast %swap3A_561 : i32 to index
    %swap3A_563 = arith.constant 0 : index
    %swap3A_564 = tpu.vector_load %arg6[%swap3A_562, %swap3A_563] {strides = array<i32>} : memref<128x16xf32, #tpu.memory_space<vmem>>, vector<1x16xf32>,
    %swap3A_565 = vector.shape_cast %swap3A_564 : vector<1x16xf32> to vector<16xf32>
    %swap3A_566 = vector.shape_cast %broadcast_in_dim3A_560 : vector<16xf32> to vector<1x16xf32>
    tpu.vector_store %arg6[%swap3A_562, %swap3A_563], %swap3A_566 {strides = array<i32>} : memref<128x16xf32, #tpu.memory_space<vmem>>, vector<1x16xf32>,
    %broadcast_in_dim3A_567 = arith.constant 1.000000e+00 : f32
    %broadcast_in_dim3A_568 = vector.broadcast %broadcast_in_dim3A_567 : f32 to vector<16xf32>
    %swap3A_569 = arith.constant 71 : i32
    %swap3A_570 = arith.index_cast %swap3A_569 : i32 to index
    %swap3A_571 = arith.constant 0 : index
    %swap3A_572 = tpu.vector_load %arg6[%swap3A_570, %swap3A_571] {strides = array<i32>} : memref<128x16xf32, #tpu.memory_space<vmem>>, vector<1x16xf32>,
    %swap3A_573 = vector.shape_cast %swap3A_572 : vector<1x16xf32> to vector<16xf32>
    %swap3A_574 = vector.shape_cast %broadcast_in_dim3A_568 : vector<16xf32> to vector<1x16xf32>
    tpu.vector_store %arg6[%swap3A_570, %swap3A_571], %swap3A_574 {strides = array<i32>} : memref<128x16xf32, #tpu.memory_space<vmem>>, vector<1x16xf32>,
    %broadcast_in_dim3A_575 = arith.constant 1.000000e+00 : f32
    %broadcast_in_dim3A_576 = vector.broadcast %broadcast_in_dim3A_575 : f32 to vector<16xf32>
    %swap3A_577 = arith.constant 72 : i32
    %swap3A_578 = arith.index_cast %swap3A_577 : i32 to index
    %swap3A_579 = arith.constant 0 : index
    %swap3A_580 = tpu.vector_load %arg6[%swap3A_578, %swap3A_579] {strides = array<i32>} : memref<128x16xf32, #tpu.memory_space<vmem>>, vector<1x16xf32>,
    %swap3A_581 = vector.shape_cast %swap3A_580 : vector<1x16xf32> to vector<16xf32>
    %swap3A_582 = vector.shape_cast %broadcast_in_dim3A_576 : vector<16xf32> to vector<1x16xf32>
    tpu.vector_store %arg6[%swap3A_578, %swap3A_579], %swap3A_582 {strides = array<i32>} : memref<128x16xf32, #tpu.memory_space<vmem>>, vector<1x16xf32>,
    %broadcast_in_dim3A_583 = arith.constant 1.000000e+00 : f32
    %broadcast_in_dim3A_584 = vector.broadcast %broadcast_in_dim3A_583 : f32 to vector<16xf32>
    %swap3A_585 = arith.constant 73 : i32
    %swap3A_586 = arith.index_cast %swap3A_585 : i32 to index
    %swap3A_587 = arith.constant 0 : index
    %swap3A_588 = tpu.vector_load %arg6[%swap3A_586, %swap3A_587] {strides = array<i32>} : memref<128x16xf32, #tpu.memory_space<vmem>>, vector<1x16xf32>,
    %swap3A_589 = vector.shape_cast %swap3A_588 : vector<1x16xf32> to vector<16xf32>
    %swap3A_590 = vector.shape_cast %broadcast_in_dim3A_584 : vector<16xf32> to vector<1x16xf32>
    tpu.vector_store %arg6[%swap3A_586, %swap3A_587], %swap3A_590 {strides = array<i32>} : memref<128x16xf32, #tpu.memory_space<vmem>>, vector<1x16xf32>,
    %broadcast_in_dim3A_591 = arith.constant 1.000000e+00 : f32
    %broadcast_in_dim3A_592 = vector.broadcast %broadcast_in_dim3A_591 : f32 to vector<16xf32>
    %swap3A_593 = arith.constant 74 : i32
    %swap3A_594 = arith.index_cast %swap3A_593 : i32 to index
    %swap3A_595 = arith.constant 0 : index
    %swap3A_596 = tpu.vector_load %arg6[%swap3A_594, %swap3A_595] {strides = array<i32>} : memref<128x16xf32, #tpu.memory_space<vmem>>, vector<1x16xf32>,
    %swap3A_597 = vector.shape_cast %swap3A_596 : vector<1x16xf32> to vector<16xf32>
    %swap3A_598 = vector.shape_cast %broadcast_in_dim3A_592 : vector<16xf32> to vector<1x16xf32>
    tpu.vector_store %arg6[%swap3A_594, %swap3A_595], %swap3A_598 {strides = array<i32>} : memref<128x16xf32, #tpu.memory_space<vmem>>, vector<1x16xf32>,
    %broadcast_in_dim3A_599 = arith.constant 1.000000e+00 : f32
    %broadcast_in_dim3A_600 = vector.broadcast %broadcast_in_dim3A_599 : f32 to vector<16xf32>
    %swap3A_601 = arith.constant 75 : i32
    %swap3A_602 = arith.index_cast %swap3A_601 : i32 to index
    %swap3A_603 = arith.constant 0 : index
    %swap3A_604 = tpu.vector_load %arg6[%swap3A_602, %swap3A_603] {strides = array<i32>} : memref<128x16xf32, #tpu.memory_space<vmem>>, vector<1x16xf32>,
    %swap3A_605 = vector.shape_cast %swap3A_604 : vector<1x16xf32> to vector<16xf32>
    %swap3A_606 = vector.shape_cast %broadcast_in_dim3A_600 : vector<16xf32> to vector<1x16xf32>
    tpu.vector_store %arg6[%swap3A_602, %swap3A_603], %swap3A_606 {strides = array<i32>} : memref<128x16xf32, #tpu.memory_space<vmem>>, vector<1x16xf32>,
    %broadcast_in_dim3A_607 = arith.constant 1.000000e+00 : f32
    %broadcast_in_dim3A_608 = vector.broadcast %broadcast_in_dim3A_607 : f32 to vector<16xf32>
    %swap3A_609 = arith.constant 76 : i32
    %swap3A_610 = arith.index_cast %swap3A_609 : i32 to index
    %swap3A_611 = arith.constant 0 : index
    %swap3A_612 = tpu.vector_load %arg6[%swap3A_610, %swap3A_611] {strides = array<i32>} : memref<128x16xf32, #tpu.memory_space<vmem>>, vector<1x16xf32>,
    %swap3A_613 = vector.shape_cast %swap3A_612 : vector<1x16xf32> to vector<16xf32>
    %swap3A_614 = vector.shape_cast %broadcast_in_dim3A_608 : vector<16xf32> to vector<1x16xf32>
    tpu.vector_store %arg6[%swap3A_610, %swap3A_611], %swap3A_614 {strides = array<i32>} : memref<128x16xf32, #tpu.memory_space<vmem>>, vector<1x16xf32>,
    %broadcast_in_dim3A_615 = arith.constant 1.000000e+00 : f32
    %broadcast_in_dim3A_616 = vector.broadcast %broadcast_in_dim3A_615 : f32 to vector<16xf32>
    %swap3A_617 = arith.constant 77 : i32
    %swap3A_618 = arith.index_cast %swap3A_617 : i32 to index
    %swap3A_619 = arith.constant 0 : index
    %swap3A_620 = tpu.vector_load %arg6[%swap3A_618, %swap3A_619] {strides = array<i32>} : memref<128x16xf32, #tpu.memory_space<vmem>>, vector<1x16xf32>,
    %swap3A_621 = vector.shape_cast %swap3A_620 : vector<1x16xf32> to vector<16xf32>
    %swap3A_622 = vector.shape_cast %broadcast_in_dim3A_616 : vector<16xf32> to vector<1x16xf32>
    tpu.vector_store %arg6[%swap3A_618, %swap3A_619], %swap3A_622 {strides = array<i32>} : memref<128x16xf32, #tpu.memory_space<vmem>>, vector<1x16xf32>,
    %broadcast_in_dim3A_623 = arith.constant 1.000000e+00 : f32
    %broadcast_in_dim3A_624 = vector.broadcast %broadcast_in_dim3A_623 : f32 to vector<16xf32>
    %swap3A_625 = arith.constant 78 : i32
    %swap3A_626 = arith.index_cast %swap3A_625 : i32 to index
    %swap3A_627 = arith.constant 0 : index
    %swap3A_628 = tpu.vector_load %arg6[%swap3A_626, %swap3A_627] {strides = array<i32>} : memref<128x16xf32, #tpu.memory_space<vmem>>, vector<1x16xf32>,
    %swap3A_629 = vector.shape_cast %swap3A_628 : vector<1x16xf32> to vector<16xf32>
    %swap3A_630 = vector.shape_cast %broadcast_in_dim3A_624 : vector<16xf32> to vector<1x16xf32>
    tpu.vector_store %arg6[%swap3A_626, %swap3A_627], %swap3A_630 {strides = array<i32>} : memref<128x16xf32, #tpu.memory_space<vmem>>, vector<1x16xf32>,
    %broadcast_in_dim3A_631 = arith.constant 1.000000e+00 : f32
    %broadcast_in_dim3A_632 = vector.broadcast %broadcast_in_dim3A_631 : f32 to vector<16xf32>
    %swap3A_633 = arith.constant 79 : i32
    %swap3A_634 = arith.index_cast %swap3A_633 : i32 to index
    %swap3A_635 = arith.constant 0 : index
    %swap3A_636 = tpu.vector_load %arg6[%swap3A_634, %swap3A_635] {strides = array<i32>} : memref<128x16xf32, #tpu.memory_space<vmem>>, vector<1x16xf32>,
    %swap3A_637 = vector.shape_cast %swap3A_636 : vector<1x16xf32> to vector<16xf32>
    %swap3A_638 = vector.shape_cast %broadcast_in_dim3A_632 : vector<16xf32> to vector<1x16xf32>
    tpu.vector_store %arg6[%swap3A_634, %swap3A_635], %swap3A_638 {strides = array<i32>} : memref<128x16xf32, #tpu.memory_space<vmem>>, vector<1x16xf32>,
    %broadcast_in_dim3A_639 = arith.constant 1.000000e+00 : f32
    %broadcast_in_dim3A_640 = vector.broadcast %broadcast_in_dim3A_639 : f32 to vector<16xf32>
    %swap3A_641 = arith.constant 80 : i32
    %swap3A_642 = arith.index_cast %swap3A_641 : i32 to index
    %swap3A_643 = arith.constant 0 : index
    %swap3A_644 = tpu.vector_load %arg6[%swap3A_642, %swap3A_643] {strides = array<i32>} : memref<128x16xf32, #tpu.memory_space<vmem>>, vector<1x16xf32>,
    %swap3A_645 = vector.shape_cast %swap3A_644 : vector<1x16xf32> to vector<16xf32>
    %swap3A_646 = vector.shape_cast %broadcast_in_dim3A_640 : vector<16xf32> to vector<1x16xf32>
    tpu.vector_store %arg6[%swap3A_642, %swap3A_643], %swap3A_646 {strides = array<i32>} : memref<128x16xf32, #tpu.memory_space<vmem>>, vector<1x16xf32>,
    %broadcast_in_dim3A_647 = arith.constant 1.000000e+00 : f32
    %broadcast_in_dim3A_648 = vector.broadcast %broadcast_in_dim3A_647 : f32 to vector<16xf32>
    %swap3A_649 = arith.constant 81 : i32
    %swap3A_650 = arith.index_cast %swap3A_649 : i32 to index
    %swap3A_651 = arith.constant 0 : index
    %swap3A_652 = tpu.vector_load %arg6[%swap3A_650, %swap3A_651] {strides = array<i32>} : memref<128x16xf32, #tpu.memory_space<vmem>>, vector<1x16xf32>,
    %swap3A_653 = vector.shape_cast %swap3A_652 : vector<1x16xf32> to vector<16xf32>
    %swap3A_654 = vector.shape_cast %broadcast_in_dim3A_648 : vector<16xf32> to vector<1x16xf32>
    tpu.vector_store %arg6[%swap3A_650, %swap3A_651], %swap3A_654 {strides = array<i32>} : memref<128x16xf32, #tpu.memory_space<vmem>>, vector<1x16xf32>,
    %broadcast_in_dim3A_655 = arith.constant 1.000000e+00 : f32
    %broadcast_in_dim3A_656 = vector.broadcast %broadcast_in_dim3A_655 : f32 to vector<16xf32>
    %swap3A_657 = arith.constant 82 : i32
    %swap3A_658 = arith.index_cast %swap3A_657 : i32 to index
    %swap3A_659 = arith.constant 0 : index
    %swap3A_660 = tpu.vector_load %arg6[%swap3A_658, %swap3A_659] {strides = array<i32>} : memref<128x16xf32, #tpu.memory_space<vmem>>, vector<1x16xf32>,
    %swap3A_661 = vector.shape_cast %swap3A_660 : vector<1x16xf32> to vector<16xf32>
    %swap3A_662 = vector.shape_cast %broadcast_in_dim3A_656 : vector<16xf32> to vector<1x16xf32>
    tpu.vector_store %arg6[%swap3A_658, %swap3A_659], %swap3A_662 {strides = array<i32>} : memref<128x16xf32, #tpu.memory_space<vmem>>, vector<1x16xf32>,
    %broadcast_in_dim3A_663 = arith.constant 1.000000e+00 : f32
    %broadcast_in_dim3A_664 = vector.broadcast %broadcast_in_dim3A_663 : f32 to vector<16xf32>
    %swap3A_665 = arith.constant 83 : i32
    %swap3A_666 = arith.index_cast %swap3A_665 : i32 to index
    %swap3A_667 = arith.constant 0 : index
    %swap3A_668 = tpu.vector_load %arg6[%swap3A_666, %swap3A_667] {strides = array<i32>} : memref<128x16xf32, #tpu.memory_space<vmem>>, vector<1x16xf32>,
    %swap3A_669 = vector.shape_cast %swap3A_668 : vector<1x16xf32> to vector<16xf32>
    %swap3A_670 = vector.shape_cast %broadcast_in_dim3A_664 : vector<16xf32> to vector<1x16xf32>
    tpu.vector_store %arg6[%swap3A_666, %swap3A_667], %swap3A_670 {strides = array<i32>} : memref<128x16xf32, #tpu.memory_space<vmem>>, vector<1x16xf32>,
    %broadcast_in_dim3A_671 = arith.constant 1.000000e+00 : f32
    %broadcast_in_dim3A_672 = vector.broadcast %broadcast_in_dim3A_671 : f32 to vector<16xf32>
    %swap3A_673 = arith.constant 84 : i32
    %swap3A_674 = arith.index_cast %swap3A_673 : i32 to index
    %swap3A_675 = arith.constant 0 : index
    %swap3A_676 = tpu.vector_load %arg6[%swap3A_674, %swap3A_675] {strides = array<i32>} : memref<128x16xf32, #tpu.memory_space<vmem>>, vector<1x16xf32>,
    %swap3A_677 = vector.shape_cast %swap3A_676 : vector<1x16xf32> to vector<16xf32>
    %swap3A_678 = vector.shape_cast %broadcast_in_dim3A_672 : vector<16xf32> to vector<1x16xf32>
    tpu.vector_store %arg6[%swap3A_674, %swap3A_675], %swap3A_678 {strides = array<i32>} : memref<128x16xf32, #tpu.memory_space<vmem>>, vector<1x16xf32>,
    %broadcast_in_dim3A_679 = arith.constant 1.000000e+00 : f32
    %broadcast_in_dim3A_680 = vector.broadcast %broadcast_in_dim3A_679 : f32 to vector<16xf32>
    %swap3A_681 = arith.constant 85 : i32
    %swap3A_682 = arith.index_cast %swap3A_681 : i32 to index
    %swap3A_683 = arith.constant 0 : index
    %swap3A_684 = tpu.vector_load %arg6[%swap3A_682, %swap3A_683] {strides = array<i32>} : memref<128x16xf32, #tpu.memory_space<vmem>>, vector<1x16xf32>,
    %swap3A_685 = vector.shape_cast %swap3A_684 : vector<1x16xf32> to vector<16xf32>
    %swap3A_686 = vector.shape_cast %broadcast_in_dim3A_680 : vector<16xf32> to vector<1x16xf32>
    tpu.vector_store %arg6[%swap3A_682, %swap3A_683], %swap3A_686 {strides = array<i32>} : memref<128x16xf32, #tpu.memory_space<vmem>>, vector<1x16xf32>,
    %broadcast_in_dim3A_687 = arith.constant 1.000000e+00 : f32
    %broadcast_in_dim3A_688 = vector.broadcast %broadcast_in_dim3A_687 : f32 to vector<16xf32>
    %swap3A_689 = arith.constant 86 : i32
    %swap3A_690 = arith.index_cast %swap3A_689 : i32 to index
    %swap3A_691 = arith.constant 0 : index
    %swap3A_692 = tpu.vector_load %arg6[%swap3A_690, %swap3A_691] {strides = array<i32>} : memref<128x16xf32, #tpu.memory_space<vmem>>, vector<1x16xf32>,
    %swap3A_693 = vector.shape_cast %swap3A_692 : vector<1x16xf32> to vector<16xf32>
    %swap3A_694 = vector.shape_cast %broadcast_in_dim3A_688 : vector<16xf32> to vector<1x16xf32>
    tpu.vector_store %arg6[%swap3A_690, %swap3A_691], %swap3A_694 {strides = array<i32>} : memref<128x16xf32, #tpu.memory_space<vmem>>, vector<1x16xf32>,
    %broadcast_in_dim3A_695 = arith.constant 1.000000e+00 : f32
    %broadcast_in_dim3A_696 = vector.broadcast %broadcast_in_dim3A_695 : f32 to vector<16xf32>
    %swap3A_697 = arith.constant 87 : i32
    %swap3A_698 = arith.index_cast %swap3A_697 : i32 to index
    %swap3A_699 = arith.constant 0 : index
    %swap3A_700 = tpu.vector_load %arg6[%swap3A_698, %swap3A_699] {strides = array<i32>} : memref<128x16xf32, #tpu.memory_space<vmem>>, vector<1x16xf32>,
    %swap3A_701 = vector.shape_cast %swap3A_700 : vector<1x16xf32> to vector<16xf32>
    %swap3A_702 = vector.shape_cast %broadcast_in_dim3A_696 : vector<16xf32> to vector<1x16xf32>
    tpu.vector_store %arg6[%swap3A_698, %swap3A_699], %swap3A_702 {strides = array<i32>} : memref<128x16xf32, #tpu.memory_space<vmem>>, vector<1x16xf32>,
    %broadcast_in_dim3A_703 = arith.constant 1.000000e+00 : f32
    %broadcast_in_dim3A_704 = vector.broadcast %broadcast_in_dim3A_703 : f32 to vector<16xf32>
    %swap3A_705 = arith.constant 88 : i32
    %swap3A_706 = arith.index_cast %swap3A_705 : i32 to index
    %swap3A_707 = arith.constant 0 : index
    %swap3A_708 = tpu.vector_load %arg6[%swap3A_706, %swap3A_707] {strides = array<i32>} : memref<128x16xf32, #tpu.memory_space<vmem>>, vector<1x16xf32>,
    %swap3A_709 = vector.shape_cast %swap3A_708 : vector<1x16xf32> to vector<16xf32>
    %swap3A_710 = vector.shape_cast %broadcast_in_dim3A_704 : vector<16xf32> to vector<1x16xf32>
    tpu.vector_store %arg6[%swap3A_706, %swap3A_707], %swap3A_710 {strides = array<i32>} : memref<128x16xf32, #tpu.memory_space<vmem>>, vector<1x16xf32>,
    %broadcast_in_dim3A_711 = arith.constant 1.000000e+00 : f32
    %broadcast_in_dim3A_712 = vector.broadcast %broadcast_in_dim3A_711 : f32 to vector<16xf32>
    %swap3A_713 = arith.constant 89 : i32
    %swap3A_714 = arith.index_cast %swap3A_713 : i32 to index
    %swap3A_715 = arith.constant 0 : index
    %swap3A_716 = tpu.vector_load %arg6[%swap3A_714, %swap3A_715] {strides = array<i32>} : memref<128x16xf32, #tpu.memory_space<vmem>>, vector<1x16xf32>,
    %swap3A_717 = vector.shape_cast %swap3A_716 : vector<1x16xf32> to vector<16xf32>
    %swap3A_718 = vector.shape_cast %broadcast_in_dim3A_712 : vector<16xf32> to vector<1x16xf32>
    tpu.vector_store %arg6[%swap3A_714, %swap3A_715], %swap3A_718 {strides = array<i32>} : memref<128x16xf32, #tpu.memory_space<vmem>>, vector<1x16xf32>,
    %broadcast_in_dim3A_719 = arith.constant 1.000000e+00 : f32
    %broadcast_in_dim3A_720 = vector.broadcast %broadcast_in_dim3A_719 : f32 to vector<16xf32>
    %swap3A_721 = arith.constant 90 : i32
    %swap3A_722 = arith.index_cast %swap3A_721 : i32 to index
    %swap3A_723 = arith.constant 0 : index
    %swap3A_724 = tpu.vector_load %arg6[%swap3A_722, %swap3A_723] {strides = array<i32>} : memref<128x16xf32, #tpu.memory_space<vmem>>, vector<1x16xf32>,
    %swap3A_725 = vector.shape_cast %swap3A_724 : vector<1x16xf32> to vector<16xf32>
    %swap3A_726 = vector.shape_cast %broadcast_in_dim3A_720 : vector<16xf32> to vector<1x16xf32>
    tpu.vector_store %arg6[%swap3A_722, %swap3A_723], %swap3A_726 {strides = array<i32>} : memref<128x16xf32, #tpu.memory_space<vmem>>, vector<1x16xf32>,
    %broadcast_in_dim3A_727 = arith.constant 1.000000e+00 : f32
    %broadcast_in_dim3A_728 = vector.broadcast %broadcast_in_dim3A_727 : f32 to vector<16xf32>
    %swap3A_729 = arith.constant 91 : i32
    %swap3A_730 = arith.index_cast %swap3A_729 : i32 to index
    %swap3A_731 = arith.constant 0 : index
    %swap3A_732 = tpu.vector_load %arg6[%swap3A_730, %swap3A_731] {strides = array<i32>} : memref<128x16xf32, #tpu.memory_space<vmem>>, vector<1x16xf32>,
    %swap3A_733 = vector.shape_cast %swap3A_732 : vector<1x16xf32> to vector<16xf32>
    %swap3A_734 = vector.shape_cast %broadcast_in_dim3A_728 : vector<16xf32> to vector<1x16xf32>
    tpu.vector_store %arg6[%swap3A_730, %swap3A_731], %swap3A_734 {strides = array<i32>} : memref<128x16xf32, #tpu.memory_space<vmem>>, vector<1x16xf32>,
    %broadcast_in_dim3A_735 = arith.constant 1.000000e+00 : f32
    %broadcast_in_dim3A_736 = vector.broadcast %broadcast_in_dim3A_735 : f32 to vector<16xf32>
    %swap3A_737 = arith.constant 92 : i32
    %swap3A_738 = arith.index_cast %swap3A_737 : i32 to index
    %swap3A_739 = arith.constant 0 : index
    %swap3A_740 = tpu.vector_load %arg6[%swap3A_738, %swap3A_739] {strides = array<i32>} : memref<128x16xf32, #tpu.memory_space<vmem>>, vector<1x16xf32>,
    %swap3A_741 = vector.shape_cast %swap3A_740 : vector<1x16xf32> to vector<16xf32>
    %swap3A_742 = vector.shape_cast %broadcast_in_dim3A_736 : vector<16xf32> to vector<1x16xf32>
    tpu.vector_store %arg6[%swap3A_738, %swap3A_739], %swap3A_742 {strides = array<i32>} : memref<128x16xf32, #tpu.memory_space<vmem>>, vector<1x16xf32>,
    %broadcast_in_dim3A_743 = arith.constant 1.000000e+00 : f32
    %broadcast_in_dim3A_744 = vector.broadcast %broadcast_in_dim3A_743 : f32 to vector<16xf32>
    %swap3A_745 = arith.constant 93 : i32
    %swap3A_746 = arith.index_cast %swap3A_745 : i32 to index
    %swap3A_747 = arith.constant 0 : index
    %swap3A_748 = tpu.vector_load %arg6[%swap3A_746, %swap3A_747] {strides = array<i32>} : memref<128x16xf32, #tpu.memory_space<vmem>>, vector<1x16xf32>,
    %swap3A_749 = vector.shape_cast %swap3A_748 : vector<1x16xf32> to vector<16xf32>
    %swap3A_750 = vector.shape_cast %broadcast_in_dim3A_744 : vector<16xf32> to vector<1x16xf32>
    tpu.vector_store %arg6[%swap3A_746, %swap3A_747], %swap3A_750 {strides = array<i32>} : memref<128x16xf32, #tpu.memory_space<vmem>>, vector<1x16xf32>,
    %broadcast_in_dim3A_751 = arith.constant 1.000000e+00 : f32
    %broadcast_in_dim3A_752 = vector.broadcast %broadcast_in_dim3A_751 : f32 to vector<16xf32>
    %swap3A_753 = arith.constant 94 : i32
    %swap3A_754 = arith.index_cast %swap3A_753 : i32 to index
    %swap3A_755 = arith.constant 0 : index
    %swap3A_756 = tpu.vector_load %arg6[%swap3A_754, %swap3A_755] {strides = array<i32>} : memref<128x16xf32, #tpu.memory_space<vmem>>, vector<1x16xf32>,
    %swap3A_757 = vector.shape_cast %swap3A_756 : vector<1x16xf32> to vector<16xf32>
    %swap3A_758 = vector.shape_cast %broadcast_in_dim3A_752 : vector<16xf32> to vector<1x16xf32>
    tpu.vector_store %arg6[%swap3A_754, %swap3A_755], %swap3A_758 {strides = array<i32>} : memref<128x16xf32, #tpu.memory_space<vmem>>, vector<1x16xf32>,
    %broadcast_in_dim3A_759 = arith.constant 1.000000e+00 : f32
    %broadcast_in_dim3A_760 = vector.broadcast %broadcast_in_dim3A_759 : f32 to vector<16xf32>
    %swap3A_761 = arith.constant 95 : i32
    %swap3A_762 = arith.index_cast %swap3A_761 : i32 to index
    %swap3A_763 = arith.constant 0 : index
    %swap3A_764 = tpu.vector_load %arg6[%swap3A_762, %swap3A_763] {strides = array<i32>} : memref<128x16xf32, #tpu.memory_space<vmem>>, vector<1x16xf32>,
    %swap3A_765 = vector.shape_cast %swap3A_764 : vector<1x16xf32> to vector<16xf32>
    %swap3A_766 = vector.shape_cast %broadcast_in_dim3A_760 : vector<16xf32> to vector<1x16xf32>
    tpu.vector_store %arg6[%swap3A_762, %swap3A_763], %swap3A_766 {strides = array<i32>} : memref<128x16xf32, #tpu.memory_space<vmem>>, vector<1x16xf32>,
    %broadcast_in_dim3A_767 = arith.constant 1.000000e+00 : f32
    %broadcast_in_dim3A_768 = vector.broadcast %broadcast_in_dim3A_767 : f32 to vector<16xf32>
    %swap3A_769 = arith.constant 96 : i32
    %swap3A_770 = arith.index_cast %swap3A_769 : i32 to index
    %swap3A_771 = arith.constant 0 : index
    %swap3A_772 = tpu.vector_load %arg6[%swap3A_770, %swap3A_771] {strides = array<i32>} : memref<128x16xf32, #tpu.memory_space<vmem>>, vector<1x16xf32>,
    %swap3A_773 = vector.shape_cast %swap3A_772 : vector<1x16xf32> to vector<16xf32>
    %swap3A_774 = vector.shape_cast %broadcast_in_dim3A_768 : vector<16xf32> to vector<1x16xf32>
    tpu.vector_store %arg6[%swap3A_770, %swap3A_771], %swap3A_774 {strides = array<i32>} : memref<128x16xf32, #tpu.memory_space<vmem>>, vector<1x16xf32>,
    %broadcast_in_dim3A_775 = arith.constant 1.000000e+00 : f32
    %broadcast_in_dim3A_776 = vector.broadcast %broadcast_in_dim3A_775 : f32 to vector<16xf32>
    %swap3A_777 = arith.constant 97 : i32
    %swap3A_778 = arith.index_cast %swap3A_777 : i32 to index
    %swap3A_779 = arith.constant 0 : index
    %swap3A_780 = tpu.vector_load %arg6[%swap3A_778, %swap3A_779] {strides = array<i32>} : memref<128x16xf32, #tpu.memory_space<vmem>>, vector<1x16xf32>,
    %swap3A_781 = vector.shape_cast %swap3A_780 : vector<1x16xf32> to vector<16xf32>
    %swap3A_782 = vector.shape_cast %broadcast_in_dim3A_776 : vector<16xf32> to vector<1x16xf32>
    tpu.vector_store %arg6[%swap3A_778, %swap3A_779], %swap3A_782 {strides = array<i32>} : memref<128x16xf32, #tpu.memory_space<vmem>>, vector<1x16xf32>,
    %broadcast_in_dim3A_783 = arith.constant 1.000000e+00 : f32
    %broadcast_in_dim3A_784 = vector.broadcast %broadcast_in_dim3A_783 : f32 to vector<16xf32>
    %swap3A_785 = arith.constant 98 : i32
    %swap3A_786 = arith.index_cast %swap3A_785 : i32 to index
    %swap3A_787 = arith.constant 0 : index
    %swap3A_788 = tpu.vector_load %arg6[%swap3A_786, %swap3A_787] {strides = array<i32>} : memref<128x16xf32, #tpu.memory_space<vmem>>, vector<1x16xf32>,
    %swap3A_789 = vector.shape_cast %swap3A_788 : vector<1x16xf32> to vector<16xf32>
    %swap3A_790 = vector.shape_cast %broadcast_in_dim3A_784 : vector<16xf32> to vector<1x16xf32>
    tpu.vector_store %arg6[%swap3A_786, %swap3A_787], %swap3A_790 {strides = array<i32>} : memref<128x16xf32, #tpu.memory_space<vmem>>, vector<1x16xf32>,
    %broadcast_in_dim3A_791 = arith.constant 1.000000e+00 : f32
    %broadcast_in_dim3A_792 = vector.broadcast %broadcast_in_dim3A_791 : f32 to vector<16xf32>
    %swap3A_793 = arith.constant 99 : i32
    %swap3A_794 = arith.index_cast %swap3A_793 : i32 to index
    %swap3A_795 = arith.constant 0 : index
    %swap3A_796 = tpu.vector_load %arg6[%swap3A_794, %swap3A_795] {strides = array<i32>} : memref<128x16xf32, #tpu.memory_space<vmem>>, vector<1x16xf32>,
    %swap3A_797 = vector.shape_cast %swap3A_796 : vector<1x16xf32> to vector<16xf32>
    %swap3A_798 = vector.shape_cast %broadcast_in_dim3A_792 : vector<16xf32> to vector<1x16xf32>
    tpu.vector_store %arg6[%swap3A_794, %swap3A_795], %swap3A_798 {strides = array<i32>} : memref<128x16xf32, #tpu.memory_space<vmem>>, vector<1x16xf32>,
    %broadcast_in_dim3A_799 = arith.constant 1.000000e+00 : f32
    %broadcast_in_dim3A_800 = vector.broadcast %broadcast_in_dim3A_799 : f32 to vector<16xf32>
    %swap3A_801 = arith.constant 100 : i32
    %swap3A_802 = arith.index_cast %swap3A_801 : i32 to index
    %swap3A_803 = arith.constant 0 : index
    %swap3A_804 = tpu.vector_load %arg6[%swap3A_802, %swap3A_803] {strides = array<i32>} : memref<128x16xf32, #tpu.memory_space<vmem>>, vector<1x16xf32>,
    %swap3A_805 = vector.shape_cast %swap3A_804 : vector<1x16xf32> to vector<16xf32>
    %swap3A_806 = vector.shape_cast %broadcast_in_dim3A_800 : vector<16xf32> to vector<1x16xf32>
    tpu.vector_store %arg6[%swap3A_802, %swap3A_803], %swap3A_806 {strides = array<i32>} : memref<128x16xf32, #tpu.memory_space<vmem>>, vector<1x16xf32>,
    %broadcast_in_dim3A_807 = arith.constant 1.000000e+00 : f32
    %broadcast_in_dim3A_808 = vector.broadcast %broadcast_in_dim3A_807 : f32 to vector<16xf32>
    %swap3A_809 = arith.constant 101 : i32
    %swap3A_810 = arith.index_cast %swap3A_809 : i32 to index
    %swap3A_811 = arith.constant 0 : index
    %swap3A_812 = tpu.vector_load %arg6[%swap3A_810, %swap3A_811] {strides = array<i32>} : memref<128x16xf32, #tpu.memory_space<vmem>>, vector<1x16xf32>,
    %swap3A_813 = vector.shape_cast %swap3A_812 : vector<1x16xf32> to vector<16xf32>
    %swap3A_814 = vector.shape_cast %broadcast_in_dim3A_808 : vector<16xf32> to vector<1x16xf32>
    tpu.vector_store %arg6[%swap3A_810, %swap3A_811], %swap3A_814 {strides = array<i32>} : memref<128x16xf32, #tpu.memory_space<vmem>>, vector<1x16xf32>,
    %broadcast_in_dim3A_815 = arith.constant 1.000000e+00 : f32
    %broadcast_in_dim3A_816 = vector.broadcast %broadcast_in_dim3A_815 : f32 to vector<16xf32>
    %swap3A_817 = arith.constant 102 : i32
    %swap3A_818 = arith.index_cast %swap3A_817 : i32 to index
    %swap3A_819 = arith.constant 0 : index
    %swap3A_820 = tpu.vector_load %arg6[%swap3A_818, %swap3A_819] {strides = array<i32>} : memref<128x16xf32, #tpu.memory_space<vmem>>, vector<1x16xf32>,
    %swap3A_821 = vector.shape_cast %swap3A_820 : vector<1x16xf32> to vector<16xf32>
    %swap3A_822 = vector.shape_cast %broadcast_in_dim3A_816 : vector<16xf32> to vector<1x16xf32>
    tpu.vector_store %arg6[%swap3A_818, %swap3A_819], %swap3A_822 {strides = array<i32>} : memref<128x16xf32, #tpu.memory_space<vmem>>, vector<1x16xf32>,
    %broadcast_in_dim3A_823 = arith.constant 1.000000e+00 : f32
    %broadcast_in_dim3A_824 = vector.broadcast %broadcast_in_dim3A_823 : f32 to vector<16xf32>
    %swap3A_825 = arith.constant 103 : i32
    %swap3A_826 = arith.index_cast %swap3A_825 : i32 to index
    %swap3A_827 = arith.constant 0 : index
    %swap3A_828 = tpu.vector_load %arg6[%swap3A_826, %swap3A_827] {strides = array<i32>} : memref<128x16xf32, #tpu.memory_space<vmem>>, vector<1x16xf32>,
    %swap3A_829 = vector.shape_cast %swap3A_828 : vector<1x16xf32> to vector<16xf32>
    %swap3A_830 = vector.shape_cast %broadcast_in_dim3A_824 : vector<16xf32> to vector<1x16xf32>
    tpu.vector_store %arg6[%swap3A_826, %swap3A_827], %swap3A_830 {strides = array<i32>} : memref<128x16xf32, #tpu.memory_space<vmem>>, vector<1x16xf32>,
    %broadcast_in_dim3A_831 = arith.constant 1.000000e+00 : f32
    %broadcast_in_dim3A_832 = vector.broadcast %broadcast_in_dim3A_831 : f32 to vector<16xf32>
    %swap3A_833 = arith.constant 104 : i32
    %swap3A_834 = arith.index_cast %swap3A_833 : i32 to index
    %swap3A_835 = arith.constant 0 : index
    %swap3A_836 = tpu.vector_load %arg6[%swap3A_834, %swap3A_835] {strides = array<i32>} : memref<128x16xf32, #tpu.memory_space<vmem>>, vector<1x16xf32>,
    %swap3A_837 = vector.shape_cast %swap3A_836 : vector<1x16xf32> to vector<16xf32>
    %swap3A_838 = vector.shape_cast %broadcast_in_dim3A_832 : vector<16xf32> to vector<1x16xf32>
    tpu.vector_store %arg6[%swap3A_834, %swap3A_835], %swap3A_838 {strides = array<i32>} : memref<128x16xf32, #tpu.memory_space<vmem>>, vector<1x16xf32>,
    %broadcast_in_dim3A_839 = arith.constant 1.000000e+00 : f32
    %broadcast_in_dim3A_840 = vector.broadcast %broadcast_in_dim3A_839 : f32 to vector<16xf32>
    %swap3A_841 = arith.constant 105 : i32
    %swap3A_842 = arith.index_cast %swap3A_841 : i32 to index
    %swap3A_843 = arith.constant 0 : index
    %swap3A_844 = tpu.vector_load %arg6[%swap3A_842, %swap3A_843] {strides = array<i32>} : memref<128x16xf32, #tpu.memory_space<vmem>>, vector<1x16xf32>,
    %swap3A_845 = vector.shape_cast %swap3A_844 : vector<1x16xf32> to vector<16xf32>
    %swap3A_846 = vector.shape_cast %broadcast_in_dim3A_840 : vector<16xf32> to vector<1x16xf32>
    tpu.vector_store %arg6[%swap3A_842, %swap3A_843], %swap3A_846 {strides = array<i32>} : memref<128x16xf32, #tpu.memory_space<vmem>>, vector<1x16xf32>,
    %broadcast_in_dim3A_847 = arith.constant 1.000000e+00 : f32
    %broadcast_in_dim3A_848 = vector.broadcast %broadcast_in_dim3A_847 : f32 to vector<16xf32>
    %swap3A_849 = arith.constant 106 : i32
    %swap3A_850 = arith.index_cast %swap3A_849 : i32 to index
    %swap3A_851 = arith.constant 0 : index
    %swap3A_852 = tpu.vector_load %arg6[%swap3A_850, %swap3A_851] {strides = array<i32>} : memref<128x16xf32, #tpu.memory_space<vmem>>, vector<1x16xf32>,
    %swap3A_853 = vector.shape_cast %swap3A_852 : vector<1x16xf32> to vector<16xf32>
    %swap3A_854 = vector.shape_cast %broadcast_in_dim3A_848 : vector<16xf32> to vector<1x16xf32>
    tpu.vector_store %arg6[%swap3A_850, %swap3A_851], %swap3A_854 {strides = array<i32>} : memref<128x16xf32, #tpu.memory_space<vmem>>, vector<1x16xf32>,
    %broadcast_in_dim3A_855 = arith.constant 1.000000e+00 : f32
    %broadcast_in_dim3A_856 = vector.broadcast %broadcast_in_dim3A_855 : f32 to vector<16xf32>
    %swap3A_857 = arith.constant 107 : i32
    %swap3A_858 = arith.index_cast %swap3A_857 : i32 to index
    %swap3A_859 = arith.constant 0 : index
    %swap3A_860 = tpu.vector_load %arg6[%swap3A_858, %swap3A_859] {strides = array<i32>} : memref<128x16xf32, #tpu.memory_space<vmem>>, vector<1x16xf32>,
    %swap3A_861 = vector.shape_cast %swap3A_860 : vector<1x16xf32> to vector<16xf32>
    %swap3A_862 = vector.shape_cast %broadcast_in_dim3A_856 : vector<16xf32> to vector<1x16xf32>
    tpu.vector_store %arg6[%swap3A_858, %swap3A_859], %swap3A_862 {strides = array<i32>} : memref<128x16xf32, #tpu.memory_space<vmem>>, vector<1x16xf32>,
    %broadcast_in_dim3A_863 = arith.constant 1.000000e+00 : f32
    %broadcast_in_dim3A_864 = vector.broadcast %broadcast_in_dim3A_863 : f32 to vector<16xf32>
    %swap3A_865 = arith.constant 108 : i32
    %swap3A_866 = arith.index_cast %swap3A_865 : i32 to index
    %swap3A_867 = arith.constant 0 : index
    %swap3A_868 = tpu.vector_load %arg6[%swap3A_866, %swap3A_867] {strides = array<i32>} : memref<128x16xf32, #tpu.memory_space<vmem>>, vector<1x16xf32>,
    %swap3A_869 = vector.shape_cast %swap3A_868 : vector<1x16xf32> to vector<16xf32>
    %swap3A_870 = vector.shape_cast %broadcast_in_dim3A_864 : vector<16xf32> to vector<1x16xf32>
    tpu.vector_store %arg6[%swap3A_866, %swap3A_867], %swap3A_870 {strides = array<i32>} : memref<128x16xf32, #tpu.memory_space<vmem>>, vector<1x16xf32>,
    %broadcast_in_dim3A_871 = arith.constant 1.000000e+00 : f32
    %broadcast_in_dim3A_872 = vector.broadcast %broadcast_in_dim3A_871 : f32 to vector<16xf32>
    %swap3A_873 = arith.constant 109 : i32
    %swap3A_874 = arith.index_cast %swap3A_873 : i32 to index
    %swap3A_875 = arith.constant 0 : index
    %swap3A_876 = tpu.vector_load %arg6[%swap3A_874, %swap3A_875] {strides = array<i32>} : memref<128x16xf32, #tpu.memory_space<vmem>>, vector<1x16xf32>,
    %swap3A_877 = vector.shape_cast %swap3A_876 : vector<1x16xf32> to vector<16xf32>
    %swap3A_878 = vector.shape_cast %broadcast_in_dim3A_872 : vector<16xf32> to vector<1x16xf32>
    tpu.vector_store %arg6[%swap3A_874, %swap3A_875], %swap3A_878 {strides = array<i32>} : memref<128x16xf32, #tpu.memory_space<vmem>>, vector<1x16xf32>,
    %broadcast_in_dim3A_879 = arith.constant 1.000000e+00 : f32
    %broadcast_in_dim3A_880 = vector.broadcast %broadcast_in_dim3A_879 : f32 to vector<16xf32>
    %swap3A_881 = arith.constant 110 : i32
    %swap3A_882 = arith.index_cast %swap3A_881 : i32 to index
    %swap3A_883 = arith.constant 0 : index
    %swap3A_884 = tpu.vector_load %arg6[%swap3A_882, %swap3A_883] {strides = array<i32>} : memref<128x16xf32, #tpu.memory_space<vmem>>, vector<1x16xf32>,
    %swap3A_885 = vector.shape_cast %swap3A_884 : vector<1x16xf32> to vector<16xf32>
    %swap3A_886 = vector.shape_cast %broadcast_in_dim3A_880 : vector<16xf32> to vector<1x16xf32>
    tpu.vector_store %arg6[%swap3A_882, %swap3A_883], %swap3A_886 {strides = array<i32>} : memref<128x16xf32, #tpu.memory_space<vmem>>, vector<1x16xf32>,
    %broadcast_in_dim3A_887 = arith.constant 1.000000e+00 : f32
    %broadcast_in_dim3A_888 = vector.broadcast %broadcast_in_dim3A_887 : f32 to vector<16xf32>
    %swap3A_889 = arith.constant 111 : i32
    %swap3A_890 = arith.index_cast %swap3A_889 : i32 to index
    %swap3A_891 = arith.constant 0 : index
    %swap3A_892 = tpu.vector_load %arg6[%swap3A_890, %swap3A_891] {strides = array<i32>} : memref<128x16xf32, #tpu.memory_space<vmem>>, vector<1x16xf32>,
    %swap3A_893 = vector.shape_cast %swap3A_892 : vector<1x16xf32> to vector<16xf32>
    %swap3A_894 = vector.shape_cast %broadcast_in_dim3A_888 : vector<16xf32> to vector<1x16xf32>
    tpu.vector_store %arg6[%swap3A_890, %swap3A_891], %swap3A_894 {strides = array<i32>} : memref<128x16xf32, #tpu.memory_space<vmem>>, vector<1x16xf32>,
    %broadcast_in_dim3A_895 = arith.constant 1.000000e+00 : f32
    %broadcast_in_dim3A_896 = vector.broadcast %broadcast_in_dim3A_895 : f32 to vector<16xf32>
    %swap3A_897 = arith.constant 112 : i32
    %swap3A_898 = arith.index_cast %swap3A_897 : i32 to index
    %swap3A_899 = arith.constant 0 : index
    %swap3A_900 = tpu.vector_load %arg6[%swap3A_898, %swap3A_899] {strides = array<i32>} : memref<128x16xf32, #tpu.memory_space<vmem>>, vector<1x16xf32>,
    %swap3A_901 = vector.shape_cast %swap3A_900 : vector<1x16xf32> to vector<16xf32>
    %swap3A_902 = vector.shape_cast %broadcast_in_dim3A_896 : vector<16xf32> to vector<1x16xf32>
    tpu.vector_store %arg6[%swap3A_898, %swap3A_899], %swap3A_902 {strides = array<i32>} : memref<128x16xf32, #tpu.memory_space<vmem>>, vector<1x16xf32>,
    %broadcast_in_dim3A_903 = arith.constant 1.000000e+00 : f32
    %broadcast_in_dim3A_904 = vector.broadcast %broadcast_in_dim3A_903 : f32 to vector<16xf32>
    %swap3A_905 = arith.constant 113 : i32
    %swap3A_906 = arith.index_cast %swap3A_905 : i32 to index
    %swap3A_907 = arith.constant 0 : index
    %swap3A_908 = tpu.vector_load %arg6[%swap3A_906, %swap3A_907] {strides = array<i32>} : memref<128x16xf32, #tpu.memory_space<vmem>>, vector<1x16xf32>,
    %swap3A_909 = vector.shape_cast %swap3A_908 : vector<1x16xf32> to vector<16xf32>
    %swap3A_910 = vector.shape_cast %broadcast_in_dim3A_904 : vector<16xf32> to vector<1x16xf32>
    tpu.vector_store %arg6[%swap3A_906, %swap3A_907], %swap3A_910 {strides = array<i32>} : memref<128x16xf32, #tpu.memory_space<vmem>>, vector<1x16xf32>,
    %broadcast_in_dim3A_911 = arith.constant 1.000000e+00 : f32
    %broadcast_in_dim3A_912 = vector.broadcast %broadcast_in_dim3A_911 : f32 to vector<16xf32>
    %swap3A_913 = arith.constant 114 : i32
    %swap3A_914 = arith.index_cast %swap3A_913 : i32 to index
    %swap3A_915 = arith.constant 0 : index
    %swap3A_916 = tpu.vector_load %arg6[%swap3A_914, %swap3A_915] {strides = array<i32>} : memref<128x16xf32, #tpu.memory_space<vmem>>, vector<1x16xf32>,
    %swap3A_917 = vector.shape_cast %swap3A_916 : vector<1x16xf32> to vector<16xf32>
    %swap3A_918 = vector.shape_cast %broadcast_in_dim3A_912 : vector<16xf32> to vector<1x16xf32>
    tpu.vector_store %arg6[%swap3A_914, %swap3A_915], %swap3A_918 {strides = array<i32>} : memref<128x16xf32, #tpu.memory_space<vmem>>, vector<1x16xf32>,
    %broadcast_in_dim3A_919 = arith.constant 1.000000e+00 : f32
    %broadcast_in_dim3A_920 = vector.broadcast %broadcast_in_dim3A_919 : f32 to vector<16xf32>
    %swap3A_921 = arith.constant 115 : i32
    %swap3A_922 = arith.index_cast %swap3A_921 : i32 to index
    %swap3A_923 = arith.constant 0 : index
    %swap3A_924 = tpu.vector_load %arg6[%swap3A_922, %swap3A_923] {strides = array<i32>} : memref<128x16xf32, #tpu.memory_space<vmem>>, vector<1x16xf32>,
    %swap3A_925 = vector.shape_cast %swap3A_924 : vector<1x16xf32> to vector<16xf32>
    %swap3A_926 = vector.shape_cast %broadcast_in_dim3A_920 : vector<16xf32> to vector<1x16xf32>
    tpu.vector_store %arg6[%swap3A_922, %swap3A_923], %swap3A_926 {strides = array<i32>} : memref<128x16xf32, #tpu.memory_space<vmem>>, vector<1x16xf32>,
    %broadcast_in_dim3A_927 = arith.constant 1.000000e+00 : f32
    %broadcast_in_dim3A_928 = vector.broadcast %broadcast_in_dim3A_927 : f32 to vector<16xf32>
    %swap3A_929 = arith.constant 116 : i32
    %swap3A_930 = arith.index_cast %swap3A_929 : i32 to index
    %swap3A_931 = arith.constant 0 : index
    %swap3A_932 = tpu.vector_load %arg6[%swap3A_930, %swap3A_931] {strides = array<i32>} : memref<128x16xf32, #tpu.memory_space<vmem>>, vector<1x16xf32>,
    %swap3A_933 = vector.shape_cast %swap3A_932 : vector<1x16xf32> to vector<16xf32>
    %swap3A_934 = vector.shape_cast %broadcast_in_dim3A_928 : vector<16xf32> to vector<1x16xf32>
    tpu.vector_store %arg6[%swap3A_930, %swap3A_931], %swap3A_934 {strides = array<i32>} : memref<128x16xf32, #tpu.memory_space<vmem>>, vector<1x16xf32>,
    %broadcast_in_dim3A_935 = arith.constant 1.000000e+00 : f32
    %broadcast_in_dim3A_936 = vector.broadcast %broadcast_in_dim3A_935 : f32 to vector<16xf32>
    %swap3A_937 = arith.constant 117 : i32
    %swap3A_938 = arith.index_cast %swap3A_937 : i32 to index
    %swap3A_939 = arith.constant 0 : index
    %swap3A_940 = tpu.vector_load %arg6[%swap3A_938, %swap3A_939] {strides = array<i32>} : memref<128x16xf32, #tpu.memory_space<vmem>>, vector<1x16xf32>,
    %swap3A_941 = vector.shape_cast %swap3A_940 : vector<1x16xf32> to vector<16xf32>
    %swap3A_942 = vector.shape_cast %broadcast_in_dim3A_936 : vector<16xf32> to vector<1x16xf32>
    tpu.vector_store %arg6[%swap3A_938, %swap3A_939], %swap3A_942 {strides = array<i32>} : memref<128x16xf32, #tpu.memory_space<vmem>>, vector<1x16xf32>,
    %broadcast_in_dim3A_943 = arith.constant 1.000000e+00 : f32
    %broadcast_in_dim3A_944 = vector.broadcast %broadcast_in_dim3A_943 : f32 to vector<16xf32>
    %swap3A_945 = arith.constant 118 : i32
    %swap3A_946 = arith.index_cast %swap3A_945 : i32 to index
    %swap3A_947 = arith.constant 0 : index
    %swap3A_948 = tpu.vector_load %arg6[%swap3A_946, %swap3A_947] {strides = array<i32>} : memref<128x16xf32, #tpu.memory_space<vmem>>, vector<1x16xf32>,
    %swap3A_949 = vector.shape_cast %swap3A_948 : vector<1x16xf32> to vector<16xf32>
    %swap3A_950 = vector.shape_cast %broadcast_in_dim3A_944 : vector<16xf32> to vector<1x16xf32>
    tpu.vector_store %arg6[%swap3A_946, %swap3A_947], %swap3A_950 {strides = array<i32>} : memref<128x16xf32, #tpu.memory_space<vmem>>, vector<1x16xf32>,
    %broadcast_in_dim3A_951 = arith.constant 1.000000e+00 : f32
    %broadcast_in_dim3A_952 = vector.broadcast %broadcast_in_dim3A_951 : f32 to vector<16xf32>
    %swap3A_953 = arith.constant 119 : i32
    %swap3A_954 = arith.index_cast %swap3A_953 : i32 to index
    %swap3A_955 = arith.constant 0 : index
    %swap3A_956 = tpu.vector_load %arg6[%swap3A_954, %swap3A_955] {strides = array<i32>} : memref<128x16xf32, #tpu.memory_space<vmem>>, vector<1x16xf32>,
    %swap3A_957 = vector.shape_cast %swap3A_956 : vector<1x16xf32> to vector<16xf32>
    %swap3A_958 = vector.shape_cast %broadcast_in_dim3A_952 : vector<16xf32> to vector<1x16xf32>
    tpu.vector_store %arg6[%swap3A_954, %swap3A_955], %swap3A_958 {strides = array<i32>} : memref<128x16xf32, #tpu.memory_space<vmem>>, vector<1x16xf32>,
    %broadcast_in_dim3A_959 = arith.constant 1.000000e+00 : f32
    %broadcast_in_dim3A_960 = vector.broadcast %broadcast_in_dim3A_959 : f32 to vector<16xf32>
    %swap3A_961 = arith.constant 120 : i32
    %swap3A_962 = arith.index_cast %swap3A_961 : i32 to index
    %swap3A_963 = arith.constant 0 : index
    %swap3A_964 = tpu.vector_load %arg6[%swap3A_962, %swap3A_963] {strides = array<i32>} : memref<128x16xf32, #tpu.memory_space<vmem>>, vector<1x16xf32>,
    %swap3A_965 = vector.shape_cast %swap3A_964 : vector<1x16xf32> to vector<16xf32>
    %swap3A_966 = vector.shape_cast %broadcast_in_dim3A_960 : vector<16xf32> to vector<1x16xf32>
    tpu.vector_store %arg6[%swap3A_962, %swap3A_963], %swap3A_966 {strides = array<i32>} : memref<128x16xf32, #tpu.memory_space<vmem>>, vector<1x16xf32>,
    %broadcast_in_dim3A_967 = arith.constant 1.000000e+00 : f32
    %broadcast_in_dim3A_968 = vector.broadcast %broadcast_in_dim3A_967 : f32 to vector<16xf32>
    %swap3A_969 = arith.constant 121 : i32
    %swap3A_970 = arith.index_cast %swap3A_969 : i32 to index
    %swap3A_971 = arith.constant 0 : index
    %swap3A_972 = tpu.vector_load %arg6[%swap3A_970, %swap3A_971] {strides = array<i32>} : memref<128x16xf32, #tpu.memory_space<vmem>>, vector<1x16xf32>,
    %swap3A_973 = vector.shape_cast %swap3A_972 : vector<1x16xf32> to vector<16xf32>
    %swap3A_974 = vector.shape_cast %broadcast_in_dim3A_968 : vector<16xf32> to vector<1x16xf32>
    tpu.vector_store %arg6[%swap3A_970, %swap3A_971], %swap3A_974 {strides = array<i32>} : memref<128x16xf32, #tpu.memory_space<vmem>>, vector<1x16xf32>,
    %broadcast_in_dim3A_975 = arith.constant 1.000000e+00 : f32
    %broadcast_in_dim3A_976 = vector.broadcast %broadcast_in_dim3A_975 : f32 to vector<16xf32>
    %swap3A_977 = arith.constant 122 : i32
    %swap3A_978 = arith.index_cast %swap3A_977 : i32 to index
    %swap3A_979 = arith.constant 0 : index
    %swap3A_980 = tpu.vector_load %arg6[%swap3A_978, %swap3A_979] {strides = array<i32>} : memref<128x16xf32, #tpu.memory_space<vmem>>, vector<1x16xf32>,
    %swap3A_981 = vector.shape_cast %swap3A_980 : vector<1x16xf32> to vector<16xf32>
    %swap3A_982 = vector.shape_cast %broadcast_in_dim3A_976 : vector<16xf32> to vector<1x16xf32>
    tpu.vector_store %arg6[%swap3A_978, %swap3A_979], %swap3A_982 {strides = array<i32>} : memref<128x16xf32, #tpu.memory_space<vmem>>, vector<1x16xf32>,
    %broadcast_in_dim3A_983 = arith.constant 1.000000e+00 : f32
    %broadcast_in_dim3A_984 = vector.broadcast %broadcast_in_dim3A_983 : f32 to vector<16xf32>
    %swap3A_985 = arith.constant 123 : i32
    %swap3A_986 = arith.index_cast %swap3A_985 : i32 to index
    %swap3A_987 = arith.constant 0 : index
    %swap3A_988 = tpu.vector_load %arg6[%swap3A_986, %swap3A_987] {strides = array<i32>} : memref<128x16xf32, #tpu.memory_space<vmem>>, vector<1x16xf32>,
    %swap3A_989 = vector.shape_cast %swap3A_988 : vector<1x16xf32> to vector<16xf32>
    %swap3A_990 = vector.shape_cast %broadcast_in_dim3A_984 : vector<16xf32> to vector<1x16xf32>
    tpu.vector_store %arg6[%swap3A_986, %swap3A_987], %swap3A_990 {strides = array<i32>} : memref<128x16xf32, #tpu.memory_space<vmem>>, vector<1x16xf32>,
    %broadcast_in_dim3A_991 = arith.constant 1.000000e+00 : f32
    %broadcast_in_dim3A_992 = vector.broadcast %broadcast_in_dim3A_991 : f32 to vector<16xf32>
    %swap3A_993 = arith.constant 124 : i32
    %swap3A_994 = arith.index_cast %swap3A_993 : i32 to index
    %swap3A_995 = arith.constant 0 : index
    %swap3A_996 = tpu.vector_load %arg6[%swap3A_994, %swap3A_995] {strides = array<i32>} : memref<128x16xf32, #tpu.memory_space<vmem>>, vector<1x16xf32>,
    %swap3A_997 = vector.shape_cast %swap3A_996 : vector<1x16xf32> to vector<16xf32>
    %swap3A_998 = vector.shape_cast %broadcast_in_dim3A_992 : vector<16xf32> to vector<1x16xf32>
    tpu.vector_store %arg6[%swap3A_994, %swap3A_995], %swap3A_998 {strides = array<i32>} : memref<128x16xf32, #tpu.memory_space<vmem>>, vector<1x16xf32>,
    %broadcast_in_dim3A_999 = arith.constant 1.000000e+00 : f32
    %broadcast_in_dim3A_1000 = vector.broadcast %broadcast_in_dim3A_999 : f32 to vector<16xf32>
    %swap3A_1001 = arith.constant 125 : i32
    %swap3A_1002 = arith.index_cast %swap3A_1001 : i32 to index
    %swap3A_1003 = arith.constant 0 : index
    %swap3A_1004 = tpu.vector_load %arg6[%swap3A_1002, %swap3A_1003] {strides = array<i32>} : memref<128x16xf32, #tpu.memory_space<vmem>>, vector<1x16xf32>,
    %swap3A_1005 = vector.shape_cast %swap3A_1004 : vector<1x16xf32> to vector<16xf32>
    %swap3A_1006 = vector.shape_cast %broadcast_in_dim3A_1000 : vector<16xf32> to vector<1x16xf32>
    tpu.vector_store %arg6[%swap3A_1002, %swap3A_1003], %swap3A_1006 {strides = array<i32>} : memref<128x16xf32, #tpu.memory_space<vmem>>, vector<1x16xf32>,
    %broadcast_in_dim3A_1007 = arith.constant 1.000000e+00 : f32
    %broadcast_in_dim3A_1008 = vector.broadcast %broadcast_in_dim3A_1007 : f32 to vector<16xf32>
    %swap3A_1009 = arith.constant 126 : i32
    %swap3A_1010 = arith.index_cast %swap3A_1009 : i32 to index
    %swap3A_1011 = arith.constant 0 : index
    %swap3A_1012 = tpu.vector_load %arg6[%swap3A_1010, %swap3A_1011] {strides = array<i32>} : memref<128x16xf32, #tpu.memory_space<vmem>>, vector<1x16xf32>,
    %swap3A_1013 = vector.shape_cast %swap3A_1012 : vector<1x16xf32> to vector<16xf32>
    %swap3A_1014 = vector.shape_cast %broadcast_in_dim3A_1008 : vector<16xf32> to vector<1x16xf32>
    tpu.vector_store %arg6[%swap3A_1010, %swap3A_1011], %swap3A_1014 {strides = array<i32>} : memref<128x16xf32, #tpu.memory_space<vmem>>, vector<1x16xf32>,
    %broadcast_in_dim3A_1015 = arith.constant 1.000000e+00 : f32
    %broadcast_in_dim3A_1016 = vector.broadcast %broadcast_in_dim3A_1015 : f32 to vector<16xf32>
    %swap3A_1017 = arith.constant 127 : i32
    %swap3A_1018 = arith.index_cast %swap3A_1017 : i32 to index
    %swap3A_1019 = arith.constant 0 : index
    %swap3A_1020 = tpu.vector_load %arg6[%swap3A_1018, %swap3A_1019] {strides = array<i32>} : memref<128x16xf32, #tpu.memory_space<vmem>>, vector<1x16xf32>,
    %swap3A_1021 = vector.shape_cast %swap3A_1020 : vector<1x16xf32> to vector<16xf32>
    %swap3A_1022 = vector.shape_cast %broadcast_in_dim3A_1016 : vector<16xf32> to vector<1x16xf32>
    tpu.vector_store %arg6[%swap3A_1018, %swap3A_1019], %swap3A_1022 {strides = array<i32>} : memref<128x16xf32, #tpu.memory_space<vmem>>, vector<1x16xf32>,
    %mul3A_1023 = arith.constant 640 : i32
    %mul3A_1024 = arith.muli %arg1, %mul3A_1023 : i32
    %mul3A_1025 = arith.constant 640 : i32
    %mul3A_1026 = arith.muli %arg1, %mul3A_1025 : i32
    "tpu.region"() ({
      %run_scoped3A = tpu.sem_alloc : memref<!tpu.dma_semaphore, #tpu.memory_space<semaphore_mem>>
      %dma_start3A = arith.constant 0 : i32
      %dma_start3A_1044 = tpu.memref_slice %arg7[%mul3A_1026, %dma_start3A] : memref<10240x16xf32, #tpu.memory_space<vmem_shared>> -> memref<640x16xf32, #tpu.memory_space<vmem_shared>>
      %dma_start3A_1045 = arith.constant 0 : i32
      %dma_start3A_1046 = tpu.memref_slice %arg3[%mul3A_1024, %dma_start3A_1045] : memref<10240x16xf32, #tpu.memory_space<hbm>> -> memref<640x16xf32, #tpu.memory_space<hbm>>
      tpu.enqueue_dma source(%dma_start3A_1046 : memref<640x16xf32, #tpu.memory_space<hbm>>) target(%dma_start3A_1044 : memref<640x16xf32, #tpu.memory_space<vmem_shared>>) target_semaphore(%run_scoped3A : memref<!tpu.dma_semaphore, #tpu.memory_space<semaphore_mem>>)
      %dma_wait3A = arith.constant 0 : i32
      %dma_wait3A_1047 = tpu.memref_slice %arg7[%mul3A_1026, %dma_wait3A] : memref<10240x16xf32, #tpu.memory_space<vmem_shared>> -> memref<640x16xf32, #tpu.memory_space<vmem_shared>>
      %dma_wait3A_1048 = arith.constant 0 : i32
      %dma_wait3A_1049 = tpu.memref_slice %arg3[%mul3A_1024, %dma_wait3A_1048] : memref<10240x16xf32, #tpu.memory_space<hbm>> -> memref<640x16xf32, #tpu.memory_space<hbm>>
      tpu.wait_dma2 semaphore(%run_scoped3A : memref<!tpu.dma_semaphore, #tpu.memory_space<semaphore_mem>>) src(%dma_wait3A_1049 : memref<640x16xf32, #tpu.memory_space<hbm>>) dst(%dma_wait3A_1047 : memref<640x16xf32, #tpu.memory_space<vmem_shared>>)
      tpu.yield
    }) : () -> ()
    %barrier3A = arith.constant 0 : index
    tpu.barrier barrier_id(%barrier3A)
    %scan3A = arith.constant 0 : i32
    %scan3A_1027 = arith.constant 40 : i32
    %scan3A_1028 = arith.addi %scan3A, %scan3A_1027 : i32
    %scan3A_1029 = arith.constant 1 : i32
    scf.for %scan3A_1044 = %scan3A to %scan3A_1028 step %scan3A_1029  : i32 {
      %mul3A_1045 = arith.constant 1 : i32
      %mul3A_1046 = arith.muli %scan3A_1044, %mul3A_1045 : i32
      %add3A_1047 = arith.constant 0 : i32
      %add3A_1048 = arith.addi %add3A_1047, %mul3A_1046 : i32
      %dma_start3A = arith.constant 0 : i32
      %dma_start3A_1049 = tpu.memref_slice %arg5[%add3A_1048, %dma_start3A] : memref<40x128xi32, #tpu.memory_space<vmem>> -> memref<1x128xi32, #tpu.memory_space<vmem>>
      %dma_start3A_1050 = tpu.memref_squeeze %dma_start3A_1049 : memref<1x128xi32, #tpu.memory_space<vmem>> -> memref<128xi32, #tpu.memory_space<vmem>>
      %dma_start3A_1051 = arith.constant 0 : i32
      %dma_start3A_1052 = arith.constant 0 : i32
      %dma_start3A_1053 = tpu.memref_slice %arg7[%dma_start3A_1051, %dma_start3A_1052] : memref<10240x16xf32, #tpu.memory_space<vmem_shared>> -> memref<10240x16xf32, #tpu.memory_space<vmem_shared>>
      tpu.enqueue_indirect_dma source(%arg6 : memref<128x16xf32, #tpu.memory_space<vmem>>) target(%dma_start3A_1053 : memref<10240x16xf32, #tpu.memory_space<vmem_shared>>) offsets(%dma_start3A_1050 : memref<128xi32, #tpu.memory_space<vmem>>) semaphore(%arg8 : memref<!tpu.dma_semaphore, #tpu.memory_space<semaphore_mem>>) {add = true}
      %ge3A = arith.constant 8 : i32
      %ge3A_1054 = arith.cmpi sge, %add3A_1048, %ge3A : i32
      %convert_element_type3A = arith.extui %ge3A_1054 : i1 to i32
      %cond3A = arith.constant 0 : i32
      %cond3A_1055 = arith.cmpi ne, %convert_element_type3A, %cond3A : i32
      scf.if %cond3A_1055 {
        %dma_wait3A = arith.constant 0 : i32
        %dma_wait3A_1056 = arith.constant 0 : i32
        %dma_wait3A_1057 = tpu.memref_slice %arg5[%dma_wait3A, %dma_wait3A_1056] : memref<40x128xi32, #tpu.memory_space<vmem>> -> memref<1x128xi32, #tpu.memory_space<vmem>>
        %dma_wait3A_1058 = tpu.memref_squeeze %dma_wait3A_1057 : memref<1x128xi32, #tpu.memory_space<vmem>> -> memref<128xi32, #tpu.memory_space<vmem>>
        %dma_wait3A_1059 = arith.constant 0 : i32
        %dma_wait3A_1060 = arith.constant 0 : i32
        %dma_wait3A_1061 = tpu.memref_slice %arg7[%dma_wait3A_1059, %dma_wait3A_1060] : memref<10240x16xf32, #tpu.memory_space<vmem_shared>> -> memref<10240x16xf32, #tpu.memory_space<vmem_shared>>
        tpu.wait_indirect_dma semaphore(%arg8 : memref<!tpu.dma_semaphore, #tpu.memory_space<semaphore_mem>>) src(%arg6 : memref<128x16xf32, #tpu.memory_space<vmem>>) dst(%dma_wait3A_1061 : memref<10240x16xf32, #tpu.memory_space<vmem_shared>>)
      } else {
      }
    }
    %scan3A_1030 = arith.constant 40 : i32
    %scan3A_1031 = arith.constant 0 : i32
    %scan3A_1032 = arith.constant 8 : i32
    %scan3A_1033 = arith.addi %scan3A_1031, %scan3A_1032 : i32
    %scan3A_1034 = arith.constant 1 : i32
    scf.for %scan3A_1044 = %scan3A_1031 to %scan3A_1033 step %scan3A_1034  : i32 {
      %mul3A_1045 = arith.constant 1 : i32
      %mul3A_1046 = arith.muli %scan3A_1044, %mul3A_1045 : i32
      %add3A_1047 = arith.constant 0 : i32
      %add3A_1048 = arith.addi %add3A_1047, %mul3A_1046 : i32
      %dma_wait3A = arith.constant 0 : i32
      %dma_wait3A_1049 = arith.constant 0 : i32
      %dma_wait3A_1050 = tpu.memref_slice %arg5[%dma_wait3A, %dma_wait3A_1049] : memref<40x128xi32, #tpu.memory_space<vmem>> -> memref<1x128xi32, #tpu.memory_space<vmem>>
      %dma_wait3A_1051 = tpu.memref_squeeze %dma_wait3A_1050 : memref<1x128xi32, #tpu.memory_space<vmem>> -> memref<128xi32, #tpu.memory_space<vmem>>
      %dma_wait3A_1052 = arith.constant 0 : i32
      %dma_wait3A_1053 = arith.constant 0 : i32
      %dma_wait3A_1054 = tpu.memref_slice %arg7[%dma_wait3A_1052, %dma_wait3A_1053] : memref<10240x16xf32, #tpu.memory_space<vmem_shared>> -> memref<10240x16xf32, #tpu.memory_space<vmem_shared>>
      tpu.wait_indirect_dma semaphore(%arg8 : memref<!tpu.dma_semaphore, #tpu.memory_space<semaphore_mem>>) src(%arg6 : memref<128x16xf32, #tpu.memory_space<vmem>>) dst(%dma_wait3A_1054 : memref<10240x16xf32, #tpu.memory_space<vmem_shared>>)
    }
    %scan3A_1035 = arith.constant 8 : i32
    %barrier3A_1036 = arith.constant 0 : index
    tpu.barrier barrier_id(%barrier3A_1036)
    %mul3A_1037 = arith.constant 640 : i32
    %mul3A_1038 = arith.muli %arg1, %mul3A_1037 : i32
    %mul3A_1039 = arith.constant 10240 : i32
    %mul3A_1040 = arith.muli %arg0, %mul3A_1039 : i32
    %mul3A_1041 = arith.constant 640 : i32
    %mul3A_1042 = arith.muli %arg1, %mul3A_1041 : i32
    %add3A_1043 = arith.addi %mul3A_1040, %mul3A_1042 : i32
    "tpu.region"() ({
      %run_scoped3A = tpu.sem_alloc : memref<!tpu.dma_semaphore, #tpu.memory_space<semaphore_mem>>
      %dma_start3A = arith.constant 0 : i32
      %dma_start3A_1044 = tpu.memref_slice %arg4[%add3A_1043, %dma_start3A] : memref<20480x16xf32, #tpu.memory_space<hbm>> -> memref<640x16xf32, #tpu.memory_space<hbm>>
      %dma_start3A_1045 = arith.constant 0 : i32
      %dma_start3A_1046 = tpu.memref_slice %arg7[%mul3A_1038, %dma_start3A_1045] : memref<10240x16xf32, #tpu.memory_space<vmem_shared>> -> memref<640x16xf32, #tpu.memory_space<vmem_shared>>
      tpu.enqueue_dma source(%dma_start3A_1046 : memref<640x16xf32, #tpu.memory_space<vmem_shared>>) target(%dma_start3A_1044 : memref<640x16xf32, #tpu.memory_space<hbm>>) target_semaphore(%run_scoped3A : memref<!tpu.dma_semaphore, #tpu.memory_space<semaphore_mem>>)
      %dma_wait3A = arith.constant 0 : i32
      %dma_wait3A_1047 = tpu.memref_slice %arg4[%add3A_1043, %dma_wait3A] : memref<20480x16xf32, #tpu.memory_space<hbm>> -> memref<640x16xf32, #tpu.memory_space<hbm>>
      %dma_wait3A_1048 = arith.constant 0 : i32
      %dma_wait3A_1049 = tpu.memref_slice %arg7[%mul3A_1038, %dma_wait3A_1048] : memref<10240x16xf32, #tpu.memory_space<vmem_shared>> -> memref<640x16xf32, #tpu.memory_space<vmem_shared>>
      tpu.wait_dma2 semaphore(%run_scoped3A : memref<!tpu.dma_semaphore, #tpu.memory_space<semaphore_mem>>) src(%dma_wait3A_1049 : memref<640x16xf32, #tpu.memory_space<vmem_shared>>) dst(%dma_wait3A_1047 : memref<640x16xf32, #tpu.memory_space<hbm>>)
      tpu.yield
    }) : () -> ()
    return
  }
}

#map = affine_map<(d0, d1) -> (0, 0)>
#map1 = affine_map<(d0, d1) -> (0, 0, 0, 0)>
#map2 = affine_map<(d0, d1) -> (0, 0, 0)>
module attributes {stable_mosaic.version = 14 : i64} {
  func.func @_sc_spmm(%arg0: i32, %arg1: i32, %arg2: memref<10240x128xf32, #tpu.memory_space<hbm>>, %arg3: memref<10240x128xf32, #tpu.memory_space<hbm>>, %arg4: memref<16x10x8x128xi32, #tpu.memory_space<hbm>>, %arg5: memref<16x80x128xi32, #tpu.memory_space<hbm>>, %arg6: memref<10240x128xf32, #tpu.memory_space<hbm>>, %arg7: memref<10240x128xf32, #tpu.memory_space<hbm>>, %arg8: memref<10240x128xf32, #tpu.memory_space<hbm>>, %arg9: memref<80x128xi32, #tpu.memory_space<vmem>>, %arg10: memref<16x128xi32, #tpu.memory_space<vmem>>, %arg11: memref<256x128xf32, #tpu.memory_space<vmem>>, %arg12: memref<10240x128xf32, #tpu.memory_space<vmem_shared>>, %arg13: memref<!tpu.dma_semaphore, #tpu.memory_space<semaphore_mem>>, %arg14: memref<!tpu.dma_semaphore, #tpu.memory_space<semaphore_mem>>, %arg15: memref<!tpu.dma_semaphore, #tpu.memory_space<semaphore_mem>>, %arg16: memref<!tpu.dma_semaphore, #tpu.memory_space<semaphore_mem>>, %arg17: memref<!tpu.dma_semaphore, #tpu.memory_space<semaphore_mem>>) attributes {dimension_semantics = [#tpu.dimension_semantics<core_parallel>, #tpu.dimension_semantics<subcore_parallel>], iteration_bounds = array<i64: 2, 16>, scalar_prefetch = 0 : i64, scratch_operands = 9 : i64, tpu.core_type = #tpu.core_type<sc_vector_subcore>, window_params = [{transform_indices = #map}, {transform_indices = #map}, {transform_indices = #map1}, {transform_indices = #map2}, {transform_indices = #map}, {transform_indices = #map}, {transform_indices = #map}]} {
    "tpu.region"() ({
      %run_scoped3A_94 = tpu.sem_alloc : memref<!tpu.dma_semaphore, #tpu.memory_space<semaphore_mem>>
      %dma_start3A_95 = arith.constant 0 : i32
      %dma_start3A_96 = arith.constant 0 : i32
      %dma_start3A_97 = tpu.memref_slice %arg5[%arg1, %dma_start3A_95, %dma_start3A_96] : memref<16x80x128xi32, #tpu.memory_space<hbm>> -> memref<1x80x128xi32, #tpu.memory_space<hbm>>
      %dma_start3A_98 = tpu.memref_squeeze %dma_start3A_97 : memref<1x80x128xi32, #tpu.memory_space<hbm>> -> memref<80x128xi32, #tpu.memory_space<hbm>>
      %dma_start3A_99 = arith.constant 0 : i32
      %dma_start3A_100 = arith.constant 0 : i32
      %dma_start3A_101 = tpu.memref_slice %arg5[%arg1, %dma_start3A_99, %dma_start3A_100] : memref<16x80x128xi32, #tpu.memory_space<hbm>> -> memref<1x80x128xi32, #tpu.memory_space<hbm>>
      %dma_start3A_102 = tpu.memref_squeeze %dma_start3A_101 : memref<1x80x128xi32, #tpu.memory_space<hbm>> -> memref<80x128xi32, #tpu.memory_space<hbm>>
      tpu.enqueue_dma source(%dma_start3A_102 : memref<80x128xi32, #tpu.memory_space<hbm>>) target(%arg9 : memref<80x128xi32, #tpu.memory_space<vmem>>) target_semaphore(%run_scoped3A_94 : memref<!tpu.dma_semaphore, #tpu.memory_space<semaphore_mem>>)
      %dma_wait3A_103 = arith.constant 0 : i32
      %dma_wait3A_104 = arith.constant 0 : i32
      %dma_wait3A_105 = tpu.memref_slice %arg5[%arg1, %dma_wait3A_103, %dma_wait3A_104] : memref<16x80x128xi32, #tpu.memory_space<hbm>> -> memref<1x80x128xi32, #tpu.memory_space<hbm>>
      %dma_wait3A_106 = tpu.memref_squeeze %dma_wait3A_105 : memref<1x80x128xi32, #tpu.memory_space<hbm>> -> memref<80x128xi32, #tpu.memory_space<hbm>>
      %dma_wait3A_107 = arith.constant 0 : i32
      %dma_wait3A_108 = arith.constant 0 : i32
      %dma_wait3A_109 = tpu.memref_slice %arg5[%arg1, %dma_wait3A_107, %dma_wait3A_108] : memref<16x80x128xi32, #tpu.memory_space<hbm>> -> memref<1x80x128xi32, #tpu.memory_space<hbm>>
      %dma_wait3A_110 = tpu.memref_squeeze %dma_wait3A_109 : memref<1x80x128xi32, #tpu.memory_space<hbm>> -> memref<80x128xi32, #tpu.memory_space<hbm>>
      tpu.wait_dma2 semaphore(%run_scoped3A_94 : memref<!tpu.dma_semaphore, #tpu.memory_space<semaphore_mem>>) src(%dma_wait3A_110 : memref<80x128xi32, #tpu.memory_space<hbm>>) dst(%arg9 : memref<80x128xi32, #tpu.memory_space<vmem>>)
      tpu.yield
    }) : () -> ()
    %mul3A = arith.constant 640 : i32
    %mul3A_0 = arith.muli %arg1, %mul3A : i32
    %mul3A_1 = arith.constant 640 : i32
    %mul3A_2 = arith.muli %arg1, %mul3A_1 : i32
    "tpu.region"() ({
      %run_scoped3A_94 = tpu.sem_alloc : memref<!tpu.dma_semaphore, #tpu.memory_space<semaphore_mem>>
      %dma_start3A_95 = arith.constant 0 : i32
      %dma_start3A_96 = tpu.memref_slice %arg12[%mul3A_2, %dma_start3A_95] : memref<10240x128xf32, #tpu.memory_space<vmem_shared>> -> memref<640x128xf32, #tpu.memory_space<vmem_shared>>
      %dma_start3A_97 = arith.constant 0 : i32
      %dma_start3A_98 = tpu.memref_slice %arg6[%mul3A_0, %dma_start3A_97] : memref<10240x128xf32, #tpu.memory_space<hbm>> -> memref<640x128xf32, #tpu.memory_space<hbm>>
      tpu.enqueue_dma source(%dma_start3A_98 : memref<640x128xf32, #tpu.memory_space<hbm>>) target(%dma_start3A_96 : memref<640x128xf32, #tpu.memory_space<vmem_shared>>) target_semaphore(%run_scoped3A_94 : memref<!tpu.dma_semaphore, #tpu.memory_space<semaphore_mem>>)
      %dma_wait3A_99 = arith.constant 0 : i32
      %dma_wait3A_100 = tpu.memref_slice %arg12[%mul3A_2, %dma_wait3A_99] : memref<10240x128xf32, #tpu.memory_space<vmem_shared>> -> memref<640x128xf32, #tpu.memory_space<vmem_shared>>
      %dma_wait3A_101 = arith.constant 0 : i32
      %dma_wait3A_102 = tpu.memref_slice %arg6[%mul3A_0, %dma_wait3A_101] : memref<10240x128xf32, #tpu.memory_space<hbm>> -> memref<640x128xf32, #tpu.memory_space<hbm>>
      tpu.wait_dma2 semaphore(%run_scoped3A_94 : memref<!tpu.dma_semaphore, #tpu.memory_space<semaphore_mem>>) src(%dma_wait3A_102 : memref<640x128xf32, #tpu.memory_space<hbm>>) dst(%dma_wait3A_100 : memref<640x128xf32, #tpu.memory_space<vmem_shared>>)
      tpu.yield
    }) : () -> ()
    %run_scoped3A = arith.constant 0 : i32
    "tpu.region"() ({
      %run_scoped3A_94 = tpu.sem_alloc : memref<!tpu.dma_semaphore, #tpu.memory_space<semaphore_mem>>
      %dma_start3A_95 = arith.constant 0 : i32
      %dma_start3A_96 = arith.constant 0 : i32
      %dma_start3A_97 = tpu.memref_slice %arg10[%dma_start3A_95, %dma_start3A_96] : memref<16x128xi32, #tpu.memory_space<vmem>> -> memref<8x128xi32, #tpu.memory_space<vmem>>
      %dma_start3A_98 = arith.constant 0 : i32
      %dma_start3A_99 = arith.constant 0 : i32
      %dma_start3A_100 = arith.constant 0 : i32
      %dma_start3A_101 = tpu.memref_slice %arg4[%arg1, %dma_start3A_98, %dma_start3A_99, %dma_start3A_100] : memref<16x10x8x128xi32, #tpu.memory_space<hbm>> -> memref<1x10x8x128xi32, #tpu.memory_space<hbm>>
      %dma_start3A_102 = tpu.memref_squeeze %dma_start3A_101 : memref<1x10x8x128xi32, #tpu.memory_space<hbm>> -> memref<10x8x128xi32, #tpu.memory_space<hbm>>
      %dma_start3A_103 = arith.constant 0 : i32
      %dma_start3A_104 = arith.constant 0 : i32
      %dma_start3A_105 = tpu.memref_slice %dma_start3A_102[%run_scoped3A, %dma_start3A_103, %dma_start3A_104] : memref<10x8x128xi32, #tpu.memory_space<hbm>> -> memref<1x8x128xi32, #tpu.memory_space<hbm>>
      %dma_start3A_106 = tpu.memref_squeeze %dma_start3A_105 : memref<1x8x128xi32, #tpu.memory_space<hbm>> -> memref<8x128xi32, #tpu.memory_space<hbm>>
      %dma_start3A_107 = arith.constant 0 : i32
      %dma_start3A_108 = arith.constant 0 : i32
      %dma_start3A_109 = tpu.memref_slice %arg10[%dma_start3A_107, %dma_start3A_108] : memref<16x128xi32, #tpu.memory_space<vmem>> -> memref<8x128xi32, #tpu.memory_space<vmem>>
      %dma_start3A_110 = arith.constant 0 : i32
      %dma_start3A_111 = arith.constant 0 : i32
      %dma_start3A_112 = arith.constant 0 : i32
      %dma_start3A_113 = tpu.memref_slice %arg4[%arg1, %dma_start3A_110, %dma_start3A_111, %dma_start3A_112] : memref<16x10x8x128xi32, #tpu.memory_space<hbm>> -> memref<1x10x8x128xi32, #tpu.memory_space<hbm>>
      %dma_start3A_114 = tpu.memref_squeeze %dma_start3A_113 : memref<1x10x8x128xi32, #tpu.memory_space<hbm>> -> memref<10x8x128xi32, #tpu.memory_space<hbm>>
      %dma_start3A_115 = arith.constant 0 : i32
      %dma_start3A_116 = arith.constant 0 : i32
      %dma_start3A_117 = tpu.memref_slice %dma_start3A_114[%run_scoped3A, %dma_start3A_115, %dma_start3A_116] : memref<10x8x128xi32, #tpu.memory_space<hbm>> -> memref<1x8x128xi32, #tpu.memory_space<hbm>>
      %dma_start3A_118 = tpu.memref_squeeze %dma_start3A_117 : memref<1x8x128xi32, #tpu.memory_space<hbm>> -> memref<8x128xi32, #tpu.memory_space<hbm>>
      tpu.enqueue_dma source(%dma_start3A_118 : memref<8x128xi32, #tpu.memory_space<hbm>>) target(%dma_start3A_109 : memref<8x128xi32, #tpu.memory_space<vmem>>) target_semaphore(%run_scoped3A_94 : memref<!tpu.dma_semaphore, #tpu.memory_space<semaphore_mem>>)
      %dma_wait3A_119 = arith.constant 0 : i32
      %dma_wait3A_120 = arith.constant 0 : i32
      %dma_wait3A_121 = tpu.memref_slice %arg10[%dma_wait3A_119, %dma_wait3A_120] : memref<16x128xi32, #tpu.memory_space<vmem>> -> memref<8x128xi32, #tpu.memory_space<vmem>>
      %dma_wait3A_122 = arith.constant 0 : i32
      %dma_wait3A_123 = arith.constant 0 : i32
      %dma_wait3A_124 = arith.constant 0 : i32
      %dma_wait3A_125 = tpu.memref_slice %arg4[%arg1, %dma_wait3A_122, %dma_wait3A_123, %dma_wait3A_124] : memref<16x10x8x128xi32, #tpu.memory_space<hbm>> -> memref<1x10x8x128xi32, #tpu.memory_space<hbm>>
      %dma_wait3A_126 = tpu.memref_squeeze %dma_wait3A_125 : memref<1x10x8x128xi32, #tpu.memory_space<hbm>> -> memref<10x8x128xi32, #tpu.memory_space<hbm>>
      %dma_wait3A_127 = arith.constant 0 : i32
      %dma_wait3A_128 = arith.constant 0 : i32
      %dma_wait3A_129 = tpu.memref_slice %dma_wait3A_126[%run_scoped3A, %dma_wait3A_127, %dma_wait3A_128] : memref<10x8x128xi32, #tpu.memory_space<hbm>> -> memref<1x8x128xi32, #tpu.memory_space<hbm>>
      %dma_wait3A_130 = tpu.memref_squeeze %dma_wait3A_129 : memref<1x8x128xi32, #tpu.memory_space<hbm>> -> memref<8x128xi32, #tpu.memory_space<hbm>>
      %dma_wait3A_131 = arith.constant 0 : i32
      %dma_wait3A_132 = arith.constant 0 : i32
      %dma_wait3A_133 = tpu.memref_slice %arg10[%dma_wait3A_131, %dma_wait3A_132] : memref<16x128xi32, #tpu.memory_space<vmem>> -> memref<8x128xi32, #tpu.memory_space<vmem>>
      %dma_wait3A_134 = arith.constant 0 : i32
      %dma_wait3A_135 = arith.constant 0 : i32
      %dma_wait3A_136 = arith.constant 0 : i32
      %dma_wait3A_137 = tpu.memref_slice %arg4[%arg1, %dma_wait3A_134, %dma_wait3A_135, %dma_wait3A_136] : memref<16x10x8x128xi32, #tpu.memory_space<hbm>> -> memref<1x10x8x128xi32, #tpu.memory_space<hbm>>
      %dma_wait3A_138 = tpu.memref_squeeze %dma_wait3A_137 : memref<1x10x8x128xi32, #tpu.memory_space<hbm>> -> memref<10x8x128xi32, #tpu.memory_space<hbm>>
      %dma_wait3A_139 = arith.constant 0 : i32
      %dma_wait3A_140 = arith.constant 0 : i32
      %dma_wait3A_141 = tpu.memref_slice %dma_wait3A_138[%run_scoped3A, %dma_wait3A_139, %dma_wait3A_140] : memref<10x8x128xi32, #tpu.memory_space<hbm>> -> memref<1x8x128xi32, #tpu.memory_space<hbm>>
      %dma_wait3A_142 = tpu.memref_squeeze %dma_wait3A_141 : memref<1x8x128xi32, #tpu.memory_space<hbm>> -> memref<8x128xi32, #tpu.memory_space<hbm>>
      tpu.wait_dma2 semaphore(%run_scoped3A_94 : memref<!tpu.dma_semaphore, #tpu.memory_space<semaphore_mem>>) src(%dma_wait3A_142 : memref<8x128xi32, #tpu.memory_space<hbm>>) dst(%dma_wait3A_133 : memref<8x128xi32, #tpu.memory_space<vmem>>)
      tpu.yield
    }) : () -> ()
    %dma_start3A = arith.constant 1 : i32
    %dma_start3A_3 = arith.constant 8 : i32
    %dma_start3A_4 = arith.constant 0 : i32
    %dma_start3A_5 = tpu.memref_slice %arg10[%dma_start3A_3, %dma_start3A_4] : memref<16x128xi32, #tpu.memory_space<vmem>> -> memref<8x128xi32, #tpu.memory_space<vmem>>
    %dma_start3A_6 = arith.constant 0 : i32
    %dma_start3A_7 = arith.constant 0 : i32
    %dma_start3A_8 = arith.constant 0 : i32
    %dma_start3A_9 = tpu.memref_slice %arg4[%arg1, %dma_start3A_6, %dma_start3A_7, %dma_start3A_8] : memref<16x10x8x128xi32, #tpu.memory_space<hbm>> -> memref<1x10x8x128xi32, #tpu.memory_space<hbm>>
    %dma_start3A_10 = tpu.memref_squeeze %dma_start3A_9 : memref<1x10x8x128xi32, #tpu.memory_space<hbm>> -> memref<10x8x128xi32, #tpu.memory_space<hbm>>
    %dma_start3A_11 = arith.constant 0 : i32
    %dma_start3A_12 = arith.constant 0 : i32
    %dma_start3A_13 = tpu.memref_slice %dma_start3A_10[%dma_start3A, %dma_start3A_11, %dma_start3A_12] : memref<10x8x128xi32, #tpu.memory_space<hbm>> -> memref<1x8x128xi32, #tpu.memory_space<hbm>>
    %dma_start3A_14 = tpu.memref_squeeze %dma_start3A_13 : memref<1x8x128xi32, #tpu.memory_space<hbm>> -> memref<8x128xi32, #tpu.memory_space<hbm>>
    %dma_start3A_15 = arith.constant 8 : i32
    %dma_start3A_16 = arith.constant 0 : i32
    %dma_start3A_17 = tpu.memref_slice %arg10[%dma_start3A_15, %dma_start3A_16] : memref<16x128xi32, #tpu.memory_space<vmem>> -> memref<8x128xi32, #tpu.memory_space<vmem>>
    %dma_start3A_18 = arith.constant 0 : i32
    %dma_start3A_19 = arith.constant 0 : i32
    %dma_start3A_20 = arith.constant 0 : i32
    %dma_start3A_21 = tpu.memref_slice %arg4[%arg1, %dma_start3A_18, %dma_start3A_19, %dma_start3A_20] : memref<16x10x8x128xi32, #tpu.memory_space<hbm>> -> memref<1x10x8x128xi32, #tpu.memory_space<hbm>>
    %dma_start3A_22 = tpu.memref_squeeze %dma_start3A_21 : memref<1x10x8x128xi32, #tpu.memory_space<hbm>> -> memref<10x8x128xi32, #tpu.memory_space<hbm>>
    %dma_start3A_23 = arith.constant 0 : i32
    %dma_start3A_24 = arith.constant 0 : i32
    %dma_start3A_25 = tpu.memref_slice %dma_start3A_22[%dma_start3A, %dma_start3A_23, %dma_start3A_24] : memref<10x8x128xi32, #tpu.memory_space<hbm>> -> memref<1x8x128xi32, #tpu.memory_space<hbm>>
    %dma_start3A_26 = tpu.memref_squeeze %dma_start3A_25 : memref<1x8x128xi32, #tpu.memory_space<hbm>> -> memref<8x128xi32, #tpu.memory_space<hbm>>
    tpu.enqueue_dma source(%dma_start3A_26 : memref<8x128xi32, #tpu.memory_space<hbm>>) target(%dma_start3A_17 : memref<8x128xi32, #tpu.memory_space<vmem>>) target_semaphore(%arg17 : memref<!tpu.dma_semaphore, #tpu.memory_space<semaphore_mem>>)
    %barrier3A = arith.constant 0 : index
    tpu.barrier barrier_id(%barrier3A)
    %rem3A = arith.constant 0 : i32
    %rem3A_27 = arith.constant 2 : i32
    %rem3A_28 = arith.remsi %rem3A, %rem3A_27 : i32
    %mul3A_29 = arith.constant 8 : i32
    %mul3A_30 = arith.muli %rem3A_28, %mul3A_29 : i32
    %rem3A_31 = arith.constant 0 : i32
    %rem3A_32 = arith.constant 8 : i32
    %rem3A_33 = arith.remsi %rem3A_31, %rem3A_32 : i32
    %add3A = arith.addi %mul3A_30, %rem3A_33 : i32
    %eq3A = arith.constant 0 : i32
    %eq3A_34 = arith.cmpi eq, %arg0, %eq3A : i32
    %convert_element_type3A = arith.extui %eq3A_34 : i1 to i32
    %cond3A = arith.constant 0 : i32
    %cond3A_35 = arith.cmpi ne, %convert_element_type3A, %cond3A : i32
    scf.if %cond3A_35 {
      %rem3A_94 = arith.constant 0 : i32
      %rem3A_95 = arith.constant 2 : i32
      %rem3A_96 = arith.remsi %rem3A_94, %rem3A_95 : i32
      %mul3A_97 = arith.constant 2 : i32
      %mul3A_98 = arith.muli %rem3A_96, %mul3A_97 : i32
      %add3A_99 = arith.constant 0 : i32
      %add3A_100 = arith.addi %mul3A_98, %add3A_99 : i32
      %mul3A_101 = arith.constant 64 : i32
      %mul3A_102 = arith.muli %add3A_100, %mul3A_101 : i32
      %dma_start3A_103 = arith.constant 0 : i32
      %dma_start3A_104 = tpu.memref_slice %arg11[%mul3A_102, %dma_start3A_103] : memref<256x128xf32, #tpu.memory_space<vmem>> -> memref<64x128xf32, #tpu.memory_space<vmem>>
      %dma_start3A_105 = arith.constant 0 : i32
      %dma_start3A_106 = tpu.memref_slice %arg10[%add3A, %dma_start3A_105] : memref<16x128xi32, #tpu.memory_space<vmem>> -> memref<1x64xi32, #tpu.memory_space<vmem>>
      %dma_start3A_107 = tpu.memref_squeeze %dma_start3A_106 : memref<1x64xi32, #tpu.memory_space<vmem>> -> memref<64xi32, #tpu.memory_space<vmem>>
      %dma_start3A_108 = arith.constant 0 : i32
      %dma_start3A_109 = arith.constant 0 : i32
      %dma_start3A_110 = tpu.memref_slice %arg2[%dma_start3A_108, %dma_start3A_109] : memref<10240x128xf32, #tpu.memory_space<hbm>> -> memref<10240x128xf32, #tpu.memory_space<hbm>>
      tpu.enqueue_indirect_dma source(%dma_start3A_110 : memref<10240x128xf32, #tpu.memory_space<hbm>>) target(%dma_start3A_104 : memref<64x128xf32, #tpu.memory_space<vmem>>) offsets(%dma_start3A_107 : memref<64xi32, #tpu.memory_space<vmem>>) semaphore(%arg13 : memref<!tpu.dma_semaphore, #tpu.memory_space<semaphore_mem>>)
    } else {
    }
    %eq3A_36 = arith.constant 1 : i32
    %eq3A_37 = arith.cmpi eq, %arg0, %eq3A_36 : i32
    %convert_element_type3A_38 = arith.extui %eq3A_37 : i1 to i32
    %cond3A_39 = arith.constant 0 : i32
    %cond3A_40 = arith.cmpi ne, %convert_element_type3A_38, %cond3A_39 : i32
    scf.if %cond3A_40 {
      %rem3A_94 = arith.constant 0 : i32
      %rem3A_95 = arith.constant 2 : i32
      %rem3A_96 = arith.remsi %rem3A_94, %rem3A_95 : i32
      %mul3A_97 = arith.constant 2 : i32
      %mul3A_98 = arith.muli %rem3A_96, %mul3A_97 : i32
      %add3A_99 = arith.constant 0 : i32
      %add3A_100 = arith.addi %mul3A_98, %add3A_99 : i32
      %mul3A_101 = arith.constant 64 : i32
      %mul3A_102 = arith.muli %add3A_100, %mul3A_101 : i32
      %dma_start3A_103 = arith.constant 0 : i32
      %dma_start3A_104 = tpu.memref_slice %arg11[%mul3A_102, %dma_start3A_103] : memref<256x128xf32, #tpu.memory_space<vmem>> -> memref<64x128xf32, #tpu.memory_space<vmem>>
      %dma_start3A_105 = arith.constant 0 : i32
      %dma_start3A_106 = tpu.memref_slice %arg10[%add3A, %dma_start3A_105] : memref<16x128xi32, #tpu.memory_space<vmem>> -> memref<1x64xi32, #tpu.memory_space<vmem>>
      %dma_start3A_107 = tpu.memref_squeeze %dma_start3A_106 : memref<1x64xi32, #tpu.memory_space<vmem>> -> memref<64xi32, #tpu.memory_space<vmem>>
      %dma_start3A_108 = arith.constant 0 : i32
      %dma_start3A_109 = arith.constant 0 : i32
      %dma_start3A_110 = tpu.memref_slice %arg3[%dma_start3A_108, %dma_start3A_109] : memref<10240x128xf32, #tpu.memory_space<hbm>> -> memref<10240x128xf32, #tpu.memory_space<hbm>>
      tpu.enqueue_indirect_dma source(%dma_start3A_110 : memref<10240x128xf32, #tpu.memory_space<hbm>>) target(%dma_start3A_104 : memref<64x128xf32, #tpu.memory_space<vmem>>) offsets(%dma_start3A_107 : memref<64xi32, #tpu.memory_space<vmem>>) semaphore(%arg13 : memref<!tpu.dma_semaphore, #tpu.memory_space<semaphore_mem>>)
    } else {
    }
    %rem3A_41 = arith.constant 0 : i32
    %rem3A_42 = arith.constant 2 : i32
    %rem3A_43 = arith.remsi %rem3A_41, %rem3A_42 : i32
    %mul3A_44 = arith.constant 8 : i32
    %mul3A_45 = arith.muli %rem3A_43, %mul3A_44 : i32
    %rem3A_46 = arith.constant 0 : i32
    %rem3A_47 = arith.constant 8 : i32
    %rem3A_48 = arith.remsi %rem3A_46, %rem3A_47 : i32
    %add3A_49 = arith.addi %mul3A_45, %rem3A_48 : i32
    %eq3A_50 = arith.constant 0 : i32
    %eq3A_51 = arith.cmpi eq, %arg0, %eq3A_50 : i32
    %convert_element_type3A_52 = arith.extui %eq3A_51 : i1 to i32
    %cond3A_53 = arith.constant 0 : i32
    %cond3A_54 = arith.cmpi ne, %convert_element_type3A_52, %cond3A_53 : i32
    scf.if %cond3A_54 {
      %rem3A_94 = arith.constant 0 : i32
      %rem3A_95 = arith.constant 2 : i32
      %rem3A_96 = arith.remsi %rem3A_94, %rem3A_95 : i32
      %mul3A_97 = arith.constant 2 : i32
      %mul3A_98 = arith.muli %rem3A_96, %mul3A_97 : i32
      %add3A_99 = arith.constant 1 : i32
      %add3A_100 = arith.addi %mul3A_98, %add3A_99 : i32
      %mul3A_101 = arith.constant 64 : i32
      %mul3A_102 = arith.muli %add3A_100, %mul3A_101 : i32
      %dma_start3A_103 = arith.constant 0 : i32
      %dma_start3A_104 = tpu.memref_slice %arg11[%mul3A_102, %dma_start3A_103] : memref<256x128xf32, #tpu.memory_space<vmem>> -> memref<64x128xf32, #tpu.memory_space<vmem>>
      %dma_start3A_105 = arith.constant 64 : i32
      %dma_start3A_106 = tpu.memref_slice %arg10[%add3A_49, %dma_start3A_105] : memref<16x128xi32, #tpu.memory_space<vmem>> -> memref<1x64xi32, #tpu.memory_space<vmem>>
      %dma_start3A_107 = tpu.memref_squeeze %dma_start3A_106 : memref<1x64xi32, #tpu.memory_space<vmem>> -> memref<64xi32, #tpu.memory_space<vmem>>
      %dma_start3A_108 = arith.constant 0 : i32
      %dma_start3A_109 = arith.constant 0 : i32
      %dma_start3A_110 = tpu.memref_slice %arg2[%dma_start3A_108, %dma_start3A_109] : memref<10240x128xf32, #tpu.memory_space<hbm>> -> memref<10240x128xf32, #tpu.memory_space<hbm>>
      tpu.enqueue_indirect_dma source(%dma_start3A_110 : memref<10240x128xf32, #tpu.memory_space<hbm>>) target(%dma_start3A_104 : memref<64x128xf32, #tpu.memory_space<vmem>>) offsets(%dma_start3A_107 : memref<64xi32, #tpu.memory_space<vmem>>) semaphore(%arg14 : memref<!tpu.dma_semaphore, #tpu.memory_space<semaphore_mem>>)
    } else {
    }
    %eq3A_55 = arith.constant 1 : i32
    %eq3A_56 = arith.cmpi eq, %arg0, %eq3A_55 : i32
    %convert_element_type3A_57 = arith.extui %eq3A_56 : i1 to i32
    %cond3A_58 = arith.constant 0 : i32
    %cond3A_59 = arith.cmpi ne, %convert_element_type3A_57, %cond3A_58 : i32
    scf.if %cond3A_59 {
      %rem3A_94 = arith.constant 0 : i32
      %rem3A_95 = arith.constant 2 : i32
      %rem3A_96 = arith.remsi %rem3A_94, %rem3A_95 : i32
      %mul3A_97 = arith.constant 2 : i32
      %mul3A_98 = arith.muli %rem3A_96, %mul3A_97 : i32
      %add3A_99 = arith.constant 1 : i32
      %add3A_100 = arith.addi %mul3A_98, %add3A_99 : i32
      %mul3A_101 = arith.constant 64 : i32
      %mul3A_102 = arith.muli %add3A_100, %mul3A_101 : i32
      %dma_start3A_103 = arith.constant 0 : i32
      %dma_start3A_104 = tpu.memref_slice %arg11[%mul3A_102, %dma_start3A_103] : memref<256x128xf32, #tpu.memory_space<vmem>> -> memref<64x128xf32, #tpu.memory_space<vmem>>
      %dma_start3A_105 = arith.constant 64 : i32
      %dma_start3A_106 = tpu.memref_slice %arg10[%add3A_49, %dma_start3A_105] : memref<16x128xi32, #tpu.memory_space<vmem>> -> memref<1x64xi32, #tpu.memory_space<vmem>>
      %dma_start3A_107 = tpu.memref_squeeze %dma_start3A_106 : memref<1x64xi32, #tpu.memory_space<vmem>> -> memref<64xi32, #tpu.memory_space<vmem>>
      %dma_start3A_108 = arith.constant 0 : i32
      %dma_start3A_109 = arith.constant 0 : i32
      %dma_start3A_110 = tpu.memref_slice %arg3[%dma_start3A_108, %dma_start3A_109] : memref<10240x128xf32, #tpu.memory_space<hbm>> -> memref<10240x128xf32, #tpu.memory_space<hbm>>
      tpu.enqueue_indirect_dma source(%dma_start3A_110 : memref<10240x128xf32, #tpu.memory_space<hbm>>) target(%dma_start3A_104 : memref<64x128xf32, #tpu.memory_space<vmem>>) offsets(%dma_start3A_107 : memref<64xi32, #tpu.memory_space<vmem>>) semaphore(%arg14 : memref<!tpu.dma_semaphore, #tpu.memory_space<semaphore_mem>>)
    } else {
    }
    %scan3A = arith.constant 0 : i32
    %scan3A_60 = arith.constant 80 : i32
    %scan3A_61 = arith.addi %scan3A, %scan3A_60 : i32
    %scan3A_62 = arith.constant 1 : i32
    scf.for %scan3A_94 = %scan3A to %scan3A_61 step %scan3A_62  : i32 {
      %mul3A_95 = arith.constant 1 : i32
      %mul3A_96 = arith.muli %scan3A_94, %mul3A_95 : i32
      %add3A_97 = arith.constant 0 : i32
      %add3A_98 = arith.addi %add3A_97, %mul3A_96 : i32
      %add3A_99 = arith.constant 1 : i32
      %add3A_100 = arith.addi %add3A_98, %add3A_99 : i32
      %rem3A_101 = arith.constant 8 : i32
      %rem3A_102 = arith.remsi %add3A_100, %rem3A_101 : i32
      %eq3A_103 = arith.constant 0 : i32
      %eq3A_104 = arith.cmpi eq, %rem3A_102, %eq3A_103 : i32
      %lt3A = arith.constant 80 : i32
      %lt3A_105 = arith.cmpi slt, %add3A_100, %lt3A : i32
      %and3A = arith.andi %eq3A_104, %lt3A_105 : i1
      %convert_element_type3A_106 = arith.extui %and3A : i1 to i32
      %cond3A_107 = arith.constant 0 : i32
      %cond3A_108 = arith.cmpi ne, %convert_element_type3A_106, %cond3A_107 : i32
      scf.if %cond3A_108 {
        %dma_wait3A_186 = arith.constant 0 : i32
        %dma_wait3A_187 = arith.constant 0 : i32
        %dma_wait3A_188 = arith.constant 0 : i32
        %dma_wait3A_189 = tpu.memref_slice %arg10[%dma_wait3A_187, %dma_wait3A_188] : memref<16x128xi32, #tpu.memory_space<vmem>> -> memref<8x128xi32, #tpu.memory_space<vmem>>
        %dma_wait3A_190 = arith.constant 0 : i32
        %dma_wait3A_191 = arith.constant 0 : i32
        %dma_wait3A_192 = arith.constant 0 : i32
        %dma_wait3A_193 = tpu.memref_slice %arg4[%arg1, %dma_wait3A_190, %dma_wait3A_191, %dma_wait3A_192] : memref<16x10x8x128xi32, #tpu.memory_space<hbm>> -> memref<1x10x8x128xi32, #tpu.memory_space<hbm>>
        %dma_wait3A_194 = tpu.memref_squeeze %dma_wait3A_193 : memref<1x10x8x128xi32, #tpu.memory_space<hbm>> -> memref<10x8x128xi32, #tpu.memory_space<hbm>>
        %dma_wait3A_195 = arith.constant 0 : i32
        %dma_wait3A_196 = arith.constant 0 : i32
        %dma_wait3A_197 = tpu.memref_slice %dma_wait3A_194[%dma_wait3A_186, %dma_wait3A_195, %dma_wait3A_196] : memref<10x8x128xi32, #tpu.memory_space<hbm>> -> memref<1x8x128xi32, #tpu.memory_space<hbm>>
        %dma_wait3A_198 = tpu.memref_squeeze %dma_wait3A_197 : memref<1x8x128xi32, #tpu.memory_space<hbm>> -> memref<8x128xi32, #tpu.memory_space<hbm>>
        %dma_wait3A_199 = arith.constant 0 : i32
        %dma_wait3A_200 = arith.constant 0 : i32
        %dma_wait3A_201 = tpu.memref_slice %arg10[%dma_wait3A_199, %dma_wait3A_200] : memref<16x128xi32, #tpu.memory_space<vmem>> -> memref<8x128xi32, #tpu.memory_space<vmem>>
        %dma_wait3A_202 = arith.constant 0 : i32
        %dma_wait3A_203 = arith.constant 0 : i32
        %dma_wait3A_204 = arith.constant 0 : i32
        %dma_wait3A_205 = tpu.memref_slice %arg4[%arg1, %dma_wait3A_202, %dma_wait3A_203, %dma_wait3A_204] : memref<16x10x8x128xi32, #tpu.memory_space<hbm>> -> memref<1x10x8x128xi32, #tpu.memory_space<hbm>>
        %dma_wait3A_206 = tpu.memref_squeeze %dma_wait3A_205 : memref<1x10x8x128xi32, #tpu.memory_space<hbm>> -> memref<10x8x128xi32, #tpu.memory_space<hbm>>
        %dma_wait3A_207 = arith.constant 0 : i32
        %dma_wait3A_208 = arith.constant 0 : i32
        %dma_wait3A_209 = tpu.memref_slice %dma_wait3A_206[%dma_wait3A_186, %dma_wait3A_207, %dma_wait3A_208] : memref<10x8x128xi32, #tpu.memory_space<hbm>> -> memref<1x8x128xi32, #tpu.memory_space<hbm>>
        %dma_wait3A_210 = tpu.memref_squeeze %dma_wait3A_209 : memref<1x8x128xi32, #tpu.memory_space<hbm>> -> memref<8x128xi32, #tpu.memory_space<hbm>>
        tpu.wait_dma2 semaphore(%arg17 : memref<!tpu.dma_semaphore, #tpu.memory_space<semaphore_mem>>) src(%dma_wait3A_210 : memref<8x128xi32, #tpu.memory_space<hbm>>) dst(%dma_wait3A_201 : memref<8x128xi32, #tpu.memory_space<vmem>>)
      } else {
      }
      %dma_wait3A_109 = arith.constant 0 : i32
      %dma_wait3A_110 = arith.constant 0 : i32
      %dma_wait3A_111 = arith.constant 0 : i32
      %dma_wait3A_112 = tpu.memref_slice %arg11[%dma_wait3A_110, %dma_wait3A_111] : memref<256x128xf32, #tpu.memory_space<vmem>> -> memref<64x128xf32, #tpu.memory_space<vmem>>
      %dma_wait3A_113 = arith.constant 0 : i32
      %dma_wait3A_114 = tpu.memref_slice %arg10[%dma_wait3A_109, %dma_wait3A_113] : memref<16x128xi32, #tpu.memory_space<vmem>> -> memref<1x64xi32, #tpu.memory_space<vmem>>
      %dma_wait3A_115 = tpu.memref_squeeze %dma_wait3A_114 : memref<1x64xi32, #tpu.memory_space<vmem>> -> memref<64xi32, #tpu.memory_space<vmem>>
      %dma_wait3A_116 = arith.constant 0 : i32
      %dma_wait3A_117 = arith.constant 0 : i32
      %dma_wait3A_118 = tpu.memref_slice %arg2[%dma_wait3A_116, %dma_wait3A_117] : memref<10240x128xf32, #tpu.memory_space<hbm>> -> memref<10240x128xf32, #tpu.memory_space<hbm>>
      tpu.wait_indirect_dma semaphore(%arg13 : memref<!tpu.dma_semaphore, #tpu.memory_space<semaphore_mem>>) src(%dma_wait3A_118 : memref<10240x128xf32, #tpu.memory_space<hbm>>) dst(%dma_wait3A_112 : memref<64x128xf32, #tpu.memory_space<vmem>>)
      %ge3A = arith.constant 1 : i32
      %ge3A_119 = arith.cmpi sge, %add3A_98, %ge3A : i32
      %convert_element_type3A_120 = arith.extui %ge3A_119 : i1 to i32
      %cond3A_121 = arith.constant 0 : i32
      %cond3A_122 = arith.cmpi ne, %convert_element_type3A_120, %cond3A_121 : i32
      scf.if %cond3A_122 {
        %dma_wait3A_186 = arith.constant 0 : i32
        %dma_wait3A_187 = arith.constant 0 : i32
        %dma_wait3A_188 = arith.constant 0 : i32
        %dma_wait3A_189 = tpu.memref_slice %arg11[%dma_wait3A_187, %dma_wait3A_188] : memref<256x128xf32, #tpu.memory_space<vmem>> -> memref<64x128xf32, #tpu.memory_space<vmem>>
        %dma_wait3A_190 = arith.constant 0 : i32
        %dma_wait3A_191 = tpu.memref_slice %arg9[%dma_wait3A_186, %dma_wait3A_190] : memref<80x128xi32, #tpu.memory_space<vmem>> -> memref<1x64xi32, #tpu.memory_space<vmem>>
        %dma_wait3A_192 = tpu.memref_squeeze %dma_wait3A_191 : memref<1x64xi32, #tpu.memory_space<vmem>> -> memref<64xi32, #tpu.memory_space<vmem>>
        %dma_wait3A_193 = arith.constant 0 : i32
        %dma_wait3A_194 = arith.constant 0 : i32
        %dma_wait3A_195 = tpu.memref_slice %arg12[%dma_wait3A_193, %dma_wait3A_194] : memref<10240x128xf32, #tpu.memory_space<vmem_shared>> -> memref<10240x128xf32, #tpu.memory_space<vmem_shared>>
        tpu.wait_indirect_dma semaphore(%arg15 : memref<!tpu.dma_semaphore, #tpu.memory_space<semaphore_mem>>) src(%dma_wait3A_189 : memref<64x128xf32, #tpu.memory_space<vmem>>) dst(%dma_wait3A_195 : memref<10240x128xf32, #tpu.memory_space<vmem_shared>>)
      } else {
      }
      %lt3A_123 = arith.constant 80 : i32
      %lt3A_124 = arith.cmpi slt, %add3A_100, %lt3A_123 : i32
      %convert_element_type3A_125 = arith.extui %lt3A_124 : i1 to i32
      %cond3A_126 = arith.constant 0 : i32
      %cond3A_127 = arith.cmpi ne, %convert_element_type3A_125, %cond3A_126 : i32
      scf.if %cond3A_127 {
        %jit3A = arith.constant 8 : i32
        %div3A = arith.divsi %add3A_100, %jit3A : i32
        %sign3A = arith.constant 0 : i32
        %sign3A_186 = arith.cmpi sgt, %add3A_100, %sign3A : i32
        %sign3A_187 = arith.extui %sign3A_186 : i1 to i32
        %sign3A_188 = arith.constant 0 : i32
        %sign3A_189 = arith.cmpi slt, %add3A_100, %sign3A_188 : i32
        %sign3A_190 = arith.extui %sign3A_189 : i1 to i32
        %sign3A_191 = arith.subi %sign3A_187, %sign3A_190 : i32
        %sign3A_192 = arith.constant 0 : i32
        %sign3A_193 = arith.cmpi sgt, %jit3A, %sign3A_192 : i32
        %sign3A_194 = arith.extui %sign3A_193 : i1 to i32
        %sign3A_195 = arith.constant 0 : i32
        %sign3A_196 = arith.cmpi slt, %jit3A, %sign3A_195 : i32
        %sign3A_197 = arith.extui %sign3A_196 : i1 to i32
        %sign3A_198 = arith.subi %sign3A_194, %sign3A_197 : i32
        %ne3A = arith.cmpi ne, %sign3A_191, %sign3A_198 : i32
        %rem3A_199 = arith.remsi %add3A_100, %jit3A : i32
        %ne3A_200 = arith.constant 0 : i32
        %ne3A_201 = arith.cmpi ne, %rem3A_199, %ne3A_200 : i32
        %and3A_202 = arith.andi %ne3A, %ne3A_201 : i1
        %sub3A = arith.constant 1 : i32
        %sub3A_203 = arith.subi %div3A, %sub3A : i32
        %select_n3A = arith.select %and3A_202, %sub3A_203, %div3A : i32
        %rem3A_204 = arith.constant 2 : i32
        %rem3A_205 = arith.remsi %select_n3A, %rem3A_204 : i32
        %mul3A_206 = arith.constant 8 : i32
        %mul3A_207 = arith.muli %rem3A_205, %mul3A_206 : i32
        %rem3A_208 = arith.constant 8 : i32
        %rem3A_209 = arith.remsi %add3A_100, %rem3A_208 : i32
        %add3A_210 = arith.addi %mul3A_207, %rem3A_209 : i32
        %eq3A_211 = arith.constant 0 : i32
        %eq3A_212 = arith.cmpi eq, %arg0, %eq3A_211 : i32
        %convert_element_type3A_213 = arith.extui %eq3A_212 : i1 to i32
        %cond3A_214 = arith.constant 0 : i32
        %cond3A_215 = arith.cmpi ne, %convert_element_type3A_213, %cond3A_214 : i32
        scf.if %cond3A_215 {
          %rem3A_221 = arith.constant 2 : i32
          %rem3A_222 = arith.remsi %add3A_100, %rem3A_221 : i32
          %mul3A_223 = arith.constant 2 : i32
          %mul3A_224 = arith.muli %rem3A_222, %mul3A_223 : i32
          %add3A_225 = arith.constant 0 : i32
          %add3A_226 = arith.addi %mul3A_224, %add3A_225 : i32
          %mul3A_227 = arith.constant 64 : i32
          %mul3A_228 = arith.muli %add3A_226, %mul3A_227 : i32
          %dma_start3A_229 = arith.constant 0 : i32
          %dma_start3A_230 = tpu.memref_slice %arg11[%mul3A_228, %dma_start3A_229] : memref<256x128xf32, #tpu.memory_space<vmem>> -> memref<64x128xf32, #tpu.memory_space<vmem>>
          %dma_start3A_231 = arith.constant 0 : i32
          %dma_start3A_232 = tpu.memref_slice %arg10[%add3A_210, %dma_start3A_231] : memref<16x128xi32, #tpu.memory_space<vmem>> -> memref<1x64xi32, #tpu.memory_space<vmem>>
          %dma_start3A_233 = tpu.memref_squeeze %dma_start3A_232 : memref<1x64xi32, #tpu.memory_space<vmem>> -> memref<64xi32, #tpu.memory_space<vmem>>
          %dma_start3A_234 = arith.constant 0 : i32
          %dma_start3A_235 = arith.constant 0 : i32
          %dma_start3A_236 = tpu.memref_slice %arg2[%dma_start3A_234, %dma_start3A_235] : memref<10240x128xf32, #tpu.memory_space<hbm>> -> memref<10240x128xf32, #tpu.memory_space<hbm>>
          tpu.enqueue_indirect_dma source(%dma_start3A_236 : memref<10240x128xf32, #tpu.memory_space<hbm>>) target(%dma_start3A_230 : memref<64x128xf32, #tpu.memory_space<vmem>>) offsets(%dma_start3A_233 : memref<64xi32, #tpu.memory_space<vmem>>) semaphore(%arg13 : memref<!tpu.dma_semaphore, #tpu.memory_space<semaphore_mem>>)
        } else {
        }
        %eq3A_216 = arith.constant 1 : i32
        %eq3A_217 = arith.cmpi eq, %arg0, %eq3A_216 : i32
        %convert_element_type3A_218 = arith.extui %eq3A_217 : i1 to i32
        %cond3A_219 = arith.constant 0 : i32
        %cond3A_220 = arith.cmpi ne, %convert_element_type3A_218, %cond3A_219 : i32
        scf.if %cond3A_220 {
          %rem3A_221 = arith.constant 2 : i32
          %rem3A_222 = arith.remsi %add3A_100, %rem3A_221 : i32
          %mul3A_223 = arith.constant 2 : i32
          %mul3A_224 = arith.muli %rem3A_222, %mul3A_223 : i32
          %add3A_225 = arith.constant 0 : i32
          %add3A_226 = arith.addi %mul3A_224, %add3A_225 : i32
          %mul3A_227 = arith.constant 64 : i32
          %mul3A_228 = arith.muli %add3A_226, %mul3A_227 : i32
          %dma_start3A_229 = arith.constant 0 : i32
          %dma_start3A_230 = tpu.memref_slice %arg11[%mul3A_228, %dma_start3A_229] : memref<256x128xf32, #tpu.memory_space<vmem>> -> memref<64x128xf32, #tpu.memory_space<vmem>>
          %dma_start3A_231 = arith.constant 0 : i32
          %dma_start3A_232 = tpu.memref_slice %arg10[%add3A_210, %dma_start3A_231] : memref<16x128xi32, #tpu.memory_space<vmem>> -> memref<1x64xi32, #tpu.memory_space<vmem>>
          %dma_start3A_233 = tpu.memref_squeeze %dma_start3A_232 : memref<1x64xi32, #tpu.memory_space<vmem>> -> memref<64xi32, #tpu.memory_space<vmem>>
          %dma_start3A_234 = arith.constant 0 : i32
          %dma_start3A_235 = arith.constant 0 : i32
          %dma_start3A_236 = tpu.memref_slice %arg3[%dma_start3A_234, %dma_start3A_235] : memref<10240x128xf32, #tpu.memory_space<hbm>> -> memref<10240x128xf32, #tpu.memory_space<hbm>>
          tpu.enqueue_indirect_dma source(%dma_start3A_236 : memref<10240x128xf32, #tpu.memory_space<hbm>>) target(%dma_start3A_230 : memref<64x128xf32, #tpu.memory_space<vmem>>) offsets(%dma_start3A_233 : memref<64xi32, #tpu.memory_space<vmem>>) semaphore(%arg13 : memref<!tpu.dma_semaphore, #tpu.memory_space<semaphore_mem>>)
        } else {
        }
      } else {
      }
      %rem3A_128 = arith.constant 2 : i32
      %rem3A_129 = arith.remsi %add3A_98, %rem3A_128 : i32
      %mul3A_130 = arith.constant 2 : i32
      %mul3A_131 = arith.muli %rem3A_129, %mul3A_130 : i32
      %add3A_132 = arith.constant 0 : i32
      %add3A_133 = arith.addi %mul3A_131, %add3A_132 : i32
      %mul3A_134 = arith.constant 64 : i32
      %mul3A_135 = arith.muli %add3A_133, %mul3A_134 : i32
      %dma_start3A_136 = arith.constant 0 : i32
      %dma_start3A_137 = tpu.memref_slice %arg11[%mul3A_135, %dma_start3A_136] : memref<256x128xf32, #tpu.memory_space<vmem>> -> memref<64x128xf32, #tpu.memory_space<vmem>>
      %dma_start3A_138 = arith.constant 0 : i32
      %dma_start3A_139 = tpu.memref_slice %arg9[%add3A_98, %dma_start3A_138] : memref<80x128xi32, #tpu.memory_space<vmem>> -> memref<1x64xi32, #tpu.memory_space<vmem>>
      %dma_start3A_140 = tpu.memref_squeeze %dma_start3A_139 : memref<1x64xi32, #tpu.memory_space<vmem>> -> memref<64xi32, #tpu.memory_space<vmem>>
      %dma_start3A_141 = arith.constant 0 : i32
      %dma_start3A_142 = arith.constant 0 : i32
      %dma_start3A_143 = tpu.memref_slice %arg12[%dma_start3A_141, %dma_start3A_142] : memref<10240x128xf32, #tpu.memory_space<vmem_shared>> -> memref<10240x128xf32, #tpu.memory_space<vmem_shared>>
      tpu.enqueue_indirect_dma source(%dma_start3A_137 : memref<64x128xf32, #tpu.memory_space<vmem>>) target(%dma_start3A_143 : memref<10240x128xf32, #tpu.memory_space<vmem_shared>>) offsets(%dma_start3A_140 : memref<64xi32, #tpu.memory_space<vmem>>) semaphore(%arg15 : memref<!tpu.dma_semaphore, #tpu.memory_space<semaphore_mem>>) {add = true}
      %dma_wait3A_144 = arith.constant 0 : i32
      %dma_wait3A_145 = arith.constant 0 : i32
      %dma_wait3A_146 = arith.constant 0 : i32
      %dma_wait3A_147 = tpu.memref_slice %arg11[%dma_wait3A_145, %dma_wait3A_146] : memref<256x128xf32, #tpu.memory_space<vmem>> -> memref<64x128xf32, #tpu.memory_space<vmem>>
      %dma_wait3A_148 = arith.constant 0 : i32
      %dma_wait3A_149 = tpu.memref_slice %arg10[%dma_wait3A_144, %dma_wait3A_148] : memref<16x128xi32, #tpu.memory_space<vmem>> -> memref<1x64xi32, #tpu.memory_space<vmem>>
      %dma_wait3A_150 = tpu.memref_squeeze %dma_wait3A_149 : memref<1x64xi32, #tpu.memory_space<vmem>> -> memref<64xi32, #tpu.memory_space<vmem>>
      %dma_wait3A_151 = arith.constant 0 : i32
      %dma_wait3A_152 = arith.constant 0 : i32
      %dma_wait3A_153 = tpu.memref_slice %arg2[%dma_wait3A_151, %dma_wait3A_152] : memref<10240x128xf32, #tpu.memory_space<hbm>> -> memref<10240x128xf32, #tpu.memory_space<hbm>>
      tpu.wait_indirect_dma semaphore(%arg14 : memref<!tpu.dma_semaphore, #tpu.memory_space<semaphore_mem>>) src(%dma_wait3A_153 : memref<10240x128xf32, #tpu.memory_space<hbm>>) dst(%dma_wait3A_147 : memref<64x128xf32, #tpu.memory_space<vmem>>)
      %ge3A_154 = arith.constant 1 : i32
      %ge3A_155 = arith.cmpi sge, %add3A_98, %ge3A_154 : i32
      %convert_element_type3A_156 = arith.extui %ge3A_155 : i1 to i32
      %cond3A_157 = arith.constant 0 : i32
      %cond3A_158 = arith.cmpi ne, %convert_element_type3A_156, %cond3A_157 : i32
      scf.if %cond3A_158 {
        %dma_wait3A_186 = arith.constant 0 : i32
        %dma_wait3A_187 = arith.constant 0 : i32
        %dma_wait3A_188 = arith.constant 0 : i32
        %dma_wait3A_189 = tpu.memref_slice %arg11[%dma_wait3A_187, %dma_wait3A_188] : memref<256x128xf32, #tpu.memory_space<vmem>> -> memref<64x128xf32, #tpu.memory_space<vmem>>
        %dma_wait3A_190 = arith.constant 0 : i32
        %dma_wait3A_191 = tpu.memref_slice %arg9[%dma_wait3A_186, %dma_wait3A_190] : memref<80x128xi32, #tpu.memory_space<vmem>> -> memref<1x64xi32, #tpu.memory_space<vmem>>
        %dma_wait3A_192 = tpu.memref_squeeze %dma_wait3A_191 : memref<1x64xi32, #tpu.memory_space<vmem>> -> memref<64xi32, #tpu.memory_space<vmem>>
        %dma_wait3A_193 = arith.constant 0 : i32
        %dma_wait3A_194 = arith.constant 0 : i32
        %dma_wait3A_195 = tpu.memref_slice %arg12[%dma_wait3A_193, %dma_wait3A_194] : memref<10240x128xf32, #tpu.memory_space<vmem_shared>> -> memref<10240x128xf32, #tpu.memory_space<vmem_shared>>
        tpu.wait_indirect_dma semaphore(%arg16 : memref<!tpu.dma_semaphore, #tpu.memory_space<semaphore_mem>>) src(%dma_wait3A_189 : memref<64x128xf32, #tpu.memory_space<vmem>>) dst(%dma_wait3A_195 : memref<10240x128xf32, #tpu.memory_space<vmem_shared>>)
      } else {
      }
      %lt3A_159 = arith.constant 80 : i32
      %lt3A_160 = arith.cmpi slt, %add3A_100, %lt3A_159 : i32
      %convert_element_type3A_161 = arith.extui %lt3A_160 : i1 to i32
      %cond3A_162 = arith.constant 0 : i32
      %cond3A_163 = arith.cmpi ne, %convert_element_type3A_161, %cond3A_162 : i32
      scf.if %cond3A_163 {
        %jit3A = arith.constant 8 : i32
        %div3A = arith.divsi %add3A_100, %jit3A : i32
        %sign3A = arith.constant 0 : i32
        %sign3A_186 = arith.cmpi sgt, %add3A_100, %sign3A : i32
        %sign3A_187 = arith.extui %sign3A_186 : i1 to i32
        %sign3A_188 = arith.constant 0 : i32
        %sign3A_189 = arith.cmpi slt, %add3A_100, %sign3A_188 : i32
        %sign3A_190 = arith.extui %sign3A_189 : i1 to i32
        %sign3A_191 = arith.subi %sign3A_187, %sign3A_190 : i32
        %sign3A_192 = arith.constant 0 : i32
        %sign3A_193 = arith.cmpi sgt, %jit3A, %sign3A_192 : i32
        %sign3A_194 = arith.extui %sign3A_193 : i1 to i32
        %sign3A_195 = arith.constant 0 : i32
        %sign3A_196 = arith.cmpi slt, %jit3A, %sign3A_195 : i32
        %sign3A_197 = arith.extui %sign3A_196 : i1 to i32
        %sign3A_198 = arith.subi %sign3A_194, %sign3A_197 : i32
        %ne3A = arith.cmpi ne, %sign3A_191, %sign3A_198 : i32
        %rem3A_199 = arith.remsi %add3A_100, %jit3A : i32
        %ne3A_200 = arith.constant 0 : i32
        %ne3A_201 = arith.cmpi ne, %rem3A_199, %ne3A_200 : i32
        %and3A_202 = arith.andi %ne3A, %ne3A_201 : i1
        %sub3A = arith.constant 1 : i32
        %sub3A_203 = arith.subi %div3A, %sub3A : i32
        %select_n3A = arith.select %and3A_202, %sub3A_203, %div3A : i32
        %rem3A_204 = arith.constant 2 : i32
        %rem3A_205 = arith.remsi %select_n3A, %rem3A_204 : i32
        %mul3A_206 = arith.constant 8 : i32
        %mul3A_207 = arith.muli %rem3A_205, %mul3A_206 : i32
        %rem3A_208 = arith.constant 8 : i32
        %rem3A_209 = arith.remsi %add3A_100, %rem3A_208 : i32
        %add3A_210 = arith.addi %mul3A_207, %rem3A_209 : i32
        %eq3A_211 = arith.constant 0 : i32
        %eq3A_212 = arith.cmpi eq, %arg0, %eq3A_211 : i32
        %convert_element_type3A_213 = arith.extui %eq3A_212 : i1 to i32
        %cond3A_214 = arith.constant 0 : i32
        %cond3A_215 = arith.cmpi ne, %convert_element_type3A_213, %cond3A_214 : i32
        scf.if %cond3A_215 {
          %rem3A_221 = arith.constant 2 : i32
          %rem3A_222 = arith.remsi %add3A_100, %rem3A_221 : i32
          %mul3A_223 = arith.constant 2 : i32
          %mul3A_224 = arith.muli %rem3A_222, %mul3A_223 : i32
          %add3A_225 = arith.constant 1 : i32
          %add3A_226 = arith.addi %mul3A_224, %add3A_225 : i32
          %mul3A_227 = arith.constant 64 : i32
          %mul3A_228 = arith.muli %add3A_226, %mul3A_227 : i32
          %dma_start3A_229 = arith.constant 0 : i32
          %dma_start3A_230 = tpu.memref_slice %arg11[%mul3A_228, %dma_start3A_229] : memref<256x128xf32, #tpu.memory_space<vmem>> -> memref<64x128xf32, #tpu.memory_space<vmem>>
          %dma_start3A_231 = arith.constant 64 : i32
          %dma_start3A_232 = tpu.memref_slice %arg10[%add3A_210, %dma_start3A_231] : memref<16x128xi32, #tpu.memory_space<vmem>> -> memref<1x64xi32, #tpu.memory_space<vmem>>
          %dma_start3A_233 = tpu.memref_squeeze %dma_start3A_232 : memref<1x64xi32, #tpu.memory_space<vmem>> -> memref<64xi32, #tpu.memory_space<vmem>>
          %dma_start3A_234 = arith.constant 0 : i32
          %dma_start3A_235 = arith.constant 0 : i32
          %dma_start3A_236 = tpu.memref_slice %arg2[%dma_start3A_234, %dma_start3A_235] : memref<10240x128xf32, #tpu.memory_space<hbm>> -> memref<10240x128xf32, #tpu.memory_space<hbm>>
          tpu.enqueue_indirect_dma source(%dma_start3A_236 : memref<10240x128xf32, #tpu.memory_space<hbm>>) target(%dma_start3A_230 : memref<64x128xf32, #tpu.memory_space<vmem>>) offsets(%dma_start3A_233 : memref<64xi32, #tpu.memory_space<vmem>>) semaphore(%arg14 : memref<!tpu.dma_semaphore, #tpu.memory_space<semaphore_mem>>)
        } else {
        }
        %eq3A_216 = arith.constant 1 : i32
        %eq3A_217 = arith.cmpi eq, %arg0, %eq3A_216 : i32
        %convert_element_type3A_218 = arith.extui %eq3A_217 : i1 to i32
        %cond3A_219 = arith.constant 0 : i32
        %cond3A_220 = arith.cmpi ne, %convert_element_type3A_218, %cond3A_219 : i32
        scf.if %cond3A_220 {
          %rem3A_221 = arith.constant 2 : i32
          %rem3A_222 = arith.remsi %add3A_100, %rem3A_221 : i32
          %mul3A_223 = arith.constant 2 : i32
          %mul3A_224 = arith.muli %rem3A_222, %mul3A_223 : i32
          %add3A_225 = arith.constant 1 : i32
          %add3A_226 = arith.addi %mul3A_224, %add3A_225 : i32
          %mul3A_227 = arith.constant 64 : i32
          %mul3A_228 = arith.muli %add3A_226, %mul3A_227 : i32
          %dma_start3A_229 = arith.constant 0 : i32
          %dma_start3A_230 = tpu.memref_slice %arg11[%mul3A_228, %dma_start3A_229] : memref<256x128xf32, #tpu.memory_space<vmem>> -> memref<64x128xf32, #tpu.memory_space<vmem>>
          %dma_start3A_231 = arith.constant 64 : i32
          %dma_start3A_232 = tpu.memref_slice %arg10[%add3A_210, %dma_start3A_231] : memref<16x128xi32, #tpu.memory_space<vmem>> -> memref<1x64xi32, #tpu.memory_space<vmem>>
          %dma_start3A_233 = tpu.memref_squeeze %dma_start3A_232 : memref<1x64xi32, #tpu.memory_space<vmem>> -> memref<64xi32, #tpu.memory_space<vmem>>
          %dma_start3A_234 = arith.constant 0 : i32
          %dma_start3A_235 = arith.constant 0 : i32
          %dma_start3A_236 = tpu.memref_slice %arg3[%dma_start3A_234, %dma_start3A_235] : memref<10240x128xf32, #tpu.memory_space<hbm>> -> memref<10240x128xf32, #tpu.memory_space<hbm>>
          tpu.enqueue_indirect_dma source(%dma_start3A_236 : memref<10240x128xf32, #tpu.memory_space<hbm>>) target(%dma_start3A_230 : memref<64x128xf32, #tpu.memory_space<vmem>>) offsets(%dma_start3A_233 : memref<64xi32, #tpu.memory_space<vmem>>) semaphore(%arg14 : memref<!tpu.dma_semaphore, #tpu.memory_space<semaphore_mem>>)
        } else {
        }
      } else {
      }
      %rem3A_164 = arith.constant 2 : i32
      %rem3A_165 = arith.remsi %add3A_98, %rem3A_164 : i32
      %mul3A_166 = arith.constant 2 : i32
      %mul3A_167 = arith.muli %rem3A_165, %mul3A_166 : i32
      %add3A_168 = arith.constant 1 : i32
      %add3A_169 = arith.addi %mul3A_167, %add3A_168 : i32
      %mul3A_170 = arith.constant 64 : i32
      %mul3A_171 = arith.muli %add3A_169, %mul3A_170 : i32
      %dma_start3A_172 = arith.constant 0 : i32
      %dma_start3A_173 = tpu.memref_slice %arg11[%mul3A_171, %dma_start3A_172] : memref<256x128xf32, #tpu.memory_space<vmem>> -> memref<64x128xf32, #tpu.memory_space<vmem>>
      %dma_start3A_174 = arith.constant 64 : i32
      %dma_start3A_175 = tpu.memref_slice %arg9[%add3A_98, %dma_start3A_174] : memref<80x128xi32, #tpu.memory_space<vmem>> -> memref<1x64xi32, #tpu.memory_space<vmem>>
      %dma_start3A_176 = tpu.memref_squeeze %dma_start3A_175 : memref<1x64xi32, #tpu.memory_space<vmem>> -> memref<64xi32, #tpu.memory_space<vmem>>
      %dma_start3A_177 = arith.constant 0 : i32
      %dma_start3A_178 = arith.constant 0 : i32
      %dma_start3A_179 = tpu.memref_slice %arg12[%dma_start3A_177, %dma_start3A_178] : memref<10240x128xf32, #tpu.memory_space<vmem_shared>> -> memref<10240x128xf32, #tpu.memory_space<vmem_shared>>
      tpu.enqueue_indirect_dma source(%dma_start3A_173 : memref<64x128xf32, #tpu.memory_space<vmem>>) target(%dma_start3A_179 : memref<10240x128xf32, #tpu.memory_space<vmem_shared>>) offsets(%dma_start3A_176 : memref<64xi32, #tpu.memory_space<vmem>>) semaphore(%arg16 : memref<!tpu.dma_semaphore, #tpu.memory_space<semaphore_mem>>) {add = true}
      %lt3A_180 = arith.constant 80 : i32
      %lt3A_181 = arith.cmpi slt, %add3A_100, %lt3A_180 : i32
      %and3A_182 = arith.andi %eq3A_104, %lt3A_181 : i1
      %convert_element_type3A_183 = arith.extui %and3A_182 : i1 to i32
      %cond3A_184 = arith.constant 0 : i32
      %cond3A_185 = arith.cmpi ne, %convert_element_type3A_183, %cond3A_184 : i32
      scf.if %cond3A_185 {
        %jit3A = arith.constant 8 : i32
        %div3A = arith.divsi %add3A_100, %jit3A : i32
        %sign3A = arith.constant 0 : i32
        %sign3A_186 = arith.cmpi sgt, %add3A_100, %sign3A : i32
        %sign3A_187 = arith.extui %sign3A_186 : i1 to i32
        %sign3A_188 = arith.constant 0 : i32
        %sign3A_189 = arith.cmpi slt, %add3A_100, %sign3A_188 : i32
        %sign3A_190 = arith.extui %sign3A_189 : i1 to i32
        %sign3A_191 = arith.subi %sign3A_187, %sign3A_190 : i32
        %sign3A_192 = arith.constant 0 : i32
        %sign3A_193 = arith.cmpi sgt, %jit3A, %sign3A_192 : i32
        %sign3A_194 = arith.extui %sign3A_193 : i1 to i32
        %sign3A_195 = arith.constant 0 : i32
        %sign3A_196 = arith.cmpi slt, %jit3A, %sign3A_195 : i32
        %sign3A_197 = arith.extui %sign3A_196 : i1 to i32
        %sign3A_198 = arith.subi %sign3A_194, %sign3A_197 : i32
        %ne3A = arith.cmpi ne, %sign3A_191, %sign3A_198 : i32
        %rem3A_199 = arith.remsi %add3A_100, %jit3A : i32
        %ne3A_200 = arith.constant 0 : i32
        %ne3A_201 = arith.cmpi ne, %rem3A_199, %ne3A_200 : i32
        %and3A_202 = arith.andi %ne3A, %ne3A_201 : i1
        %sub3A = arith.constant 1 : i32
        %sub3A_203 = arith.subi %div3A, %sub3A : i32
        %select_n3A = arith.select %and3A_202, %sub3A_203, %div3A : i32
        %add3A_204 = arith.constant 1 : i32
        %add3A_205 = arith.addi %select_n3A, %add3A_204 : i32
        %lt3A_206 = arith.constant 10 : i32
        %lt3A_207 = arith.cmpi slt, %add3A_205, %lt3A_206 : i32
        %convert_element_type3A_208 = arith.extui %lt3A_207 : i1 to i32
        %cond3A_209 = arith.constant 0 : i32
        %cond3A_210 = arith.cmpi ne, %convert_element_type3A_208, %cond3A_209 : i32
        scf.if %cond3A_210 {
          %add3A_211 = arith.constant 1 : i32
          %add3A_212 = arith.addi %select_n3A, %add3A_211 : i32
          %add3A_213 = arith.constant 1 : i32
          %add3A_214 = arith.addi %select_n3A, %add3A_213 : i32
          %rem3A_215 = arith.constant 2 : i32
          %rem3A_216 = arith.remsi %add3A_214, %rem3A_215 : i32
          %mul3A_217 = arith.constant 8 : i32
          %mul3A_218 = arith.muli %rem3A_216, %mul3A_217 : i32
          %dma_start3A_219 = arith.constant 0 : i32
          %dma_start3A_220 = tpu.memref_slice %arg10[%mul3A_218, %dma_start3A_219] : memref<16x128xi32, #tpu.memory_space<vmem>> -> memref<8x128xi32, #tpu.memory_space<vmem>>
          %dma_start3A_221 = arith.constant 0 : i32
          %dma_start3A_222 = arith.constant 0 : i32
          %dma_start3A_223 = arith.constant 0 : i32
          %dma_start3A_224 = tpu.memref_slice %arg4[%arg1, %dma_start3A_221, %dma_start3A_222, %dma_start3A_223] : memref<16x10x8x128xi32, #tpu.memory_space<hbm>> -> memref<1x10x8x128xi32, #tpu.memory_space<hbm>>
          %dma_start3A_225 = tpu.memref_squeeze %dma_start3A_224 : memref<1x10x8x128xi32, #tpu.memory_space<hbm>> -> memref<10x8x128xi32, #tpu.memory_space<hbm>>
          %dma_start3A_226 = arith.constant 0 : i32
          %dma_start3A_227 = arith.constant 0 : i32
          %dma_start3A_228 = tpu.memref_slice %dma_start3A_225[%add3A_212, %dma_start3A_226, %dma_start3A_227] : memref<10x8x128xi32, #tpu.memory_space<hbm>> -> memref<1x8x128xi32, #tpu.memory_space<hbm>>
          %dma_start3A_229 = tpu.memref_squeeze %dma_start3A_228 : memref<1x8x128xi32, #tpu.memory_space<hbm>> -> memref<8x128xi32, #tpu.memory_space<hbm>>
          %dma_start3A_230 = arith.constant 0 : i32
          %dma_start3A_231 = tpu.memref_slice %arg10[%mul3A_218, %dma_start3A_230] : memref<16x128xi32, #tpu.memory_space<vmem>> -> memref<8x128xi32, #tpu.memory_space<vmem>>
          %dma_start3A_232 = arith.constant 0 : i32
          %dma_start3A_233 = arith.constant 0 : i32
          %dma_start3A_234 = arith.constant 0 : i32
          %dma_start3A_235 = tpu.memref_slice %arg4[%arg1, %dma_start3A_232, %dma_start3A_233, %dma_start3A_234] : memref<16x10x8x128xi32, #tpu.memory_space<hbm>> -> memref<1x10x8x128xi32, #tpu.memory_space<hbm>>
          %dma_start3A_236 = tpu.memref_squeeze %dma_start3A_235 : memref<1x10x8x128xi32, #tpu.memory_space<hbm>> -> memref<10x8x128xi32, #tpu.memory_space<hbm>>
          %dma_start3A_237 = arith.constant 0 : i32
          %dma_start3A_238 = arith.constant 0 : i32
          %dma_start3A_239 = tpu.memref_slice %dma_start3A_236[%add3A_212, %dma_start3A_237, %dma_start3A_238] : memref<10x8x128xi32, #tpu.memory_space<hbm>> -> memref<1x8x128xi32, #tpu.memory_space<hbm>>
          %dma_start3A_240 = tpu.memref_squeeze %dma_start3A_239 : memref<1x8x128xi32, #tpu.memory_space<hbm>> -> memref<8x128xi32, #tpu.memory_space<hbm>>
          tpu.enqueue_dma source(%dma_start3A_240 : memref<8x128xi32, #tpu.memory_space<hbm>>) target(%dma_start3A_231 : memref<8x128xi32, #tpu.memory_space<vmem>>) target_semaphore(%arg17 : memref<!tpu.dma_semaphore, #tpu.memory_space<semaphore_mem>>)
        } else {
        }
      } else {
      }
    }
    %scan3A_63 = arith.constant 80 : i32
    %dma_wait3A = arith.constant 0 : i32
    %dma_wait3A_64 = arith.constant 0 : i32
    %dma_wait3A_65 = arith.constant 0 : i32
    %dma_wait3A_66 = tpu.memref_slice %arg11[%dma_wait3A_64, %dma_wait3A_65] : memref<256x128xf32, #tpu.memory_space<vmem>> -> memref<64x128xf32, #tpu.memory_space<vmem>>
    %dma_wait3A_67 = arith.constant 0 : i32
    %dma_wait3A_68 = tpu.memref_slice %arg9[%dma_wait3A, %dma_wait3A_67] : memref<80x128xi32, #tpu.memory_space<vmem>> -> memref<1x64xi32, #tpu.memory_space<vmem>>
    %dma_wait3A_69 = tpu.memref_squeeze %dma_wait3A_68 : memref<1x64xi32, #tpu.memory_space<vmem>> -> memref<64xi32, #tpu.memory_space<vmem>>
    %dma_wait3A_70 = arith.constant 0 : i32
    %dma_wait3A_71 = arith.constant 0 : i32
    %dma_wait3A_72 = tpu.memref_slice %arg12[%dma_wait3A_70, %dma_wait3A_71] : memref<10240x128xf32, #tpu.memory_space<vmem_shared>> -> memref<10240x128xf32, #tpu.memory_space<vmem_shared>>
    tpu.wait_indirect_dma semaphore(%arg15 : memref<!tpu.dma_semaphore, #tpu.memory_space<semaphore_mem>>) src(%dma_wait3A_66 : memref<64x128xf32, #tpu.memory_space<vmem>>) dst(%dma_wait3A_72 : memref<10240x128xf32, #tpu.memory_space<vmem_shared>>)
    %dma_wait3A_73 = arith.constant 0 : i32
    %dma_wait3A_74 = arith.constant 0 : i32
    %dma_wait3A_75 = arith.constant 0 : i32
    %dma_wait3A_76 = tpu.memref_slice %arg11[%dma_wait3A_74, %dma_wait3A_75] : memref<256x128xf32, #tpu.memory_space<vmem>> -> memref<64x128xf32, #tpu.memory_space<vmem>>
    %dma_wait3A_77 = arith.constant 0 : i32
    %dma_wait3A_78 = tpu.memref_slice %arg9[%dma_wait3A_73, %dma_wait3A_77] : memref<80x128xi32, #tpu.memory_space<vmem>> -> memref<1x64xi32, #tpu.memory_space<vmem>>
    %dma_wait3A_79 = tpu.memref_squeeze %dma_wait3A_78 : memref<1x64xi32, #tpu.memory_space<vmem>> -> memref<64xi32, #tpu.memory_space<vmem>>
    %dma_wait3A_80 = arith.constant 0 : i32
    %dma_wait3A_81 = arith.constant 0 : i32
    %dma_wait3A_82 = tpu.memref_slice %arg12[%dma_wait3A_80, %dma_wait3A_81] : memref<10240x128xf32, #tpu.memory_space<vmem_shared>> -> memref<10240x128xf32, #tpu.memory_space<vmem_shared>>
    tpu.wait_indirect_dma semaphore(%arg16 : memref<!tpu.dma_semaphore, #tpu.memory_space<semaphore_mem>>) src(%dma_wait3A_76 : memref<64x128xf32, #tpu.memory_space<vmem>>) dst(%dma_wait3A_82 : memref<10240x128xf32, #tpu.memory_space<vmem_shared>>)
    %barrier3A_83 = arith.constant 0 : index
    tpu.barrier barrier_id(%barrier3A_83)
    %eq3A_84 = arith.constant 0 : i32
    %eq3A_85 = arith.cmpi eq, %arg0, %eq3A_84 : i32
    %convert_element_type3A_86 = arith.extui %eq3A_85 : i1 to i32
    %cond3A_87 = arith.constant 0 : i32
    %cond3A_88 = arith.cmpi ne, %convert_element_type3A_86, %cond3A_87 : i32
    scf.if %cond3A_88 {
      %mul3A_94 = arith.constant 640 : i32
      %mul3A_95 = arith.muli %arg1, %mul3A_94 : i32
      %mul3A_96 = arith.constant 640 : i32
      %mul3A_97 = arith.muli %arg1, %mul3A_96 : i32
      "tpu.region"() ({
        %run_scoped3A_98 = tpu.sem_alloc : memref<!tpu.dma_semaphore, #tpu.memory_space<semaphore_mem>>
        %dma_start3A_99 = arith.constant 0 : i32
        %dma_start3A_100 = tpu.memref_slice %arg7[%mul3A_97, %dma_start3A_99] : memref<10240x128xf32, #tpu.memory_space<hbm>> -> memref<640x128xf32, #tpu.memory_space<hbm>>
        %dma_start3A_101 = arith.constant 0 : i32
        %dma_start3A_102 = tpu.memref_slice %arg12[%mul3A_95, %dma_start3A_101] : memref<10240x128xf32, #tpu.memory_space<vmem_shared>> -> memref<640x128xf32, #tpu.memory_space<vmem_shared>>
        tpu.enqueue_dma source(%dma_start3A_102 : memref<640x128xf32, #tpu.memory_space<vmem_shared>>) target(%dma_start3A_100 : memref<640x128xf32, #tpu.memory_space<hbm>>) target_semaphore(%run_scoped3A_98 : memref<!tpu.dma_semaphore, #tpu.memory_space<semaphore_mem>>)
        %dma_wait3A_103 = arith.constant 0 : i32
        %dma_wait3A_104 = tpu.memref_slice %arg7[%mul3A_97, %dma_wait3A_103] : memref<10240x128xf32, #tpu.memory_space<hbm>> -> memref<640x128xf32, #tpu.memory_space<hbm>>
        %dma_wait3A_105 = arith.constant 0 : i32
        %dma_wait3A_106 = tpu.memref_slice %arg12[%mul3A_95, %dma_wait3A_105] : memref<10240x128xf32, #tpu.memory_space<vmem_shared>> -> memref<640x128xf32, #tpu.memory_space<vmem_shared>>
        tpu.wait_dma2 semaphore(%run_scoped3A_98 : memref<!tpu.dma_semaphore, #tpu.memory_space<semaphore_mem>>) src(%dma_wait3A_106 : memref<640x128xf32, #tpu.memory_space<vmem_shared>>) dst(%dma_wait3A_104 : memref<640x128xf32, #tpu.memory_space<hbm>>)
        tpu.yield
      }) : () -> ()
    } else {
    }
    %eq3A_89 = arith.constant 1 : i32
    %eq3A_90 = arith.cmpi eq, %arg0, %eq3A_89 : i32
    %convert_element_type3A_91 = arith.extui %eq3A_90 : i1 to i32
    %cond3A_92 = arith.constant 0 : i32
    %cond3A_93 = arith.cmpi ne, %convert_element_type3A_91, %cond3A_92 : i32
    scf.if %cond3A_93 {
      %mul3A_94 = arith.constant 640 : i32
      %mul3A_95 = arith.muli %arg1, %mul3A_94 : i32
      %mul3A_96 = arith.constant 640 : i32
      %mul3A_97 = arith.muli %arg1, %mul3A_96 : i32
      "tpu.region"() ({
        %run_scoped3A_98 = tpu.sem_alloc : memref<!tpu.dma_semaphore, #tpu.memory_space<semaphore_mem>>
        %dma_start3A_99 = arith.constant 0 : i32
        %dma_start3A_100 = tpu.memref_slice %arg8[%mul3A_97, %dma_start3A_99] : memref<10240x128xf32, #tpu.memory_space<hbm>> -> memref<640x128xf32, #tpu.memory_space<hbm>>
        %dma_start3A_101 = arith.constant 0 : i32
        %dma_start3A_102 = tpu.memref_slice %arg12[%mul3A_95, %dma_start3A_101] : memref<10240x128xf32, #tpu.memory_space<vmem_shared>> -> memref<640x128xf32, #tpu.memory_space<vmem_shared>>
        tpu.enqueue_dma source(%dma_start3A_102 : memref<640x128xf32, #tpu.memory_space<vmem_shared>>) target(%dma_start3A_100 : memref<640x128xf32, #tpu.memory_space<hbm>>) target_semaphore(%run_scoped3A_98 : memref<!tpu.dma_semaphore, #tpu.memory_space<semaphore_mem>>)
        %dma_wait3A_103 = arith.constant 0 : i32
        %dma_wait3A_104 = tpu.memref_slice %arg8[%mul3A_97, %dma_wait3A_103] : memref<10240x128xf32, #tpu.memory_space<hbm>> -> memref<640x128xf32, #tpu.memory_space<hbm>>
        %dma_wait3A_105 = arith.constant 0 : i32
        %dma_wait3A_106 = tpu.memref_slice %arg12[%mul3A_95, %dma_wait3A_105] : memref<10240x128xf32, #tpu.memory_space<vmem_shared>> -> memref<640x128xf32, #tpu.memory_space<vmem_shared>>
        tpu.wait_dma2 semaphore(%run_scoped3A_98 : memref<!tpu.dma_semaphore, #tpu.memory_space<semaphore_mem>>) src(%dma_wait3A_106 : memref<640x128xf32, #tpu.memory_space<vmem_shared>>) dst(%dma_wait3A_104 : memref<640x128xf32, #tpu.memory_space<hbm>>)
        tpu.yield
      }) : () -> ()
    } else {
    }
    return
  }
}

#map = affine_map<(d0, d1) -> (0, 0)>
#map1 = affine_map<(d0, d1) -> (0, 0, 0, 0)>
#map2 = affine_map<(d0, d1) -> (0, 0, 0)>
module attributes {stable_mosaic.version = 14 : i64} {
  func.func @_sc_spmm(%arg0: i32, %arg1: i32, %arg2: memref<10240x128xf32, #tpu.memory_space<hbm>>, %arg3: memref<10240x128xf32, #tpu.memory_space<hbm>>, %arg4: memref<16x10x8x128xi32, #tpu.memory_space<hbm>>, %arg5: memref<16x80x128xi32, #tpu.memory_space<hbm>>, %arg6: memref<10240x128xf32, #tpu.memory_space<hbm>>, %arg7: memref<10240x128xf32, #tpu.memory_space<hbm>>, %arg8: memref<10240x128xf32, #tpu.memory_space<hbm>>, %arg9: memref<80x128xi32, #tpu.memory_space<vmem>>, %arg10: memref<16x128xi32, #tpu.memory_space<vmem>>, %arg11: memref<256x128xf32, #tpu.memory_space<vmem>>, %arg12: memref<10240x128xf32, #tpu.memory_space<vmem_shared>>, %arg13: memref<!tpu.dma_semaphore, #tpu.memory_space<semaphore_mem>>, %arg14: memref<!tpu.dma_semaphore, #tpu.memory_space<semaphore_mem>>, %arg15: memref<!tpu.dma_semaphore, #tpu.memory_space<semaphore_mem>>, %arg16: memref<!tpu.dma_semaphore, #tpu.memory_space<semaphore_mem>>, %arg17: memref<!tpu.dma_semaphore, #tpu.memory_space<semaphore_mem>>) attributes {dimension_semantics = [#tpu.dimension_semantics<core_parallel>, #tpu.dimension_semantics<subcore_parallel>], iteration_bounds = array<i64: 2, 16>, scalar_prefetch = 0 : i64, scratch_operands = 9 : i64, tpu.core_type = #tpu.core_type<sc_vector_subcore>, window_params = [{transform_indices = #map}, {transform_indices = #map}, {transform_indices = #map1}, {transform_indices = #map2}, {transform_indices = #map}, {transform_indices = #map}, {transform_indices = #map}]} {
    "tpu.region"() ({
      %run_scoped3A_94 = tpu.sem_alloc : memref<!tpu.dma_semaphore, #tpu.memory_space<semaphore_mem>>
      %dma_start3A_95 = arith.constant 0 : i32
      %dma_start3A_96 = arith.constant 0 : i32
      %dma_start3A_97 = tpu.memref_slice %arg5[%arg1, %dma_start3A_95, %dma_start3A_96] : memref<16x80x128xi32, #tpu.memory_space<hbm>> -> memref<1x80x128xi32, #tpu.memory_space<hbm>>
      %dma_start3A_98 = tpu.memref_squeeze %dma_start3A_97 : memref<1x80x128xi32, #tpu.memory_space<hbm>> -> memref<80x128xi32, #tpu.memory_space<hbm>>
      %dma_start3A_99 = arith.constant 0 : i32
      %dma_start3A_100 = arith.constant 0 : i32
      %dma_start3A_101 = tpu.memref_slice %arg5[%arg1, %dma_start3A_99, %dma_start3A_100] : memref<16x80x128xi32, #tpu.memory_space<hbm>> -> memref<1x80x128xi32, #tpu.memory_space<hbm>>
      %dma_start3A_102 = tpu.memref_squeeze %dma_start3A_101 : memref<1x80x128xi32, #tpu.memory_space<hbm>> -> memref<80x128xi32, #tpu.memory_space<hbm>>
      tpu.enqueue_dma source(%dma_start3A_102 : memref<80x128xi32, #tpu.memory_space<hbm>>) target(%arg9 : memref<80x128xi32, #tpu.memory_space<vmem>>) target_semaphore(%run_scoped3A_94 : memref<!tpu.dma_semaphore, #tpu.memory_space<semaphore_mem>>)
      %dma_wait3A_103 = arith.constant 0 : i32
      %dma_wait3A_104 = arith.constant 0 : i32
      %dma_wait3A_105 = tpu.memref_slice %arg5[%arg1, %dma_wait3A_103, %dma_wait3A_104] : memref<16x80x128xi32, #tpu.memory_space<hbm>> -> memref<1x80x128xi32, #tpu.memory_space<hbm>>
      %dma_wait3A_106 = tpu.memref_squeeze %dma_wait3A_105 : memref<1x80x128xi32, #tpu.memory_space<hbm>> -> memref<80x128xi32, #tpu.memory_space<hbm>>
      %dma_wait3A_107 = arith.constant 0 : i32
      %dma_wait3A_108 = arith.constant 0 : i32
      %dma_wait3A_109 = tpu.memref_slice %arg5[%arg1, %dma_wait3A_107, %dma_wait3A_108] : memref<16x80x128xi32, #tpu.memory_space<hbm>> -> memref<1x80x128xi32, #tpu.memory_space<hbm>>
      %dma_wait3A_110 = tpu.memref_squeeze %dma_wait3A_109 : memref<1x80x128xi32, #tpu.memory_space<hbm>> -> memref<80x128xi32, #tpu.memory_space<hbm>>
      tpu.wait_dma2 semaphore(%run_scoped3A_94 : memref<!tpu.dma_semaphore, #tpu.memory_space<semaphore_mem>>) src(%dma_wait3A_110 : memref<80x128xi32, #tpu.memory_space<hbm>>) dst(%arg9 : memref<80x128xi32, #tpu.memory_space<vmem>>)
      tpu.yield
    }) : () -> ()
    %mul3A = arith.constant 640 : i32
    %mul3A_0 = arith.muli %arg1, %mul3A : i32
    %mul3A_1 = arith.constant 640 : i32
    %mul3A_2 = arith.muli %arg1, %mul3A_1 : i32
    "tpu.region"() ({
      %run_scoped3A_94 = tpu.sem_alloc : memref<!tpu.dma_semaphore, #tpu.memory_space<semaphore_mem>>
      %dma_start3A_95 = arith.constant 0 : i32
      %dma_start3A_96 = tpu.memref_slice %arg12[%mul3A_2, %dma_start3A_95] : memref<10240x128xf32, #tpu.memory_space<vmem_shared>> -> memref<640x128xf32, #tpu.memory_space<vmem_shared>>
      %dma_start3A_97 = arith.constant 0 : i32
      %dma_start3A_98 = tpu.memref_slice %arg6[%mul3A_0, %dma_start3A_97] : memref<10240x128xf32, #tpu.memory_space<hbm>> -> memref<640x128xf32, #tpu.memory_space<hbm>>
      tpu.enqueue_dma source(%dma_start3A_98 : memref<640x128xf32, #tpu.memory_space<hbm>>) target(%dma_start3A_96 : memref<640x128xf32, #tpu.memory_space<vmem_shared>>) target_semaphore(%run_scoped3A_94 : memref<!tpu.dma_semaphore, #tpu.memory_space<semaphore_mem>>)
      %dma_wait3A_99 = arith.constant 0 : i32
      %dma_wait3A_100 = tpu.memref_slice %arg12[%mul3A_2, %dma_wait3A_99] : memref<10240x128xf32, #tpu.memory_space<vmem_shared>> -> memref<640x128xf32, #tpu.memory_space<vmem_shared>>
      %dma_wait3A_101 = arith.constant 0 : i32
      %dma_wait3A_102 = tpu.memref_slice %arg6[%mul3A_0, %dma_wait3A_101] : memref<10240x128xf32, #tpu.memory_space<hbm>> -> memref<640x128xf32, #tpu.memory_space<hbm>>
      tpu.wait_dma2 semaphore(%run_scoped3A_94 : memref<!tpu.dma_semaphore, #tpu.memory_space<semaphore_mem>>) src(%dma_wait3A_102 : memref<640x128xf32, #tpu.memory_space<hbm>>) dst(%dma_wait3A_100 : memref<640x128xf32, #tpu.memory_space<vmem_shared>>)
      tpu.yield
    }) : () -> ()
    %run_scoped3A = arith.constant 0 : i32
    "tpu.region"() ({
      %run_scoped3A_94 = tpu.sem_alloc : memref<!tpu.dma_semaphore, #tpu.memory_space<semaphore_mem>>
      %dma_start3A_95 = arith.constant 0 : i32
      %dma_start3A_96 = arith.constant 0 : i32
      %dma_start3A_97 = tpu.memref_slice %arg10[%dma_start3A_95, %dma_start3A_96] : memref<16x128xi32, #tpu.memory_space<vmem>> -> memref<8x128xi32, #tpu.memory_space<vmem>>
      %dma_start3A_98 = arith.constant 0 : i32
      %dma_start3A_99 = arith.constant 0 : i32
      %dma_start3A_100 = arith.constant 0 : i32
      %dma_start3A_101 = tpu.memref_slice %arg4[%arg1, %dma_start3A_98, %dma_start3A_99, %dma_start3A_100] : memref<16x10x8x128xi32, #tpu.memory_space<hbm>> -> memref<1x10x8x128xi32, #tpu.memory_space<hbm>>
      %dma_start3A_102 = tpu.memref_squeeze %dma_start3A_101 : memref<1x10x8x128xi32, #tpu.memory_space<hbm>> -> memref<10x8x128xi32, #tpu.memory_space<hbm>>
      %dma_start3A_103 = arith.constant 0 : i32
      %dma_start3A_104 = arith.constant 0 : i32
      %dma_start3A_105 = tpu.memref_slice %dma_start3A_102[%run_scoped3A, %dma_start3A_103, %dma_start3A_104] : memref<10x8x128xi32, #tpu.memory_space<hbm>> -> memref<1x8x128xi32, #tpu.memory_space<hbm>>
      %dma_start3A_106 = tpu.memref_squeeze %dma_start3A_105 : memref<1x8x128xi32, #tpu.memory_space<hbm>> -> memref<8x128xi32, #tpu.memory_space<hbm>>
      %dma_start3A_107 = arith.constant 0 : i32
      %dma_start3A_108 = arith.constant 0 : i32
      %dma_start3A_109 = tpu.memref_slice %arg10[%dma_start3A_107, %dma_start3A_108] : memref<16x128xi32, #tpu.memory_space<vmem>> -> memref<8x128xi32, #tpu.memory_space<vmem>>
      %dma_start3A_110 = arith.constant 0 : i32
      %dma_start3A_111 = arith.constant 0 : i32
      %dma_start3A_112 = arith.constant 0 : i32
      %dma_start3A_113 = tpu.memref_slice %arg4[%arg1, %dma_start3A_110, %dma_start3A_111, %dma_start3A_112] : memref<16x10x8x128xi32, #tpu.memory_space<hbm>> -> memref<1x10x8x128xi32, #tpu.memory_space<hbm>>
      %dma_start3A_114 = tpu.memref_squeeze %dma_start3A_113 : memref<1x10x8x128xi32, #tpu.memory_space<hbm>> -> memref<10x8x128xi32, #tpu.memory_space<hbm>>
      %dma_start3A_115 = arith.constant 0 : i32
      %dma_start3A_116 = arith.constant 0 : i32
      %dma_start3A_117 = tpu.memref_slice %dma_start3A_114[%run_scoped3A, %dma_start3A_115, %dma_start3A_116] : memref<10x8x128xi32, #tpu.memory_space<hbm>> -> memref<1x8x128xi32, #tpu.memory_space<hbm>>
      %dma_start3A_118 = tpu.memref_squeeze %dma_start3A_117 : memref<1x8x128xi32, #tpu.memory_space<hbm>> -> memref<8x128xi32, #tpu.memory_space<hbm>>
      tpu.enqueue_dma source(%dma_start3A_118 : memref<8x128xi32, #tpu.memory_space<hbm>>) target(%dma_start3A_109 : memref<8x128xi32, #tpu.memory_space<vmem>>) target_semaphore(%run_scoped3A_94 : memref<!tpu.dma_semaphore, #tpu.memory_space<semaphore_mem>>)
      %dma_wait3A_119 = arith.constant 0 : i32
      %dma_wait3A_120 = arith.constant 0 : i32
      %dma_wait3A_121 = tpu.memref_slice %arg10[%dma_wait3A_119, %dma_wait3A_120] : memref<16x128xi32, #tpu.memory_space<vmem>> -> memref<8x128xi32, #tpu.memory_space<vmem>>
      %dma_wait3A_122 = arith.constant 0 : i32
      %dma_wait3A_123 = arith.constant 0 : i32
      %dma_wait3A_124 = arith.constant 0 : i32
      %dma_wait3A_125 = tpu.memref_slice %arg4[%arg1, %dma_wait3A_122, %dma_wait3A_123, %dma_wait3A_124] : memref<16x10x8x128xi32, #tpu.memory_space<hbm>> -> memref<1x10x8x128xi32, #tpu.memory_space<hbm>>
      %dma_wait3A_126 = tpu.memref_squeeze %dma_wait3A_125 : memref<1x10x8x128xi32, #tpu.memory_space<hbm>> -> memref<10x8x128xi32, #tpu.memory_space<hbm>>
      %dma_wait3A_127 = arith.constant 0 : i32
      %dma_wait3A_128 = arith.constant 0 : i32
      %dma_wait3A_129 = tpu.memref_slice %dma_wait3A_126[%run_scoped3A, %dma_wait3A_127, %dma_wait3A_128] : memref<10x8x128xi32, #tpu.memory_space<hbm>> -> memref<1x8x128xi32, #tpu.memory_space<hbm>>
      %dma_wait3A_130 = tpu.memref_squeeze %dma_wait3A_129 : memref<1x8x128xi32, #tpu.memory_space<hbm>> -> memref<8x128xi32, #tpu.memory_space<hbm>>
      %dma_wait3A_131 = arith.constant 0 : i32
      %dma_wait3A_132 = arith.constant 0 : i32
      %dma_wait3A_133 = tpu.memref_slice %arg10[%dma_wait3A_131, %dma_wait3A_132] : memref<16x128xi32, #tpu.memory_space<vmem>> -> memref<8x128xi32, #tpu.memory_space<vmem>>
      %dma_wait3A_134 = arith.constant 0 : i32
      %dma_wait3A_135 = arith.constant 0 : i32
      %dma_wait3A_136 = arith.constant 0 : i32
      %dma_wait3A_137 = tpu.memref_slice %arg4[%arg1, %dma_wait3A_134, %dma_wait3A_135, %dma_wait3A_136] : memref<16x10x8x128xi32, #tpu.memory_space<hbm>> -> memref<1x10x8x128xi32, #tpu.memory_space<hbm>>
      %dma_wait3A_138 = tpu.memref_squeeze %dma_wait3A_137 : memref<1x10x8x128xi32, #tpu.memory_space<hbm>> -> memref<10x8x128xi32, #tpu.memory_space<hbm>>
      %dma_wait3A_139 = arith.constant 0 : i32
      %dma_wait3A_140 = arith.constant 0 : i32
      %dma_wait3A_141 = tpu.memref_slice %dma_wait3A_138[%run_scoped3A, %dma_wait3A_139, %dma_wait3A_140] : memref<10x8x128xi32, #tpu.memory_space<hbm>> -> memref<1x8x128xi32, #tpu.memory_space<hbm>>
      %dma_wait3A_142 = tpu.memref_squeeze %dma_wait3A_141 : memref<1x8x128xi32, #tpu.memory_space<hbm>> -> memref<8x128xi32, #tpu.memory_space<hbm>>
      tpu.wait_dma2 semaphore(%run_scoped3A_94 : memref<!tpu.dma_semaphore, #tpu.memory_space<semaphore_mem>>) src(%dma_wait3A_142 : memref<8x128xi32, #tpu.memory_space<hbm>>) dst(%dma_wait3A_133 : memref<8x128xi32, #tpu.memory_space<vmem>>)
      tpu.yield
    }) : () -> ()
    %dma_start3A = arith.constant 1 : i32
    %dma_start3A_3 = arith.constant 8 : i32
    %dma_start3A_4 = arith.constant 0 : i32
    %dma_start3A_5 = tpu.memref_slice %arg10[%dma_start3A_3, %dma_start3A_4] : memref<16x128xi32, #tpu.memory_space<vmem>> -> memref<8x128xi32, #tpu.memory_space<vmem>>
    %dma_start3A_6 = arith.constant 0 : i32
    %dma_start3A_7 = arith.constant 0 : i32
    %dma_start3A_8 = arith.constant 0 : i32
    %dma_start3A_9 = tpu.memref_slice %arg4[%arg1, %dma_start3A_6, %dma_start3A_7, %dma_start3A_8] : memref<16x10x8x128xi32, #tpu.memory_space<hbm>> -> memref<1x10x8x128xi32, #tpu.memory_space<hbm>>
    %dma_start3A_10 = tpu.memref_squeeze %dma_start3A_9 : memref<1x10x8x128xi32, #tpu.memory_space<hbm>> -> memref<10x8x128xi32, #tpu.memory_space<hbm>>
    %dma_start3A_11 = arith.constant 0 : i32
    %dma_start3A_12 = arith.constant 0 : i32
    %dma_start3A_13 = tpu.memref_slice %dma_start3A_10[%dma_start3A, %dma_start3A_11, %dma_start3A_12] : memref<10x8x128xi32, #tpu.memory_space<hbm>> -> memref<1x8x128xi32, #tpu.memory_space<hbm>>
    %dma_start3A_14 = tpu.memref_squeeze %dma_start3A_13 : memref<1x8x128xi32, #tpu.memory_space<hbm>> -> memref<8x128xi32, #tpu.memory_space<hbm>>
    %dma_start3A_15 = arith.constant 8 : i32
    %dma_start3A_16 = arith.constant 0 : i32
    %dma_start3A_17 = tpu.memref_slice %arg10[%dma_start3A_15, %dma_start3A_16] : memref<16x128xi32, #tpu.memory_space<vmem>> -> memref<8x128xi32, #tpu.memory_space<vmem>>
    %dma_start3A_18 = arith.constant 0 : i32
    %dma_start3A_19 = arith.constant 0 : i32
    %dma_start3A_20 = arith.constant 0 : i32
    %dma_start3A_21 = tpu.memref_slice %arg4[%arg1, %dma_start3A_18, %dma_start3A_19, %dma_start3A_20] : memref<16x10x8x128xi32, #tpu.memory_space<hbm>> -> memref<1x10x8x128xi32, #tpu.memory_space<hbm>>
    %dma_start3A_22 = tpu.memref_squeeze %dma_start3A_21 : memref<1x10x8x128xi32, #tpu.memory_space<hbm>> -> memref<10x8x128xi32, #tpu.memory_space<hbm>>
    %dma_start3A_23 = arith.constant 0 : i32
    %dma_start3A_24 = arith.constant 0 : i32
    %dma_start3A_25 = tpu.memref_slice %dma_start3A_22[%dma_start3A, %dma_start3A_23, %dma_start3A_24] : memref<10x8x128xi32, #tpu.memory_space<hbm>> -> memref<1x8x128xi32, #tpu.memory_space<hbm>>
    %dma_start3A_26 = tpu.memref_squeeze %dma_start3A_25 : memref<1x8x128xi32, #tpu.memory_space<hbm>> -> memref<8x128xi32, #tpu.memory_space<hbm>>
    tpu.enqueue_dma source(%dma_start3A_26 : memref<8x128xi32, #tpu.memory_space<hbm>>) target(%dma_start3A_17 : memref<8x128xi32, #tpu.memory_space<vmem>>) target_semaphore(%arg17 : memref<!tpu.dma_semaphore, #tpu.memory_space<semaphore_mem>>)
    %barrier3A = arith.constant 0 : index
    tpu.barrier barrier_id(%barrier3A)
    %rem3A = arith.constant 0 : i32
    %rem3A_27 = arith.constant 2 : i32
    %rem3A_28 = arith.remsi %rem3A, %rem3A_27 : i32
    %mul3A_29 = arith.constant 8 : i32
    %mul3A_30 = arith.muli %rem3A_28, %mul3A_29 : i32
    %rem3A_31 = arith.constant 0 : i32
    %rem3A_32 = arith.constant 8 : i32
    %rem3A_33 = arith.remsi %rem3A_31, %rem3A_32 : i32
    %add3A = arith.addi %mul3A_30, %rem3A_33 : i32
    %eq3A = arith.constant 0 : i32
    %eq3A_34 = arith.cmpi eq, %arg0, %eq3A : i32
    %convert_element_type3A = arith.extui %eq3A_34 : i1 to i32
    %cond3A = arith.constant 0 : i32
    %cond3A_35 = arith.cmpi ne, %convert_element_type3A, %cond3A : i32
    scf.if %cond3A_35 {
      %rem3A_94 = arith.constant 0 : i32
      %rem3A_95 = arith.constant 2 : i32
      %rem3A_96 = arith.remsi %rem3A_94, %rem3A_95 : i32
      %mul3A_97 = arith.constant 2 : i32
      %mul3A_98 = arith.muli %rem3A_96, %mul3A_97 : i32
      %add3A_99 = arith.constant 0 : i32
      %add3A_100 = arith.addi %mul3A_98, %add3A_99 : i32
      %mul3A_101 = arith.constant 64 : i32
      %mul3A_102 = arith.muli %add3A_100, %mul3A_101 : i32
      %dma_start3A_103 = arith.constant 0 : i32
      %dma_start3A_104 = tpu.memref_slice %arg11[%mul3A_102, %dma_start3A_103] : memref<256x128xf32, #tpu.memory_space<vmem>> -> memref<64x128xf32, #tpu.memory_space<vmem>>
      %dma_start3A_105 = arith.constant 0 : i32
      %dma_start3A_106 = tpu.memref_slice %arg10[%add3A, %dma_start3A_105] : memref<16x128xi32, #tpu.memory_space<vmem>> -> memref<1x64xi32, #tpu.memory_space<vmem>>
      %dma_start3A_107 = tpu.memref_squeeze %dma_start3A_106 : memref<1x64xi32, #tpu.memory_space<vmem>> -> memref<64xi32, #tpu.memory_space<vmem>>
      %dma_start3A_108 = arith.constant 0 : i32
      %dma_start3A_109 = arith.constant 0 : i32
      %dma_start3A_110 = tpu.memref_slice %arg2[%dma_start3A_108, %dma_start3A_109] : memref<10240x128xf32, #tpu.memory_space<hbm>> -> memref<10240x128xf32, #tpu.memory_space<hbm>>
      tpu.enqueue_indirect_dma source(%dma_start3A_110 : memref<10240x128xf32, #tpu.memory_space<hbm>>) target(%dma_start3A_104 : memref<64x128xf32, #tpu.memory_space<vmem>>) offsets(%dma_start3A_107 : memref<64xi32, #tpu.memory_space<vmem>>) semaphore(%arg13 : memref<!tpu.dma_semaphore, #tpu.memory_space<semaphore_mem>>)
    } else {
    }
    %eq3A_36 = arith.constant 1 : i32
    %eq3A_37 = arith.cmpi eq, %arg0, %eq3A_36 : i32
    %convert_element_type3A_38 = arith.extui %eq3A_37 : i1 to i32
    %cond3A_39 = arith.constant 0 : i32
    %cond3A_40 = arith.cmpi ne, %convert_element_type3A_38, %cond3A_39 : i32
    scf.if %cond3A_40 {
      %rem3A_94 = arith.constant 0 : i32
      %rem3A_95 = arith.constant 2 : i32
      %rem3A_96 = arith.remsi %rem3A_94, %rem3A_95 : i32
      %mul3A_97 = arith.constant 2 : i32
      %mul3A_98 = arith.muli %rem3A_96, %mul3A_97 : i32
      %add3A_99 = arith.constant 0 : i32
      %add3A_100 = arith.addi %mul3A_98, %add3A_99 : i32
      %mul3A_101 = arith.constant 64 : i32
      %mul3A_102 = arith.muli %add3A_100, %mul3A_101 : i32
      %dma_start3A_103 = arith.constant 0 : i32
      %dma_start3A_104 = tpu.memref_slice %arg11[%mul3A_102, %dma_start3A_103] : memref<256x128xf32, #tpu.memory_space<vmem>> -> memref<64x128xf32, #tpu.memory_space<vmem>>
      %dma_start3A_105 = arith.constant 0 : i32
      %dma_start3A_106 = tpu.memref_slice %arg10[%add3A, %dma_start3A_105] : memref<16x128xi32, #tpu.memory_space<vmem>> -> memref<1x64xi32, #tpu.memory_space<vmem>>
      %dma_start3A_107 = tpu.memref_squeeze %dma_start3A_106 : memref<1x64xi32, #tpu.memory_space<vmem>> -> memref<64xi32, #tpu.memory_space<vmem>>
      %dma_start3A_108 = arith.constant 0 : i32
      %dma_start3A_109 = arith.constant 0 : i32
      %dma_start3A_110 = tpu.memref_slice %arg3[%dma_start3A_108, %dma_start3A_109] : memref<10240x128xf32, #tpu.memory_space<hbm>> -> memref<10240x128xf32, #tpu.memory_space<hbm>>
      tpu.enqueue_indirect_dma source(%dma_start3A_110 : memref<10240x128xf32, #tpu.memory_space<hbm>>) target(%dma_start3A_104 : memref<64x128xf32, #tpu.memory_space<vmem>>) offsets(%dma_start3A_107 : memref<64xi32, #tpu.memory_space<vmem>>) semaphore(%arg13 : memref<!tpu.dma_semaphore, #tpu.memory_space<semaphore_mem>>)
    } else {
    }
    %rem3A_41 = arith.constant 0 : i32
    %rem3A_42 = arith.constant 2 : i32
    %rem3A_43 = arith.remsi %rem3A_41, %rem3A_42 : i32
    %mul3A_44 = arith.constant 8 : i32
    %mul3A_45 = arith.muli %rem3A_43, %mul3A_44 : i32
    %rem3A_46 = arith.constant 0 : i32
    %rem3A_47 = arith.constant 8 : i32
    %rem3A_48 = arith.remsi %rem3A_46, %rem3A_47 : i32
    %add3A_49 = arith.addi %mul3A_45, %rem3A_48 : i32
    %eq3A_50 = arith.constant 0 : i32
    %eq3A_51 = arith.cmpi eq, %arg0, %eq3A_50 : i32
    %convert_element_type3A_52 = arith.extui %eq3A_51 : i1 to i32
    %cond3A_53 = arith.constant 0 : i32
    %cond3A_54 = arith.cmpi ne, %convert_element_type3A_52, %cond3A_53 : i32
    scf.if %cond3A_54 {
      %rem3A_94 = arith.constant 0 : i32
      %rem3A_95 = arith.constant 2 : i32
      %rem3A_96 = arith.remsi %rem3A_94, %rem3A_95 : i32
      %mul3A_97 = arith.constant 2 : i32
      %mul3A_98 = arith.muli %rem3A_96, %mul3A_97 : i32
      %add3A_99 = arith.constant 1 : i32
      %add3A_100 = arith.addi %mul3A_98, %add3A_99 : i32
      %mul3A_101 = arith.constant 64 : i32
      %mul3A_102 = arith.muli %add3A_100, %mul3A_101 : i32
      %dma_start3A_103 = arith.constant 0 : i32
      %dma_start3A_104 = tpu.memref_slice %arg11[%mul3A_102, %dma_start3A_103] : memref<256x128xf32, #tpu.memory_space<vmem>> -> memref<64x128xf32, #tpu.memory_space<vmem>>
      %dma_start3A_105 = arith.constant 64 : i32
      %dma_start3A_106 = tpu.memref_slice %arg10[%add3A_49, %dma_start3A_105] : memref<16x128xi32, #tpu.memory_space<vmem>> -> memref<1x64xi32, #tpu.memory_space<vmem>>
      %dma_start3A_107 = tpu.memref_squeeze %dma_start3A_106 : memref<1x64xi32, #tpu.memory_space<vmem>> -> memref<64xi32, #tpu.memory_space<vmem>>
      %dma_start3A_108 = arith.constant 0 : i32
      %dma_start3A_109 = arith.constant 0 : i32
      %dma_start3A_110 = tpu.memref_slice %arg2[%dma_start3A_108, %dma_start3A_109] : memref<10240x128xf32, #tpu.memory_space<hbm>> -> memref<10240x128xf32, #tpu.memory_space<hbm>>
      tpu.enqueue_indirect_dma source(%dma_start3A_110 : memref<10240x128xf32, #tpu.memory_space<hbm>>) target(%dma_start3A_104 : memref<64x128xf32, #tpu.memory_space<vmem>>) offsets(%dma_start3A_107 : memref<64xi32, #tpu.memory_space<vmem>>) semaphore(%arg14 : memref<!tpu.dma_semaphore, #tpu.memory_space<semaphore_mem>>)
    } else {
    }
    %eq3A_55 = arith.constant 1 : i32
    %eq3A_56 = arith.cmpi eq, %arg0, %eq3A_55 : i32
    %convert_element_type3A_57 = arith.extui %eq3A_56 : i1 to i32
    %cond3A_58 = arith.constant 0 : i32
    %cond3A_59 = arith.cmpi ne, %convert_element_type3A_57, %cond3A_58 : i32
    scf.if %cond3A_59 {
      %rem3A_94 = arith.constant 0 : i32
      %rem3A_95 = arith.constant 2 : i32
      %rem3A_96 = arith.remsi %rem3A_94, %rem3A_95 : i32
      %mul3A_97 = arith.constant 2 : i32
      %mul3A_98 = arith.muli %rem3A_96, %mul3A_97 : i32
      %add3A_99 = arith.constant 1 : i32
      %add3A_100 = arith.addi %mul3A_98, %add3A_99 : i32
      %mul3A_101 = arith.constant 64 : i32
      %mul3A_102 = arith.muli %add3A_100, %mul3A_101 : i32
      %dma_start3A_103 = arith.constant 0 : i32
      %dma_start3A_104 = tpu.memref_slice %arg11[%mul3A_102, %dma_start3A_103] : memref<256x128xf32, #tpu.memory_space<vmem>> -> memref<64x128xf32, #tpu.memory_space<vmem>>
      %dma_start3A_105 = arith.constant 64 : i32
      %dma_start3A_106 = tpu.memref_slice %arg10[%add3A_49, %dma_start3A_105] : memref<16x128xi32, #tpu.memory_space<vmem>> -> memref<1x64xi32, #tpu.memory_space<vmem>>
      %dma_start3A_107 = tpu.memref_squeeze %dma_start3A_106 : memref<1x64xi32, #tpu.memory_space<vmem>> -> memref<64xi32, #tpu.memory_space<vmem>>
      %dma_start3A_108 = arith.constant 0 : i32
      %dma_start3A_109 = arith.constant 0 : i32
      %dma_start3A_110 = tpu.memref_slice %arg3[%dma_start3A_108, %dma_start3A_109] : memref<10240x128xf32, #tpu.memory_space<hbm>> -> memref<10240x128xf32, #tpu.memory_space<hbm>>
      tpu.enqueue_indirect_dma source(%dma_start3A_110 : memref<10240x128xf32, #tpu.memory_space<hbm>>) target(%dma_start3A_104 : memref<64x128xf32, #tpu.memory_space<vmem>>) offsets(%dma_start3A_107 : memref<64xi32, #tpu.memory_space<vmem>>) semaphore(%arg14 : memref<!tpu.dma_semaphore, #tpu.memory_space<semaphore_mem>>)
    } else {
    }
    %scan3A = arith.constant 0 : i32
    %scan3A_60 = arith.constant 80 : i32
    %scan3A_61 = arith.addi %scan3A, %scan3A_60 : i32
    %scan3A_62 = arith.constant 1 : i32
    scf.for %scan3A_94 = %scan3A to %scan3A_61 step %scan3A_62  : i32 {
      %mul3A_95 = arith.constant 1 : i32
      %mul3A_96 = arith.muli %scan3A_94, %mul3A_95 : i32
      %add3A_97 = arith.constant 0 : i32
      %add3A_98 = arith.addi %add3A_97, %mul3A_96 : i32
      %add3A_99 = arith.constant 1 : i32
      %add3A_100 = arith.addi %add3A_98, %add3A_99 : i32
      %rem3A_101 = arith.constant 8 : i32
      %rem3A_102 = arith.remsi %add3A_100, %rem3A_101 : i32
      %eq3A_103 = arith.constant 0 : i32
      %eq3A_104 = arith.cmpi eq, %rem3A_102, %eq3A_103 : i32
      %lt3A = arith.constant 80 : i32
      %lt3A_105 = arith.cmpi slt, %add3A_100, %lt3A : i32
      %and3A = arith.andi %eq3A_104, %lt3A_105 : i1
      %convert_element_type3A_106 = arith.extui %and3A : i1 to i32
      %cond3A_107 = arith.constant 0 : i32
      %cond3A_108 = arith.cmpi ne, %convert_element_type3A_106, %cond3A_107 : i32
      scf.if %cond3A_108 {
        %dma_wait3A_186 = arith.constant 0 : i32
        %dma_wait3A_187 = arith.constant 0 : i32
        %dma_wait3A_188 = arith.constant 0 : i32
        %dma_wait3A_189 = tpu.memref_slice %arg10[%dma_wait3A_187, %dma_wait3A_188] : memref<16x128xi32, #tpu.memory_space<vmem>> -> memref<8x128xi32, #tpu.memory_space<vmem>>
        %dma_wait3A_190 = arith.constant 0 : i32
        %dma_wait3A_191 = arith.constant 0 : i32
        %dma_wait3A_192 = arith.constant 0 : i32
        %dma_wait3A_193 = tpu.memref_slice %arg4[%arg1, %dma_wait3A_190, %dma_wait3A_191, %dma_wait3A_192] : memref<16x10x8x128xi32, #tpu.memory_space<hbm>> -> memref<1x10x8x128xi32, #tpu.memory_space<hbm>>
        %dma_wait3A_194 = tpu.memref_squeeze %dma_wait3A_193 : memref<1x10x8x128xi32, #tpu.memory_space<hbm>> -> memref<10x8x128xi32, #tpu.memory_space<hbm>>
        %dma_wait3A_195 = arith.constant 0 : i32
        %dma_wait3A_196 = arith.constant 0 : i32
        %dma_wait3A_197 = tpu.memref_slice %dma_wait3A_194[%dma_wait3A_186, %dma_wait3A_195, %dma_wait3A_196] : memref<10x8x128xi32, #tpu.memory_space<hbm>> -> memref<1x8x128xi32, #tpu.memory_space<hbm>>
        %dma_wait3A_198 = tpu.memref_squeeze %dma_wait3A_197 : memref<1x8x128xi32, #tpu.memory_space<hbm>> -> memref<8x128xi32, #tpu.memory_space<hbm>>
        %dma_wait3A_199 = arith.constant 0 : i32
        %dma_wait3A_200 = arith.constant 0 : i32
        %dma_wait3A_201 = tpu.memref_slice %arg10[%dma_wait3A_199, %dma_wait3A_200] : memref<16x128xi32, #tpu.memory_space<vmem>> -> memref<8x128xi32, #tpu.memory_space<vmem>>
        %dma_wait3A_202 = arith.constant 0 : i32
        %dma_wait3A_203 = arith.constant 0 : i32
        %dma_wait3A_204 = arith.constant 0 : i32
        %dma_wait3A_205 = tpu.memref_slice %arg4[%arg1, %dma_wait3A_202, %dma_wait3A_203, %dma_wait3A_204] : memref<16x10x8x128xi32, #tpu.memory_space<hbm>> -> memref<1x10x8x128xi32, #tpu.memory_space<hbm>>
        %dma_wait3A_206 = tpu.memref_squeeze %dma_wait3A_205 : memref<1x10x8x128xi32, #tpu.memory_space<hbm>> -> memref<10x8x128xi32, #tpu.memory_space<hbm>>
        %dma_wait3A_207 = arith.constant 0 : i32
        %dma_wait3A_208 = arith.constant 0 : i32
        %dma_wait3A_209 = tpu.memref_slice %dma_wait3A_206[%dma_wait3A_186, %dma_wait3A_207, %dma_wait3A_208] : memref<10x8x128xi32, #tpu.memory_space<hbm>> -> memref<1x8x128xi32, #tpu.memory_space<hbm>>
        %dma_wait3A_210 = tpu.memref_squeeze %dma_wait3A_209 : memref<1x8x128xi32, #tpu.memory_space<hbm>> -> memref<8x128xi32, #tpu.memory_space<hbm>>
        tpu.wait_dma2 semaphore(%arg17 : memref<!tpu.dma_semaphore, #tpu.memory_space<semaphore_mem>>) src(%dma_wait3A_210 : memref<8x128xi32, #tpu.memory_space<hbm>>) dst(%dma_wait3A_201 : memref<8x128xi32, #tpu.memory_space<vmem>>)
      } else {
      }
      %dma_wait3A_109 = arith.constant 0 : i32
      %dma_wait3A_110 = arith.constant 0 : i32
      %dma_wait3A_111 = arith.constant 0 : i32
      %dma_wait3A_112 = tpu.memref_slice %arg11[%dma_wait3A_110, %dma_wait3A_111] : memref<256x128xf32, #tpu.memory_space<vmem>> -> memref<64x128xf32, #tpu.memory_space<vmem>>
      %dma_wait3A_113 = arith.constant 0 : i32
      %dma_wait3A_114 = tpu.memref_slice %arg10[%dma_wait3A_109, %dma_wait3A_113] : memref<16x128xi32, #tpu.memory_space<vmem>> -> memref<1x64xi32, #tpu.memory_space<vmem>>
      %dma_wait3A_115 = tpu.memref_squeeze %dma_wait3A_114 : memref<1x64xi32, #tpu.memory_space<vmem>> -> memref<64xi32, #tpu.memory_space<vmem>>
      %dma_wait3A_116 = arith.constant 0 : i32
      %dma_wait3A_117 = arith.constant 0 : i32
      %dma_wait3A_118 = tpu.memref_slice %arg2[%dma_wait3A_116, %dma_wait3A_117] : memref<10240x128xf32, #tpu.memory_space<hbm>> -> memref<10240x128xf32, #tpu.memory_space<hbm>>
      tpu.wait_indirect_dma semaphore(%arg13 : memref<!tpu.dma_semaphore, #tpu.memory_space<semaphore_mem>>) src(%dma_wait3A_118 : memref<10240x128xf32, #tpu.memory_space<hbm>>) dst(%dma_wait3A_112 : memref<64x128xf32, #tpu.memory_space<vmem>>)
      %ge3A = arith.constant 1 : i32
      %ge3A_119 = arith.cmpi sge, %add3A_98, %ge3A : i32
      %convert_element_type3A_120 = arith.extui %ge3A_119 : i1 to i32
      %cond3A_121 = arith.constant 0 : i32
      %cond3A_122 = arith.cmpi ne, %convert_element_type3A_120, %cond3A_121 : i32
      scf.if %cond3A_122 {
        %dma_wait3A_186 = arith.constant 0 : i32
        %dma_wait3A_187 = arith.constant 0 : i32
        %dma_wait3A_188 = arith.constant 0 : i32
        %dma_wait3A_189 = tpu.memref_slice %arg11[%dma_wait3A_187, %dma_wait3A_188] : memref<256x128xf32, #tpu.memory_space<vmem>> -> memref<64x128xf32, #tpu.memory_space<vmem>>
        %dma_wait3A_190 = arith.constant 0 : i32
        %dma_wait3A_191 = tpu.memref_slice %arg9[%dma_wait3A_186, %dma_wait3A_190] : memref<80x128xi32, #tpu.memory_space<vmem>> -> memref<1x64xi32, #tpu.memory_space<vmem>>
        %dma_wait3A_192 = tpu.memref_squeeze %dma_wait3A_191 : memref<1x64xi32, #tpu.memory_space<vmem>> -> memref<64xi32, #tpu.memory_space<vmem>>
        %dma_wait3A_193 = arith.constant 0 : i32
        %dma_wait3A_194 = arith.constant 0 : i32
        %dma_wait3A_195 = tpu.memref_slice %arg12[%dma_wait3A_193, %dma_wait3A_194] : memref<10240x128xf32, #tpu.memory_space<vmem_shared>> -> memref<10240x128xf32, #tpu.memory_space<vmem_shared>>
        tpu.wait_indirect_dma semaphore(%arg15 : memref<!tpu.dma_semaphore, #tpu.memory_space<semaphore_mem>>) src(%dma_wait3A_189 : memref<64x128xf32, #tpu.memory_space<vmem>>) dst(%dma_wait3A_195 : memref<10240x128xf32, #tpu.memory_space<vmem_shared>>)
      } else {
      }
      %lt3A_123 = arith.constant 80 : i32
      %lt3A_124 = arith.cmpi slt, %add3A_100, %lt3A_123 : i32
      %convert_element_type3A_125 = arith.extui %lt3A_124 : i1 to i32
      %cond3A_126 = arith.constant 0 : i32
      %cond3A_127 = arith.cmpi ne, %convert_element_type3A_125, %cond3A_126 : i32
      scf.if %cond3A_127 {
        %jit3A = arith.constant 8 : i32
        %div3A = arith.divsi %add3A_100, %jit3A : i32
        %sign3A = arith.constant 0 : i32
        %sign3A_186 = arith.cmpi sgt, %add3A_100, %sign3A : i32
        %sign3A_187 = arith.extui %sign3A_186 : i1 to i32
        %sign3A_188 = arith.constant 0 : i32
        %sign3A_189 = arith.cmpi slt, %add3A_100, %sign3A_188 : i32
        %sign3A_190 = arith.extui %sign3A_189 : i1 to i32
        %sign3A_191 = arith.subi %sign3A_187, %sign3A_190 : i32
        %sign3A_192 = arith.constant 0 : i32
        %sign3A_193 = arith.cmpi sgt, %jit3A, %sign3A_192 : i32
        %sign3A_194 = arith.extui %sign3A_193 : i1 to i32
        %sign3A_195 = arith.constant 0 : i32
        %sign3A_196 = arith.cmpi slt, %jit3A, %sign3A_195 : i32
        %sign3A_197 = arith.extui %sign3A_196 : i1 to i32
        %sign3A_198 = arith.subi %sign3A_194, %sign3A_197 : i32
        %ne3A = arith.cmpi ne, %sign3A_191, %sign3A_198 : i32
        %rem3A_199 = arith.remsi %add3A_100, %jit3A : i32
        %ne3A_200 = arith.constant 0 : i32
        %ne3A_201 = arith.cmpi ne, %rem3A_199, %ne3A_200 : i32
        %and3A_202 = arith.andi %ne3A, %ne3A_201 : i1
        %sub3A = arith.constant 1 : i32
        %sub3A_203 = arith.subi %div3A, %sub3A : i32
        %select_n3A = arith.select %and3A_202, %sub3A_203, %div3A : i32
        %rem3A_204 = arith.constant 2 : i32
        %rem3A_205 = arith.remsi %select_n3A, %rem3A_204 : i32
        %mul3A_206 = arith.constant 8 : i32
        %mul3A_207 = arith.muli %rem3A_205, %mul3A_206 : i32
        %rem3A_208 = arith.constant 8 : i32
        %rem3A_209 = arith.remsi %add3A_100, %rem3A_208 : i32
        %add3A_210 = arith.addi %mul3A_207, %rem3A_209 : i32
        %eq3A_211 = arith.constant 0 : i32
        %eq3A_212 = arith.cmpi eq, %arg0, %eq3A_211 : i32
        %convert_element_type3A_213 = arith.extui %eq3A_212 : i1 to i32
        %cond3A_214 = arith.constant 0 : i32
        %cond3A_215 = arith.cmpi ne, %convert_element_type3A_213, %cond3A_214 : i32
        scf.if %cond3A_215 {
          %rem3A_221 = arith.constant 2 : i32
          %rem3A_222 = arith.remsi %add3A_100, %rem3A_221 : i32
          %mul3A_223 = arith.constant 2 : i32
          %mul3A_224 = arith.muli %rem3A_222, %mul3A_223 : i32
          %add3A_225 = arith.constant 0 : i32
          %add3A_226 = arith.addi %mul3A_224, %add3A_225 : i32
          %mul3A_227 = arith.constant 64 : i32
          %mul3A_228 = arith.muli %add3A_226, %mul3A_227 : i32
          %dma_start3A_229 = arith.constant 0 : i32
          %dma_start3A_230 = tpu.memref_slice %arg11[%mul3A_228, %dma_start3A_229] : memref<256x128xf32, #tpu.memory_space<vmem>> -> memref<64x128xf32, #tpu.memory_space<vmem>>
          %dma_start3A_231 = arith.constant 0 : i32
          %dma_start3A_232 = tpu.memref_slice %arg10[%add3A_210, %dma_start3A_231] : memref<16x128xi32, #tpu.memory_space<vmem>> -> memref<1x64xi32, #tpu.memory_space<vmem>>
          %dma_start3A_233 = tpu.memref_squeeze %dma_start3A_232 : memref<1x64xi32, #tpu.memory_space<vmem>> -> memref<64xi32, #tpu.memory_space<vmem>>
          %dma_start3A_234 = arith.constant 0 : i32
          %dma_start3A_235 = arith.constant 0 : i32
          %dma_start3A_236 = tpu.memref_slice %arg2[%dma_start3A_234, %dma_start3A_235] : memref<10240x128xf32, #tpu.memory_space<hbm>> -> memref<10240x128xf32, #tpu.memory_space<hbm>>
          tpu.enqueue_indirect_dma source(%dma_start3A_236 : memref<10240x128xf32, #tpu.memory_space<hbm>>) target(%dma_start3A_230 : memref<64x128xf32, #tpu.memory_space<vmem>>) offsets(%dma_start3A_233 : memref<64xi32, #tpu.memory_space<vmem>>) semaphore(%arg13 : memref<!tpu.dma_semaphore, #tpu.memory_space<semaphore_mem>>)
        } else {
        }
        %eq3A_216 = arith.constant 1 : i32
        %eq3A_217 = arith.cmpi eq, %arg0, %eq3A_216 : i32
        %convert_element_type3A_218 = arith.extui %eq3A_217 : i1 to i32
        %cond3A_219 = arith.constant 0 : i32
        %cond3A_220 = arith.cmpi ne, %convert_element_type3A_218, %cond3A_219 : i32
        scf.if %cond3A_220 {
          %rem3A_221 = arith.constant 2 : i32
          %rem3A_222 = arith.remsi %add3A_100, %rem3A_221 : i32
          %mul3A_223 = arith.constant 2 : i32
          %mul3A_224 = arith.muli %rem3A_222, %mul3A_223 : i32
          %add3A_225 = arith.constant 0 : i32
          %add3A_226 = arith.addi %mul3A_224, %add3A_225 : i32
          %mul3A_227 = arith.constant 64 : i32
          %mul3A_228 = arith.muli %add3A_226, %mul3A_227 : i32
          %dma_start3A_229 = arith.constant 0 : i32
          %dma_start3A_230 = tpu.memref_slice %arg11[%mul3A_228, %dma_start3A_229] : memref<256x128xf32, #tpu.memory_space<vmem>> -> memref<64x128xf32, #tpu.memory_space<vmem>>
          %dma_start3A_231 = arith.constant 0 : i32
          %dma_start3A_232 = tpu.memref_slice %arg10[%add3A_210, %dma_start3A_231] : memref<16x128xi32, #tpu.memory_space<vmem>> -> memref<1x64xi32, #tpu.memory_space<vmem>>
          %dma_start3A_233 = tpu.memref_squeeze %dma_start3A_232 : memref<1x64xi32, #tpu.memory_space<vmem>> -> memref<64xi32, #tpu.memory_space<vmem>>
          %dma_start3A_234 = arith.constant 0 : i32
          %dma_start3A_235 = arith.constant 0 : i32
          %dma_start3A_236 = tpu.memref_slice %arg3[%dma_start3A_234, %dma_start3A_235] : memref<10240x128xf32, #tpu.memory_space<hbm>> -> memref<10240x128xf32, #tpu.memory_space<hbm>>
          tpu.enqueue_indirect_dma source(%dma_start3A_236 : memref<10240x128xf32, #tpu.memory_space<hbm>>) target(%dma_start3A_230 : memref<64x128xf32, #tpu.memory_space<vmem>>) offsets(%dma_start3A_233 : memref<64xi32, #tpu.memory_space<vmem>>) semaphore(%arg13 : memref<!tpu.dma_semaphore, #tpu.memory_space<semaphore_mem>>)
        } else {
        }
      } else {
      }
      %rem3A_128 = arith.constant 2 : i32
      %rem3A_129 = arith.remsi %add3A_98, %rem3A_128 : i32
      %mul3A_130 = arith.constant 2 : i32
      %mul3A_131 = arith.muli %rem3A_129, %mul3A_130 : i32
      %add3A_132 = arith.constant 0 : i32
      %add3A_133 = arith.addi %mul3A_131, %add3A_132 : i32
      %mul3A_134 = arith.constant 64 : i32
      %mul3A_135 = arith.muli %add3A_133, %mul3A_134 : i32
      %dma_start3A_136 = arith.constant 0 : i32
      %dma_start3A_137 = tpu.memref_slice %arg11[%mul3A_135, %dma_start3A_136] : memref<256x128xf32, #tpu.memory_space<vmem>> -> memref<64x128xf32, #tpu.memory_space<vmem>>
      %dma_start3A_138 = arith.constant 0 : i32
      %dma_start3A_139 = tpu.memref_slice %arg9[%add3A_98, %dma_start3A_138] : memref<80x128xi32, #tpu.memory_space<vmem>> -> memref<1x64xi32, #tpu.memory_space<vmem>>
      %dma_start3A_140 = tpu.memref_squeeze %dma_start3A_139 : memref<1x64xi32, #tpu.memory_space<vmem>> -> memref<64xi32, #tpu.memory_space<vmem>>
      %dma_start3A_141 = arith.constant 0 : i32
      %dma_start3A_142 = arith.constant 0 : i32
      %dma_start3A_143 = tpu.memref_slice %arg12[%dma_start3A_141, %dma_start3A_142] : memref<10240x128xf32, #tpu.memory_space<vmem_shared>> -> memref<10240x128xf32, #tpu.memory_space<vmem_shared>>
      tpu.enqueue_indirect_dma source(%dma_start3A_137 : memref<64x128xf32, #tpu.memory_space<vmem>>) target(%dma_start3A_143 : memref<10240x128xf32, #tpu.memory_space<vmem_shared>>) offsets(%dma_start3A_140 : memref<64xi32, #tpu.memory_space<vmem>>) semaphore(%arg15 : memref<!tpu.dma_semaphore, #tpu.memory_space<semaphore_mem>>) {add = true}
      %dma_wait3A_144 = arith.constant 0 : i32
      %dma_wait3A_145 = arith.constant 0 : i32
      %dma_wait3A_146 = arith.constant 0 : i32
      %dma_wait3A_147 = tpu.memref_slice %arg11[%dma_wait3A_145, %dma_wait3A_146] : memref<256x128xf32, #tpu.memory_space<vmem>> -> memref<64x128xf32, #tpu.memory_space<vmem>>
      %dma_wait3A_148 = arith.constant 0 : i32
      %dma_wait3A_149 = tpu.memref_slice %arg10[%dma_wait3A_144, %dma_wait3A_148] : memref<16x128xi32, #tpu.memory_space<vmem>> -> memref<1x64xi32, #tpu.memory_space<vmem>>
      %dma_wait3A_150 = tpu.memref_squeeze %dma_wait3A_149 : memref<1x64xi32, #tpu.memory_space<vmem>> -> memref<64xi32, #tpu.memory_space<vmem>>
      %dma_wait3A_151 = arith.constant 0 : i32
      %dma_wait3A_152 = arith.constant 0 : i32
      %dma_wait3A_153 = tpu.memref_slice %arg2[%dma_wait3A_151, %dma_wait3A_152] : memref<10240x128xf32, #tpu.memory_space<hbm>> -> memref<10240x128xf32, #tpu.memory_space<hbm>>
      tpu.wait_indirect_dma semaphore(%arg14 : memref<!tpu.dma_semaphore, #tpu.memory_space<semaphore_mem>>) src(%dma_wait3A_153 : memref<10240x128xf32, #tpu.memory_space<hbm>>) dst(%dma_wait3A_147 : memref<64x128xf32, #tpu.memory_space<vmem>>)
      %ge3A_154 = arith.constant 1 : i32
      %ge3A_155 = arith.cmpi sge, %add3A_98, %ge3A_154 : i32
      %convert_element_type3A_156 = arith.extui %ge3A_155 : i1 to i32
      %cond3A_157 = arith.constant 0 : i32
      %cond3A_158 = arith.cmpi ne, %convert_element_type3A_156, %cond3A_157 : i32
      scf.if %cond3A_158 {
        %dma_wait3A_186 = arith.constant 0 : i32
        %dma_wait3A_187 = arith.constant 0 : i32
        %dma_wait3A_188 = arith.constant 0 : i32
        %dma_wait3A_189 = tpu.memref_slice %arg11[%dma_wait3A_187, %dma_wait3A_188] : memref<256x128xf32, #tpu.memory_space<vmem>> -> memref<64x128xf32, #tpu.memory_space<vmem>>
        %dma_wait3A_190 = arith.constant 0 : i32
        %dma_wait3A_191 = tpu.memref_slice %arg9[%dma_wait3A_186, %dma_wait3A_190] : memref<80x128xi32, #tpu.memory_space<vmem>> -> memref<1x64xi32, #tpu.memory_space<vmem>>
        %dma_wait3A_192 = tpu.memref_squeeze %dma_wait3A_191 : memref<1x64xi32, #tpu.memory_space<vmem>> -> memref<64xi32, #tpu.memory_space<vmem>>
        %dma_wait3A_193 = arith.constant 0 : i32
        %dma_wait3A_194 = arith.constant 0 : i32
        %dma_wait3A_195 = tpu.memref_slice %arg12[%dma_wait3A_193, %dma_wait3A_194] : memref<10240x128xf32, #tpu.memory_space<vmem_shared>> -> memref<10240x128xf32, #tpu.memory_space<vmem_shared>>
        tpu.wait_indirect_dma semaphore(%arg16 : memref<!tpu.dma_semaphore, #tpu.memory_space<semaphore_mem>>) src(%dma_wait3A_189 : memref<64x128xf32, #tpu.memory_space<vmem>>) dst(%dma_wait3A_195 : memref<10240x128xf32, #tpu.memory_space<vmem_shared>>)
      } else {
      }
      %lt3A_159 = arith.constant 80 : i32
      %lt3A_160 = arith.cmpi slt, %add3A_100, %lt3A_159 : i32
      %convert_element_type3A_161 = arith.extui %lt3A_160 : i1 to i32
      %cond3A_162 = arith.constant 0 : i32
      %cond3A_163 = arith.cmpi ne, %convert_element_type3A_161, %cond3A_162 : i32
      scf.if %cond3A_163 {
        %jit3A = arith.constant 8 : i32
        %div3A = arith.divsi %add3A_100, %jit3A : i32
        %sign3A = arith.constant 0 : i32
        %sign3A_186 = arith.cmpi sgt, %add3A_100, %sign3A : i32
        %sign3A_187 = arith.extui %sign3A_186 : i1 to i32
        %sign3A_188 = arith.constant 0 : i32
        %sign3A_189 = arith.cmpi slt, %add3A_100, %sign3A_188 : i32
        %sign3A_190 = arith.extui %sign3A_189 : i1 to i32
        %sign3A_191 = arith.subi %sign3A_187, %sign3A_190 : i32
        %sign3A_192 = arith.constant 0 : i32
        %sign3A_193 = arith.cmpi sgt, %jit3A, %sign3A_192 : i32
        %sign3A_194 = arith.extui %sign3A_193 : i1 to i32
        %sign3A_195 = arith.constant 0 : i32
        %sign3A_196 = arith.cmpi slt, %jit3A, %sign3A_195 : i32
        %sign3A_197 = arith.extui %sign3A_196 : i1 to i32
        %sign3A_198 = arith.subi %sign3A_194, %sign3A_197 : i32
        %ne3A = arith.cmpi ne, %sign3A_191, %sign3A_198 : i32
        %rem3A_199 = arith.remsi %add3A_100, %jit3A : i32
        %ne3A_200 = arith.constant 0 : i32
        %ne3A_201 = arith.cmpi ne, %rem3A_199, %ne3A_200 : i32
        %and3A_202 = arith.andi %ne3A, %ne3A_201 : i1
        %sub3A = arith.constant 1 : i32
        %sub3A_203 = arith.subi %div3A, %sub3A : i32
        %select_n3A = arith.select %and3A_202, %sub3A_203, %div3A : i32
        %rem3A_204 = arith.constant 2 : i32
        %rem3A_205 = arith.remsi %select_n3A, %rem3A_204 : i32
        %mul3A_206 = arith.constant 8 : i32
        %mul3A_207 = arith.muli %rem3A_205, %mul3A_206 : i32
        %rem3A_208 = arith.constant 8 : i32
        %rem3A_209 = arith.remsi %add3A_100, %rem3A_208 : i32
        %add3A_210 = arith.addi %mul3A_207, %rem3A_209 : i32
        %eq3A_211 = arith.constant 0 : i32
        %eq3A_212 = arith.cmpi eq, %arg0, %eq3A_211 : i32
        %convert_element_type3A_213 = arith.extui %eq3A_212 : i1 to i32
        %cond3A_214 = arith.constant 0 : i32
        %cond3A_215 = arith.cmpi ne, %convert_element_type3A_213, %cond3A_214 : i32
        scf.if %cond3A_215 {
          %rem3A_221 = arith.constant 2 : i32
          %rem3A_222 = arith.remsi %add3A_100, %rem3A_221 : i32
          %mul3A_223 = arith.constant 2 : i32
          %mul3A_224 = arith.muli %rem3A_222, %mul3A_223 : i32
          %add3A_225 = arith.constant 1 : i32
          %add3A_226 = arith.addi %mul3A_224, %add3A_225 : i32
          %mul3A_227 = arith.constant 64 : i32
          %mul3A_228 = arith.muli %add3A_226, %mul3A_227 : i32
          %dma_start3A_229 = arith.constant 0 : i32
          %dma_start3A_230 = tpu.memref_slice %arg11[%mul3A_228, %dma_start3A_229] : memref<256x128xf32, #tpu.memory_space<vmem>> -> memref<64x128xf32, #tpu.memory_space<vmem>>
          %dma_start3A_231 = arith.constant 64 : i32
          %dma_start3A_232 = tpu.memref_slice %arg10[%add3A_210, %dma_start3A_231] : memref<16x128xi32, #tpu.memory_space<vmem>> -> memref<1x64xi32, #tpu.memory_space<vmem>>
          %dma_start3A_233 = tpu.memref_squeeze %dma_start3A_232 : memref<1x64xi32, #tpu.memory_space<vmem>> -> memref<64xi32, #tpu.memory_space<vmem>>
          %dma_start3A_234 = arith.constant 0 : i32
          %dma_start3A_235 = arith.constant 0 : i32
          %dma_start3A_236 = tpu.memref_slice %arg2[%dma_start3A_234, %dma_start3A_235] : memref<10240x128xf32, #tpu.memory_space<hbm>> -> memref<10240x128xf32, #tpu.memory_space<hbm>>
          tpu.enqueue_indirect_dma source(%dma_start3A_236 : memref<10240x128xf32, #tpu.memory_space<hbm>>) target(%dma_start3A_230 : memref<64x128xf32, #tpu.memory_space<vmem>>) offsets(%dma_start3A_233 : memref<64xi32, #tpu.memory_space<vmem>>) semaphore(%arg14 : memref<!tpu.dma_semaphore, #tpu.memory_space<semaphore_mem>>)
        } else {
        }
        %eq3A_216 = arith.constant 1 : i32
        %eq3A_217 = arith.cmpi eq, %arg0, %eq3A_216 : i32
        %convert_element_type3A_218 = arith.extui %eq3A_217 : i1 to i32
        %cond3A_219 = arith.constant 0 : i32
        %cond3A_220 = arith.cmpi ne, %convert_element_type3A_218, %cond3A_219 : i32
        scf.if %cond3A_220 {
          %rem3A_221 = arith.constant 2 : i32
          %rem3A_222 = arith.remsi %add3A_100, %rem3A_221 : i32
          %mul3A_223 = arith.constant 2 : i32
          %mul3A_224 = arith.muli %rem3A_222, %mul3A_223 : i32
          %add3A_225 = arith.constant 1 : i32
          %add3A_226 = arith.addi %mul3A_224, %add3A_225 : i32
          %mul3A_227 = arith.constant 64 : i32
          %mul3A_228 = arith.muli %add3A_226, %mul3A_227 : i32
          %dma_start3A_229 = arith.constant 0 : i32
          %dma_start3A_230 = tpu.memref_slice %arg11[%mul3A_228, %dma_start3A_229] : memref<256x128xf32, #tpu.memory_space<vmem>> -> memref<64x128xf32, #tpu.memory_space<vmem>>
          %dma_start3A_231 = arith.constant 64 : i32
          %dma_start3A_232 = tpu.memref_slice %arg10[%add3A_210, %dma_start3A_231] : memref<16x128xi32, #tpu.memory_space<vmem>> -> memref<1x64xi32, #tpu.memory_space<vmem>>
          %dma_start3A_233 = tpu.memref_squeeze %dma_start3A_232 : memref<1x64xi32, #tpu.memory_space<vmem>> -> memref<64xi32, #tpu.memory_space<vmem>>
          %dma_start3A_234 = arith.constant 0 : i32
          %dma_start3A_235 = arith.constant 0 : i32
          %dma_start3A_236 = tpu.memref_slice %arg3[%dma_start3A_234, %dma_start3A_235] : memref<10240x128xf32, #tpu.memory_space<hbm>> -> memref<10240x128xf32, #tpu.memory_space<hbm>>
          tpu.enqueue_indirect_dma source(%dma_start3A_236 : memref<10240x128xf32, #tpu.memory_space<hbm>>) target(%dma_start3A_230 : memref<64x128xf32, #tpu.memory_space<vmem>>) offsets(%dma_start3A_233 : memref<64xi32, #tpu.memory_space<vmem>>) semaphore(%arg14 : memref<!tpu.dma_semaphore, #tpu.memory_space<semaphore_mem>>)
        } else {
        }
      } else {
      }
      %rem3A_164 = arith.constant 2 : i32
      %rem3A_165 = arith.remsi %add3A_98, %rem3A_164 : i32
      %mul3A_166 = arith.constant 2 : i32
      %mul3A_167 = arith.muli %rem3A_165, %mul3A_166 : i32
      %add3A_168 = arith.constant 1 : i32
      %add3A_169 = arith.addi %mul3A_167, %add3A_168 : i32
      %mul3A_170 = arith.constant 64 : i32
      %mul3A_171 = arith.muli %add3A_169, %mul3A_170 : i32
      %dma_start3A_172 = arith.constant 0 : i32
      %dma_start3A_173 = tpu.memref_slice %arg11[%mul3A_171, %dma_start3A_172] : memref<256x128xf32, #tpu.memory_space<vmem>> -> memref<64x128xf32, #tpu.memory_space<vmem>>
      %dma_start3A_174 = arith.constant 64 : i32
      %dma_start3A_175 = tpu.memref_slice %arg9[%add3A_98, %dma_start3A_174] : memref<80x128xi32, #tpu.memory_space<vmem>> -> memref<1x64xi32, #tpu.memory_space<vmem>>
      %dma_start3A_176 = tpu.memref_squeeze %dma_start3A_175 : memref<1x64xi32, #tpu.memory_space<vmem>> -> memref<64xi32, #tpu.memory_space<vmem>>
      %dma_start3A_177 = arith.constant 0 : i32
      %dma_start3A_178 = arith.constant 0 : i32
      %dma_start3A_179 = tpu.memref_slice %arg12[%dma_start3A_177, %dma_start3A_178] : memref<10240x128xf32, #tpu.memory_space<vmem_shared>> -> memref<10240x128xf32, #tpu.memory_space<vmem_shared>>
      tpu.enqueue_indirect_dma source(%dma_start3A_173 : memref<64x128xf32, #tpu.memory_space<vmem>>) target(%dma_start3A_179 : memref<10240x128xf32, #tpu.memory_space<vmem_shared>>) offsets(%dma_start3A_176 : memref<64xi32, #tpu.memory_space<vmem>>) semaphore(%arg16 : memref<!tpu.dma_semaphore, #tpu.memory_space<semaphore_mem>>) {add = true}
      %lt3A_180 = arith.constant 80 : i32
      %lt3A_181 = arith.cmpi slt, %add3A_100, %lt3A_180 : i32
      %and3A_182 = arith.andi %eq3A_104, %lt3A_181 : i1
      %convert_element_type3A_183 = arith.extui %and3A_182 : i1 to i32
      %cond3A_184 = arith.constant 0 : i32
      %cond3A_185 = arith.cmpi ne, %convert_element_type3A_183, %cond3A_184 : i32
      scf.if %cond3A_185 {
        %jit3A = arith.constant 8 : i32
        %div3A = arith.divsi %add3A_100, %jit3A : i32
        %sign3A = arith.constant 0 : i32
        %sign3A_186 = arith.cmpi sgt, %add3A_100, %sign3A : i32
        %sign3A_187 = arith.extui %sign3A_186 : i1 to i32
        %sign3A_188 = arith.constant 0 : i32
        %sign3A_189 = arith.cmpi slt, %add3A_100, %sign3A_188 : i32
        %sign3A_190 = arith.extui %sign3A_189 : i1 to i32
        %sign3A_191 = arith.subi %sign3A_187, %sign3A_190 : i32
        %sign3A_192 = arith.constant 0 : i32
        %sign3A_193 = arith.cmpi sgt, %jit3A, %sign3A_192 : i32
        %sign3A_194 = arith.extui %sign3A_193 : i1 to i32
        %sign3A_195 = arith.constant 0 : i32
        %sign3A_196 = arith.cmpi slt, %jit3A, %sign3A_195 : i32
        %sign3A_197 = arith.extui %sign3A_196 : i1 to i32
        %sign3A_198 = arith.subi %sign3A_194, %sign3A_197 : i32
        %ne3A = arith.cmpi ne, %sign3A_191, %sign3A_198 : i32
        %rem3A_199 = arith.remsi %add3A_100, %jit3A : i32
        %ne3A_200 = arith.constant 0 : i32
        %ne3A_201 = arith.cmpi ne, %rem3A_199, %ne3A_200 : i32
        %and3A_202 = arith.andi %ne3A, %ne3A_201 : i1
        %sub3A = arith.constant 1 : i32
        %sub3A_203 = arith.subi %div3A, %sub3A : i32
        %select_n3A = arith.select %and3A_202, %sub3A_203, %div3A : i32
        %add3A_204 = arith.constant 1 : i32
        %add3A_205 = arith.addi %select_n3A, %add3A_204 : i32
        %lt3A_206 = arith.constant 10 : i32
        %lt3A_207 = arith.cmpi slt, %add3A_205, %lt3A_206 : i32
        %convert_element_type3A_208 = arith.extui %lt3A_207 : i1 to i32
        %cond3A_209 = arith.constant 0 : i32
        %cond3A_210 = arith.cmpi ne, %convert_element_type3A_208, %cond3A_209 : i32
        scf.if %cond3A_210 {
          %add3A_211 = arith.constant 1 : i32
          %add3A_212 = arith.addi %select_n3A, %add3A_211 : i32
          %add3A_213 = arith.constant 1 : i32
          %add3A_214 = arith.addi %select_n3A, %add3A_213 : i32
          %rem3A_215 = arith.constant 2 : i32
          %rem3A_216 = arith.remsi %add3A_214, %rem3A_215 : i32
          %mul3A_217 = arith.constant 8 : i32
          %mul3A_218 = arith.muli %rem3A_216, %mul3A_217 : i32
          %dma_start3A_219 = arith.constant 0 : i32
          %dma_start3A_220 = tpu.memref_slice %arg10[%mul3A_218, %dma_start3A_219] : memref<16x128xi32, #tpu.memory_space<vmem>> -> memref<8x128xi32, #tpu.memory_space<vmem>>
          %dma_start3A_221 = arith.constant 0 : i32
          %dma_start3A_222 = arith.constant 0 : i32
          %dma_start3A_223 = arith.constant 0 : i32
          %dma_start3A_224 = tpu.memref_slice %arg4[%arg1, %dma_start3A_221, %dma_start3A_222, %dma_start3A_223] : memref<16x10x8x128xi32, #tpu.memory_space<hbm>> -> memref<1x10x8x128xi32, #tpu.memory_space<hbm>>
          %dma_start3A_225 = tpu.memref_squeeze %dma_start3A_224 : memref<1x10x8x128xi32, #tpu.memory_space<hbm>> -> memref<10x8x128xi32, #tpu.memory_space<hbm>>
          %dma_start3A_226 = arith.constant 0 : i32
          %dma_start3A_227 = arith.constant 0 : i32
          %dma_start3A_228 = tpu.memref_slice %dma_start3A_225[%add3A_212, %dma_start3A_226, %dma_start3A_227] : memref<10x8x128xi32, #tpu.memory_space<hbm>> -> memref<1x8x128xi32, #tpu.memory_space<hbm>>
          %dma_start3A_229 = tpu.memref_squeeze %dma_start3A_228 : memref<1x8x128xi32, #tpu.memory_space<hbm>> -> memref<8x128xi32, #tpu.memory_space<hbm>>
          %dma_start3A_230 = arith.constant 0 : i32
          %dma_start3A_231 = tpu.memref_slice %arg10[%mul3A_218, %dma_start3A_230] : memref<16x128xi32, #tpu.memory_space<vmem>> -> memref<8x128xi32, #tpu.memory_space<vmem>>
          %dma_start3A_232 = arith.constant 0 : i32
          %dma_start3A_233 = arith.constant 0 : i32
          %dma_start3A_234 = arith.constant 0 : i32
          %dma_start3A_235 = tpu.memref_slice %arg4[%arg1, %dma_start3A_232, %dma_start3A_233, %dma_start3A_234] : memref<16x10x8x128xi32, #tpu.memory_space<hbm>> -> memref<1x10x8x128xi32, #tpu.memory_space<hbm>>
          %dma_start3A_236 = tpu.memref_squeeze %dma_start3A_235 : memref<1x10x8x128xi32, #tpu.memory_space<hbm>> -> memref<10x8x128xi32, #tpu.memory_space<hbm>>
          %dma_start3A_237 = arith.constant 0 : i32
          %dma_start3A_238 = arith.constant 0 : i32
          %dma_start3A_239 = tpu.memref_slice %dma_start3A_236[%add3A_212, %dma_start3A_237, %dma_start3A_238] : memref<10x8x128xi32, #tpu.memory_space<hbm>> -> memref<1x8x128xi32, #tpu.memory_space<hbm>>
          %dma_start3A_240 = tpu.memref_squeeze %dma_start3A_239 : memref<1x8x128xi32, #tpu.memory_space<hbm>> -> memref<8x128xi32, #tpu.memory_space<hbm>>
          tpu.enqueue_dma source(%dma_start3A_240 : memref<8x128xi32, #tpu.memory_space<hbm>>) target(%dma_start3A_231 : memref<8x128xi32, #tpu.memory_space<vmem>>) target_semaphore(%arg17 : memref<!tpu.dma_semaphore, #tpu.memory_space<semaphore_mem>>)
        } else {
        }
      } else {
      }
    }
    %scan3A_63 = arith.constant 80 : i32
    %dma_wait3A = arith.constant 0 : i32
    %dma_wait3A_64 = arith.constant 0 : i32
    %dma_wait3A_65 = arith.constant 0 : i32
    %dma_wait3A_66 = tpu.memref_slice %arg11[%dma_wait3A_64, %dma_wait3A_65] : memref<256x128xf32, #tpu.memory_space<vmem>> -> memref<64x128xf32, #tpu.memory_space<vmem>>
    %dma_wait3A_67 = arith.constant 0 : i32
    %dma_wait3A_68 = tpu.memref_slice %arg9[%dma_wait3A, %dma_wait3A_67] : memref<80x128xi32, #tpu.memory_space<vmem>> -> memref<1x64xi32, #tpu.memory_space<vmem>>
    %dma_wait3A_69 = tpu.memref_squeeze %dma_wait3A_68 : memref<1x64xi32, #tpu.memory_space<vmem>> -> memref<64xi32, #tpu.memory_space<vmem>>
    %dma_wait3A_70 = arith.constant 0 : i32
    %dma_wait3A_71 = arith.constant 0 : i32
    %dma_wait3A_72 = tpu.memref_slice %arg12[%dma_wait3A_70, %dma_wait3A_71] : memref<10240x128xf32, #tpu.memory_space<vmem_shared>> -> memref<10240x128xf32, #tpu.memory_space<vmem_shared>>
    tpu.wait_indirect_dma semaphore(%arg15 : memref<!tpu.dma_semaphore, #tpu.memory_space<semaphore_mem>>) src(%dma_wait3A_66 : memref<64x128xf32, #tpu.memory_space<vmem>>) dst(%dma_wait3A_72 : memref<10240x128xf32, #tpu.memory_space<vmem_shared>>)
    %dma_wait3A_73 = arith.constant 0 : i32
    %dma_wait3A_74 = arith.constant 0 : i32
    %dma_wait3A_75 = arith.constant 0 : i32
    %dma_wait3A_76 = tpu.memref_slice %arg11[%dma_wait3A_74, %dma_wait3A_75] : memref<256x128xf32, #tpu.memory_space<vmem>> -> memref<64x128xf32, #tpu.memory_space<vmem>>
    %dma_wait3A_77 = arith.constant 0 : i32
    %dma_wait3A_78 = tpu.memref_slice %arg9[%dma_wait3A_73, %dma_wait3A_77] : memref<80x128xi32, #tpu.memory_space<vmem>> -> memref<1x64xi32, #tpu.memory_space<vmem>>
    %dma_wait3A_79 = tpu.memref_squeeze %dma_wait3A_78 : memref<1x64xi32, #tpu.memory_space<vmem>> -> memref<64xi32, #tpu.memory_space<vmem>>
    %dma_wait3A_80 = arith.constant 0 : i32
    %dma_wait3A_81 = arith.constant 0 : i32
    %dma_wait3A_82 = tpu.memref_slice %arg12[%dma_wait3A_80, %dma_wait3A_81] : memref<10240x128xf32, #tpu.memory_space<vmem_shared>> -> memref<10240x128xf32, #tpu.memory_space<vmem_shared>>
    tpu.wait_indirect_dma semaphore(%arg16 : memref<!tpu.dma_semaphore, #tpu.memory_space<semaphore_mem>>) src(%dma_wait3A_76 : memref<64x128xf32, #tpu.memory_space<vmem>>) dst(%dma_wait3A_82 : memref<10240x128xf32, #tpu.memory_space<vmem_shared>>)
    %barrier3A_83 = arith.constant 0 : index
    tpu.barrier barrier_id(%barrier3A_83)
    %eq3A_84 = arith.constant 0 : i32
    %eq3A_85 = arith.cmpi eq, %arg0, %eq3A_84 : i32
    %convert_element_type3A_86 = arith.extui %eq3A_85 : i1 to i32
    %cond3A_87 = arith.constant 0 : i32
    %cond3A_88 = arith.cmpi ne, %convert_element_type3A_86, %cond3A_87 : i32
    scf.if %cond3A_88 {
      %mul3A_94 = arith.constant 640 : i32
      %mul3A_95 = arith.muli %arg1, %mul3A_94 : i32
      %mul3A_96 = arith.constant 640 : i32
      %mul3A_97 = arith.muli %arg1, %mul3A_96 : i32
      "tpu.region"() ({
        %run_scoped3A_98 = tpu.sem_alloc : memref<!tpu.dma_semaphore, #tpu.memory_space<semaphore_mem>>
        %dma_start3A_99 = arith.constant 0 : i32
        %dma_start3A_100 = tpu.memref_slice %arg7[%mul3A_97, %dma_start3A_99] : memref<10240x128xf32, #tpu.memory_space<hbm>> -> memref<640x128xf32, #tpu.memory_space<hbm>>
        %dma_start3A_101 = arith.constant 0 : i32
        %dma_start3A_102 = tpu.memref_slice %arg12[%mul3A_95, %dma_start3A_101] : memref<10240x128xf32, #tpu.memory_space<vmem_shared>> -> memref<640x128xf32, #tpu.memory_space<vmem_shared>>
        tpu.enqueue_dma source(%dma_start3A_102 : memref<640x128xf32, #tpu.memory_space<vmem_shared>>) target(%dma_start3A_100 : memref<640x128xf32, #tpu.memory_space<hbm>>) target_semaphore(%run_scoped3A_98 : memref<!tpu.dma_semaphore, #tpu.memory_space<semaphore_mem>>)
        %dma_wait3A_103 = arith.constant 0 : i32
        %dma_wait3A_104 = tpu.memref_slice %arg7[%mul3A_97, %dma_wait3A_103] : memref<10240x128xf32, #tpu.memory_space<hbm>> -> memref<640x128xf32, #tpu.memory_space<hbm>>
        %dma_wait3A_105 = arith.constant 0 : i32
        %dma_wait3A_106 = tpu.memref_slice %arg12[%mul3A_95, %dma_wait3A_105] : memref<10240x128xf32, #tpu.memory_space<vmem_shared>> -> memref<640x128xf32, #tpu.memory_space<vmem_shared>>
        tpu.wait_dma2 semaphore(%run_scoped3A_98 : memref<!tpu.dma_semaphore, #tpu.memory_space<semaphore_mem>>) src(%dma_wait3A_106 : memref<640x128xf32, #tpu.memory_space<vmem_shared>>) dst(%dma_wait3A_104 : memref<640x128xf32, #tpu.memory_space<hbm>>)
        tpu.yield
      }) : () -> ()
    } else {
    }
    %eq3A_89 = arith.constant 1 : i32
    %eq3A_90 = arith.cmpi eq, %arg0, %eq3A_89 : i32
    %convert_element_type3A_91 = arith.extui %eq3A_90 : i1 to i32
    %cond3A_92 = arith.constant 0 : i32
    %cond3A_93 = arith.cmpi ne, %convert_element_type3A_91, %cond3A_92 : i32
    scf.if %cond3A_93 {
      %mul3A_94 = arith.constant 640 : i32
      %mul3A_95 = arith.muli %arg1, %mul3A_94 : i32
      %mul3A_96 = arith.constant 640 : i32
      %mul3A_97 = arith.muli %arg1, %mul3A_96 : i32
      "tpu.region"() ({
        %run_scoped3A_98 = tpu.sem_alloc : memref<!tpu.dma_semaphore, #tpu.memory_space<semaphore_mem>>
        %dma_start3A_99 = arith.constant 0 : i32
        %dma_start3A_100 = tpu.memref_slice %arg8[%mul3A_97, %dma_start3A_99] : memref<10240x128xf32, #tpu.memory_space<hbm>> -> memref<640x128xf32, #tpu.memory_space<hbm>>
        %dma_start3A_101 = arith.constant 0 : i32
        %dma_start3A_102 = tpu.memref_slice %arg12[%mul3A_95, %dma_start3A_101] : memref<10240x128xf32, #tpu.memory_space<vmem_shared>> -> memref<640x128xf32, #tpu.memory_space<vmem_shared>>
        tpu.enqueue_dma source(%dma_start3A_102 : memref<640x128xf32, #tpu.memory_space<vmem_shared>>) target(%dma_start3A_100 : memref<640x128xf32, #tpu.memory_space<hbm>>) target_semaphore(%run_scoped3A_98 : memref<!tpu.dma_semaphore, #tpu.memory_space<semaphore_mem>>)
        %dma_wait3A_103 = arith.constant 0 : i32
        %dma_wait3A_104 = tpu.memref_slice %arg8[%mul3A_97, %dma_wait3A_103] : memref<10240x128xf32, #tpu.memory_space<hbm>> -> memref<640x128xf32, #tpu.memory_space<hbm>>
        %dma_wait3A_105 = arith.constant 0 : i32
        %dma_wait3A_106 = tpu.memref_slice %arg12[%mul3A_95, %dma_wait3A_105] : memref<10240x128xf32, #tpu.memory_space<vmem_shared>> -> memref<640x128xf32, #tpu.memory_space<vmem_shared>>
        tpu.wait_dma2 semaphore(%run_scoped3A_98 : memref<!tpu.dma_semaphore, #tpu.memory_space<semaphore_mem>>) src(%dma_wait3A_106 : memref<640x128xf32, #tpu.memory_space<vmem_shared>>) dst(%dma_wait3A_104 : memref<640x128xf32, #tpu.memory_space<hbm>>)
        tpu.yield
      }) : () -> ()
    } else {
    }
    return
  }
}

#map = affine_map<(d0, d1) -> (0, 0)>
#map1 = affine_map<(d0, d1) -> (0, 0, 0, 0)>
#map2 = affine_map<(d0, d1) -> (0, 0, 0)>
module attributes {stable_mosaic.version = 14 : i64} {
  func.func @_sc_spmm(%arg0: i32, %arg1: i32, %arg2: memref<10240x128xf32, #tpu.memory_space<hbm>>, %arg3: memref<10240x128xf32, #tpu.memory_space<hbm>>, %arg4: memref<16x10x8x128xi32, #tpu.memory_space<hbm>>, %arg5: memref<16x80x128xi32, #tpu.memory_space<hbm>>, %arg6: memref<10240x128xf32, #tpu.memory_space<hbm>>, %arg7: memref<10240x128xf32, #tpu.memory_space<hbm>>, %arg8: memref<10240x128xf32, #tpu.memory_space<hbm>>, %arg9: memref<80x128xi32, #tpu.memory_space<vmem>>, %arg10: memref<16x128xi32, #tpu.memory_space<vmem>>, %arg11: memref<256x128xf32, #tpu.memory_space<vmem>>, %arg12: memref<10240x128xf32, #tpu.memory_space<vmem_shared>>, %arg13: memref<!tpu.dma_semaphore, #tpu.memory_space<semaphore_mem>>, %arg14: memref<!tpu.dma_semaphore, #tpu.memory_space<semaphore_mem>>, %arg15: memref<!tpu.dma_semaphore, #tpu.memory_space<semaphore_mem>>, %arg16: memref<!tpu.dma_semaphore, #tpu.memory_space<semaphore_mem>>, %arg17: memref<!tpu.dma_semaphore, #tpu.memory_space<semaphore_mem>>) attributes {dimension_semantics = [#tpu.dimension_semantics<core_parallel>, #tpu.dimension_semantics<subcore_parallel>], iteration_bounds = array<i64: 2, 16>, scalar_prefetch = 0 : i64, scratch_operands = 9 : i64, tpu.core_type = #tpu.core_type<sc_vector_subcore>, window_params = [{transform_indices = #map}, {transform_indices = #map}, {transform_indices = #map1}, {transform_indices = #map2}, {transform_indices = #map}, {transform_indices = #map}, {transform_indices = #map}]} {
    "tpu.region"() ({
      %run_scoped3A_94 = tpu.sem_alloc : memref<!tpu.dma_semaphore, #tpu.memory_space<semaphore_mem>>
      %dma_start3A_95 = arith.constant 0 : i32
      %dma_start3A_96 = arith.constant 0 : i32
      %dma_start3A_97 = tpu.memref_slice %arg5[%arg1, %dma_start3A_95, %dma_start3A_96] : memref<16x80x128xi32, #tpu.memory_space<hbm>> -> memref<1x80x128xi32, #tpu.memory_space<hbm>>
      %dma_start3A_98 = tpu.memref_squeeze %dma_start3A_97 : memref<1x80x128xi32, #tpu.memory_space<hbm>> -> memref<80x128xi32, #tpu.memory_space<hbm>>
      %dma_start3A_99 = arith.constant 0 : i32
      %dma_start3A_100 = arith.constant 0 : i32
      %dma_start3A_101 = tpu.memref_slice %arg5[%arg1, %dma_start3A_99, %dma_start3A_100] : memref<16x80x128xi32, #tpu.memory_space<hbm>> -> memref<1x80x128xi32, #tpu.memory_space<hbm>>
      %dma_start3A_102 = tpu.memref_squeeze %dma_start3A_101 : memref<1x80x128xi32, #tpu.memory_space<hbm>> -> memref<80x128xi32, #tpu.memory_space<hbm>>
      tpu.enqueue_dma source(%dma_start3A_102 : memref<80x128xi32, #tpu.memory_space<hbm>>) target(%arg9 : memref<80x128xi32, #tpu.memory_space<vmem>>) target_semaphore(%run_scoped3A_94 : memref<!tpu.dma_semaphore, #tpu.memory_space<semaphore_mem>>)
      %dma_wait3A_103 = arith.constant 0 : i32
      %dma_wait3A_104 = arith.constant 0 : i32
      %dma_wait3A_105 = tpu.memref_slice %arg5[%arg1, %dma_wait3A_103, %dma_wait3A_104] : memref<16x80x128xi32, #tpu.memory_space<hbm>> -> memref<1x80x128xi32, #tpu.memory_space<hbm>>
      %dma_wait3A_106 = tpu.memref_squeeze %dma_wait3A_105 : memref<1x80x128xi32, #tpu.memory_space<hbm>> -> memref<80x128xi32, #tpu.memory_space<hbm>>
      %dma_wait3A_107 = arith.constant 0 : i32
      %dma_wait3A_108 = arith.constant 0 : i32
      %dma_wait3A_109 = tpu.memref_slice %arg5[%arg1, %dma_wait3A_107, %dma_wait3A_108] : memref<16x80x128xi32, #tpu.memory_space<hbm>> -> memref<1x80x128xi32, #tpu.memory_space<hbm>>
      %dma_wait3A_110 = tpu.memref_squeeze %dma_wait3A_109 : memref<1x80x128xi32, #tpu.memory_space<hbm>> -> memref<80x128xi32, #tpu.memory_space<hbm>>
      tpu.wait_dma2 semaphore(%run_scoped3A_94 : memref<!tpu.dma_semaphore, #tpu.memory_space<semaphore_mem>>) src(%dma_wait3A_110 : memref<80x128xi32, #tpu.memory_space<hbm>>) dst(%arg9 : memref<80x128xi32, #tpu.memory_space<vmem>>)
      tpu.yield
    }) : () -> ()
    %mul3A = arith.constant 640 : i32
    %mul3A_0 = arith.muli %arg1, %mul3A : i32
    %mul3A_1 = arith.constant 640 : i32
    %mul3A_2 = arith.muli %arg1, %mul3A_1 : i32
    "tpu.region"() ({
      %run_scoped3A_94 = tpu.sem_alloc : memref<!tpu.dma_semaphore, #tpu.memory_space<semaphore_mem>>
      %dma_start3A_95 = arith.constant 0 : i32
      %dma_start3A_96 = tpu.memref_slice %arg12[%mul3A_2, %dma_start3A_95] : memref<10240x128xf32, #tpu.memory_space<vmem_shared>> -> memref<640x128xf32, #tpu.memory_space<vmem_shared>>
      %dma_start3A_97 = arith.constant 0 : i32
      %dma_start3A_98 = tpu.memref_slice %arg6[%mul3A_0, %dma_start3A_97] : memref<10240x128xf32, #tpu.memory_space<hbm>> -> memref<640x128xf32, #tpu.memory_space<hbm>>
      tpu.enqueue_dma source(%dma_start3A_98 : memref<640x128xf32, #tpu.memory_space<hbm>>) target(%dma_start3A_96 : memref<640x128xf32, #tpu.memory_space<vmem_shared>>) target_semaphore(%run_scoped3A_94 : memref<!tpu.dma_semaphore, #tpu.memory_space<semaphore_mem>>)
      %dma_wait3A_99 = arith.constant 0 : i32
      %dma_wait3A_100 = tpu.memref_slice %arg12[%mul3A_2, %dma_wait3A_99] : memref<10240x128xf32, #tpu.memory_space<vmem_shared>> -> memref<640x128xf32, #tpu.memory_space<vmem_shared>>
      %dma_wait3A_101 = arith.constant 0 : i32
      %dma_wait3A_102 = tpu.memref_slice %arg6[%mul3A_0, %dma_wait3A_101] : memref<10240x128xf32, #tpu.memory_space<hbm>> -> memref<640x128xf32, #tpu.memory_space<hbm>>
      tpu.wait_dma2 semaphore(%run_scoped3A_94 : memref<!tpu.dma_semaphore, #tpu.memory_space<semaphore_mem>>) src(%dma_wait3A_102 : memref<640x128xf32, #tpu.memory_space<hbm>>) dst(%dma_wait3A_100 : memref<640x128xf32, #tpu.memory_space<vmem_shared>>)
      tpu.yield
    }) : () -> ()
    %run_scoped3A = arith.constant 0 : i32
    "tpu.region"() ({
      %run_scoped3A_94 = tpu.sem_alloc : memref<!tpu.dma_semaphore, #tpu.memory_space<semaphore_mem>>
      %dma_start3A_95 = arith.constant 0 : i32
      %dma_start3A_96 = arith.constant 0 : i32
      %dma_start3A_97 = tpu.memref_slice %arg10[%dma_start3A_95, %dma_start3A_96] : memref<16x128xi32, #tpu.memory_space<vmem>> -> memref<8x128xi32, #tpu.memory_space<vmem>>
      %dma_start3A_98 = arith.constant 0 : i32
      %dma_start3A_99 = arith.constant 0 : i32
      %dma_start3A_100 = arith.constant 0 : i32
      %dma_start3A_101 = tpu.memref_slice %arg4[%arg1, %dma_start3A_98, %dma_start3A_99, %dma_start3A_100] : memref<16x10x8x128xi32, #tpu.memory_space<hbm>> -> memref<1x10x8x128xi32, #tpu.memory_space<hbm>>
      %dma_start3A_102 = tpu.memref_squeeze %dma_start3A_101 : memref<1x10x8x128xi32, #tpu.memory_space<hbm>> -> memref<10x8x128xi32, #tpu.memory_space<hbm>>
      %dma_start3A_103 = arith.constant 0 : i32
      %dma_start3A_104 = arith.constant 0 : i32
      %dma_start3A_105 = tpu.memref_slice %dma_start3A_102[%run_scoped3A, %dma_start3A_103, %dma_start3A_104] : memref<10x8x128xi32, #tpu.memory_space<hbm>> -> memref<1x8x128xi32, #tpu.memory_space<hbm>>
      %dma_start3A_106 = tpu.memref_squeeze %dma_start3A_105 : memref<1x8x128xi32, #tpu.memory_space<hbm>> -> memref<8x128xi32, #tpu.memory_space<hbm>>
      %dma_start3A_107 = arith.constant 0 : i32
      %dma_start3A_108 = arith.constant 0 : i32
      %dma_start3A_109 = tpu.memref_slice %arg10[%dma_start3A_107, %dma_start3A_108] : memref<16x128xi32, #tpu.memory_space<vmem>> -> memref<8x128xi32, #tpu.memory_space<vmem>>
      %dma_start3A_110 = arith.constant 0 : i32
      %dma_start3A_111 = arith.constant 0 : i32
      %dma_start3A_112 = arith.constant 0 : i32
      %dma_start3A_113 = tpu.memref_slice %arg4[%arg1, %dma_start3A_110, %dma_start3A_111, %dma_start3A_112] : memref<16x10x8x128xi32, #tpu.memory_space<hbm>> -> memref<1x10x8x128xi32, #tpu.memory_space<hbm>>
      %dma_start3A_114 = tpu.memref_squeeze %dma_start3A_113 : memref<1x10x8x128xi32, #tpu.memory_space<hbm>> -> memref<10x8x128xi32, #tpu.memory_space<hbm>>
      %dma_start3A_115 = arith.constant 0 : i32
      %dma_start3A_116 = arith.constant 0 : i32
      %dma_start3A_117 = tpu.memref_slice %dma_start3A_114[%run_scoped3A, %dma_start3A_115, %dma_start3A_116] : memref<10x8x128xi32, #tpu.memory_space<hbm>> -> memref<1x8x128xi32, #tpu.memory_space<hbm>>
      %dma_start3A_118 = tpu.memref_squeeze %dma_start3A_117 : memref<1x8x128xi32, #tpu.memory_space<hbm>> -> memref<8x128xi32, #tpu.memory_space<hbm>>
      tpu.enqueue_dma source(%dma_start3A_118 : memref<8x128xi32, #tpu.memory_space<hbm>>) target(%dma_start3A_109 : memref<8x128xi32, #tpu.memory_space<vmem>>) target_semaphore(%run_scoped3A_94 : memref<!tpu.dma_semaphore, #tpu.memory_space<semaphore_mem>>)
      %dma_wait3A_119 = arith.constant 0 : i32
      %dma_wait3A_120 = arith.constant 0 : i32
      %dma_wait3A_121 = tpu.memref_slice %arg10[%dma_wait3A_119, %dma_wait3A_120] : memref<16x128xi32, #tpu.memory_space<vmem>> -> memref<8x128xi32, #tpu.memory_space<vmem>>
      %dma_wait3A_122 = arith.constant 0 : i32
      %dma_wait3A_123 = arith.constant 0 : i32
      %dma_wait3A_124 = arith.constant 0 : i32
      %dma_wait3A_125 = tpu.memref_slice %arg4[%arg1, %dma_wait3A_122, %dma_wait3A_123, %dma_wait3A_124] : memref<16x10x8x128xi32, #tpu.memory_space<hbm>> -> memref<1x10x8x128xi32, #tpu.memory_space<hbm>>
      %dma_wait3A_126 = tpu.memref_squeeze %dma_wait3A_125 : memref<1x10x8x128xi32, #tpu.memory_space<hbm>> -> memref<10x8x128xi32, #tpu.memory_space<hbm>>
      %dma_wait3A_127 = arith.constant 0 : i32
      %dma_wait3A_128 = arith.constant 0 : i32
      %dma_wait3A_129 = tpu.memref_slice %dma_wait3A_126[%run_scoped3A, %dma_wait3A_127, %dma_wait3A_128] : memref<10x8x128xi32, #tpu.memory_space<hbm>> -> memref<1x8x128xi32, #tpu.memory_space<hbm>>
      %dma_wait3A_130 = tpu.memref_squeeze %dma_wait3A_129 : memref<1x8x128xi32, #tpu.memory_space<hbm>> -> memref<8x128xi32, #tpu.memory_space<hbm>>
      %dma_wait3A_131 = arith.constant 0 : i32
      %dma_wait3A_132 = arith.constant 0 : i32
      %dma_wait3A_133 = tpu.memref_slice %arg10[%dma_wait3A_131, %dma_wait3A_132] : memref<16x128xi32, #tpu.memory_space<vmem>> -> memref<8x128xi32, #tpu.memory_space<vmem>>
      %dma_wait3A_134 = arith.constant 0 : i32
      %dma_wait3A_135 = arith.constant 0 : i32
      %dma_wait3A_136 = arith.constant 0 : i32
      %dma_wait3A_137 = tpu.memref_slice %arg4[%arg1, %dma_wait3A_134, %dma_wait3A_135, %dma_wait3A_136] : memref<16x10x8x128xi32, #tpu.memory_space<hbm>> -> memref<1x10x8x128xi32, #tpu.memory_space<hbm>>
      %dma_wait3A_138 = tpu.memref_squeeze %dma_wait3A_137 : memref<1x10x8x128xi32, #tpu.memory_space<hbm>> -> memref<10x8x128xi32, #tpu.memory_space<hbm>>
      %dma_wait3A_139 = arith.constant 0 : i32
      %dma_wait3A_140 = arith.constant 0 : i32
      %dma_wait3A_141 = tpu.memref_slice %dma_wait3A_138[%run_scoped3A, %dma_wait3A_139, %dma_wait3A_140] : memref<10x8x128xi32, #tpu.memory_space<hbm>> -> memref<1x8x128xi32, #tpu.memory_space<hbm>>
      %dma_wait3A_142 = tpu.memref_squeeze %dma_wait3A_141 : memref<1x8x128xi32, #tpu.memory_space<hbm>> -> memref<8x128xi32, #tpu.memory_space<hbm>>
      tpu.wait_dma2 semaphore(%run_scoped3A_94 : memref<!tpu.dma_semaphore, #tpu.memory_space<semaphore_mem>>) src(%dma_wait3A_142 : memref<8x128xi32, #tpu.memory_space<hbm>>) dst(%dma_wait3A_133 : memref<8x128xi32, #tpu.memory_space<vmem>>)
      tpu.yield
    }) : () -> ()
    %dma_start3A = arith.constant 1 : i32
    %dma_start3A_3 = arith.constant 8 : i32
    %dma_start3A_4 = arith.constant 0 : i32
    %dma_start3A_5 = tpu.memref_slice %arg10[%dma_start3A_3, %dma_start3A_4] : memref<16x128xi32, #tpu.memory_space<vmem>> -> memref<8x128xi32, #tpu.memory_space<vmem>>
    %dma_start3A_6 = arith.constant 0 : i32
    %dma_start3A_7 = arith.constant 0 : i32
    %dma_start3A_8 = arith.constant 0 : i32
    %dma_start3A_9 = tpu.memref_slice %arg4[%arg1, %dma_start3A_6, %dma_start3A_7, %dma_start3A_8] : memref<16x10x8x128xi32, #tpu.memory_space<hbm>> -> memref<1x10x8x128xi32, #tpu.memory_space<hbm>>
    %dma_start3A_10 = tpu.memref_squeeze %dma_start3A_9 : memref<1x10x8x128xi32, #tpu.memory_space<hbm>> -> memref<10x8x128xi32, #tpu.memory_space<hbm>>
    %dma_start3A_11 = arith.constant 0 : i32
    %dma_start3A_12 = arith.constant 0 : i32
    %dma_start3A_13 = tpu.memref_slice %dma_start3A_10[%dma_start3A, %dma_start3A_11, %dma_start3A_12] : memref<10x8x128xi32, #tpu.memory_space<hbm>> -> memref<1x8x128xi32, #tpu.memory_space<hbm>>
    %dma_start3A_14 = tpu.memref_squeeze %dma_start3A_13 : memref<1x8x128xi32, #tpu.memory_space<hbm>> -> memref<8x128xi32, #tpu.memory_space<hbm>>
    %dma_start3A_15 = arith.constant 8 : i32
    %dma_start3A_16 = arith.constant 0 : i32
    %dma_start3A_17 = tpu.memref_slice %arg10[%dma_start3A_15, %dma_start3A_16] : memref<16x128xi32, #tpu.memory_space<vmem>> -> memref<8x128xi32, #tpu.memory_space<vmem>>
    %dma_start3A_18 = arith.constant 0 : i32
    %dma_start3A_19 = arith.constant 0 : i32
    %dma_start3A_20 = arith.constant 0 : i32
    %dma_start3A_21 = tpu.memref_slice %arg4[%arg1, %dma_start3A_18, %dma_start3A_19, %dma_start3A_20] : memref<16x10x8x128xi32, #tpu.memory_space<hbm>> -> memref<1x10x8x128xi32, #tpu.memory_space<hbm>>
    %dma_start3A_22 = tpu.memref_squeeze %dma_start3A_21 : memref<1x10x8x128xi32, #tpu.memory_space<hbm>> -> memref<10x8x128xi32, #tpu.memory_space<hbm>>
    %dma_start3A_23 = arith.constant 0 : i32
    %dma_start3A_24 = arith.constant 0 : i32
    %dma_start3A_25 = tpu.memref_slice %dma_start3A_22[%dma_start3A, %dma_start3A_23, %dma_start3A_24] : memref<10x8x128xi32, #tpu.memory_space<hbm>> -> memref<1x8x128xi32, #tpu.memory_space<hbm>>
    %dma_start3A_26 = tpu.memref_squeeze %dma_start3A_25 : memref<1x8x128xi32, #tpu.memory_space<hbm>> -> memref<8x128xi32, #tpu.memory_space<hbm>>
    tpu.enqueue_dma source(%dma_start3A_26 : memref<8x128xi32, #tpu.memory_space<hbm>>) target(%dma_start3A_17 : memref<8x128xi32, #tpu.memory_space<vmem>>) target_semaphore(%arg17 : memref<!tpu.dma_semaphore, #tpu.memory_space<semaphore_mem>>)
    %barrier3A = arith.constant 0 : index
    tpu.barrier barrier_id(%barrier3A)
    %rem3A = arith.constant 0 : i32
    %rem3A_27 = arith.constant 2 : i32
    %rem3A_28 = arith.remsi %rem3A, %rem3A_27 : i32
    %mul3A_29 = arith.constant 8 : i32
    %mul3A_30 = arith.muli %rem3A_28, %mul3A_29 : i32
    %rem3A_31 = arith.constant 0 : i32
    %rem3A_32 = arith.constant 8 : i32
    %rem3A_33 = arith.remsi %rem3A_31, %rem3A_32 : i32
    %add3A = arith.addi %mul3A_30, %rem3A_33 : i32
    %eq3A = arith.constant 0 : i32
    %eq3A_34 = arith.cmpi eq, %arg0, %eq3A : i32
    %convert_element_type3A = arith.extui %eq3A_34 : i1 to i32
    %cond3A = arith.constant 0 : i32
    %cond3A_35 = arith.cmpi ne, %convert_element_type3A, %cond3A : i32
    scf.if %cond3A_35 {
      %rem3A_94 = arith.constant 0 : i32
      %rem3A_95 = arith.constant 2 : i32
      %rem3A_96 = arith.remsi %rem3A_94, %rem3A_95 : i32
      %mul3A_97 = arith.constant 2 : i32
      %mul3A_98 = arith.muli %rem3A_96, %mul3A_97 : i32
      %add3A_99 = arith.constant 0 : i32
      %add3A_100 = arith.addi %mul3A_98, %add3A_99 : i32
      %mul3A_101 = arith.constant 64 : i32
      %mul3A_102 = arith.muli %add3A_100, %mul3A_101 : i32
      %dma_start3A_103 = arith.constant 0 : i32
      %dma_start3A_104 = tpu.memref_slice %arg11[%mul3A_102, %dma_start3A_103] : memref<256x128xf32, #tpu.memory_space<vmem>> -> memref<64x128xf32, #tpu.memory_space<vmem>>
      %dma_start3A_105 = arith.constant 0 : i32
      %dma_start3A_106 = tpu.memref_slice %arg10[%add3A, %dma_start3A_105] : memref<16x128xi32, #tpu.memory_space<vmem>> -> memref<1x64xi32, #tpu.memory_space<vmem>>
      %dma_start3A_107 = tpu.memref_squeeze %dma_start3A_106 : memref<1x64xi32, #tpu.memory_space<vmem>> -> memref<64xi32, #tpu.memory_space<vmem>>
      %dma_start3A_108 = arith.constant 0 : i32
      %dma_start3A_109 = arith.constant 0 : i32
      %dma_start3A_110 = tpu.memref_slice %arg2[%dma_start3A_108, %dma_start3A_109] : memref<10240x128xf32, #tpu.memory_space<hbm>> -> memref<10240x128xf32, #tpu.memory_space<hbm>>
      tpu.enqueue_indirect_dma source(%dma_start3A_110 : memref<10240x128xf32, #tpu.memory_space<hbm>>) target(%dma_start3A_104 : memref<64x128xf32, #tpu.memory_space<vmem>>) offsets(%dma_start3A_107 : memref<64xi32, #tpu.memory_space<vmem>>) semaphore(%arg13 : memref<!tpu.dma_semaphore, #tpu.memory_space<semaphore_mem>>)
    } else {
    }
    %eq3A_36 = arith.constant 1 : i32
    %eq3A_37 = arith.cmpi eq, %arg0, %eq3A_36 : i32
    %convert_element_type3A_38 = arith.extui %eq3A_37 : i1 to i32
    %cond3A_39 = arith.constant 0 : i32
    %cond3A_40 = arith.cmpi ne, %convert_element_type3A_38, %cond3A_39 : i32
    scf.if %cond3A_40 {
      %rem3A_94 = arith.constant 0 : i32
      %rem3A_95 = arith.constant 2 : i32
      %rem3A_96 = arith.remsi %rem3A_94, %rem3A_95 : i32
      %mul3A_97 = arith.constant 2 : i32
      %mul3A_98 = arith.muli %rem3A_96, %mul3A_97 : i32
      %add3A_99 = arith.constant 0 : i32
      %add3A_100 = arith.addi %mul3A_98, %add3A_99 : i32
      %mul3A_101 = arith.constant 64 : i32
      %mul3A_102 = arith.muli %add3A_100, %mul3A_101 : i32
      %dma_start3A_103 = arith.constant 0 : i32
      %dma_start3A_104 = tpu.memref_slice %arg11[%mul3A_102, %dma_start3A_103] : memref<256x128xf32, #tpu.memory_space<vmem>> -> memref<64x128xf32, #tpu.memory_space<vmem>>
      %dma_start3A_105 = arith.constant 0 : i32
      %dma_start3A_106 = tpu.memref_slice %arg10[%add3A, %dma_start3A_105] : memref<16x128xi32, #tpu.memory_space<vmem>> -> memref<1x64xi32, #tpu.memory_space<vmem>>
      %dma_start3A_107 = tpu.memref_squeeze %dma_start3A_106 : memref<1x64xi32, #tpu.memory_space<vmem>> -> memref<64xi32, #tpu.memory_space<vmem>>
      %dma_start3A_108 = arith.constant 0 : i32
      %dma_start3A_109 = arith.constant 0 : i32
      %dma_start3A_110 = tpu.memref_slice %arg3[%dma_start3A_108, %dma_start3A_109] : memref<10240x128xf32, #tpu.memory_space<hbm>> -> memref<10240x128xf32, #tpu.memory_space<hbm>>
      tpu.enqueue_indirect_dma source(%dma_start3A_110 : memref<10240x128xf32, #tpu.memory_space<hbm>>) target(%dma_start3A_104 : memref<64x128xf32, #tpu.memory_space<vmem>>) offsets(%dma_start3A_107 : memref<64xi32, #tpu.memory_space<vmem>>) semaphore(%arg13 : memref<!tpu.dma_semaphore, #tpu.memory_space<semaphore_mem>>)
    } else {
    }
    %rem3A_41 = arith.constant 0 : i32
    %rem3A_42 = arith.constant 2 : i32
    %rem3A_43 = arith.remsi %rem3A_41, %rem3A_42 : i32
    %mul3A_44 = arith.constant 8 : i32
    %mul3A_45 = arith.muli %rem3A_43, %mul3A_44 : i32
    %rem3A_46 = arith.constant 0 : i32
    %rem3A_47 = arith.constant 8 : i32
    %rem3A_48 = arith.remsi %rem3A_46, %rem3A_47 : i32
    %add3A_49 = arith.addi %mul3A_45, %rem3A_48 : i32
    %eq3A_50 = arith.constant 0 : i32
    %eq3A_51 = arith.cmpi eq, %arg0, %eq3A_50 : i32
    %convert_element_type3A_52 = arith.extui %eq3A_51 : i1 to i32
    %cond3A_53 = arith.constant 0 : i32
    %cond3A_54 = arith.cmpi ne, %convert_element_type3A_52, %cond3A_53 : i32
    scf.if %cond3A_54 {
      %rem3A_94 = arith.constant 0 : i32
      %rem3A_95 = arith.constant 2 : i32
      %rem3A_96 = arith.remsi %rem3A_94, %rem3A_95 : i32
      %mul3A_97 = arith.constant 2 : i32
      %mul3A_98 = arith.muli %rem3A_96, %mul3A_97 : i32
      %add3A_99 = arith.constant 1 : i32
      %add3A_100 = arith.addi %mul3A_98, %add3A_99 : i32
      %mul3A_101 = arith.constant 64 : i32
      %mul3A_102 = arith.muli %add3A_100, %mul3A_101 : i32
      %dma_start3A_103 = arith.constant 0 : i32
      %dma_start3A_104 = tpu.memref_slice %arg11[%mul3A_102, %dma_start3A_103] : memref<256x128xf32, #tpu.memory_space<vmem>> -> memref<64x128xf32, #tpu.memory_space<vmem>>
      %dma_start3A_105 = arith.constant 64 : i32
      %dma_start3A_106 = tpu.memref_slice %arg10[%add3A_49, %dma_start3A_105] : memref<16x128xi32, #tpu.memory_space<vmem>> -> memref<1x64xi32, #tpu.memory_space<vmem>>
      %dma_start3A_107 = tpu.memref_squeeze %dma_start3A_106 : memref<1x64xi32, #tpu.memory_space<vmem>> -> memref<64xi32, #tpu.memory_space<vmem>>
      %dma_start3A_108 = arith.constant 0 : i32
      %dma_start3A_109 = arith.constant 0 : i32
      %dma_start3A_110 = tpu.memref_slice %arg2[%dma_start3A_108, %dma_start3A_109] : memref<10240x128xf32, #tpu.memory_space<hbm>> -> memref<10240x128xf32, #tpu.memory_space<hbm>>
      tpu.enqueue_indirect_dma source(%dma_start3A_110 : memref<10240x128xf32, #tpu.memory_space<hbm>>) target(%dma_start3A_104 : memref<64x128xf32, #tpu.memory_space<vmem>>) offsets(%dma_start3A_107 : memref<64xi32, #tpu.memory_space<vmem>>) semaphore(%arg14 : memref<!tpu.dma_semaphore, #tpu.memory_space<semaphore_mem>>)
    } else {
    }
    %eq3A_55 = arith.constant 1 : i32
    %eq3A_56 = arith.cmpi eq, %arg0, %eq3A_55 : i32
    %convert_element_type3A_57 = arith.extui %eq3A_56 : i1 to i32
    %cond3A_58 = arith.constant 0 : i32
    %cond3A_59 = arith.cmpi ne, %convert_element_type3A_57, %cond3A_58 : i32
    scf.if %cond3A_59 {
      %rem3A_94 = arith.constant 0 : i32
      %rem3A_95 = arith.constant 2 : i32
      %rem3A_96 = arith.remsi %rem3A_94, %rem3A_95 : i32
      %mul3A_97 = arith.constant 2 : i32
      %mul3A_98 = arith.muli %rem3A_96, %mul3A_97 : i32
      %add3A_99 = arith.constant 1 : i32
      %add3A_100 = arith.addi %mul3A_98, %add3A_99 : i32
      %mul3A_101 = arith.constant 64 : i32
      %mul3A_102 = arith.muli %add3A_100, %mul3A_101 : i32
      %dma_start3A_103 = arith.constant 0 : i32
      %dma_start3A_104 = tpu.memref_slice %arg11[%mul3A_102, %dma_start3A_103] : memref<256x128xf32, #tpu.memory_space<vmem>> -> memref<64x128xf32, #tpu.memory_space<vmem>>
      %dma_start3A_105 = arith.constant 64 : i32
      %dma_start3A_106 = tpu.memref_slice %arg10[%add3A_49, %dma_start3A_105] : memref<16x128xi32, #tpu.memory_space<vmem>> -> memref<1x64xi32, #tpu.memory_space<vmem>>
      %dma_start3A_107 = tpu.memref_squeeze %dma_start3A_106 : memref<1x64xi32, #tpu.memory_space<vmem>> -> memref<64xi32, #tpu.memory_space<vmem>>
      %dma_start3A_108 = arith.constant 0 : i32
      %dma_start3A_109 = arith.constant 0 : i32
      %dma_start3A_110 = tpu.memref_slice %arg3[%dma_start3A_108, %dma_start3A_109] : memref<10240x128xf32, #tpu.memory_space<hbm>> -> memref<10240x128xf32, #tpu.memory_space<hbm>>
      tpu.enqueue_indirect_dma source(%dma_start3A_110 : memref<10240x128xf32, #tpu.memory_space<hbm>>) target(%dma_start3A_104 : memref<64x128xf32, #tpu.memory_space<vmem>>) offsets(%dma_start3A_107 : memref<64xi32, #tpu.memory_space<vmem>>) semaphore(%arg14 : memref<!tpu.dma_semaphore, #tpu.memory_space<semaphore_mem>>)
    } else {
    }
    %scan3A = arith.constant 0 : i32
    %scan3A_60 = arith.constant 80 : i32
    %scan3A_61 = arith.addi %scan3A, %scan3A_60 : i32
    %scan3A_62 = arith.constant 1 : i32
    scf.for %scan3A_94 = %scan3A to %scan3A_61 step %scan3A_62  : i32 {
      %mul3A_95 = arith.constant 1 : i32
      %mul3A_96 = arith.muli %scan3A_94, %mul3A_95 : i32
      %add3A_97 = arith.constant 0 : i32
      %add3A_98 = arith.addi %add3A_97, %mul3A_96 : i32
      %add3A_99 = arith.constant 1 : i32
      %add3A_100 = arith.addi %add3A_98, %add3A_99 : i32
      %rem3A_101 = arith.constant 8 : i32
      %rem3A_102 = arith.remsi %add3A_100, %rem3A_101 : i32
      %eq3A_103 = arith.constant 0 : i32
      %eq3A_104 = arith.cmpi eq, %rem3A_102, %eq3A_103 : i32
      %lt3A = arith.constant 80 : i32
      %lt3A_105 = arith.cmpi slt, %add3A_100, %lt3A : i32
      %and3A = arith.andi %eq3A_104, %lt3A_105 : i1
      %convert_element_type3A_106 = arith.extui %and3A : i1 to i32
      %cond3A_107 = arith.constant 0 : i32
      %cond3A_108 = arith.cmpi ne, %convert_element_type3A_106, %cond3A_107 : i32
      scf.if %cond3A_108 {
        %dma_wait3A_186 = arith.constant 0 : i32
        %dma_wait3A_187 = arith.constant 0 : i32
        %dma_wait3A_188 = arith.constant 0 : i32
        %dma_wait3A_189 = tpu.memref_slice %arg10[%dma_wait3A_187, %dma_wait3A_188] : memref<16x128xi32, #tpu.memory_space<vmem>> -> memref<8x128xi32, #tpu.memory_space<vmem>>
        %dma_wait3A_190 = arith.constant 0 : i32
        %dma_wait3A_191 = arith.constant 0 : i32
        %dma_wait3A_192 = arith.constant 0 : i32
        %dma_wait3A_193 = tpu.memref_slice %arg4[%arg1, %dma_wait3A_190, %dma_wait3A_191, %dma_wait3A_192] : memref<16x10x8x128xi32, #tpu.memory_space<hbm>> -> memref<1x10x8x128xi32, #tpu.memory_space<hbm>>
        %dma_wait3A_194 = tpu.memref_squeeze %dma_wait3A_193 : memref<1x10x8x128xi32, #tpu.memory_space<hbm>> -> memref<10x8x128xi32, #tpu.memory_space<hbm>>
        %dma_wait3A_195 = arith.constant 0 : i32
        %dma_wait3A_196 = arith.constant 0 : i32
        %dma_wait3A_197 = tpu.memref_slice %dma_wait3A_194[%dma_wait3A_186, %dma_wait3A_195, %dma_wait3A_196] : memref<10x8x128xi32, #tpu.memory_space<hbm>> -> memref<1x8x128xi32, #tpu.memory_space<hbm>>
        %dma_wait3A_198 = tpu.memref_squeeze %dma_wait3A_197 : memref<1x8x128xi32, #tpu.memory_space<hbm>> -> memref<8x128xi32, #tpu.memory_space<hbm>>
        %dma_wait3A_199 = arith.constant 0 : i32
        %dma_wait3A_200 = arith.constant 0 : i32
        %dma_wait3A_201 = tpu.memref_slice %arg10[%dma_wait3A_199, %dma_wait3A_200] : memref<16x128xi32, #tpu.memory_space<vmem>> -> memref<8x128xi32, #tpu.memory_space<vmem>>
        %dma_wait3A_202 = arith.constant 0 : i32
        %dma_wait3A_203 = arith.constant 0 : i32
        %dma_wait3A_204 = arith.constant 0 : i32
        %dma_wait3A_205 = tpu.memref_slice %arg4[%arg1, %dma_wait3A_202, %dma_wait3A_203, %dma_wait3A_204] : memref<16x10x8x128xi32, #tpu.memory_space<hbm>> -> memref<1x10x8x128xi32, #tpu.memory_space<hbm>>
        %dma_wait3A_206 = tpu.memref_squeeze %dma_wait3A_205 : memref<1x10x8x128xi32, #tpu.memory_space<hbm>> -> memref<10x8x128xi32, #tpu.memory_space<hbm>>
        %dma_wait3A_207 = arith.constant 0 : i32
        %dma_wait3A_208 = arith.constant 0 : i32
        %dma_wait3A_209 = tpu.memref_slice %dma_wait3A_206[%dma_wait3A_186, %dma_wait3A_207, %dma_wait3A_208] : memref<10x8x128xi32, #tpu.memory_space<hbm>> -> memref<1x8x128xi32, #tpu.memory_space<hbm>>
        %dma_wait3A_210 = tpu.memref_squeeze %dma_wait3A_209 : memref<1x8x128xi32, #tpu.memory_space<hbm>> -> memref<8x128xi32, #tpu.memory_space<hbm>>
        tpu.wait_dma2 semaphore(%arg17 : memref<!tpu.dma_semaphore, #tpu.memory_space<semaphore_mem>>) src(%dma_wait3A_210 : memref<8x128xi32, #tpu.memory_space<hbm>>) dst(%dma_wait3A_201 : memref<8x128xi32, #tpu.memory_space<vmem>>)
      } else {
      }
      %dma_wait3A_109 = arith.constant 0 : i32
      %dma_wait3A_110 = arith.constant 0 : i32
      %dma_wait3A_111 = arith.constant 0 : i32
      %dma_wait3A_112 = tpu.memref_slice %arg11[%dma_wait3A_110, %dma_wait3A_111] : memref<256x128xf32, #tpu.memory_space<vmem>> -> memref<64x128xf32, #tpu.memory_space<vmem>>
      %dma_wait3A_113 = arith.constant 0 : i32
      %dma_wait3A_114 = tpu.memref_slice %arg10[%dma_wait3A_109, %dma_wait3A_113] : memref<16x128xi32, #tpu.memory_space<vmem>> -> memref<1x64xi32, #tpu.memory_space<vmem>>
      %dma_wait3A_115 = tpu.memref_squeeze %dma_wait3A_114 : memref<1x64xi32, #tpu.memory_space<vmem>> -> memref<64xi32, #tpu.memory_space<vmem>>
      %dma_wait3A_116 = arith.constant 0 : i32
      %dma_wait3A_117 = arith.constant 0 : i32
      %dma_wait3A_118 = tpu.memref_slice %arg2[%dma_wait3A_116, %dma_wait3A_117] : memref<10240x128xf32, #tpu.memory_space<hbm>> -> memref<10240x128xf32, #tpu.memory_space<hbm>>
      tpu.wait_indirect_dma semaphore(%arg13 : memref<!tpu.dma_semaphore, #tpu.memory_space<semaphore_mem>>) src(%dma_wait3A_118 : memref<10240x128xf32, #tpu.memory_space<hbm>>) dst(%dma_wait3A_112 : memref<64x128xf32, #tpu.memory_space<vmem>>)
      %ge3A = arith.constant 1 : i32
      %ge3A_119 = arith.cmpi sge, %add3A_98, %ge3A : i32
      %convert_element_type3A_120 = arith.extui %ge3A_119 : i1 to i32
      %cond3A_121 = arith.constant 0 : i32
      %cond3A_122 = arith.cmpi ne, %convert_element_type3A_120, %cond3A_121 : i32
      scf.if %cond3A_122 {
        %dma_wait3A_186 = arith.constant 0 : i32
        %dma_wait3A_187 = arith.constant 0 : i32
        %dma_wait3A_188 = arith.constant 0 : i32
        %dma_wait3A_189 = tpu.memref_slice %arg11[%dma_wait3A_187, %dma_wait3A_188] : memref<256x128xf32, #tpu.memory_space<vmem>> -> memref<64x128xf32, #tpu.memory_space<vmem>>
        %dma_wait3A_190 = arith.constant 0 : i32
        %dma_wait3A_191 = tpu.memref_slice %arg9[%dma_wait3A_186, %dma_wait3A_190] : memref<80x128xi32, #tpu.memory_space<vmem>> -> memref<1x64xi32, #tpu.memory_space<vmem>>
        %dma_wait3A_192 = tpu.memref_squeeze %dma_wait3A_191 : memref<1x64xi32, #tpu.memory_space<vmem>> -> memref<64xi32, #tpu.memory_space<vmem>>
        %dma_wait3A_193 = arith.constant 0 : i32
        %dma_wait3A_194 = arith.constant 0 : i32
        %dma_wait3A_195 = tpu.memref_slice %arg12[%dma_wait3A_193, %dma_wait3A_194] : memref<10240x128xf32, #tpu.memory_space<vmem_shared>> -> memref<10240x128xf32, #tpu.memory_space<vmem_shared>>
        tpu.wait_indirect_dma semaphore(%arg15 : memref<!tpu.dma_semaphore, #tpu.memory_space<semaphore_mem>>) src(%dma_wait3A_189 : memref<64x128xf32, #tpu.memory_space<vmem>>) dst(%dma_wait3A_195 : memref<10240x128xf32, #tpu.memory_space<vmem_shared>>)
      } else {
      }
      %lt3A_123 = arith.constant 80 : i32
      %lt3A_124 = arith.cmpi slt, %add3A_100, %lt3A_123 : i32
      %convert_element_type3A_125 = arith.extui %lt3A_124 : i1 to i32
      %cond3A_126 = arith.constant 0 : i32
      %cond3A_127 = arith.cmpi ne, %convert_element_type3A_125, %cond3A_126 : i32
      scf.if %cond3A_127 {
        %jit3A = arith.constant 8 : i32
        %div3A = arith.divsi %add3A_100, %jit3A : i32
        %sign3A = arith.constant 0 : i32
        %sign3A_186 = arith.cmpi sgt, %add3A_100, %sign3A : i32
        %sign3A_187 = arith.extui %sign3A_186 : i1 to i32
        %sign3A_188 = arith.constant 0 : i32
        %sign3A_189 = arith.cmpi slt, %add3A_100, %sign3A_188 : i32
        %sign3A_190 = arith.extui %sign3A_189 : i1 to i32
        %sign3A_191 = arith.subi %sign3A_187, %sign3A_190 : i32
        %sign3A_192 = arith.constant 0 : i32
        %sign3A_193 = arith.cmpi sgt, %jit3A, %sign3A_192 : i32
        %sign3A_194 = arith.extui %sign3A_193 : i1 to i32
        %sign3A_195 = arith.constant 0 : i32
        %sign3A_196 = arith.cmpi slt, %jit3A, %sign3A_195 : i32
        %sign3A_197 = arith.extui %sign3A_196 : i1 to i32
        %sign3A_198 = arith.subi %sign3A_194, %sign3A_197 : i32
        %ne3A = arith.cmpi ne, %sign3A_191, %sign3A_198 : i32
        %rem3A_199 = arith.remsi %add3A_100, %jit3A : i32
        %ne3A_200 = arith.constant 0 : i32
        %ne3A_201 = arith.cmpi ne, %rem3A_199, %ne3A_200 : i32
        %and3A_202 = arith.andi %ne3A, %ne3A_201 : i1
        %sub3A = arith.constant 1 : i32
        %sub3A_203 = arith.subi %div3A, %sub3A : i32
        %select_n3A = arith.select %and3A_202, %sub3A_203, %div3A : i32
        %rem3A_204 = arith.constant 2 : i32
        %rem3A_205 = arith.remsi %select_n3A, %rem3A_204 : i32
        %mul3A_206 = arith.constant 8 : i32
        %mul3A_207 = arith.muli %rem3A_205, %mul3A_206 : i32
        %rem3A_208 = arith.constant 8 : i32
        %rem3A_209 = arith.remsi %add3A_100, %rem3A_208 : i32
        %add3A_210 = arith.addi %mul3A_207, %rem3A_209 : i32
        %eq3A_211 = arith.constant 0 : i32
        %eq3A_212 = arith.cmpi eq, %arg0, %eq3A_211 : i32
        %convert_element_type3A_213 = arith.extui %eq3A_212 : i1 to i32
        %cond3A_214 = arith.constant 0 : i32
        %cond3A_215 = arith.cmpi ne, %convert_element_type3A_213, %cond3A_214 : i32
        scf.if %cond3A_215 {
          %rem3A_221 = arith.constant 2 : i32
          %rem3A_222 = arith.remsi %add3A_100, %rem3A_221 : i32
          %mul3A_223 = arith.constant 2 : i32
          %mul3A_224 = arith.muli %rem3A_222, %mul3A_223 : i32
          %add3A_225 = arith.constant 0 : i32
          %add3A_226 = arith.addi %mul3A_224, %add3A_225 : i32
          %mul3A_227 = arith.constant 64 : i32
          %mul3A_228 = arith.muli %add3A_226, %mul3A_227 : i32
          %dma_start3A_229 = arith.constant 0 : i32
          %dma_start3A_230 = tpu.memref_slice %arg11[%mul3A_228, %dma_start3A_229] : memref<256x128xf32, #tpu.memory_space<vmem>> -> memref<64x128xf32, #tpu.memory_space<vmem>>
          %dma_start3A_231 = arith.constant 0 : i32
          %dma_start3A_232 = tpu.memref_slice %arg10[%add3A_210, %dma_start3A_231] : memref<16x128xi32, #tpu.memory_space<vmem>> -> memref<1x64xi32, #tpu.memory_space<vmem>>
          %dma_start3A_233 = tpu.memref_squeeze %dma_start3A_232 : memref<1x64xi32, #tpu.memory_space<vmem>> -> memref<64xi32, #tpu.memory_space<vmem>>
          %dma_start3A_234 = arith.constant 0 : i32
          %dma_start3A_235 = arith.constant 0 : i32
          %dma_start3A_236 = tpu.memref_slice %arg2[%dma_start3A_234, %dma_start3A_235] : memref<10240x128xf32, #tpu.memory_space<hbm>> -> memref<10240x128xf32, #tpu.memory_space<hbm>>
          tpu.enqueue_indirect_dma source(%dma_start3A_236 : memref<10240x128xf32, #tpu.memory_space<hbm>>) target(%dma_start3A_230 : memref<64x128xf32, #tpu.memory_space<vmem>>) offsets(%dma_start3A_233 : memref<64xi32, #tpu.memory_space<vmem>>) semaphore(%arg13 : memref<!tpu.dma_semaphore, #tpu.memory_space<semaphore_mem>>)
        } else {
        }
        %eq3A_216 = arith.constant 1 : i32
        %eq3A_217 = arith.cmpi eq, %arg0, %eq3A_216 : i32
        %convert_element_type3A_218 = arith.extui %eq3A_217 : i1 to i32
        %cond3A_219 = arith.constant 0 : i32
        %cond3A_220 = arith.cmpi ne, %convert_element_type3A_218, %cond3A_219 : i32
        scf.if %cond3A_220 {
          %rem3A_221 = arith.constant 2 : i32
          %rem3A_222 = arith.remsi %add3A_100, %rem3A_221 : i32
          %mul3A_223 = arith.constant 2 : i32
          %mul3A_224 = arith.muli %rem3A_222, %mul3A_223 : i32
          %add3A_225 = arith.constant 0 : i32
          %add3A_226 = arith.addi %mul3A_224, %add3A_225 : i32
          %mul3A_227 = arith.constant 64 : i32
          %mul3A_228 = arith.muli %add3A_226, %mul3A_227 : i32
          %dma_start3A_229 = arith.constant 0 : i32
          %dma_start3A_230 = tpu.memref_slice %arg11[%mul3A_228, %dma_start3A_229] : memref<256x128xf32, #tpu.memory_space<vmem>> -> memref<64x128xf32, #tpu.memory_space<vmem>>
          %dma_start3A_231 = arith.constant 0 : i32
          %dma_start3A_232 = tpu.memref_slice %arg10[%add3A_210, %dma_start3A_231] : memref<16x128xi32, #tpu.memory_space<vmem>> -> memref<1x64xi32, #tpu.memory_space<vmem>>
          %dma_start3A_233 = tpu.memref_squeeze %dma_start3A_232 : memref<1x64xi32, #tpu.memory_space<vmem>> -> memref<64xi32, #tpu.memory_space<vmem>>
          %dma_start3A_234 = arith.constant 0 : i32
          %dma_start3A_235 = arith.constant 0 : i32
          %dma_start3A_236 = tpu.memref_slice %arg3[%dma_start3A_234, %dma_start3A_235] : memref<10240x128xf32, #tpu.memory_space<hbm>> -> memref<10240x128xf32, #tpu.memory_space<hbm>>
          tpu.enqueue_indirect_dma source(%dma_start3A_236 : memref<10240x128xf32, #tpu.memory_space<hbm>>) target(%dma_start3A_230 : memref<64x128xf32, #tpu.memory_space<vmem>>) offsets(%dma_start3A_233 : memref<64xi32, #tpu.memory_space<vmem>>) semaphore(%arg13 : memref<!tpu.dma_semaphore, #tpu.memory_space<semaphore_mem>>)
        } else {
        }
      } else {
      }
      %rem3A_128 = arith.constant 2 : i32
      %rem3A_129 = arith.remsi %add3A_98, %rem3A_128 : i32
      %mul3A_130 = arith.constant 2 : i32
      %mul3A_131 = arith.muli %rem3A_129, %mul3A_130 : i32
      %add3A_132 = arith.constant 0 : i32
      %add3A_133 = arith.addi %mul3A_131, %add3A_132 : i32
      %mul3A_134 = arith.constant 64 : i32
      %mul3A_135 = arith.muli %add3A_133, %mul3A_134 : i32
      %dma_start3A_136 = arith.constant 0 : i32
      %dma_start3A_137 = tpu.memref_slice %arg11[%mul3A_135, %dma_start3A_136] : memref<256x128xf32, #tpu.memory_space<vmem>> -> memref<64x128xf32, #tpu.memory_space<vmem>>
      %dma_start3A_138 = arith.constant 0 : i32
      %dma_start3A_139 = tpu.memref_slice %arg9[%add3A_98, %dma_start3A_138] : memref<80x128xi32, #tpu.memory_space<vmem>> -> memref<1x64xi32, #tpu.memory_space<vmem>>
      %dma_start3A_140 = tpu.memref_squeeze %dma_start3A_139 : memref<1x64xi32, #tpu.memory_space<vmem>> -> memref<64xi32, #tpu.memory_space<vmem>>
      %dma_start3A_141 = arith.constant 0 : i32
      %dma_start3A_142 = arith.constant 0 : i32
      %dma_start3A_143 = tpu.memref_slice %arg12[%dma_start3A_141, %dma_start3A_142] : memref<10240x128xf32, #tpu.memory_space<vmem_shared>> -> memref<10240x128xf32, #tpu.memory_space<vmem_shared>>
      tpu.enqueue_indirect_dma source(%dma_start3A_137 : memref<64x128xf32, #tpu.memory_space<vmem>>) target(%dma_start3A_143 : memref<10240x128xf32, #tpu.memory_space<vmem_shared>>) offsets(%dma_start3A_140 : memref<64xi32, #tpu.memory_space<vmem>>) semaphore(%arg15 : memref<!tpu.dma_semaphore, #tpu.memory_space<semaphore_mem>>) {add = true}
      %dma_wait3A_144 = arith.constant 0 : i32
      %dma_wait3A_145 = arith.constant 0 : i32
      %dma_wait3A_146 = arith.constant 0 : i32
      %dma_wait3A_147 = tpu.memref_slice %arg11[%dma_wait3A_145, %dma_wait3A_146] : memref<256x128xf32, #tpu.memory_space<vmem>> -> memref<64x128xf32, #tpu.memory_space<vmem>>
      %dma_wait3A_148 = arith.constant 0 : i32
      %dma_wait3A_149 = tpu.memref_slice %arg10[%dma_wait3A_144, %dma_wait3A_148] : memref<16x128xi32, #tpu.memory_space<vmem>> -> memref<1x64xi32, #tpu.memory_space<vmem>>
      %dma_wait3A_150 = tpu.memref_squeeze %dma_wait3A_149 : memref<1x64xi32, #tpu.memory_space<vmem>> -> memref<64xi32, #tpu.memory_space<vmem>>
      %dma_wait3A_151 = arith.constant 0 : i32
      %dma_wait3A_152 = arith.constant 0 : i32
      %dma_wait3A_153 = tpu.memref_slice %arg2[%dma_wait3A_151, %dma_wait3A_152] : memref<10240x128xf32, #tpu.memory_space<hbm>> -> memref<10240x128xf32, #tpu.memory_space<hbm>>
      tpu.wait_indirect_dma semaphore(%arg14 : memref<!tpu.dma_semaphore, #tpu.memory_space<semaphore_mem>>) src(%dma_wait3A_153 : memref<10240x128xf32, #tpu.memory_space<hbm>>) dst(%dma_wait3A_147 : memref<64x128xf32, #tpu.memory_space<vmem>>)
      %ge3A_154 = arith.constant 1 : i32
      %ge3A_155 = arith.cmpi sge, %add3A_98, %ge3A_154 : i32
      %convert_element_type3A_156 = arith.extui %ge3A_155 : i1 to i32
      %cond3A_157 = arith.constant 0 : i32
      %cond3A_158 = arith.cmpi ne, %convert_element_type3A_156, %cond3A_157 : i32
      scf.if %cond3A_158 {
        %dma_wait3A_186 = arith.constant 0 : i32
        %dma_wait3A_187 = arith.constant 0 : i32
        %dma_wait3A_188 = arith.constant 0 : i32
        %dma_wait3A_189 = tpu.memref_slice %arg11[%dma_wait3A_187, %dma_wait3A_188] : memref<256x128xf32, #tpu.memory_space<vmem>> -> memref<64x128xf32, #tpu.memory_space<vmem>>
        %dma_wait3A_190 = arith.constant 0 : i32
        %dma_wait3A_191 = tpu.memref_slice %arg9[%dma_wait3A_186, %dma_wait3A_190] : memref<80x128xi32, #tpu.memory_space<vmem>> -> memref<1x64xi32, #tpu.memory_space<vmem>>
        %dma_wait3A_192 = tpu.memref_squeeze %dma_wait3A_191 : memref<1x64xi32, #tpu.memory_space<vmem>> -> memref<64xi32, #tpu.memory_space<vmem>>
        %dma_wait3A_193 = arith.constant 0 : i32
        %dma_wait3A_194 = arith.constant 0 : i32
        %dma_wait3A_195 = tpu.memref_slice %arg12[%dma_wait3A_193, %dma_wait3A_194] : memref<10240x128xf32, #tpu.memory_space<vmem_shared>> -> memref<10240x128xf32, #tpu.memory_space<vmem_shared>>
        tpu.wait_indirect_dma semaphore(%arg16 : memref<!tpu.dma_semaphore, #tpu.memory_space<semaphore_mem>>) src(%dma_wait3A_189 : memref<64x128xf32, #tpu.memory_space<vmem>>) dst(%dma_wait3A_195 : memref<10240x128xf32, #tpu.memory_space<vmem_shared>>)
      } else {
      }
      %lt3A_159 = arith.constant 80 : i32
      %lt3A_160 = arith.cmpi slt, %add3A_100, %lt3A_159 : i32
      %convert_element_type3A_161 = arith.extui %lt3A_160 : i1 to i32
      %cond3A_162 = arith.constant 0 : i32
      %cond3A_163 = arith.cmpi ne, %convert_element_type3A_161, %cond3A_162 : i32
      scf.if %cond3A_163 {
        %jit3A = arith.constant 8 : i32
        %div3A = arith.divsi %add3A_100, %jit3A : i32
        %sign3A = arith.constant 0 : i32
        %sign3A_186 = arith.cmpi sgt, %add3A_100, %sign3A : i32
        %sign3A_187 = arith.extui %sign3A_186 : i1 to i32
        %sign3A_188 = arith.constant 0 : i32
        %sign3A_189 = arith.cmpi slt, %add3A_100, %sign3A_188 : i32
        %sign3A_190 = arith.extui %sign3A_189 : i1 to i32
        %sign3A_191 = arith.subi %sign3A_187, %sign3A_190 : i32
        %sign3A_192 = arith.constant 0 : i32
        %sign3A_193 = arith.cmpi sgt, %jit3A, %sign3A_192 : i32
        %sign3A_194 = arith.extui %sign3A_193 : i1 to i32
        %sign3A_195 = arith.constant 0 : i32
        %sign3A_196 = arith.cmpi slt, %jit3A, %sign3A_195 : i32
        %sign3A_197 = arith.extui %sign3A_196 : i1 to i32
        %sign3A_198 = arith.subi %sign3A_194, %sign3A_197 : i32
        %ne3A = arith.cmpi ne, %sign3A_191, %sign3A_198 : i32
        %rem3A_199 = arith.remsi %add3A_100, %jit3A : i32
        %ne3A_200 = arith.constant 0 : i32
        %ne3A_201 = arith.cmpi ne, %rem3A_199, %ne3A_200 : i32
        %and3A_202 = arith.andi %ne3A, %ne3A_201 : i1
        %sub3A = arith.constant 1 : i32
        %sub3A_203 = arith.subi %div3A, %sub3A : i32
        %select_n3A = arith.select %and3A_202, %sub3A_203, %div3A : i32
        %rem3A_204 = arith.constant 2 : i32
        %rem3A_205 = arith.remsi %select_n3A, %rem3A_204 : i32
        %mul3A_206 = arith.constant 8 : i32
        %mul3A_207 = arith.muli %rem3A_205, %mul3A_206 : i32
        %rem3A_208 = arith.constant 8 : i32
        %rem3A_209 = arith.remsi %add3A_100, %rem3A_208 : i32
        %add3A_210 = arith.addi %mul3A_207, %rem3A_209 : i32
        %eq3A_211 = arith.constant 0 : i32
        %eq3A_212 = arith.cmpi eq, %arg0, %eq3A_211 : i32
        %convert_element_type3A_213 = arith.extui %eq3A_212 : i1 to i32
        %cond3A_214 = arith.constant 0 : i32
        %cond3A_215 = arith.cmpi ne, %convert_element_type3A_213, %cond3A_214 : i32
        scf.if %cond3A_215 {
          %rem3A_221 = arith.constant 2 : i32
          %rem3A_222 = arith.remsi %add3A_100, %rem3A_221 : i32
          %mul3A_223 = arith.constant 2 : i32
          %mul3A_224 = arith.muli %rem3A_222, %mul3A_223 : i32
          %add3A_225 = arith.constant 1 : i32
          %add3A_226 = arith.addi %mul3A_224, %add3A_225 : i32
          %mul3A_227 = arith.constant 64 : i32
          %mul3A_228 = arith.muli %add3A_226, %mul3A_227 : i32
          %dma_start3A_229 = arith.constant 0 : i32
          %dma_start3A_230 = tpu.memref_slice %arg11[%mul3A_228, %dma_start3A_229] : memref<256x128xf32, #tpu.memory_space<vmem>> -> memref<64x128xf32, #tpu.memory_space<vmem>>
          %dma_start3A_231 = arith.constant 64 : i32
          %dma_start3A_232 = tpu.memref_slice %arg10[%add3A_210, %dma_start3A_231] : memref<16x128xi32, #tpu.memory_space<vmem>> -> memref<1x64xi32, #tpu.memory_space<vmem>>
          %dma_start3A_233 = tpu.memref_squeeze %dma_start3A_232 : memref<1x64xi32, #tpu.memory_space<vmem>> -> memref<64xi32, #tpu.memory_space<vmem>>
          %dma_start3A_234 = arith.constant 0 : i32
          %dma_start3A_235 = arith.constant 0 : i32
          %dma_start3A_236 = tpu.memref_slice %arg2[%dma_start3A_234, %dma_start3A_235] : memref<10240x128xf32, #tpu.memory_space<hbm>> -> memref<10240x128xf32, #tpu.memory_space<hbm>>
          tpu.enqueue_indirect_dma source(%dma_start3A_236 : memref<10240x128xf32, #tpu.memory_space<hbm>>) target(%dma_start3A_230 : memref<64x128xf32, #tpu.memory_space<vmem>>) offsets(%dma_start3A_233 : memref<64xi32, #tpu.memory_space<vmem>>) semaphore(%arg14 : memref<!tpu.dma_semaphore, #tpu.memory_space<semaphore_mem>>)
        } else {
        }
        %eq3A_216 = arith.constant 1 : i32
        %eq3A_217 = arith.cmpi eq, %arg0, %eq3A_216 : i32
        %convert_element_type3A_218 = arith.extui %eq3A_217 : i1 to i32
        %cond3A_219 = arith.constant 0 : i32
        %cond3A_220 = arith.cmpi ne, %convert_element_type3A_218, %cond3A_219 : i32
        scf.if %cond3A_220 {
          %rem3A_221 = arith.constant 2 : i32
          %rem3A_222 = arith.remsi %add3A_100, %rem3A_221 : i32
          %mul3A_223 = arith.constant 2 : i32
          %mul3A_224 = arith.muli %rem3A_222, %mul3A_223 : i32
          %add3A_225 = arith.constant 1 : i32
          %add3A_226 = arith.addi %mul3A_224, %add3A_225 : i32
          %mul3A_227 = arith.constant 64 : i32
          %mul3A_228 = arith.muli %add3A_226, %mul3A_227 : i32
          %dma_start3A_229 = arith.constant 0 : i32
          %dma_start3A_230 = tpu.memref_slice %arg11[%mul3A_228, %dma_start3A_229] : memref<256x128xf32, #tpu.memory_space<vmem>> -> memref<64x128xf32, #tpu.memory_space<vmem>>
          %dma_start3A_231 = arith.constant 64 : i32
          %dma_start3A_232 = tpu.memref_slice %arg10[%add3A_210, %dma_start3A_231] : memref<16x128xi32, #tpu.memory_space<vmem>> -> memref<1x64xi32, #tpu.memory_space<vmem>>
          %dma_start3A_233 = tpu.memref_squeeze %dma_start3A_232 : memref<1x64xi32, #tpu.memory_space<vmem>> -> memref<64xi32, #tpu.memory_space<vmem>>
          %dma_start3A_234 = arith.constant 0 : i32
          %dma_start3A_235 = arith.constant 0 : i32
          %dma_start3A_236 = tpu.memref_slice %arg3[%dma_start3A_234, %dma_start3A_235] : memref<10240x128xf32, #tpu.memory_space<hbm>> -> memref<10240x128xf32, #tpu.memory_space<hbm>>
          tpu.enqueue_indirect_dma source(%dma_start3A_236 : memref<10240x128xf32, #tpu.memory_space<hbm>>) target(%dma_start3A_230 : memref<64x128xf32, #tpu.memory_space<vmem>>) offsets(%dma_start3A_233 : memref<64xi32, #tpu.memory_space<vmem>>) semaphore(%arg14 : memref<!tpu.dma_semaphore, #tpu.memory_space<semaphore_mem>>)
        } else {
        }
      } else {
      }
      %rem3A_164 = arith.constant 2 : i32
      %rem3A_165 = arith.remsi %add3A_98, %rem3A_164 : i32
      %mul3A_166 = arith.constant 2 : i32
      %mul3A_167 = arith.muli %rem3A_165, %mul3A_166 : i32
      %add3A_168 = arith.constant 1 : i32
      %add3A_169 = arith.addi %mul3A_167, %add3A_168 : i32
      %mul3A_170 = arith.constant 64 : i32
      %mul3A_171 = arith.muli %add3A_169, %mul3A_170 : i32
      %dma_start3A_172 = arith.constant 0 : i32
      %dma_start3A_173 = tpu.memref_slice %arg11[%mul3A_171, %dma_start3A_172] : memref<256x128xf32, #tpu.memory_space<vmem>> -> memref<64x128xf32, #tpu.memory_space<vmem>>
      %dma_start3A_174 = arith.constant 64 : i32
      %dma_start3A_175 = tpu.memref_slice %arg9[%add3A_98, %dma_start3A_174] : memref<80x128xi32, #tpu.memory_space<vmem>> -> memref<1x64xi32, #tpu.memory_space<vmem>>
      %dma_start3A_176 = tpu.memref_squeeze %dma_start3A_175 : memref<1x64xi32, #tpu.memory_space<vmem>> -> memref<64xi32, #tpu.memory_space<vmem>>
      %dma_start3A_177 = arith.constant 0 : i32
      %dma_start3A_178 = arith.constant 0 : i32
      %dma_start3A_179 = tpu.memref_slice %arg12[%dma_start3A_177, %dma_start3A_178] : memref<10240x128xf32, #tpu.memory_space<vmem_shared>> -> memref<10240x128xf32, #tpu.memory_space<vmem_shared>>
      tpu.enqueue_indirect_dma source(%dma_start3A_173 : memref<64x128xf32, #tpu.memory_space<vmem>>) target(%dma_start3A_179 : memref<10240x128xf32, #tpu.memory_space<vmem_shared>>) offsets(%dma_start3A_176 : memref<64xi32, #tpu.memory_space<vmem>>) semaphore(%arg16 : memref<!tpu.dma_semaphore, #tpu.memory_space<semaphore_mem>>) {add = true}
      %lt3A_180 = arith.constant 80 : i32
      %lt3A_181 = arith.cmpi slt, %add3A_100, %lt3A_180 : i32
      %and3A_182 = arith.andi %eq3A_104, %lt3A_181 : i1
      %convert_element_type3A_183 = arith.extui %and3A_182 : i1 to i32
      %cond3A_184 = arith.constant 0 : i32
      %cond3A_185 = arith.cmpi ne, %convert_element_type3A_183, %cond3A_184 : i32
      scf.if %cond3A_185 {
        %jit3A = arith.constant 8 : i32
        %div3A = arith.divsi %add3A_100, %jit3A : i32
        %sign3A = arith.constant 0 : i32
        %sign3A_186 = arith.cmpi sgt, %add3A_100, %sign3A : i32
        %sign3A_187 = arith.extui %sign3A_186 : i1 to i32
        %sign3A_188 = arith.constant 0 : i32
        %sign3A_189 = arith.cmpi slt, %add3A_100, %sign3A_188 : i32
        %sign3A_190 = arith.extui %sign3A_189 : i1 to i32
        %sign3A_191 = arith.subi %sign3A_187, %sign3A_190 : i32
        %sign3A_192 = arith.constant 0 : i32
        %sign3A_193 = arith.cmpi sgt, %jit3A, %sign3A_192 : i32
        %sign3A_194 = arith.extui %sign3A_193 : i1 to i32
        %sign3A_195 = arith.constant 0 : i32
        %sign3A_196 = arith.cmpi slt, %jit3A, %sign3A_195 : i32
        %sign3A_197 = arith.extui %sign3A_196 : i1 to i32
        %sign3A_198 = arith.subi %sign3A_194, %sign3A_197 : i32
        %ne3A = arith.cmpi ne, %sign3A_191, %sign3A_198 : i32
        %rem3A_199 = arith.remsi %add3A_100, %jit3A : i32
        %ne3A_200 = arith.constant 0 : i32
        %ne3A_201 = arith.cmpi ne, %rem3A_199, %ne3A_200 : i32
        %and3A_202 = arith.andi %ne3A, %ne3A_201 : i1
        %sub3A = arith.constant 1 : i32
        %sub3A_203 = arith.subi %div3A, %sub3A : i32
        %select_n3A = arith.select %and3A_202, %sub3A_203, %div3A : i32
        %add3A_204 = arith.constant 1 : i32
        %add3A_205 = arith.addi %select_n3A, %add3A_204 : i32
        %lt3A_206 = arith.constant 10 : i32
        %lt3A_207 = arith.cmpi slt, %add3A_205, %lt3A_206 : i32
        %convert_element_type3A_208 = arith.extui %lt3A_207 : i1 to i32
        %cond3A_209 = arith.constant 0 : i32
        %cond3A_210 = arith.cmpi ne, %convert_element_type3A_208, %cond3A_209 : i32
        scf.if %cond3A_210 {
          %add3A_211 = arith.constant 1 : i32
          %add3A_212 = arith.addi %select_n3A, %add3A_211 : i32
          %add3A_213 = arith.constant 1 : i32
          %add3A_214 = arith.addi %select_n3A, %add3A_213 : i32
          %rem3A_215 = arith.constant 2 : i32
          %rem3A_216 = arith.remsi %add3A_214, %rem3A_215 : i32
          %mul3A_217 = arith.constant 8 : i32
          %mul3A_218 = arith.muli %rem3A_216, %mul3A_217 : i32
          %dma_start3A_219 = arith.constant 0 : i32
          %dma_start3A_220 = tpu.memref_slice %arg10[%mul3A_218, %dma_start3A_219] : memref<16x128xi32, #tpu.memory_space<vmem>> -> memref<8x128xi32, #tpu.memory_space<vmem>>
          %dma_start3A_221 = arith.constant 0 : i32
          %dma_start3A_222 = arith.constant 0 : i32
          %dma_start3A_223 = arith.constant 0 : i32
          %dma_start3A_224 = tpu.memref_slice %arg4[%arg1, %dma_start3A_221, %dma_start3A_222, %dma_start3A_223] : memref<16x10x8x128xi32, #tpu.memory_space<hbm>> -> memref<1x10x8x128xi32, #tpu.memory_space<hbm>>
          %dma_start3A_225 = tpu.memref_squeeze %dma_start3A_224 : memref<1x10x8x128xi32, #tpu.memory_space<hbm>> -> memref<10x8x128xi32, #tpu.memory_space<hbm>>
          %dma_start3A_226 = arith.constant 0 : i32
          %dma_start3A_227 = arith.constant 0 : i32
          %dma_start3A_228 = tpu.memref_slice %dma_start3A_225[%add3A_212, %dma_start3A_226, %dma_start3A_227] : memref<10x8x128xi32, #tpu.memory_space<hbm>> -> memref<1x8x128xi32, #tpu.memory_space<hbm>>
          %dma_start3A_229 = tpu.memref_squeeze %dma_start3A_228 : memref<1x8x128xi32, #tpu.memory_space<hbm>> -> memref<8x128xi32, #tpu.memory_space<hbm>>
          %dma_start3A_230 = arith.constant 0 : i32
          %dma_start3A_231 = tpu.memref_slice %arg10[%mul3A_218, %dma_start3A_230] : memref<16x128xi32, #tpu.memory_space<vmem>> -> memref<8x128xi32, #tpu.memory_space<vmem>>
          %dma_start3A_232 = arith.constant 0 : i32
          %dma_start3A_233 = arith.constant 0 : i32
          %dma_start3A_234 = arith.constant 0 : i32
          %dma_start3A_235 = tpu.memref_slice %arg4[%arg1, %dma_start3A_232, %dma_start3A_233, %dma_start3A_234] : memref<16x10x8x128xi32, #tpu.memory_space<hbm>> -> memref<1x10x8x128xi32, #tpu.memory_space<hbm>>
          %dma_start3A_236 = tpu.memref_squeeze %dma_start3A_235 : memref<1x10x8x128xi32, #tpu.memory_space<hbm>> -> memref<10x8x128xi32, #tpu.memory_space<hbm>>
          %dma_start3A_237 = arith.constant 0 : i32
          %dma_start3A_238 = arith.constant 0 : i32
          %dma_start3A_239 = tpu.memref_slice %dma_start3A_236[%add3A_212, %dma_start3A_237, %dma_start3A_238] : memref<10x8x128xi32, #tpu.memory_space<hbm>> -> memref<1x8x128xi32, #tpu.memory_space<hbm>>
          %dma_start3A_240 = tpu.memref_squeeze %dma_start3A_239 : memref<1x8x128xi32, #tpu.memory_space<hbm>> -> memref<8x128xi32, #tpu.memory_space<hbm>>
          tpu.enqueue_dma source(%dma_start3A_240 : memref<8x128xi32, #tpu.memory_space<hbm>>) target(%dma_start3A_231 : memref<8x128xi32, #tpu.memory_space<vmem>>) target_semaphore(%arg17 : memref<!tpu.dma_semaphore, #tpu.memory_space<semaphore_mem>>)
        } else {
        }
      } else {
      }
    }
    %scan3A_63 = arith.constant 80 : i32
    %dma_wait3A = arith.constant 0 : i32
    %dma_wait3A_64 = arith.constant 0 : i32
    %dma_wait3A_65 = arith.constant 0 : i32
    %dma_wait3A_66 = tpu.memref_slice %arg11[%dma_wait3A_64, %dma_wait3A_65] : memref<256x128xf32, #tpu.memory_space<vmem>> -> memref<64x128xf32, #tpu.memory_space<vmem>>
    %dma_wait3A_67 = arith.constant 0 : i32
    %dma_wait3A_68 = tpu.memref_slice %arg9[%dma_wait3A, %dma_wait3A_67] : memref<80x128xi32, #tpu.memory_space<vmem>> -> memref<1x64xi32, #tpu.memory_space<vmem>>
    %dma_wait3A_69 = tpu.memref_squeeze %dma_wait3A_68 : memref<1x64xi32, #tpu.memory_space<vmem>> -> memref<64xi32, #tpu.memory_space<vmem>>
    %dma_wait3A_70 = arith.constant 0 : i32
    %dma_wait3A_71 = arith.constant 0 : i32
    %dma_wait3A_72 = tpu.memref_slice %arg12[%dma_wait3A_70, %dma_wait3A_71] : memref<10240x128xf32, #tpu.memory_space<vmem_shared>> -> memref<10240x128xf32, #tpu.memory_space<vmem_shared>>
    tpu.wait_indirect_dma semaphore(%arg15 : memref<!tpu.dma_semaphore, #tpu.memory_space<semaphore_mem>>) src(%dma_wait3A_66 : memref<64x128xf32, #tpu.memory_space<vmem>>) dst(%dma_wait3A_72 : memref<10240x128xf32, #tpu.memory_space<vmem_shared>>)
    %dma_wait3A_73 = arith.constant 0 : i32
    %dma_wait3A_74 = arith.constant 0 : i32
    %dma_wait3A_75 = arith.constant 0 : i32
    %dma_wait3A_76 = tpu.memref_slice %arg11[%dma_wait3A_74, %dma_wait3A_75] : memref<256x128xf32, #tpu.memory_space<vmem>> -> memref<64x128xf32, #tpu.memory_space<vmem>>
    %dma_wait3A_77 = arith.constant 0 : i32
    %dma_wait3A_78 = tpu.memref_slice %arg9[%dma_wait3A_73, %dma_wait3A_77] : memref<80x128xi32, #tpu.memory_space<vmem>> -> memref<1x64xi32, #tpu.memory_space<vmem>>
    %dma_wait3A_79 = tpu.memref_squeeze %dma_wait3A_78 : memref<1x64xi32, #tpu.memory_space<vmem>> -> memref<64xi32, #tpu.memory_space<vmem>>
    %dma_wait3A_80 = arith.constant 0 : i32
    %dma_wait3A_81 = arith.constant 0 : i32
    %dma_wait3A_82 = tpu.memref_slice %arg12[%dma_wait3A_80, %dma_wait3A_81] : memref<10240x128xf32, #tpu.memory_space<vmem_shared>> -> memref<10240x128xf32, #tpu.memory_space<vmem_shared>>
    tpu.wait_indirect_dma semaphore(%arg16 : memref<!tpu.dma_semaphore, #tpu.memory_space<semaphore_mem>>) src(%dma_wait3A_76 : memref<64x128xf32, #tpu.memory_space<vmem>>) dst(%dma_wait3A_82 : memref<10240x128xf32, #tpu.memory_space<vmem_shared>>)
    %barrier3A_83 = arith.constant 0 : index
    tpu.barrier barrier_id(%barrier3A_83)
    %eq3A_84 = arith.constant 0 : i32
    %eq3A_85 = arith.cmpi eq, %arg0, %eq3A_84 : i32
    %convert_element_type3A_86 = arith.extui %eq3A_85 : i1 to i32
    %cond3A_87 = arith.constant 0 : i32
    %cond3A_88 = arith.cmpi ne, %convert_element_type3A_86, %cond3A_87 : i32
    scf.if %cond3A_88 {
      %mul3A_94 = arith.constant 640 : i32
      %mul3A_95 = arith.muli %arg1, %mul3A_94 : i32
      %mul3A_96 = arith.constant 640 : i32
      %mul3A_97 = arith.muli %arg1, %mul3A_96 : i32
      "tpu.region"() ({
        %run_scoped3A_98 = tpu.sem_alloc : memref<!tpu.dma_semaphore, #tpu.memory_space<semaphore_mem>>
        %dma_start3A_99 = arith.constant 0 : i32
        %dma_start3A_100 = tpu.memref_slice %arg7[%mul3A_97, %dma_start3A_99] : memref<10240x128xf32, #tpu.memory_space<hbm>> -> memref<640x128xf32, #tpu.memory_space<hbm>>
        %dma_start3A_101 = arith.constant 0 : i32
        %dma_start3A_102 = tpu.memref_slice %arg12[%mul3A_95, %dma_start3A_101] : memref<10240x128xf32, #tpu.memory_space<vmem_shared>> -> memref<640x128xf32, #tpu.memory_space<vmem_shared>>
        tpu.enqueue_dma source(%dma_start3A_102 : memref<640x128xf32, #tpu.memory_space<vmem_shared>>) target(%dma_start3A_100 : memref<640x128xf32, #tpu.memory_space<hbm>>) target_semaphore(%run_scoped3A_98 : memref<!tpu.dma_semaphore, #tpu.memory_space<semaphore_mem>>)
        %dma_wait3A_103 = arith.constant 0 : i32
        %dma_wait3A_104 = tpu.memref_slice %arg7[%mul3A_97, %dma_wait3A_103] : memref<10240x128xf32, #tpu.memory_space<hbm>> -> memref<640x128xf32, #tpu.memory_space<hbm>>
        %dma_wait3A_105 = arith.constant 0 : i32
        %dma_wait3A_106 = tpu.memref_slice %arg12[%mul3A_95, %dma_wait3A_105] : memref<10240x128xf32, #tpu.memory_space<vmem_shared>> -> memref<640x128xf32, #tpu.memory_space<vmem_shared>>
        tpu.wait_dma2 semaphore(%run_scoped3A_98 : memref<!tpu.dma_semaphore, #tpu.memory_space<semaphore_mem>>) src(%dma_wait3A_106 : memref<640x128xf32, #tpu.memory_space<vmem_shared>>) dst(%dma_wait3A_104 : memref<640x128xf32, #tpu.memory_space<hbm>>)
        tpu.yield
      }) : () -> ()
    } else {
    }
    %eq3A_89 = arith.constant 1 : i32
    %eq3A_90 = arith.cmpi eq, %arg0, %eq3A_89 : i32
    %convert_element_type3A_91 = arith.extui %eq3A_90 : i1 to i32
    %cond3A_92 = arith.constant 0 : i32
    %cond3A_93 = arith.cmpi ne, %convert_element_type3A_91, %cond3A_92 : i32
    scf.if %cond3A_93 {
      %mul3A_94 = arith.constant 640 : i32
      %mul3A_95 = arith.muli %arg1, %mul3A_94 : i32
      %mul3A_96 = arith.constant 640 : i32
      %mul3A_97 = arith.muli %arg1, %mul3A_96 : i32
      "tpu.region"() ({
        %run_scoped3A_98 = tpu.sem_alloc : memref<!tpu.dma_semaphore, #tpu.memory_space<semaphore_mem>>
        %dma_start3A_99 = arith.constant 0 : i32
        %dma_start3A_100 = tpu.memref_slice %arg8[%mul3A_97, %dma_start3A_99] : memref<10240x128xf32, #tpu.memory_space<hbm>> -> memref<640x128xf32, #tpu.memory_space<hbm>>
        %dma_start3A_101 = arith.constant 0 : i32
        %dma_start3A_102 = tpu.memref_slice %arg12[%mul3A_95, %dma_start3A_101] : memref<10240x128xf32, #tpu.memory_space<vmem_shared>> -> memref<640x128xf32, #tpu.memory_space<vmem_shared>>
        tpu.enqueue_dma source(%dma_start3A_102 : memref<640x128xf32, #tpu.memory_space<vmem_shared>>) target(%dma_start3A_100 : memref<640x128xf32, #tpu.memory_space<hbm>>) target_semaphore(%run_scoped3A_98 : memref<!tpu.dma_semaphore, #tpu.memory_space<semaphore_mem>>)
        %dma_wait3A_103 = arith.constant 0 : i32
        %dma_wait3A_104 = tpu.memref_slice %arg8[%mul3A_97, %dma_wait3A_103] : memref<10240x128xf32, #tpu.memory_space<hbm>> -> memref<640x128xf32, #tpu.memory_space<hbm>>
        %dma_wait3A_105 = arith.constant 0 : i32
        %dma_wait3A_106 = tpu.memref_slice %arg12[%mul3A_95, %dma_wait3A_105] : memref<10240x128xf32, #tpu.memory_space<vmem_shared>> -> memref<640x128xf32, #tpu.memory_space<vmem_shared>>
        tpu.wait_dma2 semaphore(%run_scoped3A_98 : memref<!tpu.dma_semaphore, #tpu.memory_space<semaphore_mem>>) src(%dma_wait3A_106 : memref<640x128xf32, #tpu.memory_space<vmem_shared>>) dst(%dma_wait3A_104 : memref<640x128xf32, #tpu.memory_space<hbm>>)
        tpu.yield
      }) : () -> ()
    } else {
    }
    return
  }
}

module attributes {stable_mosaic.version = 14 : i64} {
  func.func @_tc_prep_body(%arg0: i32, %arg1: memref<1x1000x16xf32, #tpu.memory_space<vmem>>, %arg2: memref<1x1000x16xf32, #tpu.memory_space<vmem>>, %arg3: memref<1000x256xf32, #tpu.memory_space<vmem>>, %arg4: memref<1000x1xf32, #tpu.memory_space<vmem>>, %arg5: memref<1000x128xf32, #tpu.memory_space<vmem>>, %arg6: memref<1000x128xf32, #tpu.memory_space<vmem>>) attributes {dimension_semantics = [#tpu.dimension_semantics<arbitrary>], iteration_bounds = array<i64: 10>, scalar_prefetch = 0 : i64, scratch_operands = 0 : i64, tpu.core_type = #tpu.core_type<tc>, window_params = [{transform_indices = @transform_0, window_bounds = array<i64: 1, 1000, 16>}, {transform_indices = @transform_1, window_bounds = array<i64: 1, 1000, 16>}, {transform_indices = @transform_2, window_bounds = array<i64: 1000, 256>}, {transform_indices = @transform_3, window_bounds = array<i64: 1000, 1>}, {transform_indices = @transform_4, window_bounds = array<i64: 1000, 128>}, {transform_indices = @transform_5, window_bounds = array<i64: 1000, 128>}]} {
    %get3A = arith.constant 0 : index
    %get3A_0 = arith.constant 0 : index
    %get3A_1 = arith.constant 0 : index
    %get3A_2 = vector.load %arg1[%get3A, %get3A_0, %get3A_1] : memref<1x1000x16xf32, #tpu.memory_space<vmem>>, vector<1x1000x1xf32>
    %get3A_3 = vector.shape_cast %get3A_2 : vector<1x1000x1xf32> to vector<1000x1xf32>
    %get3A_4 = arith.constant 0 : index
    %get3A_5 = arith.constant 0 : index
    %get3A_6 = arith.constant 0 : index
    %get3A_7 = vector.load %arg2[%get3A_4, %get3A_5, %get3A_6] : memref<1x1000x16xf32, #tpu.memory_space<vmem>>, vector<1x1000x1xf32>
    %get3A_8 = vector.shape_cast %get3A_7 : vector<1x1000x1xf32> to vector<1000x1xf32>
    %add3A = arith.addf %get3A_3, %get3A_8 : vector<1000x1xf32>
    %add3A_9 = arith.constant 1.000000e+00 : f32
    %add3A_10 = vector.broadcast %add3A_9 : f32 to vector<1000x1xf32>
    %add3A_11 = arith.addf %add3A, %add3A_10 : vector<1000x1xf32>
    %rsqrt3A = math.rsqrt %add3A_11 : vector<1000x1xf32>
    %swap3A = arith.constant 0 : index
    %swap3A_12 = arith.constant 0 : index
    %swap3A_13 = vector.load %arg4[%swap3A, %swap3A_12] : memref<1000x1xf32, #tpu.memory_space<vmem>>, vector<1000x1xf32>
    tpu.vector_store %arg4[%swap3A, %swap3A_12], %rsqrt3A {strides = array<i32>} : memref<1000x1xf32, #tpu.memory_space<vmem>>, vector<1000x1xf32>,
    %get3A_14 = arith.constant 0 : index
    %get3A_15 = arith.constant 0 : index
    %get3A_16 = vector.load %arg3[%get3A_14, %get3A_15] : memref<1000x256xf32, #tpu.memory_space<vmem>>, vector<1000x256xf32>
    %mul3A = vector.broadcast %rsqrt3A : vector<1000x1xf32> to vector<1000x256xf32>
    %mul3A_17 = arith.mulf %get3A_16, %mul3A : vector<1000x256xf32>
    %slice3A = vector.extract_strided_slice %mul3A_17 {offsets = [0, 0], sizes = [1000, 128], strides = [1, 1]} : vector<1000x256xf32> to vector<1000x128xf32>
    %swap3A_18 = arith.constant 0 : index
    %swap3A_19 = arith.constant 0 : index
    %swap3A_20 = vector.load %arg5[%swap3A_18, %swap3A_19] : memref<1000x128xf32, #tpu.memory_space<vmem>>, vector<1000x128xf32>
    tpu.vector_store %arg5[%swap3A_18, %swap3A_19], %slice3A {strides = array<i32>} : memref<1000x128xf32, #tpu.memory_space<vmem>>, vector<1000x128xf32>,
    %slice3A_21 = vector.extract_strided_slice %mul3A_17 {offsets = [0, 128], sizes = [1000, 128], strides = [1, 1]} : vector<1000x256xf32> to vector<1000x128xf32>
    %swap3A_22 = arith.constant 0 : index
    %swap3A_23 = arith.constant 0 : index
    %swap3A_24 = vector.load %arg6[%swap3A_22, %swap3A_23] : memref<1000x128xf32, #tpu.memory_space<vmem>>, vector<1000x128xf32>
    tpu.vector_store %arg6[%swap3A_22, %swap3A_23], %slice3A_21 {strides = array<i32>} : memref<1000x128xf32, #tpu.memory_space<vmem>>, vector<1000x128xf32>,
    return
  }
  func.func @transform_0(%arg0: i32) -> (i32, i32, i32) {
    %c0_i32 = arith.constant 0 : i32
    %c0_i32_0 = arith.constant 0 : i32
    %c0_i32_1 = arith.constant 0 : i32
    return %c0_i32, %arg0, %c0_i32_0 : i32, i32, i32
  }
  func.func @transform_1(%arg0: i32) -> (i32, i32, i32) {
    %c1_i32 = arith.constant 1 : i32
    %c0_i32 = arith.constant 0 : i32
    %c0_i32_0 = arith.constant 0 : i32
    return %c1_i32, %arg0, %c0_i32 : i32, i32, i32
  }
  func.func @transform_2(%arg0: i32) -> (i32, i32) {
    %c0_i32 = arith.constant 0 : i32
    %c0_i32_0 = arith.constant 0 : i32
    return %arg0, %c0_i32 : i32, i32
  }
  func.func @transform_3(%arg0: i32) -> (i32, i32) {
    %c0_i32 = arith.constant 0 : i32
    %c0_i32_0 = arith.constant 0 : i32
    return %arg0, %c0_i32 : i32, i32
  }
  func.func @transform_4(%arg0: i32) -> (i32, i32) {
    %c0_i32 = arith.constant 0 : i32
    %c0_i32_0 = arith.constant 0 : i32
    return %arg0, %c0_i32 : i32, i32
  }
  func.func @transform_5(%arg0: i32) -> (i32, i32) {
    %c0_i32 = arith.constant 0 : i32
    %c0_i32_0 = arith.constant 0 : i32
    return %arg0, %c0_i32 : i32, i32
  }
}

module attributes {stable_mosaic.version = 14 : i64} {
  func.func @_tc_layer_body(%arg0: i32, %arg1: memref<1000x128xf32, #tpu.memory_space<vmem>>, %arg2: memref<1000x128xf32, #tpu.memory_space<vmem>>, %arg3: memref<1000x128xf32, #tpu.memory_space<vmem>>, %arg4: memref<1000x128xf32, #tpu.memory_space<vmem>>, %arg5: memref<1000x1xf32, #tpu.memory_space<vmem>>, %arg6: memref<256x256xf32, #tpu.memory_space<vmem>>, %arg7: memref<1000x128xf32, #tpu.memory_space<vmem>>, %arg8: memref<1000x128xf32, #tpu.memory_space<vmem>>) attributes {dimension_semantics = [#tpu.dimension_semantics<arbitrary>], iteration_bounds = array<i64: 10>, scalar_prefetch = 0 : i64, scratch_operands = 0 : i64, tpu.core_type = #tpu.core_type<tc>, window_params = [{transform_indices = @transform_0, window_bounds = array<i64: 1000, 128>}, {transform_indices = @transform_1, window_bounds = array<i64: 1000, 128>}, {transform_indices = @transform_2, window_bounds = array<i64: 1000, 128>}, {transform_indices = @transform_3, window_bounds = array<i64: 1000, 128>}, {transform_indices = @transform_4, window_bounds = array<i64: 1000, 1>}, {pipeline_mode = #tpu.pipeline_mode<synchronous>, transform_indices = @transform_5, window_bounds = array<i64: 256, 256>}, {transform_indices = @transform_6, window_bounds = array<i64: 1000, 128>}, {transform_indices = @transform_7, window_bounds = array<i64: 1000, 128>}]} {
    %get3A = arith.constant 0 : index
    %get3A_0 = arith.constant 0 : index
    %get3A_1 = vector.load %arg5[%get3A, %get3A_0] : memref<1000x1xf32, #tpu.memory_space<vmem>>, vector<1000x1xf32>
    %get3A_2 = arith.constant 0 : index
    %get3A_3 = arith.constant 0 : index
    %get3A_4 = vector.load %arg1[%get3A_2, %get3A_3] : memref<1000x128xf32, #tpu.memory_space<vmem>>, vector<1000x128xf32>
    %get3A_5 = arith.constant 0 : index
    %get3A_6 = arith.constant 0 : index
    %get3A_7 = vector.load %arg3[%get3A_5, %get3A_6] : memref<1000x128xf32, #tpu.memory_space<vmem>>, vector<1000x128xf32>
    %add3A = arith.addf %get3A_4, %get3A_7 : vector<1000x128xf32>
    %get3A_8 = arith.constant 0 : index
    %get3A_9 = arith.constant 0 : index
    %get3A_10 = vector.load %arg2[%get3A_8, %get3A_9] : memref<1000x128xf32, #tpu.memory_space<vmem>>, vector<1000x128xf32>
    %get3A_11 = arith.constant 0 : index
    %get3A_12 = arith.constant 0 : index
    %get3A_13 = vector.load %arg4[%get3A_11, %get3A_12] : memref<1000x128xf32, #tpu.memory_space<vmem>>, vector<1000x128xf32>
    %add3A_14 = arith.addf %get3A_10, %get3A_13 : vector<1000x128xf32>
    %concatenate3A = tpu.concatenate %add3A, %add3A_14 in 1 : vector<1000x128xf32>, vector<1000x128xf32> -> vector<1000x256xf32>
    %mul3A = vector.broadcast %get3A_1 : vector<1000x1xf32> to vector<1000x256xf32>
    %mul3A_15 = arith.mulf %concatenate3A, %mul3A : vector<1000x256xf32>
    %get3A_16 = arith.constant 0 : index
    %get3A_17 = arith.constant 0 : index
    %get3A_18 = vector.load %arg6[%get3A_16, %get3A_17] : memref<256x256xf32, #tpu.memory_space<vmem>>, vector<256x256xf32>
    %dot_general3A = arith.constant dense<0.000000e+00> : vector<1000x256xf32>
    %dot_general3A_19 = tpu.matmul %mul3A_15, %get3A_18, %dot_general3A {dimension_numbers = #tpu.dot_dimension_numbers<[1], [0], [0], [1], [0, 0, 1, 1], [], []>, precision = #tpu.contract_precision<fp32>, transpose_lhs_hint = false} : vector<1000x256xf32>, vector<256x256xf32>, vector<1000x256xf32> -> vector<1000x256xf32>
    %max3A = arith.constant 0.000000e+00 : f32
    %max3A_20 = vector.broadcast %max3A : f32 to vector<1000x256xf32>
    %max3A_21 = arith.maximumf %dot_general3A_19, %max3A_20 : vector<1000x256xf32>
    %mul3A_22 = vector.broadcast %get3A_1 : vector<1000x1xf32> to vector<1000x256xf32>
    %mul3A_23 = arith.mulf %max3A_21, %mul3A_22 : vector<1000x256xf32>
    %slice3A = vector.extract_strided_slice %mul3A_23 {offsets = [0, 0], sizes = [1000, 128], strides = [1, 1]} : vector<1000x256xf32> to vector<1000x128xf32>
    %swap3A = arith.constant 0 : index
    %swap3A_24 = arith.constant 0 : index
    %swap3A_25 = vector.load %arg7[%swap3A, %swap3A_24] : memref<1000x128xf32, #tpu.memory_space<vmem>>, vector<1000x128xf32>
    tpu.vector_store %arg7[%swap3A, %swap3A_24], %slice3A {strides = array<i32>} : memref<1000x128xf32, #tpu.memory_space<vmem>>, vector<1000x128xf32>,
    %slice3A_26 = vector.extract_strided_slice %mul3A_23 {offsets = [0, 128], sizes = [1000, 128], strides = [1, 1]} : vector<1000x256xf32> to vector<1000x128xf32>
    %swap3A_27 = arith.constant 0 : index
    %swap3A_28 = arith.constant 0 : index
    %swap3A_29 = vector.load %arg8[%swap3A_27, %swap3A_28] : memref<1000x128xf32, #tpu.memory_space<vmem>>, vector<1000x128xf32>
    tpu.vector_store %arg8[%swap3A_27, %swap3A_28], %slice3A_26 {strides = array<i32>} : memref<1000x128xf32, #tpu.memory_space<vmem>>, vector<1000x128xf32>,
    return
  }
  func.func @transform_0(%arg0: i32) -> (i32, i32) {
    %c0_i32 = arith.constant 0 : i32
    %c0_i32_0 = arith.constant 0 : i32
    return %arg0, %c0_i32 : i32, i32
  }
  func.func @transform_1(%arg0: i32) -> (i32, i32) {
    %c0_i32 = arith.constant 0 : i32
    %c0_i32_0 = arith.constant 0 : i32
    return %arg0, %c0_i32 : i32, i32
  }
  func.func @transform_2(%arg0: i32) -> (i32, i32) {
    %c0_i32 = arith.constant 0 : i32
    %c0_i32_0 = arith.constant 0 : i32
    return %arg0, %c0_i32 : i32, i32
  }
  func.func @transform_3(%arg0: i32) -> (i32, i32) {
    %c0_i32 = arith.constant 0 : i32
    %c0_i32_0 = arith.constant 0 : i32
    return %arg0, %c0_i32 : i32, i32
  }
  func.func @transform_4(%arg0: i32) -> (i32, i32) {
    %c0_i32 = arith.constant 0 : i32
    %c0_i32_0 = arith.constant 0 : i32
    return %arg0, %c0_i32 : i32, i32
  }
  func.func @transform_5(%arg0: i32) -> (i32, i32) {
    %c0_i32 = arith.constant 0 : i32
    %c0_i32_0 = arith.constant 0 : i32
    %c0_i32_1 = arith.constant 0 : i32
    return %c0_i32, %c0_i32_0 : i32, i32
  }
  func.func @transform_6(%arg0: i32) -> (i32, i32) {
    %c0_i32 = arith.constant 0 : i32
    %c0_i32_0 = arith.constant 0 : i32
    return %arg0, %c0_i32 : i32, i32
  }
  func.func @transform_7(%arg0: i32) -> (i32, i32) {
    %c0_i32 = arith.constant 0 : i32
    %c0_i32_0 = arith.constant 0 : i32
    return %arg0, %c0_i32 : i32, i32
  }
}

module attributes {stable_mosaic.version = 14 : i64} {
  func.func @_tc_final_body(%arg0: i32, %arg1: memref<1000x128xf32, #tpu.memory_space<vmem>>, %arg2: memref<1000x128xf32, #tpu.memory_space<vmem>>, %arg3: memref<1000x128xf32, #tpu.memory_space<vmem>>, %arg4: memref<1000x128xf32, #tpu.memory_space<vmem>>, %arg5: memref<1000x1xf32, #tpu.memory_space<vmem>>, %arg6: memref<256x256xf32, #tpu.memory_space<vmem>>, %arg7: memref<1000x256xf32, #tpu.memory_space<vmem>>) attributes {dimension_semantics = [#tpu.dimension_semantics<arbitrary>], iteration_bounds = array<i64: 10>, scalar_prefetch = 0 : i64, scratch_operands = 0 : i64, tpu.core_type = #tpu.core_type<tc>, window_params = [{transform_indices = @transform_0, window_bounds = array<i64: 1000, 128>}, {transform_indices = @transform_1, window_bounds = array<i64: 1000, 128>}, {transform_indices = @transform_2, window_bounds = array<i64: 1000, 128>}, {transform_indices = @transform_3, window_bounds = array<i64: 1000, 128>}, {transform_indices = @transform_4, window_bounds = array<i64: 1000, 1>}, {pipeline_mode = #tpu.pipeline_mode<synchronous>, transform_indices = @transform_5, window_bounds = array<i64: 256, 256>}, {transform_indices = @transform_6, window_bounds = array<i64: 1000, 256>}]} {
    %get3A = arith.constant 0 : index
    %get3A_0 = arith.constant 0 : index
    %get3A_1 = vector.load %arg1[%get3A, %get3A_0] : memref<1000x128xf32, #tpu.memory_space<vmem>>, vector<1000x128xf32>
    %get3A_2 = arith.constant 0 : index
    %get3A_3 = arith.constant 0 : index
    %get3A_4 = vector.load %arg3[%get3A_2, %get3A_3] : memref<1000x128xf32, #tpu.memory_space<vmem>>, vector<1000x128xf32>
    %add3A = arith.addf %get3A_1, %get3A_4 : vector<1000x128xf32>
    %get3A_5 = arith.constant 0 : index
    %get3A_6 = arith.constant 0 : index
    %get3A_7 = vector.load %arg2[%get3A_5, %get3A_6] : memref<1000x128xf32, #tpu.memory_space<vmem>>, vector<1000x128xf32>
    %get3A_8 = arith.constant 0 : index
    %get3A_9 = arith.constant 0 : index
    %get3A_10 = vector.load %arg4[%get3A_8, %get3A_9] : memref<1000x128xf32, #tpu.memory_space<vmem>>, vector<1000x128xf32>
    %add3A_11 = arith.addf %get3A_7, %get3A_10 : vector<1000x128xf32>
    %concatenate3A = tpu.concatenate %add3A, %add3A_11 in 1 : vector<1000x128xf32>, vector<1000x128xf32> -> vector<1000x256xf32>
    %get3A_12 = arith.constant 0 : index
    %get3A_13 = arith.constant 0 : index
    %get3A_14 = vector.load %arg5[%get3A_12, %get3A_13] : memref<1000x1xf32, #tpu.memory_space<vmem>>, vector<1000x1xf32>
    %mul3A = vector.broadcast %get3A_14 : vector<1000x1xf32> to vector<1000x256xf32>
    %mul3A_15 = arith.mulf %concatenate3A, %mul3A : vector<1000x256xf32>
    %get3A_16 = arith.constant 0 : index
    %get3A_17 = arith.constant 0 : index
    %get3A_18 = vector.load %arg6[%get3A_16, %get3A_17] : memref<256x256xf32, #tpu.memory_space<vmem>>, vector<256x256xf32>
    %dot_general3A = arith.constant dense<0.000000e+00> : vector<1000x256xf32>
    %dot_general3A_19 = tpu.matmul %mul3A_15, %get3A_18, %dot_general3A {dimension_numbers = #tpu.dot_dimension_numbers<[1], [0], [0], [1], [0, 0, 1, 1], [], []>, precision = #tpu.contract_precision<fp32>, transpose_lhs_hint = false} : vector<1000x256xf32>, vector<256x256xf32>, vector<1000x256xf32> -> vector<1000x256xf32>
    %swap3A = arith.constant 0 : index
    %swap3A_20 = arith.constant 0 : index
    %swap3A_21 = vector.load %arg7[%swap3A, %swap3A_20] : memref<1000x256xf32, #tpu.memory_space<vmem>>, vector<1000x256xf32>
    tpu.vector_store %arg7[%swap3A, %swap3A_20], %dot_general3A_19 {strides = array<i32>} : memref<1000x256xf32, #tpu.memory_space<vmem>>, vector<1000x256xf32>,
    return
  }
  func.func @transform_0(%arg0: i32) -> (i32, i32) {
    %c0_i32 = arith.constant 0 : i32
    %c0_i32_0 = arith.constant 0 : i32
    return %arg0, %c0_i32 : i32, i32
  }
  func.func @transform_1(%arg0: i32) -> (i32, i32) {
    %c0_i32 = arith.constant 0 : i32
    %c0_i32_0 = arith.constant 0 : i32
    return %arg0, %c0_i32 : i32, i32
  }
  func.func @transform_2(%arg0: i32) -> (i32, i32) {
    %c0_i32 = arith.constant 0 : i32
    %c0_i32_0 = arith.constant 0 : i32
    return %arg0, %c0_i32 : i32, i32
  }
  func.func @transform_3(%arg0: i32) -> (i32, i32) {
    %c0_i32 = arith.constant 0 : i32
    %c0_i32_0 = arith.constant 0 : i32
    return %arg0, %c0_i32 : i32, i32
  }
  func.func @transform_4(%arg0: i32) -> (i32, i32) {
    %c0_i32 = arith.constant 0 : i32
    %c0_i32_0 = arith.constant 0 : i32
    return %arg0, %c0_i32 : i32, i32
  }
  func.func @transform_5(%arg0: i32) -> (i32, i32) {
    %c0_i32 = arith.constant 0 : i32
    %c0_i32_0 = arith.constant 0 : i32
    %c0_i32_1 = arith.constant 0 : i32
    return %c0_i32, %c0_i32_0 : i32, i32
  }
  func.func @transform_6(%arg0: i32) -> (i32, i32) {
    %c0_i32 = arith.constant 0 : i32
    %c0_i32_0 = arith.constant 0 : i32
    return %arg0, %c0_i32 : i32, i32
  }
}

module attributes {stable_mosaic.version = 14 : i64} {
  func.func @_tc_cos_body(%arg0: memref<512x256xf32, #tpu.memory_space<vmem>>, %arg1: memref<1x1xf32, #tpu.memory_space<vmem>>) attributes {dimension_semantics = [], scalar_prefetch = 0 : i64, scratch_operands = 0 : i64, tpu.core_type = #tpu.core_type<tc>} {
    %get3A = arith.constant 0 : index
    %get3A_0 = arith.constant 0 : index
    %get3A_1 = vector.load %arg0[%get3A, %get3A_0] : memref<512x256xf32, #tpu.memory_space<vmem>>, vector<512x256xf32>
    %mul3A = arith.mulf %get3A_1, %get3A_1 : vector<512x256xf32>
    %reduce_sum3A = arith.constant dense<0.000000e+00> : vector<512xf32>
    %reduce_sum3A_2 = vector.multi_reduction <add>, %mul3A, %reduce_sum3A [1] : vector<512x256xf32> to vector<512xf32>
    %broadcast_in_dim3A = vector.shape_cast %reduce_sum3A_2 : vector<512xf32> to vector<512x1xf32>
    %rsqrt3A = math.rsqrt %broadcast_in_dim3A : vector<512x1xf32>
    %mul3A_3 = vector.broadcast %rsqrt3A : vector<512x1xf32> to vector<512x256xf32>
    %mul3A_4 = arith.mulf %get3A_1, %mul3A_3 : vector<512x256xf32>
    %dot_general3A = arith.constant dense<0.000000e+00> : vector<512x512xf32>
    %dot_general3A_5 = tpu.matmul %mul3A_4, %mul3A_4, %dot_general3A {dimension_numbers = #tpu.dot_dimension_numbers<[1], [1], [0], [0], [0, 0, 1, 0], [], []>, precision = #tpu.contract_precision<fp32>, transpose_lhs_hint = false} : vector<512x256xf32>, vector<512x256xf32>, vector<512x512xf32> -> vector<512x512xf32>
    %reduce_sum3A_6 = vector.shape_cast %dot_general3A_5 : vector<512x512xf32> to vector<1x512x512xf32>
    %reduce_sum3A_7 = arith.constant dense<0.000000e+00> : vector<1xf32>
    %reduce_sum3A_8 = vector.multi_reduction <add>, %reduce_sum3A_6, %reduce_sum3A_7 [1, 2] : vector<1x512x512xf32> to vector<1xf32>
    %reduce_sum3A_9 = vector.shape_cast %reduce_sum3A_8 : vector<1xf32> to vector<1x1x1xf32>
    %reduce_sum3A_10 = vector.extract %reduce_sum3A_9[0, 0, 0] : f32 from vector<1x1x1xf32>
    %mul3A_11 = arith.constant 3.81469727E-6 : f32
    %mul3A_12 = arith.mulf %reduce_sum3A_10, %mul3A_11 : f32
    %reshape3A = vector.broadcast %mul3A_12 : f32 to vector<1x1xf32>
    %swap3A = arith.constant 0 : index
    %swap3A_13 = arith.constant 0 : index
    %swap3A_14 = vector.load %arg1[%swap3A, %swap3A_13] : memref<1x1xf32, #tpu.memory_space<vmem>>, vector<1x1xf32>
    tpu.vector_store %arg1[%swap3A, %swap3A_13], %reshape3A {strides = array<i32>} : memref<1x1xf32, #tpu.memory_space<vmem>>, vector<1x1xf32>,
    return
  }
}

</mosaic_0001>

<sc_bundles>
// kernel: kernel.11.cloned.1.call-start
scs
__scs_entry_jumppad:
0x0: {  	(pc) =	sbr.rel $0x88, $3  }
0x1: {  	(tag) =	ssettag $0x0;
	lr =	simm.s32 $0x1  }
0x2: {  	[smem:$0x3F9C] =	sst lr;
	_ =	strace $0xD0000000  }
0x3: {  	_ = 	snop  }
0x4: {  	_ = 	snop  }
0x5: {  	_ = 	snop  }
0x6: {  	_ = 	snop  }
0x7: {  	_ = 	snop  }
__scs_overlays_trampoline_lowered:
0x8: {  	[smem:$0x3FAB] =	sst s0  }
0x9: {  	[smem:$0x3FAC] =	sst s1  }
0xa: {  	[smem:$0x3FAD] =	sst s2  }
0xb: {  	[smem:$0x3FAE] =	sst s3  }
0xc: {  	[smem:$0x3FAF] =	sst s4  }
0xd: {  	[smem:$0x3FB0] =	sst s5  }
0xe: {  	[smem:$0x3FB1] =	sst s6  }
0xf: {  	[smem:$0x3FB2] =	sst s7  }
0x10: {  	[smem:$0x3FB3] =	sst s8  }
0x11: {  	[smem:$0x3FB4] =	sst s9;
	s0 =	simm.s32 @!p0 $0x0  }
0x12: {  	s1 =	sld [smem:$0x3F9A];
	s0 =	simm.s32 @p0 $0x1  }
0x13: {  	[smem:$0x3FB5] =	sst s0;
	s0 =	simm.s32 @!p1 $0x0  }
0x14: {  	s2 =	sld [smem:$0x3F99];
	s0 =	simm.s32 @p1 $0x1  }
0x15: {  	[smem:$0x3FB6] =	sst s0;
	s0 =	simm.s32 @!p2 $0x0  }
0x16: {  	s3 =	sld [smem:$0x3FDB];
	s0 =	simm.s32 @p2 $0x1  }
0x17: {  	s4 =	simm.s32 $0x1BF5;
	[smem:$0x3FB8] =	sst s0  }
0x18: {  	s0 =	sld [smem:$0x3F9B];
	_ =	swait.ge [sflag:s4], $0x0  }
0x19: {  	s7 =	sld [smem:$0x3F9C]  }
0x1a: {  	s8 =	sadd.s32 $0xFFFFE003, lr  }
0x1b: {  	s9 =	sadd.s32 $0xFFFFFEF7, lr;
	s5 =	simm.s32 $0xFFFFFFFF;
	p2 =	slt.u32 s8, $0xFFFFF086  }
0x1c: {  	p1 =	slt.u32 s9, $0xF7A;
	s5 =	simm.s32 @!p2 $0x0  }
0x1d: {  	s5 =	simm.s32 @p1 $0x1;
	p0 =	seq.s32 s7, s2  }
0x1e: {  	s7 =	smul.u32 @!p0 $0xF7A, s2;
	p2 =	seq.s32 @!p0 s5, $0x0  }
0x1f: {  	s9 =	smul.u32 $0xF7A, s1;
	s8 =	simm.s32 @!p0 $0x1BF5;
	p2 =	por !p2, p0  }
0x20: {  	[sflag:s8] =	ssyncset.s32 @!p0 $0xFFFFF086;
	s6 =	sadd.s32 @!p0 s3, s7;
	s7 =	simm.s32 @!p0 $0x108  }
0x21: {  	s3 =	sadd.s32 s3, s9;
	s6 =	sadd.s32 @!p0 $0x88, s6;
	s7 =	simm.s32 @p2 $0x1082  }
0x22: {  	[simem:s7], [sflag:s8] =	dma.local @!p0 [hbm:s6], $0xF7A  }
0x23: {  	s9 =	sor.u32 $0xD0000000, s2;
	s6 =	simm.s32 $0x108;
	_ =	swait.ge @!p0 [sflag:s8], $0x0  }
0x24: {  	s3 =	sadd.s32 $0x88, s3;
	s6 =	simm.s32 @!p1 $0x1082;
	[sflag:s4] =	ssyncset.s32 $0xFFFFF086  }
0x25: {  	[simem:s6], [sflag:s4] =	dma.local [hbm:s3], $0xF7A  }
0x26: {  	[smem:$0x3F9C] =	sst s1;
	(tag) =	ssettag s2;
	_ =	strace s9  }
0x27: {  	s1 =	sld [smem:$0x3FAC]  }
0x28: {  	s2 =	sld [smem:$0x3FAD]  }
0x29: {  	s4 =	sld [smem:$0x3FAF]  }
0x2a: {  	p0 =	seq.s32 s5, $0x0;
	s5 =	sld [smem:$0x3FB0]  }
0x2b: {  	s6 =	sld [smem:$0x3FB1]  }
0x2c: {  	s7 =	sld [smem:$0x3FB2]  }
0x2d: {  	s3 =	simm.s32 $0x108;
	s8 =	sld [smem:$0x3FB3]  }
0x2e: {  	s3 =	simm.s32 @!p0 $0x1082;
	s9 =	sld [smem:$0x3FB4]  }
0x2f: {  	lr =	sadd.s32 s0, s3;
	s0 =	sld [smem:$0x3FAB]  }
0x30: {  	s3 =	sld [smem:$0x3FAE]  }
0x31: {  	[smem:$0x3FB7] =	sst s10  }
0x32: {  	s10 =	sld [smem:$0x3FB5];
	_ =	sdelay $0x3  }
0x33: {  	p0 =	seq.s32 s10, $0x1;
	s10 =	sld [smem:$0x3FB7];
	_ =	sdelay $0x3  }
0x34: {  	[smem:$0x3FB7] =	sst s10  }
0x35: {  	s10 =	sld [smem:$0x3FB6];
	_ =	sdelay $0x3  }
0x36: {  	p1 =	seq.s32 s10, $0x1;
	s10 =	sld [smem:$0x3FB7];
	_ =	sdelay $0x3  }
0x37: {  	[smem:$0x3FB7] =	sst s10  }
0x38: {  	s10 =	sld [smem:$0x3FB8]  }
0x39: {  	_ = 	snop;
	(pc) =	sbr.ind lr, $3  }
0x3a: {  	_ = 	snop  }
0x3b: {  	_ = 	snop  }
0x3c: {  	p2 =	seq.s32 s10, $0x1;
	s10 =	sld [smem:$0x3FB7]  }
0x3d: {  	_ =	shalt  }
0x3e: {  	_ =	shalt  }
0x3f: {  	_ =	shalt  }
0x40: {  	_ =	shalt  }
0x41: {  	_ =	shalt  }
0x42: {  	_ =	shalt  }
0x43: {  	_ =	shalt  }
0x44: {  	_ =	shalt  }
0x45: {  	_ =	shalt  }
0x46: {  	_ =	shalt  }
0x47: {  	_ =	shalt  }
0x48: {  	_ =	shalt  }
0x49: {  	_ =	shalt  }
0x4a: {  	_ =	shalt  }
0x4b: {  	_ =	shalt  }
0x4c: {  	_ =	shalt  }
0x4d: {  	_ =	shalt  }
0x4e: {  	_ =	shalt  }
0x4f: {  	_ =	shalt  }
0x50: {  	_ =	shalt  }
0x51: {  	_ =	shalt  }
0x52: {  	_ =	shalt  }
0x53: {  	_ =	shalt  }
0x54: {  	_ =	shalt  }
0x55: {  	_ =	shalt  }
0x56: {  	_ =	shalt  }
0x57: {  	_ =	shalt  }
0x58: {  	_ =	shalt  }
0x59: {  	_ =	shalt  }
0x5a: {  	_ =	shalt  }
0x5b: {  	_ =	shalt  }
0x5c: {  	_ =	shalt  }
0x5d: {  	_ =	shalt  }
0x5e: {  	_ =	shalt  }
0x5f: {  	_ =	shalt  }
0x60: {  	_ =	shalt  }
0x61: {  	_ =	shalt  }
0x62: {  	_ =	shalt  }
0x63: {  	_ =	shalt  }
0x64: {  	_ =	shalt  }
0x65: {  	_ =	shalt  }
0x66: {  	_ =	shalt  }
0x67: {  	_ =	shalt  }
0x68: {  	_ =	shalt  }
0x69: {  	_ =	shalt  }
0x6a: {  	_ =	shalt  }
0x6b: {  	_ =	shalt  }
0x6c: {  	_ =	shalt  }
0x6d: {  	_ =	shalt  }
0x6e: {  	_ =	shalt  }
0x6f: {  	_ =	shalt  }
0x70: {  	_ =	shalt  }
0x71: {  	_ =	shalt  }
0x72: {  	_ =	shalt  }
0x73: {  	_ =	shalt  }
0x74: {  	_ =	shalt  }
0x75: {  	_ =	shalt  }
0x76: {  	_ =	shalt  }
0x77: {  	_ =	shalt  }
0x78: {  	_ =	shalt  }
0x79: {  	_ =	shalt  }
0x7a: {  	_ =	shalt  }
0x7b: {  	_ =	shalt  }
0x7c: {  	_ =	shalt  }
0x7d: {  	_ =	shalt  }
0x7e: {  	_ =	shalt  }
0x7f: {  	_ =	shalt  }
0x80: {  	_ =	shalt  }
0x81: {  	_ =	shalt  }
0x82: {  	_ =	shalt  }
0x83: {  	_ =	shalt  }
0x84: {  	_ =	shalt  }
0x85: {  	_ =	shalt  }
0x86: {  	_ =	shalt  }
0x87: {  	_ =	shalt  }
.Lfunc_end0:
.L_simem_size_0:
called_computation_lowered:
.L_overlay_start_0:
0x88: {  	s2 =	sld [smem:$0x3FD9]  }
0x89: {  	s3 =	sld [smem:$0x3FFE];
	_ =	sdelay $0x1  }
0x8a: {  	s1 =	srdreg.scid  }
0x8b: {  	s0 =	sand.u32 $0x1, s1  }
0x8c: {  	s14 =	sshll.u32 s0, $0xA;
	s2 =	sadd.s32 s3, s2  }
0x8d: {  	s2 =	sadd.s32 s2, s14  }
0x8e: {  	[smem:$0x3FC3] =	sst s2  }
0x8f: {  	_ = 	snop  }
0x90: {  	s2 =	sld [smem:$0x3FD0];
	_ =	sdelay $0x2  }
0x91: {  	s15 =	simm.s32 $0xA;
	s4 =	simm.s32 $0x10  }
0x92: {  	[smem:s4], [sflag:s15] =	dma.local [hbm:s2], $0x1  }
0x93: {  	_ =	swait.eq [sflag:s15], $0x1  }
0x94: {  	[sflag:s15] =	ssyncset.done $0x0  }
0x95: {  	[sflag:s15] =	ssyncadd.s32 $0xFFFFFFFF  }
0x96: {  	s16 =	sld [smem:$0x10];
	(tm) =	ssettm $0x1  }
0x97: {  	s17 =	sld [smem:$0x3FFB];
	_ =	sdelay $0x3  }
0x98: {  	_ =	strace s17  }
0x99: {  	s3 =	sld [smem:$0x3FFC];
	_ =	sdelay $0x3  }
0x9a: {  	_ =	strace s3  }
0x9b: {  	s3 =	sld [smem:$0x3FFD];
	_ =	sdelay $0x3  }
0x9c: {  	_ =	strace s3  }
0x9d: {  	_ =	strace $0x8FFFFFFF  }
0x9e: {  	s18 =	sld [smem:$0x3FDB];
	_ =	sdelay $0x1  }
0x9f: {  	s19 =	simm.s32 $_scs_section_size  }
0xa0: {  	s5 =	simm.s32 $_size__tile_overlayer_lowered;
	s6 =	simm.s32 $_tile_overlayer_lowered  }
0xa1: {  	s22 =	simm.s32 $0x1BFF;
	s21 =	sshll.u32 s6, $0x1;
	s3 =	sadd.s32 s19, s18  }
0xa2: {  	s7 =	simm.s32 $0x0;
	s20 =	sshll.u32 s5, $0x1;
	s5 =	sadd.s32 s21, s3  }
0xa3: {  	[timem:s7], [sflag:s22] =	dma.local [hbm:s5], s20  }
0xa4: {  	_ =	swait.ge [sflag:s22], s20  }
0xa5: {  	s4 =	ssub.s32 $0x0, s20;
	[sflag:s22] =	ssyncset.done $0x0  }
0xa6: {  	[sflag:s22] =	ssyncadd.s32 s4;
	_ =	sdelay $0x1  }
0xa7: {  	s23 =	simm.s32 $0x1B8B  }
0xa8: {  	_ =	swait.ge [sflag:s23], $0x1  }
0xa9: {  	[sflag:s23] =	ssyncset.done $0x0  }
0xaa: {  	s25 =	simm.s32 $0x1B8E;
	s24 =	sld [smem:$0x3FFE];
	[sflag:s23] =	ssyncadd.s32 $0xFFFFFFFF  }
0xab: {  	s26 =	simm.s32 $execute0_lowered;
	[smem:$0x3FD2] =	sst s25  }
0xac: {  	s5 =	sshll.u32 s26, $0x1;
	_ =	strace $0x80000046;
	[dreg:$0x1] =	wrdreg $0xFFFFFFFF  }
0xad: {  	s28 =	simm.s32 $_size_execute0_lowered;
	s3 =	sadd.s32 s3, s5;
	[dreg:$0x0] =	wrdreg $0x0  }
0xae: {  	s5 =	sshll.u32 s28, $0x1;
	[dreg:$0x2] =	wrdreg s3  }
0xaf: {  	[dreg:$0x3] =	wrdreg s5  }
0xb0: {  	[dreg:$0x4] =	wrdreg $0xC0  }
0xb1: {  	_ =	task [dreg:s7], $0x5FFFF  }
0xb2: {  	[dreg:$0x1] =	wrdreg $0xFFFFFFFF  }
0xb3: {  	[dreg:$0x0] =	wrdreg $0x60  }
0xb4: {  	[dreg:$0x2] =	wrdreg s24  }
0xb5: {  	[dreg:$0x3] =	wrdreg s16  }
0xb6: {  	[dreg:$0x4] =	wrdreg $0x54000  }
0xb7: {  	[dreg:$0x5] =	wrdreg $0x9  }
0xb8: {  	_ =	task.clear_ibuf [dreg:s7], $0x6FFFF;
	_ =	strace $0x90000046  }
0xb9: {  	s29 =	simm.s32 $0x9;
	_ =	strace $0x80000048  }
0xba: {  	_ =	swait.ge [sflag:s29], $0x1  }
0xbb: {  	[sflag:s29] =	ssyncadd.s32 $0xFFFFFFFF  }
0xbc: {  	_ =	strace $0x90000048  }
0xbd: {  	_ =	sfence  }
0xbe: {  	s30 =	sld [smem:$0x0];
	_ =	sdelay $0x2  }
0xbf: {  	s31 =	sshll.u32 s1, $0xD;
	s1 =	sshrl.u32 s1, $0x2  }
0xc0: {  	s3 =	sand.u32 $0x4000, s31;
	s1 =	sadd.s32 s1, s30  }
0xc1: {  	s0 =	sor.u32 s3, s0;
	s1 =	sshll.u32 s1, $0x11  }
0xc2: {  	s0 =	sor.u32 s1, s0  }
0xc3: {  	s0 =	sadd.s32 $0x8F2B, s0  }
0xc4: {  	[sflag:s0] =	ssyncadd.remote.s32 $0x1  }
0xc5: {  	_ =	sfence.sel $0xFFFF  }
0xc6: {  	[dreg:$0x0] =	wrdreg $0xFFFFFFFF;
	(pc) =	sbr.abs _section_cstart, $3  }
0xc7: {  	[dreg:$0x1] =	wrdreg $0xFFFFFFFF  }
0xc8: {  	_ =	task.clear_ibuf [dreg:s7], $0x2FFFF;
	_ =	strace $0x9FFFFFFF  }
0xc9: {  	(tm) =	ssettm $0x7FFFFFFF  }
tec
execute0_lowered:
.L_overlay_start_1:
0x0: {  	(tag) =	ssettag $0x1  }
0x1: {  	s4 =	rddreg [dreg:$0x0]  }
0x2: {  	s5 =	rddreg [dreg:$0x1]  }
0x3: {  	s2 =	rddreg [dreg:$0x2];
	s3 =	srdreg.scid  }
0x4: {  	s0 =	rddreg [dreg:$0x3];
	s1 =	stileid.u32  }
0x5: {  	s12 =	simm.s32 $0x1400;
	s13 =	simm.s32 $0x1;
	s14 =	simm.s32 $0x0  }
0x6: {  	s6 =	sand.u32 $0x1, s3;
	s3 =	simm.s32 $0x0;
	s8 =	smul.u32 $0x2800, s1  }
0x7: {  	s10 =	smul.u32 $0x50000, s1;
	s31 =	sshll.u32 s1, $0x6;
	s7 =	sshll.u32 s6, $0x4  }
0x8: {  	[smem:$0x7FF] =	sst s3;
	s9 =	smul.u32 $0x28000, s6;
	s6 =	ssub.s32 $0x2, s6  }
0x9: {  	s7 =	sor.u32 s1, s7;
	_ =	strace $0x80000047;
	s29 =	sshrl.u32 s6, $0x1  }
0xa: {  	s30 =	sshrl.u32 s10, $0x2;
	s5 =	sadd.s32 s5, s8;
	s7 =	smul.u32 $0x280, s7  }
0xb: {  	s9 =	sadd.s32 s8, s9;
	s11 =	ssub.s32 s6, s29;
	s10 =	sadd.s32 s30, s2  }
0xc: {  	s8 =	simm.s32 $0x2;
	s9 =	sadd.s32 s9, s4;
	s10 =	sshrl.u32 s10, $0x3  }
0xd: {  	s7 =	sadd.s32 s7, s4;
	s6 =	sadd.s32 $0x8600, s9;
	s9 =	sor.u32 $0x1C02, s31  }
0xe: {  	v0 =	vimm.f32 $1.000000000e+00;
	s4 =	sadd.s32 $0x3600, s7;
	s7 =	smax.u32 s11, $0x1;
	s11 =	simm.s32 $0x80  }
.LBB2_1:
0xf: {  	[tilespmem:s3], [sflag:$0x2] =	stream.linear.gather [hbm4b:s4+s3], $0x1400, $0x38;
	[tilespmem:$0x7C00] =	vst v63  }
0x10: {  	_ =	swait.ge [sflag:s8], $0x1400  }
0x11: {  	[sflag:s8] =	ssyncset.done $0x0  }
0x12: {  	[sflag:s8] =	ssyncadd.s32 $0xFFFFEC00  }
0x13: {  	[tilespmem:$0x1400] =	vst v0  }
0x14: {  	[tilespmem:$0x1480] =	vst v0  }
0x15: {  	[tilespmem:$0x1500] =	vst v0  }
0x16: {  	[tilespmem:$0x1580] =	vst v0  }
0x17: {  	[tilespmem:$0x1600] =	vst v0  }
0x18: {  	[tilespmem:$0x1680] =	vst v0  }
0x19: {  	[tilespmem:$0x1700] =	vst v0  }
0x1a: {  	[tilespmem:$0x1780] =	vst v0  }
0x1b: {  	[tilespmem:$0x1800] =	vst v0  }
0x1c: {  	[tilespmem:$0x1880] =	vst v0  }
0x1d: {  	[tilespmem:$0x1900] =	vst v0  }
0x1e: {  	[tilespmem:$0x1980] =	vst v0  }
0x1f: {  	[tilespmem:$0x1A00] =	vst v0  }
0x20: {  	[tilespmem:$0x1A80] =	vst v0  }
0x21: {  	[tilespmem:$0x1B00] =	vst v0  }
0x22: {  	[tilespmem:$0x1B80] =	vst v0  }
0x23: {  	[tilespmem:$0x1C00] =	vst v0  }
0x24: {  	[tilespmem:$0x1C80] =	vst v0  }
0x25: {  	[tilespmem:$0x1D00] =	vst v0  }
0x26: {  	[tilespmem:$0x1D80] =	vst v0  }
0x27: {  	[tilespmem:$0x1E00] =	vst v0  }
0x28: {  	[tilespmem:$0x1E80] =	vst v0  }
0x29: {  	[tilespmem:$0x1F00] =	vst v0  }
0x2a: {  	[tilespmem:$0x1F80] =	vst v0  }
0x2b: {  	[tilespmem:$0x2000] =	vst v0  }
0x2c: {  	[tilespmem:$0x2080] =	vst v0  }
0x2d: {  	[tilespmem:$0x2100] =	vst v0  }
0x2e: {  	[tilespmem:$0x2180] =	vst v0  }
0x2f: {  	[tilespmem:$0x2200] =	vst v0  }
0x30: {  	[tilespmem:$0x2280] =	vst v0  }
0x31: {  	[tilespmem:$0x2300] =	vst v0  }
0x32: {  	[tilespmem:$0x2380] =	vst v0  }
0x33: {  	[tilespmem:$0x2400] =	vst v0  }
0x34: {  	[tilespmem:$0x2480] =	vst v0  }
0x35: {  	[tilespmem:$0x2500] =	vst v0  }
0x36: {  	[tilespmem:$0x2580] =	vst v0  }
0x37: {  	[tilespmem:$0x2600] =	vst v0  }
0x38: {  	[tilespmem:$0x2680] =	vst v0  }
0x39: {  	[tilespmem:$0x2700] =	vst v0  }
0x3a: {  	[tilespmem:$0x2780] =	vst v0  }
0x3b: {  	[tilespmem:$0x2800] =	vst v0  }
0x3c: {  	[tilespmem:$0x2880] =	vst v0  }
0x3d: {  	[tilespmem:$0x2900] =	vst v0  }
0x3e: {  	[tilespmem:$0x2980] =	vst v0  }
0x3f: {  	[tilespmem:$0x2A00] =	vst v0  }
0x40: {  	[tilespmem:$0x2A80] =	vst v0  }
0x41: {  	[tilespmem:$0x2B00] =	vst v0  }
0x42: {  	[tilespmem:$0x2B80] =	vst v0  }
0x43: {  	[tilespmem:$0x2C00] =	vst v0  }
0x44: {  	[tilespmem:$0x2C80] =	vst v0  }
0x45: {  	[tilespmem:$0x2D00] =	vst v0  }
0x46: {  	[tilespmem:$0x2D80] =	vst v0  }
0x47: {  	[tilespmem:$0x2E00] =	vst v0  }
0x48: {  	[tilespmem:$0x2E80] =	vst v0  }
0x49: {  	[tilespmem:$0x2F00] =	vst v0  }
0x4a: {  	[tilespmem:$0x2F80] =	vst v0  }
0x4b: {  	[tilespmem:$0x3000] =	vst v0  }
0x4c: {  	[tilespmem:$0x3080] =	vst v0  }
0x4d: {  	[tilespmem:$0x3100] =	vst v0  }
0x4e: {  	[tilespmem:$0x3180] =	vst v0  }
0x4f: {  	[tilespmem:$0x3200] =	vst v0  }
0x50: {  	[tilespmem:$0x3280] =	vst v0  }
0x51: {  	[tilespmem:$0x3300] =	vst v0  }
0x52: {  	[tilespmem:$0x3380] =	vst v0  }
0x53: {  	[tilespmem:$0x3400] =	vst v0  }
0x54: {  	[tilespmem:$0x3480] =	vst v0  }
0x55: {  	[tilespmem:$0x3500] =	vst v0  }
0x56: {  	[tilespmem:$0x3580] =	vst v0  }
0x57: {  	[tilespmem:$0x3600] =	vst v0  }
0x58: {  	[tilespmem:$0x3680] =	vst v0  }
0x59: {  	[tilespmem:$0x3700] =	vst v0  }
0x5a: {  	[tilespmem:$0x3780] =	vst v0  }
0x5b: {  	[tilespmem:$0x3800] =	vst v0  }
0x5c: {  	[tilespmem:$0x3880] =	vst v0  }
0x5d: {  	[tilespmem:$0x3900] =	vst v0  }
0x5e: {  	[tilespmem:$0x3980] =	vst v0  }
0x5f: {  	[tilespmem:$0x3A00] =	vst v0  }
0x60: {  	[tilespmem:$0x3A80] =	vst v0  }
0x61: {  	[tilespmem:$0x3B00] =	vst v0  }
0x62: {  	[tilespmem:$0x3B80] =	vst v0  }
0x63: {  	[tilespmem:$0x3C00] =	vst v0  }
0x64: {  	[tilespmem:$0x3C80] =	vst v0  }
0x65: {  	[tilespmem:$0x3D00] =	vst v0  }
0x66: {  	[tilespmem:$0x3D80] =	vst v0  }
0x67: {  	[tilespmem:$0x3E00] =	vst v0  }
0x68: {  	[tilespmem:$0x3E80] =	vst v0  }
0x69: {  	[tilespmem:$0x3F00] =	vst v0  }
0x6a: {  	[tilespmem:$0x3F80] =	vst v0  }
0x6b: {  	[tilespmem:$0x4000] =	vst v0  }
0x6c: {  	[tilespmem:$0x4080] =	vst v0  }
0x6d: {  	[tilespmem:$0x4100] =	vst v0  }
0x6e: {  	[tilespmem:$0x4180] =	vst v0  }
0x6f: {  	[tilespmem:$0x4200] =	vst v0  }
0x70: {  	[tilespmem:$0x4280] =	vst v0  }
0x71: {  	[tilespmem:$0x4300] =	vst v0  }
0x72: {  	[tilespmem:$0x4380] =	vst v0  }
0x73: {  	[tilespmem:$0x4400] =	vst v0  }
0x74: {  	[tilespmem:$0x4480] =	vst v0  }
0x75: {  	[tilespmem:$0x4500] =	vst v0  }
0x76: {  	[tilespmem:$0x4580] =	vst v0  }
0x77: {  	[tilespmem:$0x4600] =	vst v0  }
0x78: {  	[tilespmem:$0x4680] =	vst v0  }
0x79: {  	[tilespmem:$0x4700] =	vst v0  }
0x7a: {  	[tilespmem:$0x4780] =	vst v0  }
0x7b: {  	[tilespmem:$0x4800] =	vst v0  }
0x7c: {  	[tilespmem:$0x4880] =	vst v0  }
0x7d: {  	[tilespmem:$0x4900] =	vst v0  }
0x7e: {  	[tilespmem:$0x4980] =	vst v0  }
0x7f: {  	[tilespmem:$0x4A00] =	vst v0  }
0x80: {  	[tilespmem:$0x4A80] =	vst v0  }
0x81: {  	[tilespmem:$0x4B00] =	vst v0  }
0x82: {  	[tilespmem:$0x4B80] =	vst v0  }
0x83: {  	[tilespmem:$0x4C00] =	vst v0  }
0x84: {  	[tilespmem:$0x4C80] =	vst v0  }
0x85: {  	[tilespmem:$0x4D00] =	vst v0  }
0x86: {  	[tilespmem:$0x4D80] =	vst v0  }
0x87: {  	[tilespmem:$0x4E00] =	vst v0  }
0x88: {  	[tilespmem:$0x4E80] =	vst v0  }
0x89: {  	[tilespmem:$0x4F00] =	vst v0  }
0x8a: {  	[tilespmem:$0x4F80] =	vst v0  }
0x8b: {  	[tilespmem:$0x5000] =	vst v0  }
0x8c: {  	[tilespmem:$0x5080] =	vst v0  }
0x8d: {  	[tilespmem:$0x5100] =	vst v0  }
0x8e: {  	[tilespmem:$0x5180] =	vst v0  }
0x8f: {  	[tilespmem:$0x5200] =	vst v0  }
0x90: {  	[tilespmem:$0x5280] =	vst v0  }
0x91: {  	[tilespmem:$0x5300] =	vst v0  }
0x92: {  	[tilespmem:$0x5380] =	vst v0  }
0x93: {  	[spmem:s10], [sflag:s9] =	dma.local [hbm:s5], $0x2800  }
0x94: {  	_ =	swait.ge [sflag:s8], $0x2800  }
0x95: {  	[sflag:s8] =	ssyncset.done $0x0  }
0x96: {  	p0 =	por $0x1, $0x1;
	[sflag:s8] =	ssyncadd.s32 $0xFFFFD800  }
0x97: {  	s17 =	simm.s32 @!p0 $0x1;
	[bflag:$0x0] =	sbarrier.arrive $0xFFFF  }
0x98: {  	[spmem:s2] =	stream.indirect.scatter.add.f32 [tilespmem:s12], [sflag:$0x1], $0x10, s3, s11, $0xb8;
	[tilespmem:$0x7C00] =	vst v63  }
0x99: {  	_ =	swait.ge @!p0 [sflag:s17], $0x800  }
0x9a: {  	s15 =	simm.s32 $0x1;
	s16 =	simm.s32 $0x0;
	[sflag:s17] =	ssyncset.done @!p0 $0x0  }
.LBB2_2:
0x9b: {  	[sflag:s17] =	ssyncadd.s32 @!p0 $0xFFFFF800  }
0x9c: {  	s16 =	sadd.s32 $0x80, s16;
	s17 =	smov.u32 s15;
	s15 =	sadd.s32 $0x1, s15  }
0x9d: {  	p1 =	sne.s32 s15, $0x28  }
0x9e: {  	[spmem:s2] =	stream.indirect.scatter.add.f32 [tilespmem:s12], [sflag:$0x1], $0x10, s16, s11, $0xb8;
	[tilespmem:$0x7C00] =	vst v63  }
.Ltmp0:
0x9f: {  	_ = 	snop;
	(pc) =	sbr.rel @p1 .LBB2_2-.Ltmp0, $4  }
0xa0: {  	p0 =	slt.u32 s17, $0x8  }
0xa1: {  	s17 =	simm.s32 @!p0 $0x1  }
0xa2: {  	_ =	swait.ge @!p0 [sflag:s17], $0x800  }
0xa3: {  	[sflag:s17] =	ssyncset.done @!p0 $0x0  }
0xa4: {  	[sflag:s17] =	ssyncadd.s32 @!p0 $0xFFFFF800  }
0xa5: {  	_ =	swait.ge [sflag:s13], $0x800  }
0xa6: {  	[sflag:s13] =	ssyncset.done $0x0  }
0xa7: {  	[sflag:s13] =	ssyncadd.s32 $0xFFFFF800  }
0xa8: {  	_ =	swait.ge [sflag:s13], $0x800  }
0xa9: {  	[sflag:s13] =	ssyncset.done $0x0  }
0xaa: {  	[sflag:s13] =	ssyncadd.s32 $0xFFFFF800  }
0xab: {  	_ =	swait.ge [sflag:s13], $0x800  }
0xac: {  	[sflag:s13] =	ssyncset.done $0x0  }
0xad: {  	[sflag:s13] =	ssyncadd.s32 $0xFFFFF800  }
0xae: {  	_ =	swait.ge [sflag:s13], $0x800  }
0xaf: {  	[sflag:s13] =	ssyncset.done $0x0  }
0xb0: {  	[sflag:s13] =	ssyncadd.s32 $0xFFFFF800  }
0xb1: {  	_ =	swait.ge [sflag:s13], $0x800  }
0xb2: {  	[sflag:s13] =	ssyncset.done $0x0  }
0xb3: {  	[sflag:s13] =	ssyncadd.s32 $0xFFFFF800  }
0xb4: {  	_ =	swait.ge [sflag:s13], $0x800  }
0xb5: {  	[sflag:s13] =	ssyncset.done $0x0  }
0xb6: {  	[sflag:s13] =	ssyncadd.s32 $0xFFFFF800  }
0xb7: {  	_ =	swait.ge [sflag:s13], $0x800  }
0xb8: {  	[sflag:s13] =	ssyncset.done $0x0  }
0xb9: {  	[sflag:s13] =	ssyncadd.s32 $0xFFFFF800  }
0xba: {  	_ =	swait.ge [sflag:s13], $0x800  }
0xbb: {  	s14 =	sadd.s32 $0x1, s14;
	[sflag:s13] =	ssyncset.done $0x0  }
0xbc: {  	p0 =	sne.s32 s14, s7;
	[sflag:s13] =	ssyncadd.s32 $0xFFFFF800  }
.Ltmp1:
0xbd: {  	[bflag:$0x0] =	sbarrier.arrive $0xFFFF;
	(pc) =	sbr.rel @p0 .LBB2_1-.Ltmp1, $4  }
0xbe: {  	[hbm:s6], [sflag:s9] =	dma.local [spmem:s10], $0x2800  }
0xbf: {  	_ =	swait.ge [sflag:s8], $0x2800  }
0xc0: {  	[sflag:s8] =	ssyncset.done $0x0  }
0xc1: {  	[sflag:s8] =	ssyncadd.s32 $0xFFFFD800  }
0xc2: {  	_ =	sfence.sel $0x180000  }
0xc3: {  	[bflag:$0x0] =	sbarrier.arrive $0xFFFF  }
0xc4: {  	p0 =	sne.s32 s1, $0x0;
	_ =	strace $0x90000047  }
0xc5: {  	s0 =	sadd.s32 @!p0 $0x100000, s0;
	[bflag:$0x2] =	sbarrier.arrive $0xFFFF  }
0xc6: {  	[sflag:s0] =	ssyncadd.tile.s32 @!p0 $0x1;
	_ =	shalt  }
.Lfunc_end2:
_tile_overlayer_lowered:
.L_overlay_start_2:
0xc7: {  	(tag) =	ssettag $0x2  }
0xc8: {  	s0 =	rddreg [dreg:$0x0];
	s2 =	stileid.u32  }
0xc9: {  	s1 =	rddreg [dreg:$0x1];
	p0 =	sne.s32 s2, $0x0  }
0xca: {  	s3 =	rddreg [dreg:$0x2];
	[bflag:$0x3] =	sbarrier.arrive $0xFFFF;
	s2 =	simm.s32 @!p0 $0x1C02  }
0xcb: {  	[timem:s3], [sflag:s2] =	dma.local @!p0 [hbm:s0], s1  }
0xcc: {  	s0 =	simm.s32 @!p0 $0x2  }
0xcd: {  	_ =	swait.ge @!p0 [sflag:s0], s1  }
0xce: {  	s1 =	ssub.s32 @!p0 $0x0, s1;
	[sflag:s0] =	ssyncset.done @!p0 $0x0  }
0xcf: {  	[sflag:s0] =	ssyncadd.s32 @!p0 s1  }
0xd0: {  	[bflag:$0x3] =	sbarrier.arrive $0xFFFF  }
0xd1: {  	_ =	shalt  }

// kernel: kernel.14.cloned.1.call-start
scs
__scs_entry_jumppad:
0x0: {  	(pc) =	sbr.rel $0x88, $3  }
0x1: {  	(tag) =	ssettag $0x0;
	lr =	simm.s32 $0x1  }
0x2: {  	[smem:$0x3F9C] =	sst lr;
	_ =	strace $0xD0000000  }
0x3: {  	_ = 	snop  }
0x4: {  	_ = 	snop  }
0x5: {  	_ = 	snop  }
0x6: {  	_ = 	snop  }
0x7: {  	_ = 	snop  }
__scs_overlays_trampoline_lowered:
0x8: {  	[smem:$0x3FAB] =	sst s0  }
0x9: {  	[smem:$0x3FAC] =	sst s1  }
0xa: {  	[smem:$0x3FAD] =	sst s2  }
0xb: {  	[smem:$0x3FAE] =	sst s3  }
0xc: {  	[smem:$0x3FAF] =	sst s4  }
0xd: {  	[smem:$0x3FB0] =	sst s5  }
0xe: {  	[smem:$0x3FB1] =	sst s6  }
0xf: {  	[smem:$0x3FB2] =	sst s7  }
0x10: {  	[smem:$0x3FB3] =	sst s8  }
0x11: {  	[smem:$0x3FB4] =	sst s9;
	s0 =	simm.s32 @!p0 $0x0  }
0x12: {  	s1 =	sld [smem:$0x3F9A];
	s0 =	simm.s32 @p0 $0x1  }
0x13: {  	[smem:$0x3FB5] =	sst s0;
	s0 =	simm.s32 @!p1 $0x0  }
0x14: {  	s2 =	sld [smem:$0x3F99];
	s0 =	simm.s32 @p1 $0x1  }
0x15: {  	[smem:$0x3FB6] =	sst s0;
	s0 =	simm.s32 @!p2 $0x0  }
0x16: {  	s3 =	sld [smem:$0x3FDB];
	s0 =	simm.s32 @p2 $0x1  }
0x17: {  	s4 =	simm.s32 $0x1BF5;
	[smem:$0x3FB8] =	sst s0  }
0x18: {  	s0 =	sld [smem:$0x3F9B];
	_ =	swait.ge [sflag:s4], $0x0  }
0x19: {  	s7 =	sld [smem:$0x3F9C]  }
0x1a: {  	s8 =	sadd.s32 $0xFFFFE003, lr  }
0x1b: {  	s9 =	sadd.s32 $0xFFFFFEF7, lr;
	s5 =	simm.s32 $0xFFFFFFFF;
	p2 =	slt.u32 s8, $0xFFFFF086  }
0x1c: {  	p1 =	slt.u32 s9, $0xF7A;
	s5 =	simm.s32 @!p2 $0x0  }
0x1d: {  	s5 =	simm.s32 @p1 $0x1;
	p0 =	seq.s32 s7, s2  }
0x1e: {  	s7 =	smul.u32 @!p0 $0xF7A, s2;
	p2 =	seq.s32 @!p0 s5, $0x0  }
0x1f: {  	s9 =	smul.u32 $0xF7A, s1;
	s8 =	simm.s32 @!p0 $0x1BF5;
	p2 =	por !p2, p0  }
0x20: {  	[sflag:s8] =	ssyncset.s32 @!p0 $0xFFFFF086;
	s6 =	sadd.s32 @!p0 s3, s7;
	s7 =	simm.s32 @!p0 $0x108  }
0x21: {  	s3 =	sadd.s32 s3, s9;
	s6 =	sadd.s32 @!p0 $0x88, s6;
	s7 =	simm.s32 @p2 $0x1082  }
0x22: {  	[simem:s7], [sflag:s8] =	dma.local @!p0 [hbm:s6], $0xF7A  }
0x23: {  	s9 =	sor.u32 $0xD0000000, s2;
	s6 =	simm.s32 $0x108;
	_ =	swait.ge @!p0 [sflag:s8], $0x0  }
0x24: {  	s3 =	sadd.s32 $0x88, s3;
	s6 =	simm.s32 @!p1 $0x1082;
	[sflag:s4] =	ssyncset.s32 $0xFFFFF086  }
0x25: {  	[simem:s6], [sflag:s4] =	dma.local [hbm:s3], $0xF7A  }
0x26: {  	[smem:$0x3F9C] =	sst s1;
	(tag) =	ssettag s2;
	_ =	strace s9  }
0x27: {  	s1 =	sld [smem:$0x3FAC]  }
0x28: {  	s2 =	sld [smem:$0x3FAD]  }
0x29: {  	s4 =	sld [smem:$0x3FAF]  }
0x2a: {  	p0 =	seq.s32 s5, $0x0;
	s5 =	sld [smem:$0x3FB0]  }
0x2b: {  	s6 =	sld [smem:$0x3FB1]  }
0x2c: {  	s7 =	sld [smem:$0x3FB2]  }
0x2d: {  	s3 =	simm.s32 $0x108;
	s8 =	sld [smem:$0x3FB3]  }
0x2e: {  	s3 =	simm.s32 @!p0 $0x1082;
	s9 =	sld [smem:$0x3FB4]  }
0x2f: {  	lr =	sadd.s32 s0, s3;
	s0 =	sld [smem:$0x3FAB]  }
0x30: {  	s3 =	sld [smem:$0x3FAE]  }
0x31: {  	[smem:$0x3FB7] =	sst s10  }
0x32: {  	s10 =	sld [smem:$0x3FB5];
	_ =	sdelay $0x3  }
0x33: {  	p0 =	seq.s32 s10, $0x1;
	s10 =	sld [smem:$0x3FB7];
	_ =	sdelay $0x3  }
0x34: {  	[smem:$0x3FB7] =	sst s10  }
0x35: {  	s10 =	sld [smem:$0x3FB6];
	_ =	sdelay $0x3  }
0x36: {  	p1 =	seq.s32 s10, $0x1;
	s10 =	sld [smem:$0x3FB7];
	_ =	sdelay $0x3  }
0x37: {  	[smem:$0x3FB7] =	sst s10  }
0x38: {  	s10 =	sld [smem:$0x3FB8]  }
0x39: {  	_ = 	snop;
	(pc) =	sbr.ind lr, $3  }
0x3a: {  	_ = 	snop  }
0x3b: {  	_ = 	snop  }
0x3c: {  	p2 =	seq.s32 s10, $0x1;
	s10 =	sld [smem:$0x3FB7]  }
0x3d: {  	_ =	shalt  }
0x3e: {  	_ =	shalt  }
0x3f: {  	_ =	shalt  }
0x40: {  	_ =	shalt  }
0x41: {  	_ =	shalt  }
0x42: {  	_ =	shalt  }
0x43: {  	_ =	shalt  }
0x44: {  	_ =	shalt  }
0x45: {  	_ =	shalt  }
0x46: {  	_ =	shalt  }
0x47: {  	_ =	shalt  }
0x48: {  	_ =	shalt  }
0x49: {  	_ =	shalt  }
0x4a: {  	_ =	shalt  }
0x4b: {  	_ =	shalt  }
0x4c: {  	_ =	shalt  }
0x4d: {  	_ =	shalt  }
0x4e: {  	_ =	shalt  }
0x4f: {  	_ =	shalt  }
0x50: {  	_ =	shalt  }
0x51: {  	_ =	shalt  }
0x52: {  	_ =	shalt  }
0x53: {  	_ =	shalt  }
0x54: {  	_ =	shalt  }
0x55: {  	_ =	shalt  }
0x56: {  	_ =	shalt  }
0x57: {  	_ =	shalt  }
0x58: {  	_ =	shalt  }
0x59: {  	_ =	shalt  }
0x5a: {  	_ =	shalt  }
0x5b: {  	_ =	shalt  }
0x5c: {  	_ =	shalt  }
0x5d: {  	_ =	shalt  }
0x5e: {  	_ =	shalt  }
0x5f: {  	_ =	shalt  }
0x60: {  	_ =	shalt  }
0x61: {  	_ =	shalt  }
0x62: {  	_ =	shalt  }
0x63: {  	_ =	shalt  }
0x64: {  	_ =	shalt  }
0x65: {  	_ =	shalt  }
0x66: {  	_ =	shalt  }
0x67: {  	_ =	shalt  }
0x68: {  	_ =	shalt  }
0x69: {  	_ =	shalt  }
0x6a: {  	_ =	shalt  }
0x6b: {  	_ =	shalt  }
0x6c: {  	_ =	shalt  }
0x6d: {  	_ =	shalt  }
0x6e: {  	_ =	shalt  }
0x6f: {  	_ =	shalt  }
0x70: {  	_ =	shalt  }
0x71: {  	_ =	shalt  }
0x72: {  	_ =	shalt  }
0x73: {  	_ =	shalt  }
0x74: {  	_ =	shalt  }
0x75: {  	_ =	shalt  }
0x76: {  	_ =	shalt  }
0x77: {  	_ =	shalt  }
0x78: {  	_ =	shalt  }
0x79: {  	_ =	shalt  }
0x7a: {  	_ =	shalt  }
0x7b: {  	_ =	shalt  }
0x7c: {  	_ =	shalt  }
0x7d: {  	_ =	shalt  }
0x7e: {  	_ =	shalt  }
0x7f: {  	_ =	shalt  }
0x80: {  	_ =	shalt  }
0x81: {  	_ =	shalt  }
0x82: {  	_ =	shalt  }
0x83: {  	_ =	shalt  }
0x84: {  	_ =	shalt  }
0x85: {  	_ =	shalt  }
0x86: {  	_ =	shalt  }
0x87: {  	_ =	shalt  }
.Lfunc_end0:
.L_simem_size_0:
called_computation.1_lowered:
.L_overlay_start_0:
0x88: {  	s2 =	sld [smem:$0x3FD9]  }
0x89: {  	s3 =	sld [smem:$0x3FFE];
	_ =	sdelay $0x1  }
0x8a: {  	s1 =	srdreg.scid  }
0x8b: {  	s0 =	sand.u32 $0x1, s1  }
0x8c: {  	s14 =	sshll.u32 s0, $0xA;
	s2 =	sadd.s32 s3, s2  }
0x8d: {  	s2 =	sadd.s32 s2, s14  }
0x8e: {  	[smem:$0x3FC3] =	sst s2  }
0x8f: {  	_ = 	snop  }
0x90: {  	s2 =	sld [smem:$0x3FD0];
	_ =	sdelay $0x2  }
0x91: {  	s15 =	simm.s32 $0xA;
	s4 =	simm.s32 $0x10  }
0x92: {  	[smem:s4], [sflag:s15] =	dma.local [hbm:s2], $0x1  }
0x93: {  	_ =	swait.eq [sflag:s15], $0x1  }
0x94: {  	[sflag:s15] =	ssyncset.done $0x0  }
0x95: {  	[sflag:s15] =	ssyncadd.s32 $0xFFFFFFFF  }
0x96: {  	s16 =	sld [smem:$0x10];
	(tm) =	ssettm $0x1  }
0x97: {  	s17 =	sld [smem:$0x3FFB];
	_ =	sdelay $0x3  }
0x98: {  	_ =	strace s17  }
0x99: {  	s3 =	sld [smem:$0x3FFC];
	_ =	sdelay $0x3  }
0x9a: {  	_ =	strace s3  }
0x9b: {  	s3 =	sld [smem:$0x3FFD];
	_ =	sdelay $0x3  }
0x9c: {  	_ =	strace s3  }
0x9d: {  	_ =	strace $0x8FFFFFFF  }
0x9e: {  	s18 =	sld [smem:$0x3FDB];
	_ =	sdelay $0x1  }
0x9f: {  	s19 =	simm.s32 $_scs_section_size  }
0xa0: {  	s5 =	simm.s32 $_size__tile_overlayer_lowered;
	s6 =	simm.s32 $_tile_overlayer_lowered  }
0xa1: {  	s22 =	simm.s32 $0x1BFF;
	s21 =	sshll.u32 s6, $0x1;
	s3 =	sadd.s32 s19, s18  }
0xa2: {  	s7 =	simm.s32 $0x0;
	s20 =	sshll.u32 s5, $0x1;
	s5 =	sadd.s32 s21, s3  }
0xa3: {  	[timem:s7], [sflag:s22] =	dma.local [hbm:s5], s20  }
0xa4: {  	_ =	swait.ge [sflag:s22], s20  }
0xa5: {  	s4 =	ssub.s32 $0x0, s20;
	[sflag:s22] =	ssyncset.done $0x0  }
0xa6: {  	[sflag:s22] =	ssyncadd.s32 s4;
	_ =	sdelay $0x1  }
0xa7: {  	s23 =	simm.s32 $0x1B8B  }
0xa8: {  	_ =	swait.ge [sflag:s23], $0x1  }
0xa9: {  	[sflag:s23] =	ssyncset.done $0x0  }
0xaa: {  	s25 =	simm.s32 $0x1B8E;
	s24 =	sld [smem:$0x3FFE];
	[sflag:s23] =	ssyncadd.s32 $0xFFFFFFFF  }
0xab: {  	s26 =	simm.s32 $execute0_lowered;
	[smem:$0x3FD2] =	sst s25  }
0xac: {  	s5 =	sshll.u32 s26, $0x1;
	_ =	strace $0x80000049;
	[dreg:$0x1] =	wrdreg $0xFFFFFFFF  }
0xad: {  	s28 =	simm.s32 $_size_execute0_lowered;
	s3 =	sadd.s32 s3, s5;
	[dreg:$0x0] =	wrdreg $0x0  }
0xae: {  	s5 =	sshll.u32 s28, $0x1;
	[dreg:$0x2] =	wrdreg s3  }
0xaf: {  	[dreg:$0x3] =	wrdreg s5  }
0xb0: {  	[dreg:$0x4] =	wrdreg $0xC0  }
0xb1: {  	_ =	task [dreg:s7], $0x5FFFF  }
0xb2: {  	[dreg:$0x1] =	wrdreg $0xFFFFFFFF  }
0xb3: {  	[dreg:$0x0] =	wrdreg $0x60  }
0xb4: {  	[dreg:$0x2] =	wrdreg s16  }
0xb5: {  	[dreg:$0x3] =	wrdreg s24  }
0xb6: {  	[dreg:$0x4] =	wrdreg $0xB0000  }
0xb7: {  	[dreg:$0x5] =	wrdreg $0x9  }
0xb8: {  	_ =	task.clear_ibuf [dreg:s7], $0x6FFFF;
	_ =	strace $0x90000049  }
0xb9: {  	s29 =	simm.s32 $0x9;
	_ =	strace $0x8000004B  }
0xba: {  	_ =	swait.ge [sflag:s29], $0x1  }
0xbb: {  	[sflag:s29] =	ssyncadd.s32 $0xFFFFFFFF  }
0xbc: {  	_ =	strace $0x9000004B  }
0xbd: {  	_ =	sfence  }
0xbe: {  	s30 =	sld [smem:$0x0];
	_ =	sdelay $0x2  }
0xbf: {  	s31 =	sshll.u32 s1, $0xD;
	s1 =	sshrl.u32 s1, $0x2  }
0xc0: {  	s3 =	sand.u32 $0x4000, s31;
	s1 =	sadd.s32 s1, s30  }
0xc1: {  	s0 =	sor.u32 s3, s0;
	s1 =	sshll.u32 s1, $0x11  }
0xc2: {  	s0 =	sor.u32 s1, s0  }
0xc3: {  	s0 =	sadd.s32 $0x8F2B, s0  }
0xc4: {  	[sflag:s0] =	ssyncadd.remote.s32 $0x1  }
0xc5: {  	_ =	sfence.sel $0xFFFF  }
0xc6: {  	[dreg:$0x0] =	wrdreg $0xFFFFFFFF;
	(pc) =	sbr.abs _section_cstart, $3  }
0xc7: {  	[dreg:$0x1] =	wrdreg $0xFFFFFFFF  }
0xc8: {  	_ =	task.clear_ibuf [dreg:s7], $0x2FFFF;
	_ =	strace $0x9FFFFFFF  }
0xc9: {  	(tm) =	ssettm $0x7FFFFFFF  }
tec
execute0_lowered:
.L_overlay_start_1:
0x0: {  	(tag) =	ssettag $0x1  }
0x1: {  	s1 =	rddreg [dreg:$0x0]  }
0x2: {  	s0 =	rddreg [dreg:$0x1]  }
0x3: {  	s3 =	rddreg [dreg:$0x2];
	s4 =	simm.s32 $0x0  }
0x4: {  	s2 =	stileid.u32;
	s7 =	srdreg.scid;
	s17 =	simm.s32 $0x2C00  }
0x5: {  	s18 =	simm.s32 $0x40;
	s19 =	simm.s32 $0x3000;
	s20 =	simm.s32 $0x2  }
0x6: {  	s21 =	simm.s32 $0x5000;
	s22 =	simm.s32 $0x1;
	s23 =	simm.s32 $0x3  }
0x7: {  	s24 =	simm.s32 $0x4;
	s25 =	simm.s32 $0x0;
	s6 =	smul.u32 $0x500, s2  }
0x8: {  	[smem:$0x7FF] =	sst s4;
	s5 =	sadd.s32 $0x8600, s0;
	s11 =	smul.u32 $0x2800, s2  }
0x9: {  	s9 =	sand.u32 $0x1, s7;
	s30 =	smul.u32 $0x50000, s2;
	s12 =	sadd.s32 $0x5D600, s0  }
0xa: {  	s31 =	sshll.u32 s2, $0x6;
	_ =	strace $0x8000004A;
	s29 =	ssub.s32 $0x2, s9  }
0xb: {  	p0 =	seq.s32 s9, $0x0;
	s8 =	sadd.s32 s6, s0;
	s10 =	sadd.s32 s11, s0  }
0xc: {  	s13 =	sshrl.u32 s29, $0x1;
	s0 =	sadd.s32 $0x85600, s0;
	s7 =	sshrl.u32 s30, $0x2  }
.Ltmp0:
0xd: {  	s13 =	ssub.s32 s29, s13;
	s6 =	sadd.s32 $0x3600, s8;
	(pc) =	sbr.rel .LBB2_1-.Ltmp0, $4  }
0xe: {  	s14 =	sadd.s32 s7, s3;
	s7 =	sadd.s32 $0x30600, s10;
	s8 =	sadd.s32 $0x58600, s8  }
0xf: {  	s10 =	smov.u32 s5;
	s0 =	smov.u32 @p0 s12;
	s12 =	simm.s32 $0x6  }
0x10: {  	s9 =	smax.u32 s13, $0x1;
	s10 =	smov.u32 @p0 s1;
	s11 =	sadd.s32 s0, s11  }
0x11: {  	s13 =	sor.u32 $0x1C06, s31;
	s14 =	sshrl.u32 s14, $0x3;
	s16 =	sadd.s32 $0x80, s8  }
.LBB2_3:
0x12: {  	s0 =	sadd.s32 $0x5000, s0;
	s2 =	sadd.s32 $0xFFFFFFC0, s31  }
0x13: {  	[spmem:s3] =	stream.indirect.scatter.add.f32 [tilespmem:s0], [sflag:$0x4], $0x80, s2, s18, $0xb8;
	[tilespmem:$0x1F000] =	vst v63  }
.LBB2_5:
0x14: {  	_ =	swait.ge [sflag:s23], $0x2000  }
0x15: {  	[sflag:s23] =	ssyncset.done $0x0  }
0x16: {  	[sflag:s23] =	ssyncadd.s32 $0xFFFFE000  }
0x17: {  	_ =	swait.ge [sflag:s24], $0x2000  }
0x18: {  	s25 =	sadd.s32 $0x1, s25;
	[sflag:s24] =	ssyncset.done $0x0  }
0x19: {  	p1 =	sne.s32 s25, s9;
	[sflag:s24] =	ssyncadd.s32 $0xFFFFE000  }
.Ltmp1:
0x1a: {  	[bflag:$0x0] =	sbarrier.arrive $0xFFFF;
	(pc) =	sbr.rel @!p1 .LBB2_6-.Ltmp1, $4  }
0x1b: {  	[hbm:s11], [sflag:s13] =	dma.local [spmem:s14], $0x2800  }
0x1c: {  	_ =	swait.ge [sflag:s12], $0x2800  }
0x1d: {  	[sflag:s12] =	ssyncset.done $0x0  }
0x1e: {  	[sflag:s12] =	ssyncadd.s32 $0xFFFFD800  }
.LBB2_1:
0x1f: {  	[tilespmem:s4], [sflag:$0x6] =	stream.linear.gather [hbm4b:s6+s4], $0x2800, $0x38;
	[tilespmem:$0x1F000] =	vst v63  }
0x20: {  	_ =	swait.ge [sflag:s12], $0x2800  }
0x21: {  	[sflag:s12] =	ssyncset.done $0x0  }
0x22: {  	[sflag:s12] =	ssyncadd.s32 $0xFFFFD800  }
0x23: {  	[spmem:s14], [sflag:s13] =	dma.local [hbm:s7], $0x2800  }
0x24: {  	_ =	swait.ge [sflag:s12], $0x2800  }
0x25: {  	[sflag:s12] =	ssyncset.done $0x0  }
0x26: {  	s0 =	simm.s32 $0x2800;
	[sflag:s12] =	ssyncadd.s32 $0xFFFFD800  }
0x27: {  	[tilespmem:s0], [sflag:$0x6] =	stream.linear.gather [hbm4b:s8+s4], $0x400, $0x38;
	[tilespmem:$0x1F000] =	vst v63  }
0x28: {  	_ =	swait.ge [sflag:s12], $0x400  }
0x29: {  	[sflag:s12] =	ssyncset.done $0x0  }
0x2a: {  	s26 =	simm.s32 @p0 $0x2800;
	[sflag:s12] =	ssyncadd.s32 $0xFFFFFC00  }
0x2b: {  	[tilespmem:s17], [sflag:$0x5] =	stream.linear.gather [hbm4b:s16+s4], $0x400, $0x38;
	[tilespmem:$0x1F000] =	vst v63  }
0x2c: {  	s28 =	simm.s32 @p0 $0x3000;
	s0 =	simm.s32 @p0 $0x40;
	[bflag:$0x0] =	sbarrier.arrive $0xFFFF  }
0x2d: {  	[tilespmem:s28], [sflag:$0x1] =	stream.indirect.gather @p0 [hbm4b:s1+s0], $0x80, s26, s0, $0xb8;
	[tilespmem:$0x1F000] =	vst v63  }
0x2e: {  	s26 =	simm.s32 @p0 $0x2840;
	s28 =	simm.s32 @p0 $0x5000  }
0x2f: {  	[tilespmem:s28], [sflag:$0x2] =	stream.indirect.gather @p0 [hbm4b:s1+s0], $0x80, s26, s0, $0xb8;
	[tilespmem:$0x1F000] =	vst v63  }
0x30: {  	s26 =	simm.s32 @p0 $0x1  }
0x31: {  	_ =	swait.ge @p0 [sflag:s26], $0x2000  }
0x32: {  	[sflag:s26] =	ssyncset.done @p0 $0x0  }
0x33: {  	s28 =	simm.s32 @p0 $0x7000;
	[sflag:s26] =	ssyncadd.s32 @p0 $0xFFFFE000;
	s26 =	simm.s32 @p0 $0x2880  }
0x34: {  	[tilespmem:s28], [sflag:$0x1] =	stream.indirect.gather @p0 [hbm4b:s1+s0], $0x80, s26, s0, $0xb8;
	[tilespmem:$0x1F000] =	vst v63  }
0x35: {  	s29 =	simm.s32 @!p0 $0x3000;
	s26 =	simm.s32 @!p0 $0x40;
	s28 =	simm.s32 @!p0 $0x2800  }
0x36: {  	[tilespmem:s29], [sflag:$0x1] =	stream.indirect.gather @!p0 [hbm4b:s5+s26], $0x80, s28, s26, $0xb8;
	[tilespmem:$0x1F000] =	vst v63  }
0x37: {  	s28 =	simm.s32 @!p0 $0x2840;
	s29 =	simm.s32 @!p0 $0x5000  }
0x38: {  	[tilespmem:s29], [sflag:$0x2] =	stream.indirect.gather @!p0 [hbm4b:s5+s26], $0x80, s28, s26, $0xb8;
	[tilespmem:$0x1F000] =	vst v63  }
0x39: {  	s28 =	simm.s32 @!p0 $0x1  }
0x3a: {  	_ =	swait.ge @!p0 [sflag:s28], $0x2000  }
0x3b: {  	[sflag:s28] =	ssyncset.done @!p0 $0x0  }
0x3c: {  	s29 =	simm.s32 @!p0 $0x7000;
	[sflag:s28] =	ssyncadd.s32 @!p0 $0xFFFFE000;
	s28 =	simm.s32 @!p0 $0x2880  }
0x3d: {  	[tilespmem:s29], [sflag:$0x1] =	stream.indirect.gather @!p0 [hbm4b:s5+s26], $0x80, s28, s26, $0xb8;
	[tilespmem:$0x1F000] =	vst v63  }
0x3e: {  	_ = 	snop  }
0x3f: {  	[spmem:s3] =	stream.indirect.scatter.add.f32 [tilespmem:s19], [sflag:$0x3], $0x80, s4, s18, $0xb8;
	[tilespmem:$0x1F000] =	vst v63  }
0x40: {  	_ =	swait.ge [sflag:s20], $0x2000  }
0x41: {  	[sflag:s20] =	ssyncset.done $0x0  }
0x42: {  	s28 =	simm.s32 @p0 $0x28C0;
	s29 =	simm.s32 @p0 $0x9000;
	[sflag:s20] =	ssyncadd.s32 $0xFFFFE000  }
0x43: {  	[tilespmem:s29], [sflag:$0x2] =	stream.indirect.gather @p0 [hbm4b:s1+s0], $0x80, s28, s0, $0xb8;
	[tilespmem:$0x1F000] =	vst v63  }
0x44: {  	s0 =	simm.s32 @!p0 $0x28C0;
	s28 =	simm.s32 @!p0 $0x9000  }
0x45: {  	[tilespmem:s28], [sflag:$0x2] =	stream.indirect.gather @!p0 [hbm4b:s5+s26], $0x80, s0, s26, $0xb8;
	[tilespmem:$0x1F000] =	vst v63  }
0x46: {  	s29 =	simm.s32 $0x2;
	s26 =	simm.s32 $0x400;
	s28 =	simm.s32 $0x20000  }
0x47: {  	[spmem:s3] =	stream.indirect.scatter.add.f32 [tilespmem:s21], [sflag:$0x4], $0x80, s18, s18, $0xb8;
	[tilespmem:$0x1F000] =	vst v63  }
.LBB2_2:
0x48: {  	s30 =	sand.u32 $0x7, s29;
	p1 =	seq.s32 s26, $0xA000  }
0x49: {  	p2 =	sne.s32 @!p1 s30, $0x0  }
0x4a: {  	p2 =	por p2, p1  }
0x4b: {  	s0 =	simm.s32 @!p2 $0x5  }
0x4c: {  	_ =	swait.ge @!p2 [sflag:s0], $0x400  }
0x4d: {  	[sflag:s0] =	ssyncset.done @!p2 $0x0  }
0x4e: {  	[sflag:s0] =	ssyncadd.s32 @!p2 $0xFFFFFC00  }
0x4f: {  	_ =	swait.ge [sflag:s22], $0x2000  }
0x50: {  	[sflag:s22] =	ssyncset.done $0x0  }
0x51: {  	s15 =	sadd.s32 $0xFFFF0000, s28;
	s31 =	sand.u32 @!p1 $0x1E00, s26;
	[sflag:s22] =	ssyncadd.s32 $0xFFFFE000  }
0x52: {  	s2 =	simm.s32 @!p1 $0x40;
	s0 =	sand.u32 @!p1 $0x10000, s28;
	_ =	swait.ge [sflag:s23], $0x2000  }
0x53: {  	s31 =	sshrl.u32 @!p1 s31, $0x2;
	s0 =	sshrl.u32 @!p1 s0, $0x2;
	[sflag:s23] =	ssyncset.done $0x0  }
0x54: {  	s31 =	sor.u32 @!p1 $0x2800, s31;
	s0 =	sor.u32 @!p1 $0x3000, s0;
	[sflag:s23] =	ssyncadd.s32 $0xFFFFE000  }
0x55: {  	[tilespmem:s0], [sflag:$0x1] =	stream.indirect.gather @!p1 [hbm4b:s10+s2], $0x80, s31, s2, $0xb8;
	[tilespmem:$0x1F000] =	vst v63  }
0x56: {  	s0 =	sand.u32 $0x10000, s15  }
0x57: {  	s31 =	sshra.s32 s26, $0x2;
	s0 =	sshrl.u32 s0, $0x2  }
0x58: {  	s15 =	sadd.s32 $0xFFFFFF80, s31;
	s2 =	sor.u32 $0x3000, s0  }
0x59: {  	[spmem:s3] =	stream.indirect.scatter.add.f32 [tilespmem:s2], [sflag:$0x3], $0x80, s15, s18, $0xb8;
	[tilespmem:$0x1F000] =	vst v63  }
0x5a: {  	p1 =	sne.s32 s26, $0xA000;
	_ =	swait.ge [sflag:s20], $0x2000  }
.Ltmp2:
0x5b: {  	[sflag:s20] =	ssyncset.done $0x0;
	(pc) =	sbr.rel @!p1 .LBB2_3-.Ltmp2, $4  }
0x5c: {  	[sflag:s20] =	ssyncadd.s32 $0xFFFFE000  }
0x5d: {  	_ =	swait.ge [sflag:s24], $0x2000  }
0x5e: {  	[sflag:s24] =	ssyncset.done $0x0  }
0x5f: {  	[sflag:s24] =	ssyncadd.s32 $0xFFFFE000  }
0x60: {  	s2 =	sand.u32 $0x10000, s28;
	s15 =	sand.u32 $0x1E00, s26  }
0x61: {  	s2 =	sshrl.u32 s2, $0x2;
	s15 =	sshrl.u32 s15, $0x2  }
0x62: {  	s2 =	sadd.s32 $0x5000, s2;
	s15 =	sor.u32 $0x2840, s15  }
0x63: {  	[tilespmem:s2], [sflag:$0x2] =	stream.indirect.gather [hbm4b:s10+s18], $0x80, s15, s18, $0xb8;
	[tilespmem:$0x1F000] =	vst v63  }
0x64: {  	p1 =	sne.s32 s30, $0x0;
	s2 =	sadd.s32 $0xFFFFFFFF, s29  }
0x65: {  	s0 =	sadd.s32 $0x5000, s0;
	s31 =	sadd.s32 $0xFFFFFFC0, s31;
	p2 =	sgt.u32 @!p1 s2, $0x46  }
0x66: {  	[spmem:s3] =	stream.indirect.scatter.add.f32 [tilespmem:s0], [sflag:$0x4], $0x80, s31, s18, $0xb8;
	[tilespmem:$0x1F000] =	vst v63  }
0x67: {  	p1 =	por p2, p1  }
0x68: {  	s0 =	sshrl.u32 @!p1 s29, $0x3  }
0x69: {  	s0 =	sadd.s32 @!p1 $0x1, s0  }
0x6a: {  	s2 =	sshll.u32 @!p1 s0, $0xA  }
0x6b: {  	s26 =	sadd.s32 $0x200, s26;
	s0 =	sshll.u32 @!p1 s0, $0x7;
	s2 =	sand.u32 @!p1 $0x400, s2  }
0x6c: {  	s15 =	simm.s32 @!p1 $0x0;
	s0 =	sadd.s32 @!p1 s8, s0;
	s2 =	sor.u32 @!p1 $0x2800, s2  }
0x6d: {  	[tilespmem:s2], [sflag:$0x5] =	stream.linear.gather @!p1 [hbm4b:s0+s15], $0x400, $0x38;
	[tilespmem:$0x1F000] =	vst v63  }
0x6e: {  	p1 =	sne.s32 s26, $0xA200  }
.Ltmp3:
0x6f: {  	_ = 	snop;
	(pc) =	sbr.rel @p1 .LBB2_2-.Ltmp3, $4  }
.Ltmp4:
0x70: {  	_ = 	snop;
	(pc) =	sbr.rel @!p1 .LBB2_5-.Ltmp4, $4  }
0x71: {  	_ = 	snop  }
0x72: {  	_ = 	snop  }
0x73: {  	s28 =	sadd.s32 $0x10000, s28;
	s29 =	sadd.s32 $0x1, s29  }
0x74: {  	_ = 	snop  }
.LBB2_6:
0x75: {  	_ =	sfence.sel $0x180000  }
0x76: {  	[bflag:$0x0] =	sbarrier.arrive $0xFFFF  }
0x77: {  	_ =	strace $0x9000004A  }
0x78: {  	s0 =	stileid.u32;
	[bflag:$0x2] =	sbarrier.arrive $0xFFFF  }
0x79: {  	p0 =	sne.s32 s0, $0x0;
	s0 =	rddreg [dreg:$0x3]  }
0x7a: {  	s0 =	sadd.s32 @!p0 $0x100000, s0  }
0x7b: {  	[sflag:s0] =	ssyncadd.tile.s32 @!p0 $0x1;
	_ =	shalt  }
.Lfunc_end2:
_tile_overlayer_lowered:
.L_overlay_start_2:
0x7c: {  	(tag) =	ssettag $0x2  }
0x7d: {  	s0 =	rddreg [dreg:$0x0];
	s2 =	stileid.u32  }
0x7e: {  	s1 =	rddreg [dreg:$0x1];
	p0 =	sne.s32 s2, $0x0  }
0x7f: {  	s3 =	rddreg [dreg:$0x2];
	[bflag:$0x3] =	sbarrier.arrive $0xFFFF;
	s2 =	simm.s32 @!p0 $0x1C06  }
0x80: {  	[timem:s3], [sflag:s2] =	dma.local @!p0 [hbm:s0], s1  }
0x81: {  	s0 =	simm.s32 @!p0 $0x6  }
0x82: {  	_ =	swait.ge @!p0 [sflag:s0], s1  }
0x83: {  	s1 =	ssub.s32 @!p0 $0x0, s1;
	[sflag:s0] =	ssyncset.done @!p0 $0x0  }
0x84: {  	[sflag:s0] =	ssyncadd.s32 @!p0 s1  }
0x85: {  	[bflag:$0x3] =	sbarrier.arrive $0xFFFF  }
0x86: {  	_ =	shalt  }

// kernel: kernel.17.cloned.1.call-start
scs
__scs_entry_jumppad:
0x0: {  	(pc) =	sbr.rel $0x88, $3  }
0x1: {  	(tag) =	ssettag $0x0;
	lr =	simm.s32 $0x1  }
0x2: {  	[smem:$0x3F9C] =	sst lr;
	_ =	strace $0xD0000000  }
0x3: {  	_ = 	snop  }
0x4: {  	_ = 	snop  }
0x5: {  	_ = 	snop  }
0x6: {  	_ = 	snop  }
0x7: {  	_ = 	snop  }
__scs_overlays_trampoline_lowered:
0x8: {  	[smem:$0x3FAB] =	sst s0  }
0x9: {  	[smem:$0x3FAC] =	sst s1  }
0xa: {  	[smem:$0x3FAD] =	sst s2  }
0xb: {  	[smem:$0x3FAE] =	sst s3  }
0xc: {  	[smem:$0x3FAF] =	sst s4  }
0xd: {  	[smem:$0x3FB0] =	sst s5  }
0xe: {  	[smem:$0x3FB1] =	sst s6  }
0xf: {  	[smem:$0x3FB2] =	sst s7  }
0x10: {  	[smem:$0x3FB3] =	sst s8  }
0x11: {  	[smem:$0x3FB4] =	sst s9;
	s0 =	simm.s32 @!p0 $0x0  }
0x12: {  	s1 =	sld [smem:$0x3F9A];
	s0 =	simm.s32 @p0 $0x1  }
0x13: {  	[smem:$0x3FB5] =	sst s0;
	s0 =	simm.s32 @!p1 $0x0  }
0x14: {  	s2 =	sld [smem:$0x3F99];
	s0 =	simm.s32 @p1 $0x1  }
0x15: {  	[smem:$0x3FB6] =	sst s0;
	s0 =	simm.s32 @!p2 $0x0  }
0x16: {  	s3 =	sld [smem:$0x3FDB];
	s0 =	simm.s32 @p2 $0x1  }
0x17: {  	s4 =	simm.s32 $0x1BF5;
	[smem:$0x3FB8] =	sst s0  }
0x18: {  	s0 =	sld [smem:$0x3F9B];
	_ =	swait.ge [sflag:s4], $0x0  }
0x19: {  	s7 =	sld [smem:$0x3F9C]  }
0x1a: {  	s8 =	sadd.s32 $0xFFFFE003, lr  }
0x1b: {  	s9 =	sadd.s32 $0xFFFFFEF7, lr;
	s5 =	simm.s32 $0xFFFFFFFF;
	p2 =	slt.u32 s8, $0xFFFFF086  }
0x1c: {  	p1 =	slt.u32 s9, $0xF7A;
	s5 =	simm.s32 @!p2 $0x0  }
0x1d: {  	s5 =	simm.s32 @p1 $0x1;
	p0 =	seq.s32 s7, s2  }
0x1e: {  	s7 =	smul.u32 @!p0 $0xF7A, s2;
	p2 =	seq.s32 @!p0 s5, $0x0  }
0x1f: {  	s9 =	smul.u32 $0xF7A, s1;
	s8 =	simm.s32 @!p0 $0x1BF5;
	p2 =	por !p2, p0  }
0x20: {  	[sflag:s8] =	ssyncset.s32 @!p0 $0xFFFFF086;
	s6 =	sadd.s32 @!p0 s3, s7;
	s7 =	simm.s32 @!p0 $0x108  }
0x21: {  	s3 =	sadd.s32 s3, s9;
	s6 =	sadd.s32 @!p0 $0x88, s6;
	s7 =	simm.s32 @p2 $0x1082  }
0x22: {  	[simem:s7], [sflag:s8] =	dma.local @!p0 [hbm:s6], $0xF7A  }
0x23: {  	s9 =	sor.u32 $0xD0000000, s2;
	s6 =	simm.s32 $0x108;
	_ =	swait.ge @!p0 [sflag:s8], $0x0  }
0x24: {  	s3 =	sadd.s32 $0x88, s3;
	s6 =	simm.s32 @!p1 $0x1082;
	[sflag:s4] =	ssyncset.s32 $0xFFFFF086  }
0x25: {  	[simem:s6], [sflag:s4] =	dma.local [hbm:s3], $0xF7A  }
0x26: {  	[smem:$0x3F9C] =	sst s1;
	(tag) =	ssettag s2;
	_ =	strace s9  }
0x27: {  	s1 =	sld [smem:$0x3FAC]  }
0x28: {  	s2 =	sld [smem:$0x3FAD]  }
0x29: {  	s4 =	sld [smem:$0x3FAF]  }
0x2a: {  	p0 =	seq.s32 s5, $0x0;
	s5 =	sld [smem:$0x3FB0]  }
0x2b: {  	s6 =	sld [smem:$0x3FB1]  }
0x2c: {  	s7 =	sld [smem:$0x3FB2]  }
0x2d: {  	s3 =	simm.s32 $0x108;
	s8 =	sld [smem:$0x3FB3]  }
0x2e: {  	s3 =	simm.s32 @!p0 $0x1082;
	s9 =	sld [smem:$0x3FB4]  }
0x2f: {  	lr =	sadd.s32 s0, s3;
	s0 =	sld [smem:$0x3FAB]  }
0x30: {  	s3 =	sld [smem:$0x3FAE]  }
0x31: {  	[smem:$0x3FB7] =	sst s10  }
0x32: {  	s10 =	sld [smem:$0x3FB5];
	_ =	sdelay $0x3  }
0x33: {  	p0 =	seq.s32 s10, $0x1;
	s10 =	sld [smem:$0x3FB7];
	_ =	sdelay $0x3  }
0x34: {  	[smem:$0x3FB7] =	sst s10  }
0x35: {  	s10 =	sld [smem:$0x3FB6];
	_ =	sdelay $0x3  }
0x36: {  	p1 =	seq.s32 s10, $0x1;
	s10 =	sld [smem:$0x3FB7];
	_ =	sdelay $0x3  }
0x37: {  	[smem:$0x3FB7] =	sst s10  }
0x38: {  	s10 =	sld [smem:$0x3FB8]  }
0x39: {  	_ = 	snop;
	(pc) =	sbr.ind lr, $3  }
0x3a: {  	_ = 	snop  }
0x3b: {  	_ = 	snop  }
0x3c: {  	p2 =	seq.s32 s10, $0x1;
	s10 =	sld [smem:$0x3FB7]  }
0x3d: {  	_ =	shalt  }
0x3e: {  	_ =	shalt  }
0x3f: {  	_ =	shalt  }
0x40: {  	_ =	shalt  }
0x41: {  	_ =	shalt  }
0x42: {  	_ =	shalt  }
0x43: {  	_ =	shalt  }
0x44: {  	_ =	shalt  }
0x45: {  	_ =	shalt  }
0x46: {  	_ =	shalt  }
0x47: {  	_ =	shalt  }
0x48: {  	_ =	shalt  }
0x49: {  	_ =	shalt  }
0x4a: {  	_ =	shalt  }
0x4b: {  	_ =	shalt  }
0x4c: {  	_ =	shalt  }
0x4d: {  	_ =	shalt  }
0x4e: {  	_ =	shalt  }
0x4f: {  	_ =	shalt  }
0x50: {  	_ =	shalt  }
0x51: {  	_ =	shalt  }
0x52: {  	_ =	shalt  }
0x53: {  	_ =	shalt  }
0x54: {  	_ =	shalt  }
0x55: {  	_ =	shalt  }
0x56: {  	_ =	shalt  }
0x57: {  	_ =	shalt  }
0x58: {  	_ =	shalt  }
0x59: {  	_ =	shalt  }
0x5a: {  	_ =	shalt  }
0x5b: {  	_ =	shalt  }
0x5c: {  	_ =	shalt  }
0x5d: {  	_ =	shalt  }
0x5e: {  	_ =	shalt  }
0x5f: {  	_ =	shalt  }
0x60: {  	_ =	shalt  }
0x61: {  	_ =	shalt  }
0x62: {  	_ =	shalt  }
0x63: {  	_ =	shalt  }
0x64: {  	_ =	shalt  }
0x65: {  	_ =	shalt  }
0x66: {  	_ =	shalt  }
0x67: {  	_ =	shalt  }
0x68: {  	_ =	shalt  }
0x69: {  	_ =	shalt  }
0x6a: {  	_ =	shalt  }
0x6b: {  	_ =	shalt  }
0x6c: {  	_ =	shalt  }
0x6d: {  	_ =	shalt  }
0x6e: {  	_ =	shalt  }
0x6f: {  	_ =	shalt  }
0x70: {  	_ =	shalt  }
0x71: {  	_ =	shalt  }
0x72: {  	_ =	shalt  }
0x73: {  	_ =	shalt  }
0x74: {  	_ =	shalt  }
0x75: {  	_ =	shalt  }
0x76: {  	_ =	shalt  }
0x77: {  	_ =	shalt  }
0x78: {  	_ =	shalt  }
0x79: {  	_ =	shalt  }
0x7a: {  	_ =	shalt  }
0x7b: {  	_ =	shalt  }
0x7c: {  	_ =	shalt  }
0x7d: {  	_ =	shalt  }
0x7e: {  	_ =	shalt  }
0x7f: {  	_ =	shalt  }
0x80: {  	_ =	shalt  }
0x81: {  	_ =	shalt  }
0x82: {  	_ =	shalt  }
0x83: {  	_ =	shalt  }
0x84: {  	_ =	shalt  }
0x85: {  	_ =	shalt  }
0x86: {  	_ =	shalt  }
0x87: {  	_ =	shalt  }
.Lfunc_end0:
.L_simem_size_0:
called_computation.2_lowered:
.L_overlay_start_0:
0x88: {  	s2 =	sld [smem:$0x3FD9]  }
0x89: {  	s3 =	sld [smem:$0x3FFE];
	_ =	sdelay $0x1  }
0x8a: {  	s1 =	srdreg.scid  }
0x8b: {  	s0 =	sand.u32 $0x1, s1  }
0x8c: {  	s14 =	sshll.u32 s0, $0xA;
	s2 =	sadd.s32 s3, s2  }
0x8d: {  	s2 =	sadd.s32 s2, s14  }
0x8e: {  	[smem:$0x3FC3] =	sst s2  }
0x8f: {  	_ = 	snop  }
0x90: {  	s2 =	sld [smem:$0x3FD0];
	_ =	sdelay $0x2  }
0x91: {  	s15 =	simm.s32 $0xA;
	s4 =	simm.s32 $0x10  }
0x92: {  	[smem:s4], [sflag:s15] =	dma.local [hbm:s2], $0x1  }
0x93: {  	_ =	swait.eq [sflag:s15], $0x1  }
0x94: {  	[sflag:s15] =	ssyncset.done $0x0  }
0x95: {  	[sflag:s15] =	ssyncadd.s32 $0xFFFFFFFF  }
0x96: {  	s16 =	sld [smem:$0x10];
	(tm) =	ssettm $0x1  }
0x97: {  	s17 =	sld [smem:$0x3FFB];
	_ =	sdelay $0x3  }
0x98: {  	_ =	strace s17  }
0x99: {  	s3 =	sld [smem:$0x3FFC];
	_ =	sdelay $0x3  }
0x9a: {  	_ =	strace s3  }
0x9b: {  	s3 =	sld [smem:$0x3FFD];
	_ =	sdelay $0x3  }
0x9c: {  	_ =	strace s3  }
0x9d: {  	_ =	strace $0x8FFFFFFF  }
0x9e: {  	s18 =	sld [smem:$0x3FDB];
	_ =	sdelay $0x1  }
0x9f: {  	s19 =	simm.s32 $_scs_section_size  }
0xa0: {  	s5 =	simm.s32 $_size__tile_overlayer_lowered;
	s6 =	simm.s32 $_tile_overlayer_lowered  }
0xa1: {  	s22 =	simm.s32 $0x1BFF;
	s21 =	sshll.u32 s6, $0x1;
	s3 =	sadd.s32 s19, s18  }
0xa2: {  	s7 =	simm.s32 $0x0;
	s20 =	sshll.u32 s5, $0x1;
	s5 =	sadd.s32 s21, s3  }
0xa3: {  	[timem:s7], [sflag:s22] =	dma.local [hbm:s5], s20  }
0xa4: {  	_ =	swait.ge [sflag:s22], s20  }
0xa5: {  	s4 =	ssub.s32 $0x0, s20;
	[sflag:s22] =	ssyncset.done $0x0  }
0xa6: {  	[sflag:s22] =	ssyncadd.s32 s4;
	_ =	sdelay $0x1  }
0xa7: {  	s23 =	simm.s32 $0x1B8B  }
0xa8: {  	_ =	swait.ge [sflag:s23], $0x1  }
0xa9: {  	[sflag:s23] =	ssyncset.done $0x0  }
0xaa: {  	s25 =	simm.s32 $0x1B8E;
	s24 =	sld [smem:$0x3FFE];
	[sflag:s23] =	ssyncadd.s32 $0xFFFFFFFF  }
0xab: {  	s26 =	simm.s32 $execute0_lowered;
	[smem:$0x3FD2] =	sst s25  }
0xac: {  	s5 =	sshll.u32 s26, $0x1;
	_ =	strace $0x8000004C;
	[dreg:$0x1] =	wrdreg $0xFFFFFFFF  }
0xad: {  	s28 =	simm.s32 $_size_execute0_lowered;
	s3 =	sadd.s32 s3, s5;
	[dreg:$0x0] =	wrdreg $0x0  }
0xae: {  	s5 =	sshll.u32 s28, $0x1;
	[dreg:$0x2] =	wrdreg s3  }
0xaf: {  	[dreg:$0x3] =	wrdreg s5  }
0xb0: {  	[dreg:$0x4] =	wrdreg $0xC0  }
0xb1: {  	_ =	task [dreg:s7], $0x5FFFF  }
0xb2: {  	[dreg:$0x1] =	wrdreg $0xFFFFFFFF  }
0xb3: {  	[dreg:$0x0] =	wrdreg $0x60  }
0xb4: {  	[dreg:$0x2] =	wrdreg s16  }
0xb5: {  	[dreg:$0x3] =	wrdreg s24  }
0xb6: {  	[dreg:$0x4] =	wrdreg $0xB0000  }
0xb7: {  	[dreg:$0x5] =	wrdreg $0x9  }
0xb8: {  	_ =	task.clear_ibuf [dreg:s7], $0x6FFFF;
	_ =	strace $0x9000004C  }
0xb9: {  	s29 =	simm.s32 $0x9;
	_ =	strace $0x8000004E  }
0xba: {  	_ =	swait.ge [sflag:s29], $0x1  }
0xbb: {  	[sflag:s29] =	ssyncadd.s32 $0xFFFFFFFF  }
0xbc: {  	_ =	strace $0x9000004E  }
0xbd: {  	_ =	sfence  }
0xbe: {  	s30 =	sld [smem:$0x0];
	_ =	sdelay $0x2  }
0xbf: {  	s31 =	sshll.u32 s1, $0xD;
	s1 =	sshrl.u32 s1, $0x2  }
0xc0: {  	s3 =	sand.u32 $0x4000, s31;
	s1 =	sadd.s32 s1, s30  }
0xc1: {  	s0 =	sor.u32 s3, s0;
	s1 =	sshll.u32 s1, $0x11  }
0xc2: {  	s0 =	sor.u32 s1, s0  }
0xc3: {  	s0 =	sadd.s32 $0x8F2B, s0  }
0xc4: {  	[sflag:s0] =	ssyncadd.remote.s32 $0x1  }
0xc5: {  	_ =	sfence.sel $0xFFFF  }
0xc6: {  	[dreg:$0x0] =	wrdreg $0xFFFFFFFF;
	(pc) =	sbr.abs _section_cstart, $3  }
0xc7: {  	[dreg:$0x1] =	wrdreg $0xFFFFFFFF  }
0xc8: {  	_ =	task.clear_ibuf [dreg:s7], $0x2FFFF;
	_ =	strace $0x9FFFFFFF  }
0xc9: {  	(tm) =	ssettm $0x7FFFFFFF  }
tec
execute0_lowered:
.L_overlay_start_1:
0x0: {  	(tag) =	ssettag $0x1  }
0x1: {  	s1 =	rddreg [dreg:$0x0]  }
0x2: {  	s0 =	rddreg [dreg:$0x1]  }
0x3: {  	s3 =	rddreg [dreg:$0x2];
	s4 =	simm.s32 $0x0  }
0x4: {  	s2 =	stileid.u32;
	s7 =	srdreg.scid;
	s17 =	simm.s32 $0x2C00  }
0x5: {  	s18 =	simm.s32 $0x40;
	s19 =	simm.s32 $0x3000;
	s20 =	simm.s32 $0x2  }
0x6: {  	s21 =	simm.s32 $0x5000;
	s22 =	simm.s32 $0x1;
	s23 =	simm.s32 $0x3  }
0x7: {  	s24 =	simm.s32 $0x4;
	s25 =	simm.s32 $0x0;
	s6 =	smul.u32 $0x500, s2  }
0x8: {  	[smem:$0x7FF] =	sst s4;
	s5 =	sadd.s32 $0x8600, s0;
	s11 =	smul.u32 $0x2800, s2  }
0x9: {  	s9 =	sand.u32 $0x1, s7;
	s30 =	smul.u32 $0x50000, s2;
	s12 =	sadd.s32 $0x5D600, s0  }
0xa: {  	s31 =	sshll.u32 s2, $0x6;
	_ =	strace $0x8000004D;
	s29 =	ssub.s32 $0x2, s9  }
0xb: {  	p0 =	seq.s32 s9, $0x0;
	s8 =	sadd.s32 s6, s0;
	s10 =	sadd.s32 s11, s0  }
0xc: {  	s13 =	sshrl.u32 s29, $0x1;
	s0 =	sadd.s32 $0x85600, s0;
	s7 =	sshrl.u32 s30, $0x2  }
.Ltmp0:
0xd: {  	s13 =	ssub.s32 s29, s13;
	s6 =	sadd.s32 $0x3600, s8;
	(pc) =	sbr.rel .LBB2_1-.Ltmp0, $4  }
0xe: {  	s14 =	sadd.s32 s7, s3;
	s7 =	sadd.s32 $0x30600, s10;
	s8 =	sadd.s32 $0x58600, s8  }
0xf: {  	s10 =	smov.u32 s5;
	s0 =	smov.u32 @p0 s12;
	s12 =	simm.s32 $0x6  }
0x10: {  	s9 =	smax.u32 s13, $0x1;
	s10 =	smov.u32 @p0 s1;
	s11 =	sadd.s32 s0, s11  }
0x11: {  	s13 =	sor.u32 $0x1C06, s31;
	s14 =	sshrl.u32 s14, $0x3;
	s16 =	sadd.s32 $0x80, s8  }
.LBB2_3:
0x12: {  	s0 =	sadd.s32 $0x5000, s0;
	s2 =	sadd.s32 $0xFFFFFFC0, s31  }
0x13: {  	[spmem:s3] =	stream.indirect.scatter.add.f32 [tilespmem:s0], [sflag:$0x4], $0x80, s2, s18, $0xb8;
	[tilespmem:$0x1F000] =	vst v63  }
.LBB2_5:
0x14: {  	_ =	swait.ge [sflag:s23], $0x2000  }
0x15: {  	[sflag:s23] =	ssyncset.done $0x0  }
0x16: {  	[sflag:s23] =	ssyncadd.s32 $0xFFFFE000  }
0x17: {  	_ =	swait.ge [sflag:s24], $0x2000  }
0x18: {  	s25 =	sadd.s32 $0x1, s25;
	[sflag:s24] =	ssyncset.done $0x0  }
0x19: {  	p1 =	sne.s32 s25, s9;
	[sflag:s24] =	ssyncadd.s32 $0xFFFFE000  }
.Ltmp1:
0x1a: {  	[bflag:$0x0] =	sbarrier.arrive $0xFFFF;
	(pc) =	sbr.rel @!p1 .LBB2_6-.Ltmp1, $4  }
0x1b: {  	[hbm:s11], [sflag:s13] =	dma.local [spmem:s14], $0x2800  }
0x1c: {  	_ =	swait.ge [sflag:s12], $0x2800  }
0x1d: {  	[sflag:s12] =	ssyncset.done $0x0  }
0x1e: {  	[sflag:s12] =	ssyncadd.s32 $0xFFFFD800  }
.LBB2_1:
0x1f: {  	[tilespmem:s4], [sflag:$0x6] =	stream.linear.gather [hbm4b:s6+s4], $0x2800, $0x38;
	[tilespmem:$0x1F000] =	vst v63  }
0x20: {  	_ =	swait.ge [sflag:s12], $0x2800  }
0x21: {  	[sflag:s12] =	ssyncset.done $0x0  }
0x22: {  	[sflag:s12] =	ssyncadd.s32 $0xFFFFD800  }
0x23: {  	[spmem:s14], [sflag:s13] =	dma.local [hbm:s7], $0x2800  }
0x24: {  	_ =	swait.ge [sflag:s12], $0x2800  }
0x25: {  	[sflag:s12] =	ssyncset.done $0x0  }
0x26: {  	s0 =	simm.s32 $0x2800;
	[sflag:s12] =	ssyncadd.s32 $0xFFFFD800  }
0x27: {  	[tilespmem:s0], [sflag:$0x6] =	stream.linear.gather [hbm4b:s8+s4], $0x400, $0x38;
	[tilespmem:$0x1F000] =	vst v63  }
0x28: {  	_ =	swait.ge [sflag:s12], $0x400  }
0x29: {  	[sflag:s12] =	ssyncset.done $0x0  }
0x2a: {  	s26 =	simm.s32 @p0 $0x2800;
	[sflag:s12] =	ssyncadd.s32 $0xFFFFFC00  }
0x2b: {  	[tilespmem:s17], [sflag:$0x5] =	stream.linear.gather [hbm4b:s16+s4], $0x400, $0x38;
	[tilespmem:$0x1F000] =	vst v63  }
0x2c: {  	s28 =	simm.s32 @p0 $0x3000;
	s0 =	simm.s32 @p0 $0x40;
	[bflag:$0x0] =	sbarrier.arrive $0xFFFF  }
0x2d: {  	[tilespmem:s28], [sflag:$0x1] =	stream.indirect.gather @p0 [hbm4b:s1+s0], $0x80, s26, s0, $0xb8;
	[tilespmem:$0x1F000] =	vst v63  }
0x2e: {  	s26 =	simm.s32 @p0 $0x2840;
	s28 =	simm.s32 @p0 $0x5000  }
0x2f: {  	[tilespmem:s28], [sflag:$0x2] =	stream.indirect.gather @p0 [hbm4b:s1+s0], $0x80, s26, s0, $0xb8;
	[tilespmem:$0x1F000] =	vst v63  }
0x30: {  	s26 =	simm.s32 @p0 $0x1  }
0x31: {  	_ =	swait.ge @p0 [sflag:s26], $0x2000  }
0x32: {  	[sflag:s26] =	ssyncset.done @p0 $0x0  }
0x33: {  	s28 =	simm.s32 @p0 $0x7000;
	[sflag:s26] =	ssyncadd.s32 @p0 $0xFFFFE000;
	s26 =	simm.s32 @p0 $0x2880  }
0x34: {  	[tilespmem:s28], [sflag:$0x1] =	stream.indirect.gather @p0 [hbm4b:s1+s0], $0x80, s26, s0, $0xb8;
	[tilespmem:$0x1F000] =	vst v63  }
0x35: {  	s29 =	simm.s32 @!p0 $0x3000;
	s26 =	simm.s32 @!p0 $0x40;
	s28 =	simm.s32 @!p0 $0x2800  }
0x36: {  	[tilespmem:s29], [sflag:$0x1] =	stream.indirect.gather @!p0 [hbm4b:s5+s26], $0x80, s28, s26, $0xb8;
	[tilespmem:$0x1F000] =	vst v63  }
0x37: {  	s28 =	simm.s32 @!p0 $0x2840;
	s29 =	simm.s32 @!p0 $0x5000  }
0x38: {  	[tilespmem:s29], [sflag:$0x2] =	stream.indirect.gather @!p0 [hbm4b:s5+s26], $0x80, s28, s26, $0xb8;
	[tilespmem:$0x1F000] =	vst v63  }
0x39: {  	s28 =	simm.s32 @!p0 $0x1  }
0x3a: {  	_ =	swait.ge @!p0 [sflag:s28], $0x2000  }
0x3b: {  	[sflag:s28] =	ssyncset.done @!p0 $0x0  }
0x3c: {  	s29 =	simm.s32 @!p0 $0x7000;
	[sflag:s28] =	ssyncadd.s32 @!p0 $0xFFFFE000;
	s28 =	simm.s32 @!p0 $0x2880  }
0x3d: {  	[tilespmem:s29], [sflag:$0x1] =	stream.indirect.gather @!p0 [hbm4b:s5+s26], $0x80, s28, s26, $0xb8;
	[tilespmem:$0x1F000] =	vst v63  }
0x3e: {  	_ = 	snop  }
0x3f: {  	[spmem:s3] =	stream.indirect.scatter.add.f32 [tilespmem:s19], [sflag:$0x3], $0x80, s4, s18, $0xb8;
	[tilespmem:$0x1F000] =	vst v63  }
0x40: {  	_ =	swait.ge [sflag:s20], $0x2000  }
0x41: {  	[sflag:s20] =	ssyncset.done $0x0  }
0x42: {  	s28 =	simm.s32 @p0 $0x28C0;
	s29 =	simm.s32 @p0 $0x9000;
	[sflag:s20] =	ssyncadd.s32 $0xFFFFE000  }
0x43: {  	[tilespmem:s29], [sflag:$0x2] =	stream.indirect.gather @p0 [hbm4b:s1+s0], $0x80, s28, s0, $0xb8;
	[tilespmem:$0x1F000] =	vst v63  }
0x44: {  	s0 =	simm.s32 @!p0 $0x28C0;
	s28 =	simm.s32 @!p0 $0x9000  }
0x45: {  	[tilespmem:s28], [sflag:$0x2] =	stream.indirect.gather @!p0 [hbm4b:s5+s26], $0x80, s0, s26, $0xb8;
	[tilespmem:$0x1F000] =	vst v63  }
0x46: {  	s29 =	simm.s32 $0x2;
	s26 =	simm.s32 $0x400;
	s28 =	simm.s32 $0x20000  }
0x47: {  	[spmem:s3] =	stream.indirect.scatter.add.f32 [tilespmem:s21], [sflag:$0x4], $0x80, s18, s18, $0xb8;
	[tilespmem:$0x1F000] =	vst v63  }
.LBB2_2:
0x48: {  	s30 =	sand.u32 $0x7, s29;
	p1 =	seq.s32 s26, $0xA000  }
0x49: {  	p2 =	sne.s32 @!p1 s30, $0x0  }
0x4a: {  	p2 =	por p2, p1  }
0x4b: {  	s0 =	simm.s32 @!p2 $0x5  }
0x4c: {  	_ =	swait.ge @!p2 [sflag:s0], $0x400  }
0x4d: {  	[sflag:s0] =	ssyncset.done @!p2 $0x0  }
0x4e: {  	[sflag:s0] =	ssyncadd.s32 @!p2 $0xFFFFFC00  }
0x4f: {  	_ =	swait.ge [sflag:s22], $0x2000  }
0x50: {  	[sflag:s22] =	ssyncset.done $0x0  }
0x51: {  	s15 =	sadd.s32 $0xFFFF0000, s28;
	s31 =	sand.u32 @!p1 $0x1E00, s26;
	[sflag:s22] =	ssyncadd.s32 $0xFFFFE000  }
0x52: {  	s2 =	simm.s32 @!p1 $0x40;
	s0 =	sand.u32 @!p1 $0x10000, s28;
	_ =	swait.ge [sflag:s23], $0x2000  }
0x53: {  	s31 =	sshrl.u32 @!p1 s31, $0x2;
	s0 =	sshrl.u32 @!p1 s0, $0x2;
	[sflag:s23] =	ssyncset.done $0x0  }
0x54: {  	s31 =	sor.u32 @!p1 $0x2800, s31;
	s0 =	sor.u32 @!p1 $0x3000, s0;
	[sflag:s23] =	ssyncadd.s32 $0xFFFFE000  }
0x55: {  	[tilespmem:s0], [sflag:$0x1] =	stream.indirect.gather @!p1 [hbm4b:s10+s2], $0x80, s31, s2, $0xb8;
	[tilespmem:$0x1F000] =	vst v63  }
0x56: {  	s0 =	sand.u32 $0x10000, s15  }
0x57: {  	s31 =	sshra.s32 s26, $0x2;
	s0 =	sshrl.u32 s0, $0x2  }
0x58: {  	s15 =	sadd.s32 $0xFFFFFF80, s31;
	s2 =	sor.u32 $0x3000, s0  }
0x59: {  	[spmem:s3] =	stream.indirect.scatter.add.f32 [tilespmem:s2], [sflag:$0x3], $0x80, s15, s18, $0xb8;
	[tilespmem:$0x1F000] =	vst v63  }
0x5a: {  	p1 =	sne.s32 s26, $0xA000;
	_ =	swait.ge [sflag:s20], $0x2000  }
.Ltmp2:
0x5b: {  	[sflag:s20] =	ssyncset.done $0x0;
	(pc) =	sbr.rel @!p1 .LBB2_3-.Ltmp2, $4  }
0x5c: {  	[sflag:s20] =	ssyncadd.s32 $0xFFFFE000  }
0x5d: {  	_ =	swait.ge [sflag:s24], $0x2000  }
0x5e: {  	[sflag:s24] =	ssyncset.done $0x0  }
0x5f: {  	[sflag:s24] =	ssyncadd.s32 $0xFFFFE000  }
0x60: {  	s2 =	sand.u32 $0x10000, s28;
	s15 =	sand.u32 $0x1E00, s26  }
0x61: {  	s2 =	sshrl.u32 s2, $0x2;
	s15 =	sshrl.u32 s15, $0x2  }
0x62: {  	s2 =	sadd.s32 $0x5000, s2;
	s15 =	sor.u32 $0x2840, s15  }
0x63: {  	[tilespmem:s2], [sflag:$0x2] =	stream.indirect.gather [hbm4b:s10+s18], $0x80, s15, s18, $0xb8;
	[tilespmem:$0x1F000] =	vst v63  }
0x64: {  	p1 =	sne.s32 s30, $0x0;
	s2 =	sadd.s32 $0xFFFFFFFF, s29  }
0x65: {  	s0 =	sadd.s32 $0x5000, s0;
	s31 =	sadd.s32 $0xFFFFFFC0, s31;
	p2 =	sgt.u32 @!p1 s2, $0x46  }
0x66: {  	[spmem:s3] =	stream.indirect.scatter.add.f32 [tilespmem:s0], [sflag:$0x4], $0x80, s31, s18, $0xb8;
	[tilespmem:$0x1F000] =	vst v63  }
0x67: {  	p1 =	por p2, p1  }
0x68: {  	s0 =	sshrl.u32 @!p1 s29, $0x3  }
0x69: {  	s0 =	sadd.s32 @!p1 $0x1, s0  }
0x6a: {  	s2 =	sshll.u32 @!p1 s0, $0xA  }
0x6b: {  	s26 =	sadd.s32 $0x200, s26;
	s0 =	sshll.u32 @!p1 s0, $0x7;
	s2 =	sand.u32 @!p1 $0x400, s2  }
0x6c: {  	s15 =	simm.s32 @!p1 $0x0;
	s0 =	sadd.s32 @!p1 s8, s0;
	s2 =	sor.u32 @!p1 $0x2800, s2  }
0x6d: {  	[tilespmem:s2], [sflag:$0x5] =	stream.linear.gather @!p1 [hbm4b:s0+s15], $0x400, $0x38;
	[tilespmem:$0x1F000] =	vst v63  }
0x6e: {  	p1 =	sne.s32 s26, $0xA200  }
.Ltmp3:
0x6f: {  	_ = 	snop;
	(pc) =	sbr.rel @p1 .LBB2_2-.Ltmp3, $4  }
.Ltmp4:
0x70: {  	_ = 	snop;
	(pc) =	sbr.rel @!p1 .LBB2_5-.Ltmp4, $4  }
0x71: {  	_ = 	snop  }
0x72: {  	_ = 	snop  }
0x73: {  	s28 =	sadd.s32 $0x10000, s28;
	s29 =	sadd.s32 $0x1, s29  }
0x74: {  	_ = 	snop  }
.LBB2_6:
0x75: {  	_ =	sfence.sel $0x180000  }
0x76: {  	[bflag:$0x0] =	sbarrier.arrive $0xFFFF  }
0x77: {  	_ =	strace $0x9000004D  }
0x78: {  	s0 =	stileid.u32;
	[bflag:$0x2] =	sbarrier.arrive $0xFFFF  }
0x79: {  	p0 =	sne.s32 s0, $0x0;
	s0 =	rddreg [dreg:$0x3]  }
0x7a: {  	s0 =	sadd.s32 @!p0 $0x100000, s0  }
0x7b: {  	[sflag:s0] =	ssyncadd.tile.s32 @!p0 $0x1;
	_ =	shalt  }
.Lfunc_end2:
_tile_overlayer_lowered:
.L_overlay_start_2:
0x7c: {  	(tag) =	ssettag $0x2  }
0x7d: {  	s0 =	rddreg [dreg:$0x0];
	s2 =	stileid.u32  }
0x7e: {  	s1 =	rddreg [dreg:$0x1];
	p0 =	sne.s32 s2, $0x0  }
0x7f: {  	s3 =	rddreg [dreg:$0x2];
	[bflag:$0x3] =	sbarrier.arrive $0xFFFF;
	s2 =	simm.s32 @!p0 $0x1C06  }
0x80: {  	[timem:s3], [sflag:s2] =	dma.local @!p0 [hbm:s0], s1  }
0x81: {  	s0 =	simm.s32 @!p0 $0x6  }
0x82: {  	_ =	swait.ge @!p0 [sflag:s0], s1  }
0x83: {  	s1 =	ssub.s32 @!p0 $0x0, s1;
	[sflag:s0] =	ssyncset.done @!p0 $0x0  }
0x84: {  	[sflag:s0] =	ssyncadd.s32 @!p0 s1  }
0x85: {  	[bflag:$0x3] =	sbarrier.arrive $0xFFFF  }
0x86: {  	_ =	shalt  }

// kernel: kernel.20.cloned.1.call-start
scs
__scs_entry_jumppad:
0x0: {  	(pc) =	sbr.rel $0x88, $3  }
0x1: {  	(tag) =	ssettag $0x0;
	lr =	simm.s32 $0x1  }
0x2: {  	[smem:$0x3F9C] =	sst lr;
	_ =	strace $0xD0000000  }
0x3: {  	_ = 	snop  }
0x4: {  	_ = 	snop  }
0x5: {  	_ = 	snop  }
0x6: {  	_ = 	snop  }
0x7: {  	_ = 	snop  }
__scs_overlays_trampoline_lowered:
0x8: {  	[smem:$0x3FAB] =	sst s0  }
0x9: {  	[smem:$0x3FAC] =	sst s1  }
0xa: {  	[smem:$0x3FAD] =	sst s2  }
0xb: {  	[smem:$0x3FAE] =	sst s3  }
0xc: {  	[smem:$0x3FAF] =	sst s4  }
0xd: {  	[smem:$0x3FB0] =	sst s5  }
0xe: {  	[smem:$0x3FB1] =	sst s6  }
0xf: {  	[smem:$0x3FB2] =	sst s7  }
0x10: {  	[smem:$0x3FB3] =	sst s8  }
0x11: {  	[smem:$0x3FB4] =	sst s9;
	s0 =	simm.s32 @!p0 $0x0  }
0x12: {  	s1 =	sld [smem:$0x3F9A];
	s0 =	simm.s32 @p0 $0x1  }
0x13: {  	[smem:$0x3FB5] =	sst s0;
	s0 =	simm.s32 @!p1 $0x0  }
0x14: {  	s2 =	sld [smem:$0x3F99];
	s0 =	simm.s32 @p1 $0x1  }
0x15: {  	[smem:$0x3FB6] =	sst s0;
	s0 =	simm.s32 @!p2 $0x0  }
0x16: {  	s3 =	sld [smem:$0x3FDB];
	s0 =	simm.s32 @p2 $0x1  }
0x17: {  	s4 =	simm.s32 $0x1BF5;
	[smem:$0x3FB8] =	sst s0  }
0x18: {  	s0 =	sld [smem:$0x3F9B];
	_ =	swait.ge [sflag:s4], $0x0  }
0x19: {  	s7 =	sld [smem:$0x3F9C]  }
0x1a: {  	s8 =	sadd.s32 $0xFFFFE003, lr  }
0x1b: {  	s9 =	sadd.s32 $0xFFFFFEF7, lr;
	s5 =	simm.s32 $0xFFFFFFFF;
	p2 =	slt.u32 s8, $0xFFFFF086  }
0x1c: {  	p1 =	slt.u32 s9, $0xF7A;
	s5 =	simm.s32 @!p2 $0x0  }
0x1d: {  	s5 =	simm.s32 @p1 $0x1;
	p0 =	seq.s32 s7, s2  }
0x1e: {  	s7 =	smul.u32 @!p0 $0xF7A, s2;
	p2 =	seq.s32 @!p0 s5, $0x0  }
0x1f: {  	s9 =	smul.u32 $0xF7A, s1;
	s8 =	simm.s32 @!p0 $0x1BF5;
	p2 =	por !p2, p0  }
0x20: {  	[sflag:s8] =	ssyncset.s32 @!p0 $0xFFFFF086;
	s6 =	sadd.s32 @!p0 s3, s7;
	s7 =	simm.s32 @!p0 $0x108  }
0x21: {  	s3 =	sadd.s32 s3, s9;
	s6 =	sadd.s32 @!p0 $0x88, s6;
	s7 =	simm.s32 @p2 $0x1082  }
0x22: {  	[simem:s7], [sflag:s8] =	dma.local @!p0 [hbm:s6], $0xF7A  }
0x23: {  	s9 =	sor.u32 $0xD0000000, s2;
	s6 =	simm.s32 $0x108;
	_ =	swait.ge @!p0 [sflag:s8], $0x0  }
0x24: {  	s3 =	sadd.s32 $0x88, s3;
	s6 =	simm.s32 @!p1 $0x1082;
	[sflag:s4] =	ssyncset.s32 $0xFFFFF086  }
0x25: {  	[simem:s6], [sflag:s4] =	dma.local [hbm:s3], $0xF7A  }
0x26: {  	[smem:$0x3F9C] =	sst s1;
	(tag) =	ssettag s2;
	_ =	strace s9  }
0x27: {  	s1 =	sld [smem:$0x3FAC]  }
0x28: {  	s2 =	sld [smem:$0x3FAD]  }
0x29: {  	s4 =	sld [smem:$0x3FAF]  }
0x2a: {  	p0 =	seq.s32 s5, $0x0;
	s5 =	sld [smem:$0x3FB0]  }
0x2b: {  	s6 =	sld [smem:$0x3FB1]  }
0x2c: {  	s7 =	sld [smem:$0x3FB2]  }
0x2d: {  	s3 =	simm.s32 $0x108;
	s8 =	sld [smem:$0x3FB3]  }
0x2e: {  	s3 =	simm.s32 @!p0 $0x1082;
	s9 =	sld [smem:$0x3FB4]  }
0x2f: {  	lr =	sadd.s32 s0, s3;
	s0 =	sld [smem:$0x3FAB]  }
0x30: {  	s3 =	sld [smem:$0x3FAE]  }
0x31: {  	[smem:$0x3FB7] =	sst s10  }
0x32: {  	s10 =	sld [smem:$0x3FB5];
	_ =	sdelay $0x3  }
0x33: {  	p0 =	seq.s32 s10, $0x1;
	s10 =	sld [smem:$0x3FB7];
	_ =	sdelay $0x3  }
0x34: {  	[smem:$0x3FB7] =	sst s10  }
0x35: {  	s10 =	sld [smem:$0x3FB6];
	_ =	sdelay $0x3  }
0x36: {  	p1 =	seq.s32 s10, $0x1;
	s10 =	sld [smem:$0x3FB7];
	_ =	sdelay $0x3  }
0x37: {  	[smem:$0x3FB7] =	sst s10  }
0x38: {  	s10 =	sld [smem:$0x3FB8]  }
0x39: {  	_ = 	snop;
	(pc) =	sbr.ind lr, $3  }
0x3a: {  	_ = 	snop  }
0x3b: {  	_ = 	snop  }
0x3c: {  	p2 =	seq.s32 s10, $0x1;
	s10 =	sld [smem:$0x3FB7]  }
0x3d: {  	_ =	shalt  }
0x3e: {  	_ =	shalt  }
0x3f: {  	_ =	shalt  }
0x40: {  	_ =	shalt  }
0x41: {  	_ =	shalt  }
0x42: {  	_ =	shalt  }
0x43: {  	_ =	shalt  }
0x44: {  	_ =	shalt  }
0x45: {  	_ =	shalt  }
0x46: {  	_ =	shalt  }
0x47: {  	_ =	shalt  }
0x48: {  	_ =	shalt  }
0x49: {  	_ =	shalt  }
0x4a: {  	_ =	shalt  }
0x4b: {  	_ =	shalt  }
0x4c: {  	_ =	shalt  }
0x4d: {  	_ =	shalt  }
0x4e: {  	_ =	shalt  }
0x4f: {  	_ =	shalt  }
0x50: {  	_ =	shalt  }
0x51: {  	_ =	shalt  }
0x52: {  	_ =	shalt  }
0x53: {  	_ =	shalt  }
0x54: {  	_ =	shalt  }
0x55: {  	_ =	shalt  }
0x56: {  	_ =	shalt  }
0x57: {  	_ =	shalt  }
0x58: {  	_ =	shalt  }
0x59: {  	_ =	shalt  }
0x5a: {  	_ =	shalt  }
0x5b: {  	_ =	shalt  }
0x5c: {  	_ =	shalt  }
0x5d: {  	_ =	shalt  }
0x5e: {  	_ =	shalt  }
0x5f: {  	_ =	shalt  }
0x60: {  	_ =	shalt  }
0x61: {  	_ =	shalt  }
0x62: {  	_ =	shalt  }
0x63: {  	_ =	shalt  }
0x64: {  	_ =	shalt  }
0x65: {  	_ =	shalt  }
0x66: {  	_ =	shalt  }
0x67: {  	_ =	shalt  }
0x68: {  	_ =	shalt  }
0x69: {  	_ =	shalt  }
0x6a: {  	_ =	shalt  }
0x6b: {  	_ =	shalt  }
0x6c: {  	_ =	shalt  }
0x6d: {  	_ =	shalt  }
0x6e: {  	_ =	shalt  }
0x6f: {  	_ =	shalt  }
0x70: {  	_ =	shalt  }
0x71: {  	_ =	shalt  }
0x72: {  	_ =	shalt  }
0x73: {  	_ =	shalt  }
0x74: {  	_ =	shalt  }
0x75: {  	_ =	shalt  }
0x76: {  	_ =	shalt  }
0x77: {  	_ =	shalt  }
0x78: {  	_ =	shalt  }
0x79: {  	_ =	shalt  }
0x7a: {  	_ =	shalt  }
0x7b: {  	_ =	shalt  }
0x7c: {  	_ =	shalt  }
0x7d: {  	_ =	shalt  }
0x7e: {  	_ =	shalt  }
0x7f: {  	_ =	shalt  }
0x80: {  	_ =	shalt  }
0x81: {  	_ =	shalt  }
0x82: {  	_ =	shalt  }
0x83: {  	_ =	shalt  }
0x84: {  	_ =	shalt  }
0x85: {  	_ =	shalt  }
0x86: {  	_ =	shalt  }
0x87: {  	_ =	shalt  }
.Lfunc_end0:
.L_simem_size_0:
called_computation.3_lowered:
.L_overlay_start_0:
0x88: {  	s2 =	sld [smem:$0x3FD9]  }
0x89: {  	s3 =	sld [smem:$0x3FFE];
	_ =	sdelay $0x1  }
0x8a: {  	s1 =	srdreg.scid  }
0x8b: {  	s0 =	sand.u32 $0x1, s1  }
0x8c: {  	s14 =	sshll.u32 s0, $0xA;
	s2 =	sadd.s32 s3, s2  }
0x8d: {  	s2 =	sadd.s32 s2, s14  }
0x8e: {  	[smem:$0x3FC3] =	sst s2  }
0x8f: {  	_ = 	snop  }
0x90: {  	s2 =	sld [smem:$0x3FD0];
	_ =	sdelay $0x2  }
0x91: {  	s15 =	simm.s32 $0xA;
	s4 =	simm.s32 $0x10  }
0x92: {  	[smem:s4], [sflag:s15] =	dma.local [hbm:s2], $0x1  }
0x93: {  	_ =	swait.eq [sflag:s15], $0x1  }
0x94: {  	[sflag:s15] =	ssyncset.done $0x0  }
0x95: {  	[sflag:s15] =	ssyncadd.s32 $0xFFFFFFFF  }
0x96: {  	s16 =	sld [smem:$0x10];
	(tm) =	ssettm $0x1  }
0x97: {  	s17 =	sld [smem:$0x3FFB];
	_ =	sdelay $0x3  }
0x98: {  	_ =	strace s17  }
0x99: {  	s3 =	sld [smem:$0x3FFC];
	_ =	sdelay $0x3  }
0x9a: {  	_ =	strace s3  }
0x9b: {  	s3 =	sld [smem:$0x3FFD];
	_ =	sdelay $0x3  }
0x9c: {  	_ =	strace s3  }
0x9d: {  	_ =	strace $0x8FFFFFFF  }
0x9e: {  	s18 =	sld [smem:$0x3FDB];
	_ =	sdelay $0x1  }
0x9f: {  	s19 =	simm.s32 $_scs_section_size  }
0xa0: {  	s5 =	simm.s32 $_size__tile_overlayer_lowered;
	s6 =	simm.s32 $_tile_overlayer_lowered  }
0xa1: {  	s22 =	simm.s32 $0x1BFF;
	s21 =	sshll.u32 s6, $0x1;
	s3 =	sadd.s32 s19, s18  }
0xa2: {  	s7 =	simm.s32 $0x0;
	s20 =	sshll.u32 s5, $0x1;
	s5 =	sadd.s32 s21, s3  }
0xa3: {  	[timem:s7], [sflag:s22] =	dma.local [hbm:s5], s20  }
0xa4: {  	_ =	swait.ge [sflag:s22], s20  }
0xa5: {  	s4 =	ssub.s32 $0x0, s20;
	[sflag:s22] =	ssyncset.done $0x0  }
0xa6: {  	[sflag:s22] =	ssyncadd.s32 s4;
	_ =	sdelay $0x1  }
0xa7: {  	s23 =	simm.s32 $0x1B8B  }
0xa8: {  	_ =	swait.ge [sflag:s23], $0x1  }
0xa9: {  	[sflag:s23] =	ssyncset.done $0x0  }
0xaa: {  	s25 =	simm.s32 $0x1B8E;
	s24 =	sld [smem:$0x3FFE];
	[sflag:s23] =	ssyncadd.s32 $0xFFFFFFFF  }
0xab: {  	s26 =	simm.s32 $execute0_lowered;
	[smem:$0x3FD2] =	sst s25  }
0xac: {  	s5 =	sshll.u32 s26, $0x1;
	_ =	strace $0x8000004F;
	[dreg:$0x1] =	wrdreg $0xFFFFFFFF  }
0xad: {  	s28 =	simm.s32 $_size_execute0_lowered;
	s3 =	sadd.s32 s3, s5;
	[dreg:$0x0] =	wrdreg $0x0  }
0xae: {  	s5 =	sshll.u32 s28, $0x1;
	[dreg:$0x2] =	wrdreg s3  }
0xaf: {  	[dreg:$0x3] =	wrdreg s5  }
0xb0: {  	[dreg:$0x4] =	wrdreg $0xC0  }
0xb1: {  	_ =	task [dreg:s7], $0x5FFFF  }
0xb2: {  	[dreg:$0x1] =	wrdreg $0xFFFFFFFF  }
0xb3: {  	[dreg:$0x0] =	wrdreg $0x60  }
0xb4: {  	[dreg:$0x2] =	wrdreg s16  }
0xb5: {  	[dreg:$0x3] =	wrdreg s24  }
0xb6: {  	[dreg:$0x4] =	wrdreg $0xB0000  }
0xb7: {  	[dreg:$0x5] =	wrdreg $0x9  }
0xb8: {  	_ =	task.clear_ibuf [dreg:s7], $0x6FFFF;
	_ =	strace $0x9000004F  }
0xb9: {  	s29 =	simm.s32 $0x9;
	_ =	strace $0x80000051  }
0xba: {  	_ =	swait.ge [sflag:s29], $0x1  }
0xbb: {  	[sflag:s29] =	ssyncadd.s32 $0xFFFFFFFF  }
0xbc: {  	_ =	strace $0x90000051  }
0xbd: {  	_ =	sfence  }
0xbe: {  	s30 =	sld [smem:$0x0];
	_ =	sdelay $0x2  }
0xbf: {  	s31 =	sshll.u32 s1, $0xD;
	s1 =	sshrl.u32 s1, $0x2  }
0xc0: {  	s3 =	sand.u32 $0x4000, s31;
	s1 =	sadd.s32 s1, s30  }
0xc1: {  	s0 =	sor.u32 s3, s0;
	s1 =	sshll.u32 s1, $0x11  }
0xc2: {  	s0 =	sor.u32 s1, s0  }
0xc3: {  	s0 =	sadd.s32 $0x8F2B, s0  }
0xc4: {  	[sflag:s0] =	ssyncadd.remote.s32 $0x1  }
0xc5: {  	_ =	sfence.sel $0xFFFF  }
0xc6: {  	[dreg:$0x0] =	wrdreg $0xFFFFFFFF;
	(pc) =	sbr.abs _section_cstart, $3  }
0xc7: {  	[dreg:$0x1] =	wrdreg $0xFFFFFFFF  }
0xc8: {  	_ =	task.clear_ibuf [dreg:s7], $0x2FFFF;
	_ =	strace $0x9FFFFFFF  }
0xc9: {  	(tm) =	ssettm $0x7FFFFFFF  }
tec
execute0_lowered:
.L_overlay_start_1:
0x0: {  	(tag) =	ssettag $0x1  }
0x1: {  	s1 =	rddreg [dreg:$0x0]  }
0x2: {  	s0 =	rddreg [dreg:$0x1]  }
0x3: {  	s3 =	rddreg [dreg:$0x2];
	s4 =	simm.s32 $0x0  }
0x4: {  	s2 =	stileid.u32;
	s7 =	srdreg.scid;
	s17 =	simm.s32 $0x2C00  }
0x5: {  	s18 =	simm.s32 $0x40;
	s19 =	simm.s32 $0x3000;
	s20 =	simm.s32 $0x2  }
0x6: {  	s21 =	simm.s32 $0x5000;
	s22 =	simm.s32 $0x1;
	s23 =	simm.s32 $0x3  }
0x7: {  	s24 =	simm.s32 $0x4;
	s25 =	simm.s32 $0x0;
	s6 =	smul.u32 $0x500, s2  }
0x8: {  	[smem:$0x7FF] =	sst s4;
	s5 =	sadd.s32 $0x8600, s0;
	s11 =	smul.u32 $0x2800, s2  }
0x9: {  	s9 =	sand.u32 $0x1, s7;
	s30 =	smul.u32 $0x50000, s2;
	s12 =	sadd.s32 $0x5D600, s0  }
0xa: {  	s31 =	sshll.u32 s2, $0x6;
	_ =	strace $0x80000050;
	s29 =	ssub.s32 $0x2, s9  }
0xb: {  	p0 =	seq.s32 s9, $0x0;
	s8 =	sadd.s32 s6, s0;
	s10 =	sadd.s32 s11, s0  }
0xc: {  	s13 =	sshrl.u32 s29, $0x1;
	s0 =	sadd.s32 $0x85600, s0;
	s7 =	sshrl.u32 s30, $0x2  }
.Ltmp0:
0xd: {  	s13 =	ssub.s32 s29, s13;
	s6 =	sadd.s32 $0x3600, s8;
	(pc) =	sbr.rel .LBB2_1-.Ltmp0, $4  }
0xe: {  	s14 =	sadd.s32 s7, s3;
	s7 =	sadd.s32 $0x30600, s10;
	s8 =	sadd.s32 $0x58600, s8  }
0xf: {  	s10 =	smov.u32 s5;
	s0 =	smov.u32 @p0 s12;
	s12 =	simm.s32 $0x6  }
0x10: {  	s9 =	smax.u32 s13, $0x1;
	s10 =	smov.u32 @p0 s1;
	s11 =	sadd.s32 s0, s11  }
0x11: {  	s13 =	sor.u32 $0x1C06, s31;
	s14 =	sshrl.u32 s14, $0x3;
	s16 =	sadd.s32 $0x80, s8  }
.LBB2_3:
0x12: {  	s0 =	sadd.s32 $0x5000, s0;
	s2 =	sadd.s32 $0xFFFFFFC0, s31  }
0x13: {  	[spmem:s3] =	stream.indirect.scatter.add.f32 [tilespmem:s0], [sflag:$0x4], $0x80, s2, s18, $0xb8;
	[tilespmem:$0x1F000] =	vst v63  }
.LBB2_5:
0x14: {  	_ =	swait.ge [sflag:s23], $0x2000  }
0x15: {  	[sflag:s23] =	ssyncset.done $0x0  }
0x16: {  	[sflag:s23] =	ssyncadd.s32 $0xFFFFE000  }
0x17: {  	_ =	swait.ge [sflag:s24], $0x2000  }
0x18: {  	s25 =	sadd.s32 $0x1, s25;
	[sflag:s24] =	ssyncset.done $0x0  }
0x19: {  	p1 =	sne.s32 s25, s9;
	[sflag:s24] =	ssyncadd.s32 $0xFFFFE000  }
.Ltmp1:
0x1a: {  	[bflag:$0x0] =	sbarrier.arrive $0xFFFF;
	(pc) =	sbr.rel @!p1 .LBB2_6-.Ltmp1, $4  }
0x1b: {  	[hbm:s11], [sflag:s13] =	dma.local [spmem:s14], $0x2800  }
0x1c: {  	_ =	swait.ge [sflag:s12], $0x2800  }
0x1d: {  	[sflag:s12] =	ssyncset.done $0x0  }
0x1e: {  	[sflag:s12] =	ssyncadd.s32 $0xFFFFD800  }
.LBB2_1:
0x1f: {  	[tilespmem:s4], [sflag:$0x6] =	stream.linear.gather [hbm4b:s6+s4], $0x2800, $0x38;
	[tilespmem:$0x1F000] =	vst v63  }
0x20: {  	_ =	swait.ge [sflag:s12], $0x2800  }
0x21: {  	[sflag:s12] =	ssyncset.done $0x0  }
0x22: {  	[sflag:s12] =	ssyncadd.s32 $0xFFFFD800  }
0x23: {  	[spmem:s14], [sflag:s13] =	dma.local [hbm:s7], $0x2800  }
0x24: {  	_ =	swait.ge [sflag:s12], $0x2800  }
0x25: {  	[sflag:s12] =	ssyncset.done $0x0  }
0x26: {  	s0 =	simm.s32 $0x2800;
	[sflag:s12] =	ssyncadd.s32 $0xFFFFD800  }
0x27: {  	[tilespmem:s0], [sflag:$0x6] =	stream.linear.gather [hbm4b:s8+s4], $0x400, $0x38;
	[tilespmem:$0x1F000] =	vst v63  }
0x28: {  	_ =	swait.ge [sflag:s12], $0x400  }
0x29: {  	[sflag:s12] =	ssyncset.done $0x0  }
0x2a: {  	s26 =	simm.s32 @p0 $0x2800;
	[sflag:s12] =	ssyncadd.s32 $0xFFFFFC00  }
0x2b: {  	[tilespmem:s17], [sflag:$0x5] =	stream.linear.gather [hbm4b:s16+s4], $0x400, $0x38;
	[tilespmem:$0x1F000] =	vst v63  }
0x2c: {  	s28 =	simm.s32 @p0 $0x3000;
	s0 =	simm.s32 @p0 $0x40;
	[bflag:$0x0] =	sbarrier.arrive $0xFFFF  }
0x2d: {  	[tilespmem:s28], [sflag:$0x1] =	stream.indirect.gather @p0 [hbm4b:s1+s0], $0x80, s26, s0, $0xb8;
	[tilespmem:$0x1F000] =	vst v63  }
0x2e: {  	s26 =	simm.s32 @p0 $0x2840;
	s28 =	simm.s32 @p0 $0x5000  }
0x2f: {  	[tilespmem:s28], [sflag:$0x2] =	stream.indirect.gather @p0 [hbm4b:s1+s0], $0x80, s26, s0, $0xb8;
	[tilespmem:$0x1F000] =	vst v63  }
0x30: {  	s26 =	simm.s32 @p0 $0x1  }
0x31: {  	_ =	swait.ge @p0 [sflag:s26], $0x2000  }
0x32: {  	[sflag:s26] =	ssyncset.done @p0 $0x0  }
0x33: {  	s28 =	simm.s32 @p0 $0x7000;
	[sflag:s26] =	ssyncadd.s32 @p0 $0xFFFFE000;
	s26 =	simm.s32 @p0 $0x2880  }
0x34: {  	[tilespmem:s28], [sflag:$0x1] =	stream.indirect.gather @p0 [hbm4b:s1+s0], $0x80, s26, s0, $0xb8;
	[tilespmem:$0x1F000] =	vst v63  }
0x35: {  	s29 =	simm.s32 @!p0 $0x3000;
	s26 =	simm.s32 @!p0 $0x40;
	s28 =	simm.s32 @!p0 $0x2800  }
0x36: {  	[tilespmem:s29], [sflag:$0x1] =	stream.indirect.gather @!p0 [hbm4b:s5+s26], $0x80, s28, s26, $0xb8;
	[tilespmem:$0x1F000] =	vst v63  }
0x37: {  	s28 =	simm.s32 @!p0 $0x2840;
	s29 =	simm.s32 @!p0 $0x5000  }
0x38: {  	[tilespmem:s29], [sflag:$0x2] =	stream.indirect.gather @!p0 [hbm4b:s5+s26], $0x80, s28, s26, $0xb8;
	[tilespmem:$0x1F000] =	vst v63  }
0x39: {  	s28 =	simm.s32 @!p0 $0x1  }
0x3a: {  	_ =	swait.ge @!p0 [sflag:s28], $0x2000  }
0x3b: {  	[sflag:s28] =	ssyncset.done @!p0 $0x0  }
0x3c: {  	s29 =	simm.s32 @!p0 $0x7000;
	[sflag:s28] =	ssyncadd.s32 @!p0 $0xFFFFE000;
	s28 =	simm.s32 @!p0 $0x2880  }
0x3d: {  	[tilespmem:s29], [sflag:$0x1] =	stream.indirect.gather @!p0 [hbm4b:s5+s26], $0x80, s28, s26, $0xb8;
	[tilespmem:$0x1F000] =	vst v63  }
0x3e: {  	_ = 	snop  }
0x3f: {  	[spmem:s3] =	stream.indirect.scatter.add.f32 [tilespmem:s19], [sflag:$0x3], $0x80, s4, s18, $0xb8;
	[tilespmem:$0x1F000] =	vst v63  }
0x40: {  	_ =	swait.ge [sflag:s20], $0x2000  }
0x41: {  	[sflag:s20] =	ssyncset.done $0x0  }
0x42: {  	s28 =	simm.s32 @p0 $0x28C0;
	s29 =	simm.s32 @p0 $0x9000;
	[sflag:s20] =	ssyncadd.s32 $0xFFFFE000  }
0x43: {  	[tilespmem:s29], [sflag:$0x2] =	stream.indirect.gather @p0 [hbm4b:s1+s0], $0x80, s28, s0, $0xb8;
	[tilespmem:$0x1F000] =	vst v63  }
0x44: {  	s0 =	simm.s32 @!p0 $0x28C0;
	s28 =	simm.s32 @!p0 $0x9000  }
0x45: {  	[tilespmem:s28], [sflag:$0x2] =	stream.indirect.gather @!p0 [hbm4b:s5+s26], $0x80, s0, s26, $0xb8;
	[tilespmem:$0x1F000] =	vst v63  }
0x46: {  	s29 =	simm.s32 $0x2;
	s26 =	simm.s32 $0x400;
	s28 =	simm.s32 $0x20000  }
0x47: {  	[spmem:s3] =	stream.indirect.scatter.add.f32 [tilespmem:s21], [sflag:$0x4], $0x80, s18, s18, $0xb8;
	[tilespmem:$0x1F000] =	vst v63  }
.LBB2_2:
0x48: {  	s30 =	sand.u32 $0x7, s29;
	p1 =	seq.s32 s26, $0xA000  }
0x49: {  	p2 =	sne.s32 @!p1 s30, $0x0  }
0x4a: {  	p2 =	por p2, p1  }
0x4b: {  	s0 =	simm.s32 @!p2 $0x5  }
0x4c: {  	_ =	swait.ge @!p2 [sflag:s0], $0x400  }
0x4d: {  	[sflag:s0] =	ssyncset.done @!p2 $0x0  }
0x4e: {  	[sflag:s0] =	ssyncadd.s32 @!p2 $0xFFFFFC00  }
0x4f: {  	_ =	swait.ge [sflag:s22], $0x2000  }
0x50: {  	[sflag:s22] =	ssyncset.done $0x0  }
0x51: {  	s15 =	sadd.s32 $0xFFFF0000, s28;
	s31 =	sand.u32 @!p1 $0x1E00, s26;
	[sflag:s22] =	ssyncadd.s32 $0xFFFFE000  }
0x52: {  	s2 =	simm.s32 @!p1 $0x40;
	s0 =	sand.u32 @!p1 $0x10000, s28;
	_ =	swait.ge [sflag:s23], $0x2000  }
0x53: {  	s31 =	sshrl.u32 @!p1 s31, $0x2;
	s0 =	sshrl.u32 @!p1 s0, $0x2;
	[sflag:s23] =	ssyncset.done $0x0  }
0x54: {  	s31 =	sor.u32 @!p1 $0x2800, s31;
	s0 =	sor.u32 @!p1 $0x3000, s0;
	[sflag:s23] =	ssyncadd.s32 $0xFFFFE000  }
0x55: {  	[tilespmem:s0], [sflag:$0x1] =	stream.indirect.gather @!p1 [hbm4b:s10+s2], $0x80, s31, s2, $0xb8;
	[tilespmem:$0x1F000] =	vst v63  }
0x56: {  	s0 =	sand.u32 $0x10000, s15  }
0x57: {  	s31 =	sshra.s32 s26, $0x2;
	s0 =	sshrl.u32 s0, $0x2  }
0x58: {  	s15 =	sadd.s32 $0xFFFFFF80, s31;
	s2 =	sor.u32 $0x3000, s0  }
0x59: {  	[spmem:s3] =	stream.indirect.scatter.add.f32 [tilespmem:s2], [sflag:$0x3], $0x80, s15, s18, $0xb8;
	[tilespmem:$0x1F000] =	vst v63  }
0x5a: {  	p1 =	sne.s32 s26, $0xA000;
	_ =	swait.ge [sflag:s20], $0x2000  }
.Ltmp2:
0x5b: {  	[sflag:s20] =	ssyncset.done $0x0;
	(pc) =	sbr.rel @!p1 .LBB2_3-.Ltmp2, $4  }
0x5c: {  	[sflag:s20] =	ssyncadd.s32 $0xFFFFE000  }
0x5d: {  	_ =	swait.ge [sflag:s24], $0x2000  }
0x5e: {  	[sflag:s24] =	ssyncset.done $0x0  }
0x5f: {  	[sflag:s24] =	ssyncadd.s32 $0xFFFFE000  }
0x60: {  	s2 =	sand.u32 $0x10000, s28;
	s15 =	sand.u32 $0x1E00, s26  }
0x61: {  	s2 =	sshrl.u32 s2, $0x2;
	s15 =	sshrl.u32 s15, $0x2  }
0x62: {  	s2 =	sadd.s32 $0x5000, s2;
	s15 =	sor.u32 $0x2840, s15  }
0x63: {  	[tilespmem:s2], [sflag:$0x2] =	stream.indirect.gather [hbm4b:s10+s18], $0x80, s15, s18, $0xb8;
	[tilespmem:$0x1F000] =	vst v63  }
0x64: {  	p1 =	sne.s32 s30, $0x0;
	s2 =	sadd.s32 $0xFFFFFFFF, s29  }
0x65: {  	s0 =	sadd.s32 $0x5000, s0;
	s31 =	sadd.s32 $0xFFFFFFC0, s31;
	p2 =	sgt.u32 @!p1 s2, $0x46  }
0x66: {  	[spmem:s3] =	stream.indirect.scatter.add.f32 [tilespmem:s0], [sflag:$0x4], $0x80, s31, s18, $0xb8;
	[tilespmem:$0x1F000] =	vst v63  }
0x67: {  	p1 =	por p2, p1  }
0x68: {  	s0 =	sshrl.u32 @!p1 s29, $0x3  }
0x69: {  	s0 =	sadd.s32 @!p1 $0x1, s0  }
0x6a: {  	s2 =	sshll.u32 @!p1 s0, $0xA  }
0x6b: {  	s26 =	sadd.s32 $0x200, s26;
	s0 =	sshll.u32 @!p1 s0, $0x7;
	s2 =	sand.u32 @!p1 $0x400, s2  }
0x6c: {  	s15 =	simm.s32 @!p1 $0x0;
	s0 =	sadd.s32 @!p1 s8, s0;
	s2 =	sor.u32 @!p1 $0x2800, s2  }
0x6d: {  	[tilespmem:s2], [sflag:$0x5] =	stream.linear.gather @!p1 [hbm4b:s0+s15], $0x400, $0x38;
	[tilespmem:$0x1F000] =	vst v63  }
0x6e: {  	p1 =	sne.s32 s26, $0xA200  }
.Ltmp3:
0x6f: {  	_ = 	snop;
	(pc) =	sbr.rel @p1 .LBB2_2-.Ltmp3, $4  }
.Ltmp4:
0x70: {  	_ = 	snop;
	(pc) =	sbr.rel @!p1 .LBB2_5-.Ltmp4, $4  }
0x71: {  	_ = 	snop  }
0x72: {  	_ = 	snop  }
0x73: {  	s28 =	sadd.s32 $0x10000, s28;
	s29 =	sadd.s32 $0x1, s29  }
0x74: {  	_ = 	snop  }
.LBB2_6:
0x75: {  	_ =	sfence.sel $0x180000  }
0x76: {  	[bflag:$0x0] =	sbarrier.arrive $0xFFFF  }
0x77: {  	_ =	strace $0x90000050  }
0x78: {  	s0 =	stileid.u32;
	[bflag:$0x2] =	sbarrier.arrive $0xFFFF  }
0x79: {  	p0 =	sne.s32 s0, $0x0;
	s0 =	rddreg [dreg:$0x3]  }
0x7a: {  	s0 =	sadd.s32 @!p0 $0x100000, s0  }
0x7b: {  	[sflag:s0] =	ssyncadd.tile.s32 @!p0 $0x1;
	_ =	shalt  }
.Lfunc_end2:
_tile_overlayer_lowered:
.L_overlay_start_2:
0x7c: {  	(tag) =	ssettag $0x2  }
0x7d: {  	s0 =	rddreg [dreg:$0x0];
	s2 =	stileid.u32  }
0x7e: {  	s1 =	rddreg [dreg:$0x1];
	p0 =	sne.s32 s2, $0x0  }
0x7f: {  	s3 =	rddreg [dreg:$0x2];
	[bflag:$0x3] =	sbarrier.arrive $0xFFFF;
	s2 =	simm.s32 @!p0 $0x1C06  }
0x80: {  	[timem:s3], [sflag:s2] =	dma.local @!p0 [hbm:s0], s1  }
0x81: {  	s0 =	simm.s32 @!p0 $0x6  }
0x82: {  	_ =	swait.ge @!p0 [sflag:s0], s1  }
0x83: {  	s1 =	ssub.s32 @!p0 $0x0, s1;
	[sflag:s0] =	ssyncset.done @!p0 $0x0  }
0x84: {  	[sflag:s0] =	ssyncadd.s32 @!p0 s1  }
0x85: {  	[bflag:$0x3] =	sbarrier.arrive $0xFFFF  }
0x86: {  	_ =	shalt  }

</sc_bundles>
